<compile_context>
chip_gen: v7x
topology: tpu7x:2x2x1
jax: 0.10.2.dev20260603
libtpu: 0.0.44.dev20260713+nightly
codegen_flags: <defaults>
</compile_context>

<pallas_src>
import functools

import jax
import jax.numpy as jnp
from jax import lax
from jax.experimental import pallas as pl
from jax.experimental.pallas import tpu as pltpu
from jax.experimental.pallas import tpu_sc as plsc

NC = 2
NS = 16
NW = NC * NS
L = 16

CHUNK = 128


def _pad_to(n, m):
    return ((n + m - 1) // m) * m


def _sc_mesh():
    return plsc.VectorSubcoreMesh(
        core_axis_name="c", subcore_axis_name="s", num_cores=NC, num_subcores=NS
    )


_SC_PARAMS = pltpu.CompilerParams(
    needs_layout_passes=False, use_tc_tiling_on_sc=False
)


def _make_deg_kernel(npad, ept):
    npass = 4
    seg = npad // npass
    cb = seg // NS
    dseg = NB * CHUNK
    dblk = ept // dseg

    @functools.partial(
        pl.kernel,
        out_type=jax.ShapeDtypeStruct((NC, npad), jnp.float32),
        mesh=_sc_mesh(),
        compiler_params=_SC_PARAMS,
        scratch_types=[
            pltpu.VMEM((npad,), jnp.float32),
            pltpu.VMEM((dseg,), jnp.int32),
            pltpu.VMEM_SHARED((NS, seg), jnp.float32),
            pltpu.VMEM((NS, cb), jnp.float32),
            pltpu.VMEM((cb,), jnp.float32),
        ],
    )
    def deg_kernel(dst_hbm, out_hbm, hist, didx, staging, colblk, summed):
        c = lax.axis_index("c")
        s = lax.axis_index("s")
        wid = c * NS + s

        zero16 = jnp.zeros((L,), jnp.float32)

        def zbody(i, _):
            for u in range(4):
                hist[pl.ds((4 * i + u) * L, L)] = zero16
            return 0

        lax.fori_loop(0, npad // L // 4, zbody, 0)

        ones16 = jnp.ones((L,), jnp.float32)

        def abody(i, _):
            for u in range(4):
                d = didx[pl.ds((4 * i + u) * L, L)]
                plsc.addupdate_scatter(hist, [d], ones16)
            return 0

        def dbody(bb, _):
            pltpu.sync_copy(dst_hbm.at[wid * dblk + bb], didx)
            lax.fori_loop(0, dseg // L // 4, abody, 0)
            return 0

        lax.fori_loop(0, dblk, dbody, 0)

        def rbody(i, _):
            v = colblk[0, pl.ds(i * L, L)]
            for t in range(1, NS):
                v = v + colblk[t, pl.ds(i * L, L)]
            summed[pl.ds(i * L, L)] = v
            return 0

        for p in range(npass):
            pltpu.sync_copy(hist.at[pl.ds(p * seg, seg)], staging.at[s])
            plsc.subcore_barrier()
            pltpu.sync_copy(staging.at[:, pl.ds(s * cb, cb)], colblk)
            lax.fori_loop(0, cb // L, rbody, 0)
            pltpu.sync_copy(
                summed, out_hbm.at[c, pl.ds(p * seg + s * cb, cb)])
            plsc.subcore_barrier()

    return deg_kernel


NB = 16


def _agg_block_pipeline(g_hbm, acc, sidx, didx, rows_a, rows_b,
                        gsem_a, gsem_b, ssem_a, ssem_b):
    def gath(j, buf, sem):
        pltpu.async_copy(g_hbm.at[sidx.at[j]], buf, sem)

    def scat(j, buf, sem):
        pltpu.async_copy(buf, acc.at[didx.at[j]], sem, add=True)

    def wait_g(buf, sem):
        pltpu.make_async_copy(g_hbm.at[sidx.at[0]], buf, sem).wait()

    def wait_s(buf, sem):
        pltpu.make_async_copy(buf, acc.at[didx.at[0]], sem).wait()

    gath(0, rows_a, gsem_a)
    gath(1, rows_b, gsem_b)
    wait_g(rows_a, gsem_a)
    scat(0, rows_a, ssem_a)
    wait_s(rows_a, ssem_a)
    gath(2, rows_a, gsem_a)
    wait_g(rows_b, gsem_b)
    scat(1, rows_b, ssem_b)

    def pbody(jj, _):
        j0 = 2 * jj
        wait_s(rows_b, ssem_b)
        gath(j0 + 1, rows_b, gsem_b)
        wait_g(rows_a, gsem_a)
        scat(j0, rows_a, ssem_a)
        wait_s(rows_a, ssem_a)
        gath(j0 + 2, rows_a, gsem_a)
        wait_g(rows_b, gsem_b)
        scat(j0 + 1, rows_b, ssem_b)
        return 0

    lax.fori_loop(1, NB // 2 - 1, pbody, 0)

    wait_s(rows_b, ssem_b)
    gath(NB - 1, rows_b, gsem_b)
    wait_g(rows_a, gsem_a)
    scat(NB - 2, rows_a, ssem_a)
    wait_g(rows_b, gsem_b)
    scat(NB - 1, rows_b, ssem_b)
    wait_s(rows_a, ssem_a)
    wait_s(rows_b, ssem_b)


def _zero_acc(acc, ztile, s, zrows, feat):
    zero16 = jnp.zeros((L,), jnp.float32)
    for i in range(L):
        for j in range(feat // L):
            ztile[i, pl.ds(j * L, L)] = zero16

    def zbody(i, _):
        pltpu.sync_copy(ztile, acc.at[pl.ds((s * zrows + i) * L, L), :])
        return 0

    lax.fori_loop(0, zrows, zbody, 0)


def _make_agg_kernel(npad, feat, cpt):
    zrows = npad // NS // L
    wb = 128
    wchunks = npad // NS // wb
    nblk = cpt // NB

    @functools.partial(
        pl.kernel,
        out_type=jax.ShapeDtypeStruct((NC, npad, feat), jnp.float32),
        mesh=_sc_mesh(),
        compiler_params=_SC_PARAMS,
        scratch_types=[
            pltpu.VMEM((NB, CHUNK), jnp.int32),
            pltpu.VMEM((NB, CHUNK), jnp.int32),
            pltpu.VMEM((CHUNK, feat), jnp.float32),
            pltpu.VMEM((CHUNK, feat), jnp.float32),
            pltpu.VMEM_SHARED((npad, feat), jnp.float32),
            pltpu.VMEM((L, feat), jnp.float32),
            pltpu.SemaphoreType.DMA,
            pltpu.SemaphoreType.DMA,
            pltpu.SemaphoreType.DMA,
            pltpu.SemaphoreType.DMA,
        ],
    )
    def agg_kernel(g_hbm, src_hbm, dst_hbm, out_hbm,
                   sidx, didx, rows_a, rows_b, acc, ztile,
                   gsem_a, gsem_b, ssem_a, ssem_b):
        c = lax.axis_index("c")
        s = lax.axis_index("s")
        wid = c * NS + s

        _zero_acc(acc, ztile, s, zrows, feat)
        plsc.subcore_barrier()

        def bbody(bb, _):
            pltpu.sync_copy(src_hbm.at[wid * nblk + bb], sidx)
            pltpu.sync_copy(dst_hbm.at[wid * nblk + bb], didx)
            _agg_block_pipeline(g_hbm, acc, sidx, didx, rows_a, rows_b,
                                gsem_a, gsem_b, ssem_a, ssem_b)
            return 0

        lax.fori_loop(0, nblk, bbody, 0)
        plsc.subcore_barrier()

        def wbody(k, _):
            r0 = (s * wchunks + k) * wb
            pltpu.sync_copy(acc.at[pl.ds(r0, wb), :], rows_a)
            pltpu.sync_copy(rows_a, out_hbm.at[c, pl.ds(r0, wb), :])
            return 0

        lax.fori_loop(0, wchunks, wbody, 0)

    return agg_kernel


def _make_agg_split_kernel(npad, feat, cpt):
    half = npad // NC
    nacc = half + 256
    zrows = nacc // NS // L
    wrows = half // NS
    nblk = cpt // NB

    @functools.partial(
        pl.kernel,
        out_type=jax.ShapeDtypeStruct((NC, half, feat), jnp.float32),
        mesh=_sc_mesh(),
        compiler_params=_SC_PARAMS,
        scratch_types=[
            pltpu.VMEM((NB, CHUNK), jnp.int32),
            pltpu.VMEM((NB, CHUNK), jnp.int32),
            pltpu.VMEM((CHUNK, feat), jnp.float32),
            pltpu.VMEM((CHUNK, feat), jnp.float32),
            pltpu.VMEM_SHARED((nacc, feat), jnp.float32),
            pltpu.VMEM((L, feat), jnp.float32),
            pltpu.SemaphoreType.DMA,
            pltpu.SemaphoreType.DMA,
            pltpu.SemaphoreType.DMA,
            pltpu.SemaphoreType.DMA,
        ],
    )
    def agg_kernel(g_hbm, src_hbm, dst_hbm, out_hbm,
                   sidx, didx, rows_a, rows_b, acc, ztile,
                   gsem_a, gsem_b, ssem_a, ssem_b):
        c = lax.axis_index("c")
        s = lax.axis_index("s")

        _zero_acc(acc, ztile, s, zrows, feat)
        plsc.subcore_barrier()

        def bbody(bb, _):
            w = jnp.where(bb < nblk, s, s + NS)
            gb = w * nblk + jnp.where(bb < nblk, bb, bb - nblk)
            pltpu.sync_copy(src_hbm.at[c * (NW * nblk) + gb], sidx)
            pltpu.sync_copy(dst_hbm.at[c * (NW * nblk) + gb], didx)
            _agg_block_pipeline(g_hbm, acc, sidx, didx, rows_a, rows_b,
                                gsem_a, gsem_b, ssem_a, ssem_b)
            return 0

        lax.fori_loop(0, 2 * nblk, bbody, 0)
        plsc.subcore_barrier()

        off = 0
        while off < wrows:
            wb = min(CHUNK, wrows - off)
            r0 = s * wrows + off
            pltpu.sync_copy(acc.at[pl.ds(r0, wb), :],
                            rows_a.at[pl.ds(0, wb), :])
            pltpu.sync_copy(rows_a.at[pl.ds(0, wb), :],
                            out_hbm.at[c, pl.ds(r0, wb), :])
            off += wb

    return agg_kernel


def _make_prep(e, epad, n, npad):
    ec = e // CHUNK
    ep = epad // CHUNK
    hb = ep // 2
    half = npad // NC

    epe = ep * CHUNK
    ece = ec * CHUNK

    def body(ei_ref, sa_ref, sl_ref, dp_ref, dl_ref):
        s = ei_ref[0]
        d = ei_ref[1]
        j = lax.iota(jnp.int32, epe - ece)
        padsrc = (j * 53) % n
        paddst = n + j % 128
        sfull = jnp.concatenate([s, padsrc], axis=0)
        dfull = jnp.concatenate([d, paddst], axis=0)
        he = hb * CHUNK
        sa_ref[0:he] = sfull[0:he]
        sa_ref[he:epe] = sfull[he:epe] + npad
        sl_ref[0, ...] = sfull
        sl_ref[1, ...] = sfull + npad
        dp_ref[...] = dfull
        for c in range(NC):
            dl = dfull - c * half
            ok = (dl >= 0) & (dl < half)
            dl_ref[c, ...] = jnp.where(ok, dl, half + (dfull % 128))

    return pl.pallas_call(
        body,
        out_shape=(
            jax.ShapeDtypeStruct((epe,), jnp.int32),
            jax.ShapeDtypeStruct((NC, epe), jnp.int32),
            jax.ShapeDtypeStruct((epe,), jnp.int32),
            jax.ShapeDtypeStruct((NC, epe), jnp.int32),
        ),
    )


def _mm_body(x_ref, w_ref, o_ref):
    o_ref[...] = jnp.dot(x_ref[...], w_ref[...],
                         preferred_element_type=jnp.float32,
                         precision=lax.Precision.HIGHEST)


def _mm(x, w):
    return pl.pallas_call(
        _mm_body,
        out_shape=jax.ShapeDtypeStruct((x.shape[0], w.shape[1]), jnp.float32),
    )(x, w)


def _scale_body(h_ref, d0_ref, d1_ref, o_ref):
    n = h_ref.shape[0]
    npd = d0_ref.shape[0]
    feat = h_ref.shape[1]
    deg = d0_ref[...] + d1_ref[...] + 1.0
    dis = lax.rsqrt(deg)
    g = dis[0:n] * h_ref[...]
    z = jnp.zeros((npd - n, feat), jnp.float32)
    o_ref[0:n] = g
    o_ref[n:npd] = z
    o_ref[npd:npd + n] = g
    o_ref[npd + n:2 * npd] = z


def _scale(h, d0, d1, npad):
    return pl.pallas_call(
        _scale_body,
        out_shape=jax.ShapeDtypeStruct((2 * npad, h.shape[1]), jnp.float32),
    )(h, d0, d1)


def _mid_body(p_ref, g_ref, d0_ref, d1_ref, b_ref, w_ref, o_ref):
    deg = d0_ref[...] + d1_ref[...] + 1.0
    dis = lax.rsqrt(deg)
    z = dis * (p_ref[0, ...] + p_ref[1, ...] + g_ref[...]) + b_ref[...]
    z = jnp.maximum(z, 0.0)
    h = jnp.dot(z, w_ref[...],
                preferred_element_type=jnp.float32,
                precision=lax.Precision.HIGHEST)
    o_ref[...] = dis * h


def _mid(p, g, d0, d1, b, w, npad, blk):
    din = g.shape[1]
    feat = w.shape[1]
    nb = npad // blk
    return pl.pallas_call(
        _mid_body,
        grid=(2, nb),
        in_specs=[
            pl.BlockSpec((2, blk, din), lambda c, i: (0, i, 0)),
            pl.BlockSpec((blk, din), lambda c, i: (i, 0)),
            pl.BlockSpec((blk, 1), lambda c, i: (i, 0)),
            pl.BlockSpec((blk, 1), lambda c, i: (i, 0)),
            pl.BlockSpec((din,), lambda c, i: (0,)),
            pl.BlockSpec((din, feat), lambda c, i: (0, 0)),
        ],
        out_specs=pl.BlockSpec((blk, feat), lambda c, i: (c * nb + i, 0)),
        out_shape=jax.ShapeDtypeStruct((2 * npad, feat), jnp.float32),
    )(p, g, d0, d1, b, w)


def _final_body(q_ref, g_ref, d0_ref, d1_ref, b_ref, o_ref):
    deg = d0_ref[...] + d1_ref[...] + 1.0
    dis = lax.rsqrt(deg)
    o_ref[...] = dis * (q_ref[0, ...] + g_ref[...]) + b_ref[...]


def _final(q, g, d0, d1, b, npd, blk):
    feat = g.shape[1]
    hblk = (npd // NC) // blk

    return pl.pallas_call(
        _final_body,
        grid=(npd // blk,),
        in_specs=[
            pl.BlockSpec((1, blk, feat),
                         lambda i: (i // hblk, i % hblk, 0)),
            pl.BlockSpec((blk, feat), lambda i: (i, 0)),
            pl.BlockSpec((blk, 1), lambda i: (i, 0)),
            pl.BlockSpec((blk, 1), lambda i: (i, 0)),
            pl.BlockSpec((feat,), lambda i: (0,)),
        ],
        out_specs=pl.BlockSpec((blk, feat), lambda i: (i, 0)),
        out_shape=jax.ShapeDtypeStruct((npd, feat), jnp.float32),
    )(q, g, d0, d1, b)


def kernel(x, edge_index, W1, b1, W2, b2):
    n, d = x.shape
    e = edge_index.shape[1]
    npad = _pad_to(n, 1024)
    ept = _pad_to(e, NW * CHUNK * 2) // NW
    epad = ept * NW
    cpt = ept // CHUNK

    ei = edge_index
    if e % CHUNK:
        extra = CHUNK - e % CHUNK
        ei = jnp.concatenate(
            [ei, jnp.stack([(jnp.arange(extra, dtype=jnp.int32) * 53) % n,
                            jnp.full((extra,), n, jnp.int32)])], axis=1)
        e = e + extra

    nblk = cpt // NB
    sa, sl, dp, dl = _make_prep(e, epad, n, npad)(ei)
    src3 = sa.reshape(NW * nblk, NB, CHUNK)
    srcloc = sl.reshape(NC * NW * nblk, NB, CHUNK)
    dst3 = dp.reshape(NW * nblk, NB, CHUNK)
    dst2 = dp.reshape(NW * (ept // (NB * CHUNK)), NB * CHUNK)
    dstloc = dl.reshape(NC * NW * nblk, NB, CHUNK)

    deg_parts = _make_deg_kernel(npad, ept)(dst2)
    d0 = deg_parts[0].reshape(npad, 1)
    d1 = deg_parts[1].reshape(npad, 1)

    blk = 1024
    h1 = _mm(x, W1)
    g1s = _scale(h1, d0, d1, npad)

    agg1 = _make_agg_kernel(npad, W1.shape[1], cpt)(g1s, src3, dst3)
    g2s = _mid(agg1, g1s, d0, d1, b1, W2, npad, blk)

    agg2 = _make_agg_split_kernel(npad, W2.shape[1], cpt)(g2s, srcloc, dstloc)
    out = _final(agg2, g2s, d0, d1, b2, npad, blk)
    return out[:n]

# --- scband reference (transcript-rebuilt; emitter-appended) ---
"""Pipeline reference for scband-gcn-53867479827053 (READ-ONLY COPY).

The authoritative reference and input builder live on the scoring server;
editing this copy changes nothing except your own understanding.
"""

import jax, jax.numpy as jnp
import numpy as np

N = 10000
E = 320000
D = 128
H = 128
C = 64


def setup_inputs(seed: int = 0) -> dict:
    key = jax.random.key(seed)
    k1, k2, k3, k4 = jax.random.split(key, 4)
    x = jax.random.normal(k1, (N, D), dtype=jnp.float32)
    edge_index = jax.random.randint(k2, (2, E), 0, N, dtype=jnp.int32)
    W1 = jax.random.normal(k3, (D, H), dtype=jnp.float32) * (1.0 / np.sqrt(D))
    b1 = jnp.zeros((H,), dtype=jnp.float32)
    W2 = jax.random.normal(k4, (H, C), dtype=jnp.float32) * (1.0 / np.sqrt(H))
    b2 = jnp.zeros((C,), dtype=jnp.float32)
    return {"x": x, "edge_index": edge_index, "W1": W1, "b1": b1, "W2": W2, "b2": b2}


def gcn_conv(x, edge_index, W, b):
    # GCNConv with add_self_loops=True, normalize=True (symmetric normalization)
    n = x.shape[0]
    src = edge_index[0]
    dst = edge_index[1]
    loop = jnp.arange(n, dtype=src.dtype)
    src = jnp.concatenate([src, loop])
    dst = jnp.concatenate([dst, loop])
    ones = jnp.ones(src.shape[0], dtype=x.dtype)
    deg = jnp.zeros((n,), dtype=x.dtype).at[dst].add(ones)
    deg_inv_sqrt = jnp.where(deg > 0, 1.0 / jnp.sqrt(deg), 0.0)
    norm = deg_inv_sqrt[src] * deg_inv_sqrt[dst]
    h = x @ W
    msg = h[src] * norm[:, None]
    out = jnp.zeros((n, W.shape[1]), dtype=x.dtype).at[dst].add(msg)
    return out + b


def reference(x, edge_index, W1, b1, W2, b2):
    # Dropout layers are identity in eval/inference mode (deterministic reference).
    h = gcn_conv(x, edge_index, W1, b1)
    h = jax.nn.relu(h)
    out = gcn_conv(h, edge_index, W2, b2)
    return out

if __name__ == "__main__":
    import jax
    _d = setup_inputs()
    print(jax.jit(kernel)(*tuple(_d.values())))

</pallas_src>

<mosaic_0001>
#map = affine_map<(d0, d1) -> (0, 0)>
#map1 = affine_map<(d0, d1) -> (0, 0, 0)>
module attributes {stable_mosaic.version = 14 : i64} {
  func.func @agg_kernel(%arg0: i32, %arg1: i32, %arg2: memref<20480x64xf32, #tpu.memory_space<hbm>>, %arg3: memref<320x16x128xi32, #tpu.memory_space<hbm>>, %arg4: memref<320x16x128xi32, #tpu.memory_space<hbm>>, %arg5: memref<2x5120x64xf32, #tpu.memory_space<hbm>>, %arg6: memref<16x128xi32, #tpu.memory_space<vmem>>, %arg7: memref<16x128xi32, #tpu.memory_space<vmem>>, %arg8: memref<128x64xf32, #tpu.memory_space<vmem>>, %arg9: memref<128x64xf32, #tpu.memory_space<vmem>>, %arg10: memref<5376x64xf32, #tpu.memory_space<vmem_shared>>, %arg11: memref<16x64xf32, #tpu.memory_space<vmem>>, %arg12: memref<!tpu.dma_semaphore, #tpu.memory_space<semaphore_mem>>, %arg13: memref<!tpu.dma_semaphore, #tpu.memory_space<semaphore_mem>>, %arg14: memref<!tpu.dma_semaphore, #tpu.memory_space<semaphore_mem>>, %arg15: memref<!tpu.dma_semaphore, #tpu.memory_space<semaphore_mem>>) attributes {dimension_semantics = [#tpu.dimension_semantics<core_parallel>, #tpu.dimension_semantics<subcore_parallel>], iteration_bounds = array<i64: 2, 16>, scalar_prefetch = 0 : i64, scratch_operands = 10 : i64, tpu.core_type = #tpu.core_type<sc_vector_subcore>, window_params = [{transform_indices = #map}, {transform_indices = #map1}, {transform_indices = #map1}, {transform_indices = #map1}]} {
    %broadcast_in_dim3A = arith.constant 0.000000e+00 : f32
    %broadcast_in_dim3A_0 = vector.broadcast %broadcast_in_dim3A : f32 to vector<16xf32>
    %swap3A = arith.constant 0 : i32
    %swap3A_1 = arith.index_cast %swap3A : i32 to index
    %swap3A_2 = arith.constant 0 : index
    %swap3A_3 = tpu.vector_load %arg11[%swap3A_1, %swap3A_2] {strides = array<i32>} : memref<16x64xf32, #tpu.memory_space<vmem>>, vector<16xf32>,
    tpu.vector_store %arg11[%swap3A_1, %swap3A_2], %broadcast_in_dim3A_0 {strides = array<i32>} : memref<16x64xf32, #tpu.memory_space<vmem>>, vector<16xf32>,
    %swap3A_4 = arith.constant 0 : i32
    %swap3A_5 = arith.index_cast %swap3A_4 : i32 to index
    %swap3A_6 = arith.constant 16 : index
    %swap3A_7 = tpu.vector_load %arg11[%swap3A_5, %swap3A_6] {strides = array<i32>} : memref<16x64xf32, #tpu.memory_space<vmem>>, vector<16xf32>,
    tpu.vector_store %arg11[%swap3A_5, %swap3A_6], %broadcast_in_dim3A_0 {strides = array<i32>} : memref<16x64xf32, #tpu.memory_space<vmem>>, vector<16xf32>,
    %swap3A_8 = arith.constant 0 : i32
    %swap3A_9 = arith.index_cast %swap3A_8 : i32 to index
    %swap3A_10 = arith.constant 32 : index
    %swap3A_11 = tpu.vector_load %arg11[%swap3A_9, %swap3A_10] {strides = array<i32>} : memref<16x64xf32, #tpu.memory_space<vmem>>, vector<16xf32>,
    tpu.vector_store %arg11[%swap3A_9, %swap3A_10], %broadcast_in_dim3A_0 {strides = array<i32>} : memref<16x64xf32, #tpu.memory_space<vmem>>, vector<16xf32>,
    %swap3A_12 = arith.constant 0 : i32
    %swap3A_13 = arith.index_cast %swap3A_12 : i32 to index
    %swap3A_14 = arith.constant 48 : index
    %swap3A_15 = tpu.vector_load %arg11[%swap3A_13, %swap3A_14] {strides = array<i32>} : memref<16x64xf32, #tpu.memory_space<vmem>>, vector<16xf32>,
    tpu.vector_store %arg11[%swap3A_13, %swap3A_14], %broadcast_in_dim3A_0 {strides = array<i32>} : memref<16x64xf32, #tpu.memory_space<vmem>>, vector<16xf32>,
    %swap3A_16 = arith.constant 1 : i32
    %swap3A_17 = arith.index_cast %swap3A_16 : i32 to index
    %swap3A_18 = arith.constant 0 : index
    %swap3A_19 = tpu.vector_load %arg11[%swap3A_17, %swap3A_18] {strides = array<i32>} : memref<16x64xf32, #tpu.memory_space<vmem>>, vector<16xf32>,
    tpu.vector_store %arg11[%swap3A_17, %swap3A_18], %broadcast_in_dim3A_0 {strides = array<i32>} : memref<16x64xf32, #tpu.memory_space<vmem>>, vector<16xf32>,
    %swap3A_20 = arith.constant 1 : i32
    %swap3A_21 = arith.index_cast %swap3A_20 : i32 to index
    %swap3A_22 = arith.constant 16 : index
    %swap3A_23 = tpu.vector_load %arg11[%swap3A_21, %swap3A_22] {strides = array<i32>} : memref<16x64xf32, #tpu.memory_space<vmem>>, vector<16xf32>,
    tpu.vector_store %arg11[%swap3A_21, %swap3A_22], %broadcast_in_dim3A_0 {strides = array<i32>} : memref<16x64xf32, #tpu.memory_space<vmem>>, vector<16xf32>,
    %swap3A_24 = arith.constant 1 : i32
    %swap3A_25 = arith.index_cast %swap3A_24 : i32 to index
    %swap3A_26 = arith.constant 32 : index
    %swap3A_27 = tpu.vector_load %arg11[%swap3A_25, %swap3A_26] {strides = array<i32>} : memref<16x64xf32, #tpu.memory_space<vmem>>, vector<16xf32>,
    tpu.vector_store %arg11[%swap3A_25, %swap3A_26], %broadcast_in_dim3A_0 {strides = array<i32>} : memref<16x64xf32, #tpu.memory_space<vmem>>, vector<16xf32>,
    %swap3A_28 = arith.constant 1 : i32
    %swap3A_29 = arith.index_cast %swap3A_28 : i32 to index
    %swap3A_30 = arith.constant 48 : index
    %swap3A_31 = tpu.vector_load %arg11[%swap3A_29, %swap3A_30] {strides = array<i32>} : memref<16x64xf32, #tpu.memory_space<vmem>>, vector<16xf32>,
    tpu.vector_store %arg11[%swap3A_29, %swap3A_30], %broadcast_in_dim3A_0 {strides = array<i32>} : memref<16x64xf32, #tpu.memory_space<vmem>>, vector<16xf32>,
    %swap3A_32 = arith.constant 2 : i32
    %swap3A_33 = arith.index_cast %swap3A_32 : i32 to index
    %swap3A_34 = arith.constant 0 : index
    %swap3A_35 = tpu.vector_load %arg11[%swap3A_33, %swap3A_34] {strides = array<i32>} : memref<16x64xf32, #tpu.memory_space<vmem>>, vector<16xf32>,
    tpu.vector_store %arg11[%swap3A_33, %swap3A_34], %broadcast_in_dim3A_0 {strides = array<i32>} : memref<16x64xf32, #tpu.memory_space<vmem>>, vector<16xf32>,
    %swap3A_36 = arith.constant 2 : i32
    %swap3A_37 = arith.index_cast %swap3A_36 : i32 to index
    %swap3A_38 = arith.constant 16 : index
    %swap3A_39 = tpu.vector_load %arg11[%swap3A_37, %swap3A_38] {strides = array<i32>} : memref<16x64xf32, #tpu.memory_space<vmem>>, vector<16xf32>,
    tpu.vector_store %arg11[%swap3A_37, %swap3A_38], %broadcast_in_dim3A_0 {strides = array<i32>} : memref<16x64xf32, #tpu.memory_space<vmem>>, vector<16xf32>,
    %swap3A_40 = arith.constant 2 : i32
    %swap3A_41 = arith.index_cast %swap3A_40 : i32 to index
    %swap3A_42 = arith.constant 32 : index
    %swap3A_43 = tpu.vector_load %arg11[%swap3A_41, %swap3A_42] {strides = array<i32>} : memref<16x64xf32, #tpu.memory_space<vmem>>, vector<16xf32>,
    tpu.vector_store %arg11[%swap3A_41, %swap3A_42], %broadcast_in_dim3A_0 {strides = array<i32>} : memref<16x64xf32, #tpu.memory_space<vmem>>, vector<16xf32>,
    %swap3A_44 = arith.constant 2 : i32
    %swap3A_45 = arith.index_cast %swap3A_44 : i32 to index
    %swap3A_46 = arith.constant 48 : index
    %swap3A_47 = tpu.vector_load %arg11[%swap3A_45, %swap3A_46] {strides = array<i32>} : memref<16x64xf32, #tpu.memory_space<vmem>>, vector<16xf32>,
    tpu.vector_store %arg11[%swap3A_45, %swap3A_46], %broadcast_in_dim3A_0 {strides = array<i32>} : memref<16x64xf32, #tpu.memory_space<vmem>>, vector<16xf32>,
    %swap3A_48 = arith.constant 3 : i32
    %swap3A_49 = arith.index_cast %swap3A_48 : i32 to index
    %swap3A_50 = arith.constant 0 : index
    %swap3A_51 = tpu.vector_load %arg11[%swap3A_49, %swap3A_50] {strides = array<i32>} : memref<16x64xf32, #tpu.memory_space<vmem>>, vector<16xf32>,
    tpu.vector_store %arg11[%swap3A_49, %swap3A_50], %broadcast_in_dim3A_0 {strides = array<i32>} : memref<16x64xf32, #tpu.memory_space<vmem>>, vector<16xf32>,
    %swap3A_52 = arith.constant 3 : i32
    %swap3A_53 = arith.index_cast %swap3A_52 : i32 to index
    %swap3A_54 = arith.constant 16 : index
    %swap3A_55 = tpu.vector_load %arg11[%swap3A_53, %swap3A_54] {strides = array<i32>} : memref<16x64xf32, #tpu.memory_space<vmem>>, vector<16xf32>,
    tpu.vector_store %arg11[%swap3A_53, %swap3A_54], %broadcast_in_dim3A_0 {strides = array<i32>} : memref<16x64xf32, #tpu.memory_space<vmem>>, vector<16xf32>,
    %swap3A_56 = arith.constant 3 : i32
    %swap3A_57 = arith.index_cast %swap3A_56 : i32 to index
    %swap3A_58 = arith.constant 32 : index
    %swap3A_59 = tpu.vector_load %arg11[%swap3A_57, %swap3A_58] {strides = array<i32>} : memref<16x64xf32, #tpu.memory_space<vmem>>, vector<16xf32>,
    tpu.vector_store %arg11[%swap3A_57, %swap3A_58], %broadcast_in_dim3A_0 {strides = array<i32>} : memref<16x64xf32, #tpu.memory_space<vmem>>, vector<16xf32>,
    %swap3A_60 = arith.constant 3 : i32
    %swap3A_61 = arith.index_cast %swap3A_60 : i32 to index
    %swap3A_62 = arith.constant 48 : index
    %swap3A_63 = tpu.vector_load %arg11[%swap3A_61, %swap3A_62] {strides = array<i32>} : memref<16x64xf32, #tpu.memory_space<vmem>>, vector<16xf32>,
    tpu.vector_store %arg11[%swap3A_61, %swap3A_62], %broadcast_in_dim3A_0 {strides = array<i32>} : memref<16x64xf32, #tpu.memory_space<vmem>>, vector<16xf32>,
    %swap3A_64 = arith.constant 4 : i32
    %swap3A_65 = arith.index_cast %swap3A_64 : i32 to index
    %swap3A_66 = arith.constant 0 : index
    %swap3A_67 = tpu.vector_load %arg11[%swap3A_65, %swap3A_66] {strides = array<i32>} : memref<16x64xf32, #tpu.memory_space<vmem>>, vector<16xf32>,
    tpu.vector_store %arg11[%swap3A_65, %swap3A_66], %broadcast_in_dim3A_0 {strides = array<i32>} : memref<16x64xf32, #tpu.memory_space<vmem>>, vector<16xf32>,
    %swap3A_68 = arith.constant 4 : i32
    %swap3A_69 = arith.index_cast %swap3A_68 : i32 to index
    %swap3A_70 = arith.constant 16 : index
    %swap3A_71 = tpu.vector_load %arg11[%swap3A_69, %swap3A_70] {strides = array<i32>} : memref<16x64xf32, #tpu.memory_space<vmem>>, vector<16xf32>,
    tpu.vector_store %arg11[%swap3A_69, %swap3A_70], %broadcast_in_dim3A_0 {strides = array<i32>} : memref<16x64xf32, #tpu.memory_space<vmem>>, vector<16xf32>,
    %swap3A_72 = arith.constant 4 : i32
    %swap3A_73 = arith.index_cast %swap3A_72 : i32 to index
    %swap3A_74 = arith.constant 32 : index
    %swap3A_75 = tpu.vector_load %arg11[%swap3A_73, %swap3A_74] {strides = array<i32>} : memref<16x64xf32, #tpu.memory_space<vmem>>, vector<16xf32>,
    tpu.vector_store %arg11[%swap3A_73, %swap3A_74], %broadcast_in_dim3A_0 {strides = array<i32>} : memref<16x64xf32, #tpu.memory_space<vmem>>, vector<16xf32>,
    %swap3A_76 = arith.constant 4 : i32
    %swap3A_77 = arith.index_cast %swap3A_76 : i32 to index
    %swap3A_78 = arith.constant 48 : index
    %swap3A_79 = tpu.vector_load %arg11[%swap3A_77, %swap3A_78] {strides = array<i32>} : memref<16x64xf32, #tpu.memory_space<vmem>>, vector<16xf32>,
    tpu.vector_store %arg11[%swap3A_77, %swap3A_78], %broadcast_in_dim3A_0 {strides = array<i32>} : memref<16x64xf32, #tpu.memory_space<vmem>>, vector<16xf32>,
    %swap3A_80 = arith.constant 5 : i32
    %swap3A_81 = arith.index_cast %swap3A_80 : i32 to index
    %swap3A_82 = arith.constant 0 : index
    %swap3A_83 = tpu.vector_load %arg11[%swap3A_81, %swap3A_82] {strides = array<i32>} : memref<16x64xf32, #tpu.memory_space<vmem>>, vector<16xf32>,
    tpu.vector_store %arg11[%swap3A_81, %swap3A_82], %broadcast_in_dim3A_0 {strides = array<i32>} : memref<16x64xf32, #tpu.memory_space<vmem>>, vector<16xf32>,
    %swap3A_84 = arith.constant 5 : i32
    %swap3A_85 = arith.index_cast %swap3A_84 : i32 to index
    %swap3A_86 = arith.constant 16 : index
    %swap3A_87 = tpu.vector_load %arg11[%swap3A_85, %swap3A_86] {strides = array<i32>} : memref<16x64xf32, #tpu.memory_space<vmem>>, vector<16xf32>,
    tpu.vector_store %arg11[%swap3A_85, %swap3A_86], %broadcast_in_dim3A_0 {strides = array<i32>} : memref<16x64xf32, #tpu.memory_space<vmem>>, vector<16xf32>,
    %swap3A_88 = arith.constant 5 : i32
    %swap3A_89 = arith.index_cast %swap3A_88 : i32 to index
    %swap3A_90 = arith.constant 32 : index
    %swap3A_91 = tpu.vector_load %arg11[%swap3A_89, %swap3A_90] {strides = array<i32>} : memref<16x64xf32, #tpu.memory_space<vmem>>, vector<16xf32>,
    tpu.vector_store %arg11[%swap3A_89, %swap3A_90], %broadcast_in_dim3A_0 {strides = array<i32>} : memref<16x64xf32, #tpu.memory_space<vmem>>, vector<16xf32>,
    %swap3A_92 = arith.constant 5 : i32
    %swap3A_93 = arith.index_cast %swap3A_92 : i32 to index
    %swap3A_94 = arith.constant 48 : index
    %swap3A_95 = tpu.vector_load %arg11[%swap3A_93, %swap3A_94] {strides = array<i32>} : memref<16x64xf32, #tpu.memory_space<vmem>>, vector<16xf32>,
    tpu.vector_store %arg11[%swap3A_93, %swap3A_94], %broadcast_in_dim3A_0 {strides = array<i32>} : memref<16x64xf32, #tpu.memory_space<vmem>>, vector<16xf32>,
    %swap3A_96 = arith.constant 6 : i32
    %swap3A_97 = arith.index_cast %swap3A_96 : i32 to index
    %swap3A_98 = arith.constant 0 : index
    %swap3A_99 = tpu.vector_load %arg11[%swap3A_97, %swap3A_98] {strides = array<i32>} : memref<16x64xf32, #tpu.memory_space<vmem>>, vector<16xf32>,
    tpu.vector_store %arg11[%swap3A_97, %swap3A_98], %broadcast_in_dim3A_0 {strides = array<i32>} : memref<16x64xf32, #tpu.memory_space<vmem>>, vector<16xf32>,
    %swap3A_100 = arith.constant 6 : i32
    %swap3A_101 = arith.index_cast %swap3A_100 : i32 to index
    %swap3A_102 = arith.constant 16 : index
    %swap3A_103 = tpu.vector_load %arg11[%swap3A_101, %swap3A_102] {strides = array<i32>} : memref<16x64xf32, #tpu.memory_space<vmem>>, vector<16xf32>,
    tpu.vector_store %arg11[%swap3A_101, %swap3A_102], %broadcast_in_dim3A_0 {strides = array<i32>} : memref<16x64xf32, #tpu.memory_space<vmem>>, vector<16xf32>,
    %swap3A_104 = arith.constant 6 : i32
    %swap3A_105 = arith.index_cast %swap3A_104 : i32 to index
    %swap3A_106 = arith.constant 32 : index
    %swap3A_107 = tpu.vector_load %arg11[%swap3A_105, %swap3A_106] {strides = array<i32>} : memref<16x64xf32, #tpu.memory_space<vmem>>, vector<16xf32>,
    tpu.vector_store %arg11[%swap3A_105, %swap3A_106], %broadcast_in_dim3A_0 {strides = array<i32>} : memref<16x64xf32, #tpu.memory_space<vmem>>, vector<16xf32>,
    %swap3A_108 = arith.constant 6 : i32
    %swap3A_109 = arith.index_cast %swap3A_108 : i32 to index
    %swap3A_110 = arith.constant 48 : index
    %swap3A_111 = tpu.vector_load %arg11[%swap3A_109, %swap3A_110] {strides = array<i32>} : memref<16x64xf32, #tpu.memory_space<vmem>>, vector<16xf32>,
    tpu.vector_store %arg11[%swap3A_109, %swap3A_110], %broadcast_in_dim3A_0 {strides = array<i32>} : memref<16x64xf32, #tpu.memory_space<vmem>>, vector<16xf32>,
    %swap3A_112 = arith.constant 7 : i32
    %swap3A_113 = arith.index_cast %swap3A_112 : i32 to index
    %swap3A_114 = arith.constant 0 : index
    %swap3A_115 = tpu.vector_load %arg11[%swap3A_113, %swap3A_114] {strides = array<i32>} : memref<16x64xf32, #tpu.memory_space<vmem>>, vector<16xf32>,
    tpu.vector_store %arg11[%swap3A_113, %swap3A_114], %broadcast_in_dim3A_0 {strides = array<i32>} : memref<16x64xf32, #tpu.memory_space<vmem>>, vector<16xf32>,
    %swap3A_116 = arith.constant 7 : i32
    %swap3A_117 = arith.index_cast %swap3A_116 : i32 to index
    %swap3A_118 = arith.constant 16 : index
    %swap3A_119 = tpu.vector_load %arg11[%swap3A_117, %swap3A_118] {strides = array<i32>} : memref<16x64xf32, #tpu.memory_space<vmem>>, vector<16xf32>,
    tpu.vector_store %arg11[%swap3A_117, %swap3A_118], %broadcast_in_dim3A_0 {strides = array<i32>} : memref<16x64xf32, #tpu.memory_space<vmem>>, vector<16xf32>,
    %swap3A_120 = arith.constant 7 : i32
    %swap3A_121 = arith.index_cast %swap3A_120 : i32 to index
    %swap3A_122 = arith.constant 32 : index
    %swap3A_123 = tpu.vector_load %arg11[%swap3A_121, %swap3A_122] {strides = array<i32>} : memref<16x64xf32, #tpu.memory_space<vmem>>, vector<16xf32>,
    tpu.vector_store %arg11[%swap3A_121, %swap3A_122], %broadcast_in_dim3A_0 {strides = array<i32>} : memref<16x64xf32, #tpu.memory_space<vmem>>, vector<16xf32>,
    %swap3A_124 = arith.constant 7 : i32
    %swap3A_125 = arith.index_cast %swap3A_124 : i32 to index
    %swap3A_126 = arith.constant 48 : index
    %swap3A_127 = tpu.vector_load %arg11[%swap3A_125, %swap3A_126] {strides = array<i32>} : memref<16x64xf32, #tpu.memory_space<vmem>>, vector<16xf32>,
    tpu.vector_store %arg11[%swap3A_125, %swap3A_126], %broadcast_in_dim3A_0 {strides = array<i32>} : memref<16x64xf32, #tpu.memory_space<vmem>>, vector<16xf32>,
    %swap3A_128 = arith.constant 8 : i32
    %swap3A_129 = arith.index_cast %swap3A_128 : i32 to index
    %swap3A_130 = arith.constant 0 : index
    %swap3A_131 = tpu.vector_load %arg11[%swap3A_129, %swap3A_130] {strides = array<i32>} : memref<16x64xf32, #tpu.memory_space<vmem>>, vector<16xf32>,
    tpu.vector_store %arg11[%swap3A_129, %swap3A_130], %broadcast_in_dim3A_0 {strides = array<i32>} : memref<16x64xf32, #tpu.memory_space<vmem>>, vector<16xf32>,
    %swap3A_132 = arith.constant 8 : i32
    %swap3A_133 = arith.index_cast %swap3A_132 : i32 to index
    %swap3A_134 = arith.constant 16 : index
    %swap3A_135 = tpu.vector_load %arg11[%swap3A_133, %swap3A_134] {strides = array<i32>} : memref<16x64xf32, #tpu.memory_space<vmem>>, vector<16xf32>,
    tpu.vector_store %arg11[%swap3A_133, %swap3A_134], %broadcast_in_dim3A_0 {strides = array<i32>} : memref<16x64xf32, #tpu.memory_space<vmem>>, vector<16xf32>,
    %swap3A_136 = arith.constant 8 : i32
    %swap3A_137 = arith.index_cast %swap3A_136 : i32 to index
    %swap3A_138 = arith.constant 32 : index
    %swap3A_139 = tpu.vector_load %arg11[%swap3A_137, %swap3A_138] {strides = array<i32>} : memref<16x64xf32, #tpu.memory_space<vmem>>, vector<16xf32>,
    tpu.vector_store %arg11[%swap3A_137, %swap3A_138], %broadcast_in_dim3A_0 {strides = array<i32>} : memref<16x64xf32, #tpu.memory_space<vmem>>, vector<16xf32>,
    %swap3A_140 = arith.constant 8 : i32
    %swap3A_141 = arith.index_cast %swap3A_140 : i32 to index
    %swap3A_142 = arith.constant 48 : index
    %swap3A_143 = tpu.vector_load %arg11[%swap3A_141, %swap3A_142] {strides = array<i32>} : memref<16x64xf32, #tpu.memory_space<vmem>>, vector<16xf32>,
    tpu.vector_store %arg11[%swap3A_141, %swap3A_142], %broadcast_in_dim3A_0 {strides = array<i32>} : memref<16x64xf32, #tpu.memory_space<vmem>>, vector<16xf32>,
    %swap3A_144 = arith.constant 9 : i32
    %swap3A_145 = arith.index_cast %swap3A_144 : i32 to index
    %swap3A_146 = arith.constant 0 : index
    %swap3A_147 = tpu.vector_load %arg11[%swap3A_145, %swap3A_146] {strides = array<i32>} : memref<16x64xf32, #tpu.memory_space<vmem>>, vector<16xf32>,
    tpu.vector_store %arg11[%swap3A_145, %swap3A_146], %broadcast_in_dim3A_0 {strides = array<i32>} : memref<16x64xf32, #tpu.memory_space<vmem>>, vector<16xf32>,
    %swap3A_148 = arith.constant 9 : i32
    %swap3A_149 = arith.index_cast %swap3A_148 : i32 to index
    %swap3A_150 = arith.constant 16 : index
    %swap3A_151 = tpu.vector_load %arg11[%swap3A_149, %swap3A_150] {strides = array<i32>} : memref<16x64xf32, #tpu.memory_space<vmem>>, vector<16xf32>,
    tpu.vector_store %arg11[%swap3A_149, %swap3A_150], %broadcast_in_dim3A_0 {strides = array<i32>} : memref<16x64xf32, #tpu.memory_space<vmem>>, vector<16xf32>,
    %swap3A_152 = arith.constant 9 : i32
    %swap3A_153 = arith.index_cast %swap3A_152 : i32 to index
    %swap3A_154 = arith.constant 32 : index
    %swap3A_155 = tpu.vector_load %arg11[%swap3A_153, %swap3A_154] {strides = array<i32>} : memref<16x64xf32, #tpu.memory_space<vmem>>, vector<16xf32>,
    tpu.vector_store %arg11[%swap3A_153, %swap3A_154], %broadcast_in_dim3A_0 {strides = array<i32>} : memref<16x64xf32, #tpu.memory_space<vmem>>, vector<16xf32>,
    %swap3A_156 = arith.constant 9 : i32
    %swap3A_157 = arith.index_cast %swap3A_156 : i32 to index
    %swap3A_158 = arith.constant 48 : index
    %swap3A_159 = tpu.vector_load %arg11[%swap3A_157, %swap3A_158] {strides = array<i32>} : memref<16x64xf32, #tpu.memory_space<vmem>>, vector<16xf32>,
    tpu.vector_store %arg11[%swap3A_157, %swap3A_158], %broadcast_in_dim3A_0 {strides = array<i32>} : memref<16x64xf32, #tpu.memory_space<vmem>>, vector<16xf32>,
    %swap3A_160 = arith.constant 10 : i32
    %swap3A_161 = arith.index_cast %swap3A_160 : i32 to index
    %swap3A_162 = arith.constant 0 : index
    %swap3A_163 = tpu.vector_load %arg11[%swap3A_161, %swap3A_162] {strides = array<i32>} : memref<16x64xf32, #tpu.memory_space<vmem>>, vector<16xf32>,
    tpu.vector_store %arg11[%swap3A_161, %swap3A_162], %broadcast_in_dim3A_0 {strides = array<i32>} : memref<16x64xf32, #tpu.memory_space<vmem>>, vector<16xf32>,
    %swap3A_164 = arith.constant 10 : i32
    %swap3A_165 = arith.index_cast %swap3A_164 : i32 to index
    %swap3A_166 = arith.constant 16 : index
    %swap3A_167 = tpu.vector_load %arg11[%swap3A_165, %swap3A_166] {strides = array<i32>} : memref<16x64xf32, #tpu.memory_space<vmem>>, vector<16xf32>,
    tpu.vector_store %arg11[%swap3A_165, %swap3A_166], %broadcast_in_dim3A_0 {strides = array<i32>} : memref<16x64xf32, #tpu.memory_space<vmem>>, vector<16xf32>,
    %swap3A_168 = arith.constant 10 : i32
    %swap3A_169 = arith.index_cast %swap3A_168 : i32 to index
    %swap3A_170 = arith.constant 32 : index
    %swap3A_171 = tpu.vector_load %arg11[%swap3A_169, %swap3A_170] {strides = array<i32>} : memref<16x64xf32, #tpu.memory_space<vmem>>, vector<16xf32>,
    tpu.vector_store %arg11[%swap3A_169, %swap3A_170], %broadcast_in_dim3A_0 {strides = array<i32>} : memref<16x64xf32, #tpu.memory_space<vmem>>, vector<16xf32>,
    %swap3A_172 = arith.constant 10 : i32
    %swap3A_173 = arith.index_cast %swap3A_172 : i32 to index
    %swap3A_174 = arith.constant 48 : index
    %swap3A_175 = tpu.vector_load %arg11[%swap3A_173, %swap3A_174] {strides = array<i32>} : memref<16x64xf32, #tpu.memory_space<vmem>>, vector<16xf32>,
    tpu.vector_store %arg11[%swap3A_173, %swap3A_174], %broadcast_in_dim3A_0 {strides = array<i32>} : memref<16x64xf32, #tpu.memory_space<vmem>>, vector<16xf32>,
    %swap3A_176 = arith.constant 11 : i32
    %swap3A_177 = arith.index_cast %swap3A_176 : i32 to index
    %swap3A_178 = arith.constant 0 : index
    %swap3A_179 = tpu.vector_load %arg11[%swap3A_177, %swap3A_178] {strides = array<i32>} : memref<16x64xf32, #tpu.memory_space<vmem>>, vector<16xf32>,
    tpu.vector_store %arg11[%swap3A_177, %swap3A_178], %broadcast_in_dim3A_0 {strides = array<i32>} : memref<16x64xf32, #tpu.memory_space<vmem>>, vector<16xf32>,
    %swap3A_180 = arith.constant 11 : i32
    %swap3A_181 = arith.index_cast %swap3A_180 : i32 to index
    %swap3A_182 = arith.constant 16 : index
    %swap3A_183 = tpu.vector_load %arg11[%swap3A_181, %swap3A_182] {strides = array<i32>} : memref<16x64xf32, #tpu.memory_space<vmem>>, vector<16xf32>,
    tpu.vector_store %arg11[%swap3A_181, %swap3A_182], %broadcast_in_dim3A_0 {strides = array<i32>} : memref<16x64xf32, #tpu.memory_space<vmem>>, vector<16xf32>,
    %swap3A_184 = arith.constant 11 : i32
    %swap3A_185 = arith.index_cast %swap3A_184 : i32 to index
    %swap3A_186 = arith.constant 32 : index
    %swap3A_187 = tpu.vector_load %arg11[%swap3A_185, %swap3A_186] {strides = array<i32>} : memref<16x64xf32, #tpu.memory_space<vmem>>, vector<16xf32>,
    tpu.vector_store %arg11[%swap3A_185, %swap3A_186], %broadcast_in_dim3A_0 {strides = array<i32>} : memref<16x64xf32, #tpu.memory_space<vmem>>, vector<16xf32>,
    %swap3A_188 = arith.constant 11 : i32
    %swap3A_189 = arith.index_cast %swap3A_188 : i32 to index
    %swap3A_190 = arith.constant 48 : index
    %swap3A_191 = tpu.vector_load %arg11[%swap3A_189, %swap3A_190] {strides = array<i32>} : memref<16x64xf32, #tpu.memory_space<vmem>>, vector<16xf32>,
    tpu.vector_store %arg11[%swap3A_189, %swap3A_190], %broadcast_in_dim3A_0 {strides = array<i32>} : memref<16x64xf32, #tpu.memory_space<vmem>>, vector<16xf32>,
    %swap3A_192 = arith.constant 12 : i32
    %swap3A_193 = arith.index_cast %swap3A_192 : i32 to index
    %swap3A_194 = arith.constant 0 : index
    %swap3A_195 = tpu.vector_load %arg11[%swap3A_193, %swap3A_194] {strides = array<i32>} : memref<16x64xf32, #tpu.memory_space<vmem>>, vector<16xf32>,
    tpu.vector_store %arg11[%swap3A_193, %swap3A_194], %broadcast_in_dim3A_0 {strides = array<i32>} : memref<16x64xf32, #tpu.memory_space<vmem>>, vector<16xf32>,
    %swap3A_196 = arith.constant 12 : i32
    %swap3A_197 = arith.index_cast %swap3A_196 : i32 to index
    %swap3A_198 = arith.constant 16 : index
    %swap3A_199 = tpu.vector_load %arg11[%swap3A_197, %swap3A_198] {strides = array<i32>} : memref<16x64xf32, #tpu.memory_space<vmem>>, vector<16xf32>,
    tpu.vector_store %arg11[%swap3A_197, %swap3A_198], %broadcast_in_dim3A_0 {strides = array<i32>} : memref<16x64xf32, #tpu.memory_space<vmem>>, vector<16xf32>,
    %swap3A_200 = arith.constant 12 : i32
    %swap3A_201 = arith.index_cast %swap3A_200 : i32 to index
    %swap3A_202 = arith.constant 32 : index
    %swap3A_203 = tpu.vector_load %arg11[%swap3A_201, %swap3A_202] {strides = array<i32>} : memref<16x64xf32, #tpu.memory_space<vmem>>, vector<16xf32>,
    tpu.vector_store %arg11[%swap3A_201, %swap3A_202], %broadcast_in_dim3A_0 {strides = array<i32>} : memref<16x64xf32, #tpu.memory_space<vmem>>, vector<16xf32>,
    %swap3A_204 = arith.constant 12 : i32
    %swap3A_205 = arith.index_cast %swap3A_204 : i32 to index
    %swap3A_206 = arith.constant 48 : index
    %swap3A_207 = tpu.vector_load %arg11[%swap3A_205, %swap3A_206] {strides = array<i32>} : memref<16x64xf32, #tpu.memory_space<vmem>>, vector<16xf32>,
    tpu.vector_store %arg11[%swap3A_205, %swap3A_206], %broadcast_in_dim3A_0 {strides = array<i32>} : memref<16x64xf32, #tpu.memory_space<vmem>>, vector<16xf32>,
    %swap3A_208 = arith.constant 13 : i32
    %swap3A_209 = arith.index_cast %swap3A_208 : i32 to index
    %swap3A_210 = arith.constant 0 : index
    %swap3A_211 = tpu.vector_load %arg11[%swap3A_209, %swap3A_210] {strides = array<i32>} : memref<16x64xf32, #tpu.memory_space<vmem>>, vector<16xf32>,
    tpu.vector_store %arg11[%swap3A_209, %swap3A_210], %broadcast_in_dim3A_0 {strides = array<i32>} : memref<16x64xf32, #tpu.memory_space<vmem>>, vector<16xf32>,
    %swap3A_212 = arith.constant 13 : i32
    %swap3A_213 = arith.index_cast %swap3A_212 : i32 to index
    %swap3A_214 = arith.constant 16 : index
    %swap3A_215 = tpu.vector_load %arg11[%swap3A_213, %swap3A_214] {strides = array<i32>} : memref<16x64xf32, #tpu.memory_space<vmem>>, vector<16xf32>,
    tpu.vector_store %arg11[%swap3A_213, %swap3A_214], %broadcast_in_dim3A_0 {strides = array<i32>} : memref<16x64xf32, #tpu.memory_space<vmem>>, vector<16xf32>,
    %swap3A_216 = arith.constant 13 : i32
    %swap3A_217 = arith.index_cast %swap3A_216 : i32 to index
    %swap3A_218 = arith.constant 32 : index
    %swap3A_219 = tpu.vector_load %arg11[%swap3A_217, %swap3A_218] {strides = array<i32>} : memref<16x64xf32, #tpu.memory_space<vmem>>, vector<16xf32>,
    tpu.vector_store %arg11[%swap3A_217, %swap3A_218], %broadcast_in_dim3A_0 {strides = array<i32>} : memref<16x64xf32, #tpu.memory_space<vmem>>, vector<16xf32>,
    %swap3A_220 = arith.constant 13 : i32
    %swap3A_221 = arith.index_cast %swap3A_220 : i32 to index
    %swap3A_222 = arith.constant 48 : index
    %swap3A_223 = tpu.vector_load %arg11[%swap3A_221, %swap3A_222] {strides = array<i32>} : memref<16x64xf32, #tpu.memory_space<vmem>>, vector<16xf32>,
    tpu.vector_store %arg11[%swap3A_221, %swap3A_222], %broadcast_in_dim3A_0 {strides = array<i32>} : memref<16x64xf32, #tpu.memory_space<vmem>>, vector<16xf32>,
    %swap3A_224 = arith.constant 14 : i32
    %swap3A_225 = arith.index_cast %swap3A_224 : i32 to index
    %swap3A_226 = arith.constant 0 : index
    %swap3A_227 = tpu.vector_load %arg11[%swap3A_225, %swap3A_226] {strides = array<i32>} : memref<16x64xf32, #tpu.memory_space<vmem>>, vector<16xf32>,
    tpu.vector_store %arg11[%swap3A_225, %swap3A_226], %broadcast_in_dim3A_0 {strides = array<i32>} : memref<16x64xf32, #tpu.memory_space<vmem>>, vector<16xf32>,
    %swap3A_228 = arith.constant 14 : i32
    %swap3A_229 = arith.index_cast %swap3A_228 : i32 to index
    %swap3A_230 = arith.constant 16 : index
    %swap3A_231 = tpu.vector_load %arg11[%swap3A_229, %swap3A_230] {strides = array<i32>} : memref<16x64xf32, #tpu.memory_space<vmem>>, vector<16xf32>,
    tpu.vector_store %arg11[%swap3A_229, %swap3A_230], %broadcast_in_dim3A_0 {strides = array<i32>} : memref<16x64xf32, #tpu.memory_space<vmem>>, vector<16xf32>,
    %swap3A_232 = arith.constant 14 : i32
    %swap3A_233 = arith.index_cast %swap3A_232 : i32 to index
    %swap3A_234 = arith.constant 32 : index
    %swap3A_235 = tpu.vector_load %arg11[%swap3A_233, %swap3A_234] {strides = array<i32>} : memref<16x64xf32, #tpu.memory_space<vmem>>, vector<16xf32>,
    tpu.vector_store %arg11[%swap3A_233, %swap3A_234], %broadcast_in_dim3A_0 {strides = array<i32>} : memref<16x64xf32, #tpu.memory_space<vmem>>, vector<16xf32>,
    %swap3A_236 = arith.constant 14 : i32
    %swap3A_237 = arith.index_cast %swap3A_236 : i32 to index
    %swap3A_238 = arith.constant 48 : index
    %swap3A_239 = tpu.vector_load %arg11[%swap3A_237, %swap3A_238] {strides = array<i32>} : memref<16x64xf32, #tpu.memory_space<vmem>>, vector<16xf32>,
    tpu.vector_store %arg11[%swap3A_237, %swap3A_238], %broadcast_in_dim3A_0 {strides = array<i32>} : memref<16x64xf32, #tpu.memory_space<vmem>>, vector<16xf32>,
    %swap3A_240 = arith.constant 15 : i32
    %swap3A_241 = arith.index_cast %swap3A_240 : i32 to index
    %swap3A_242 = arith.constant 0 : index
    %swap3A_243 = tpu.vector_load %arg11[%swap3A_241, %swap3A_242] {strides = array<i32>} : memref<16x64xf32, #tpu.memory_space<vmem>>, vector<16xf32>,
    tpu.vector_store %arg11[%swap3A_241, %swap3A_242], %broadcast_in_dim3A_0 {strides = array<i32>} : memref<16x64xf32, #tpu.memory_space<vmem>>, vector<16xf32>,
    %swap3A_244 = arith.constant 15 : i32
    %swap3A_245 = arith.index_cast %swap3A_244 : i32 to index
    %swap3A_246 = arith.constant 16 : index
    %swap3A_247 = tpu.vector_load %arg11[%swap3A_245, %swap3A_246] {strides = array<i32>} : memref<16x64xf32, #tpu.memory_space<vmem>>, vector<16xf32>,
    tpu.vector_store %arg11[%swap3A_245, %swap3A_246], %broadcast_in_dim3A_0 {strides = array<i32>} : memref<16x64xf32, #tpu.memory_space<vmem>>, vector<16xf32>,
    %swap3A_248 = arith.constant 15 : i32
    %swap3A_249 = arith.index_cast %swap3A_248 : i32 to index
    %swap3A_250 = arith.constant 32 : index
    %swap3A_251 = tpu.vector_load %arg11[%swap3A_249, %swap3A_250] {strides = array<i32>} : memref<16x64xf32, #tpu.memory_space<vmem>>, vector<16xf32>,
    tpu.vector_store %arg11[%swap3A_249, %swap3A_250], %broadcast_in_dim3A_0 {strides = array<i32>} : memref<16x64xf32, #tpu.memory_space<vmem>>, vector<16xf32>,
    %swap3A_252 = arith.constant 15 : i32
    %swap3A_253 = arith.index_cast %swap3A_252 : i32 to index
    %swap3A_254 = arith.constant 48 : index
    %swap3A_255 = tpu.vector_load %arg11[%swap3A_253, %swap3A_254] {strides = array<i32>} : memref<16x64xf32, #tpu.memory_space<vmem>>, vector<16xf32>,
    tpu.vector_store %arg11[%swap3A_253, %swap3A_254], %broadcast_in_dim3A_0 {strides = array<i32>} : memref<16x64xf32, #tpu.memory_space<vmem>>, vector<16xf32>,
    %scan3A = arith.constant 0 : i32
    %scan3A_256 = arith.constant 0 : i32
    %scan3A_257 = arith.constant 21 : i32
    %scan3A_258 = arith.addi %scan3A_256, %scan3A_257 : i32
    %scan3A_259 = arith.constant 1 : i32
    %scan3A_260 = scf.for %scan3A_280 = %scan3A_256 to %scan3A_258 step %scan3A_259 iter_args(%scan3A_281 = %scan3A) -> (i32)  : i32 {
      %mul3A_282 = arith.constant 21 : i32
      %mul3A_283 = arith.muli %arg1, %mul3A_282 : i32
      %add3A_284 = arith.addi %mul3A_283, %scan3A_280 : i32
      %mul3A_285 = arith.constant 16 : i32
      %mul3A_286 = arith.muli %add3A_284, %mul3A_285 : i32
      "tpu.region"() ({
        %run_scoped3A = tpu.sem_alloc : memref<!tpu.dma_semaphore, #tpu.memory_space<semaphore_mem>>
        %dma_start3A = arith.constant 0 : i32
        %dma_start3A_288 = tpu.memref_slice %arg10[%mul3A_286, %dma_start3A] : memref<5376x64xf32, #tpu.memory_space<vmem_shared>> -> memref<16x64xf32, #tpu.memory_space<vmem_shared>>
        %dma_start3A_289 = arith.constant 0 : i32
        %dma_start3A_290 = tpu.memref_slice %arg10[%mul3A_286, %dma_start3A_289] : memref<5376x64xf32, #tpu.memory_space<vmem_shared>> -> memref<16x64xf32, #tpu.memory_space<vmem_shared>>
        tpu.enqueue_dma source(%arg11 : memref<16x64xf32, #tpu.memory_space<vmem>>) target(%dma_start3A_290 : memref<16x64xf32, #tpu.memory_space<vmem_shared>>) target_semaphore(%run_scoped3A : memref<!tpu.dma_semaphore, #tpu.memory_space<semaphore_mem>>)
        %dma_wait3A = arith.constant 0 : i32
        %dma_wait3A_291 = tpu.memref_slice %arg10[%mul3A_286, %dma_wait3A] : memref<5376x64xf32, #tpu.memory_space<vmem_shared>> -> memref<16x64xf32, #tpu.memory_space<vmem_shared>>
        %dma_wait3A_292 = arith.constant 0 : i32
        %dma_wait3A_293 = tpu.memref_slice %arg10[%mul3A_286, %dma_wait3A_292] : memref<5376x64xf32, #tpu.memory_space<vmem_shared>> -> memref<16x64xf32, #tpu.memory_space<vmem_shared>>
        tpu.wait_dma2 semaphore(%run_scoped3A : memref<!tpu.dma_semaphore, #tpu.memory_space<semaphore_mem>>) src(%arg11 : memref<16x64xf32, #tpu.memory_space<vmem>>) dst(%dma_wait3A_293 : memref<16x64xf32, #tpu.memory_space<vmem_shared>>)
        tpu.yield
      }) : () -> ()
      %scan3A_287 = arith.constant 0 : i32
      scf.yield %scan3A_287 : i32
    }
    %scan3A_261 = arith.constant 21 : i32
    %barrier3A = arith.constant 0 : index
    tpu.barrier barrier_id(%barrier3A)
    %scan3A_262 = arith.constant 0 : i32
    %scan3A_263 = arith.constant 0 : i32
    %scan3A_264 = arith.constant 10 : i32
    %scan3A_265 = arith.addi %scan3A_263, %scan3A_264 : i32
    %scan3A_266 = arith.constant 1 : i32
    %scan3A_267 = scf.for %scan3A_280 = %scan3A_263 to %scan3A_265 step %scan3A_266 iter_args(%scan3A_281 = %scan3A_262) -> (i32)  : i32 {
      %lt3A = arith.constant 5 : i32
      %lt3A_282 = arith.cmpi slt, %scan3A_280, %lt3A : i32
      %add3A_283 = arith.constant 16 : i32
      %add3A_284 = arith.addi %arg1, %add3A_283 : i32
      %select_n3A = arith.select %lt3A_282, %arg1, %add3A_284 : i32
      %mul3A_285 = arith.constant 5 : i32
      %mul3A_286 = arith.muli %select_n3A, %mul3A_285 : i32
      %lt3A_287 = arith.constant 5 : i32
      %lt3A_288 = arith.cmpi slt, %scan3A_280, %lt3A_287 : i32
      %sub3A = arith.constant 5 : i32
      %sub3A_289 = arith.subi %scan3A_280, %sub3A : i32
      %select_n3A_290 = arith.select %lt3A_288, %scan3A_280, %sub3A_289 : i32
      %add3A_291 = arith.addi %mul3A_286, %select_n3A_290 : i32
      %mul3A_292 = arith.constant 160 : i32
      %mul3A_293 = arith.muli %arg0, %mul3A_292 : i32
      %add3A_294 = arith.addi %mul3A_293, %add3A_291 : i32
      "tpu.region"() ({
        %run_scoped3A = tpu.sem_alloc : memref<!tpu.dma_semaphore, #tpu.memory_space<semaphore_mem>>
        %dma_start3A_416 = arith.constant 0 : i32
        %dma_start3A_417 = arith.constant 0 : i32
        %dma_start3A_418 = tpu.memref_slice %arg3[%add3A_294, %dma_start3A_416, %dma_start3A_417] : memref<320x16x128xi32, #tpu.memory_space<hbm>> -> memref<1x16x128xi32, #tpu.memory_space<hbm>>
        %dma_start3A_419 = tpu.memref_squeeze %dma_start3A_418 : memref<1x16x128xi32, #tpu.memory_space<hbm>> -> memref<16x128xi32, #tpu.memory_space<hbm>>
        %dma_start3A_420 = arith.constant 0 : i32
        %dma_start3A_421 = arith.constant 0 : i32
        %dma_start3A_422 = tpu.memref_slice %arg3[%add3A_294, %dma_start3A_420, %dma_start3A_421] : memref<320x16x128xi32, #tpu.memory_space<hbm>> -> memref<1x16x128xi32, #tpu.memory_space<hbm>>
        %dma_start3A_423 = tpu.memref_squeeze %dma_start3A_422 : memref<1x16x128xi32, #tpu.memory_space<hbm>> -> memref<16x128xi32, #tpu.memory_space<hbm>>
        tpu.enqueue_dma source(%dma_start3A_423 : memref<16x128xi32, #tpu.memory_space<hbm>>) target(%arg6 : memref<16x128xi32, #tpu.memory_space<vmem>>) target_semaphore(%run_scoped3A : memref<!tpu.dma_semaphore, #tpu.memory_space<semaphore_mem>>)
        %dma_wait3A_424 = arith.constant 0 : i32
        %dma_wait3A_425 = arith.constant 0 : i32
        %dma_wait3A_426 = tpu.memref_slice %arg3[%add3A_294, %dma_wait3A_424, %dma_wait3A_425] : memref<320x16x128xi32, #tpu.memory_space<hbm>> -> memref<1x16x128xi32, #tpu.memory_space<hbm>>
        %dma_wait3A_427 = tpu.memref_squeeze %dma_wait3A_426 : memref<1x16x128xi32, #tpu.memory_space<hbm>> -> memref<16x128xi32, #tpu.memory_space<hbm>>
        %dma_wait3A_428 = arith.constant 0 : i32
        %dma_wait3A_429 = arith.constant 0 : i32
        %dma_wait3A_430 = tpu.memref_slice %arg3[%add3A_294, %dma_wait3A_428, %dma_wait3A_429] : memref<320x16x128xi32, #tpu.memory_space<hbm>> -> memref<1x16x128xi32, #tpu.memory_space<hbm>>
        %dma_wait3A_431 = tpu.memref_squeeze %dma_wait3A_430 : memref<1x16x128xi32, #tpu.memory_space<hbm>> -> memref<16x128xi32, #tpu.memory_space<hbm>>
        tpu.wait_dma2 semaphore(%run_scoped3A : memref<!tpu.dma_semaphore, #tpu.memory_space<semaphore_mem>>) src(%dma_wait3A_431 : memref<16x128xi32, #tpu.memory_space<hbm>>) dst(%arg6 : memref<16x128xi32, #tpu.memory_space<vmem>>)
        tpu.yield
      }) : () -> ()
      %mul3A_295 = arith.constant 160 : i32
      %mul3A_296 = arith.muli %arg0, %mul3A_295 : i32
      %add3A_297 = arith.addi %mul3A_296, %add3A_291 : i32
      "tpu.region"() ({
        %run_scoped3A = tpu.sem_alloc : memref<!tpu.dma_semaphore, #tpu.memory_space<semaphore_mem>>
        %dma_start3A_416 = arith.constant 0 : i32
        %dma_start3A_417 = arith.constant 0 : i32
        %dma_start3A_418 = tpu.memref_slice %arg4[%add3A_297, %dma_start3A_416, %dma_start3A_417] : memref<320x16x128xi32, #tpu.memory_space<hbm>> -> memref<1x16x128xi32, #tpu.memory_space<hbm>>
        %dma_start3A_419 = tpu.memref_squeeze %dma_start3A_418 : memref<1x16x128xi32, #tpu.memory_space<hbm>> -> memref<16x128xi32, #tpu.memory_space<hbm>>
        %dma_start3A_420 = arith.constant 0 : i32
        %dma_start3A_421 = arith.constant 0 : i32
        %dma_start3A_422 = tpu.memref_slice %arg4[%add3A_297, %dma_start3A_420, %dma_start3A_421] : memref<320x16x128xi32, #tpu.memory_space<hbm>> -> memref<1x16x128xi32, #tpu.memory_space<hbm>>
        %dma_start3A_423 = tpu.memref_squeeze %dma_start3A_422 : memref<1x16x128xi32, #tpu.memory_space<hbm>> -> memref<16x128xi32, #tpu.memory_space<hbm>>
        tpu.enqueue_dma source(%dma_start3A_423 : memref<16x128xi32, #tpu.memory_space<hbm>>) target(%arg7 : memref<16x128xi32, #tpu.memory_space<vmem>>) target_semaphore(%run_scoped3A : memref<!tpu.dma_semaphore, #tpu.memory_space<semaphore_mem>>)
        %dma_wait3A_424 = arith.constant 0 : i32
        %dma_wait3A_425 = arith.constant 0 : i32
        %dma_wait3A_426 = tpu.memref_slice %arg4[%add3A_297, %dma_wait3A_424, %dma_wait3A_425] : memref<320x16x128xi32, #tpu.memory_space<hbm>> -> memref<1x16x128xi32, #tpu.memory_space<hbm>>
        %dma_wait3A_427 = tpu.memref_squeeze %dma_wait3A_426 : memref<1x16x128xi32, #tpu.memory_space<hbm>> -> memref<16x128xi32, #tpu.memory_space<hbm>>
        %dma_wait3A_428 = arith.constant 0 : i32
        %dma_wait3A_429 = arith.constant 0 : i32
        %dma_wait3A_430 = tpu.memref_slice %arg4[%add3A_297, %dma_wait3A_428, %dma_wait3A_429] : memref<320x16x128xi32, #tpu.memory_space<hbm>> -> memref<1x16x128xi32, #tpu.memory_space<hbm>>
        %dma_wait3A_431 = tpu.memref_squeeze %dma_wait3A_430 : memref<1x16x128xi32, #tpu.memory_space<hbm>> -> memref<16x128xi32, #tpu.memory_space<hbm>>
        tpu.wait_dma2 semaphore(%run_scoped3A : memref<!tpu.dma_semaphore, #tpu.memory_space<semaphore_mem>>) src(%dma_wait3A_431 : memref<16x128xi32, #tpu.memory_space<hbm>>) dst(%arg7 : memref<16x128xi32, #tpu.memory_space<vmem>>)
        tpu.yield
      }) : () -> ()
      %dma_start3A = arith.constant 0 : i32
      %dma_start3A_298 = arith.constant 0 : i32
      %dma_start3A_299 = tpu.memref_slice %arg6[%dma_start3A, %dma_start3A_298] : memref<16x128xi32, #tpu.memory_space<vmem>> -> memref<1x128xi32, #tpu.memory_space<vmem>>
      %dma_start3A_300 = tpu.memref_squeeze %dma_start3A_299 : memref<1x128xi32, #tpu.memory_space<vmem>> -> memref<128xi32, #tpu.memory_space<vmem>>
      %dma_start3A_301 = arith.constant 0 : i32
      %dma_start3A_302 = arith.constant 0 : i32
      %dma_start3A_303 = tpu.memref_slice %arg2[%dma_start3A_301, %dma_start3A_302] : memref<20480x64xf32, #tpu.memory_space<hbm>> -> memref<20480x64xf32, #tpu.memory_space<hbm>>
      tpu.enqueue_indirect_dma source(%dma_start3A_303 : memref<20480x64xf32, #tpu.memory_space<hbm>>) target(%arg8 : memref<128x64xf32, #tpu.memory_space<vmem>>) offsets(%dma_start3A_300 : memref<128xi32, #tpu.memory_space<vmem>>) semaphore(%arg12 : memref<!tpu.dma_semaphore, #tpu.memory_space<semaphore_mem>>)
      %dma_start3A_304 = arith.constant 1 : i32
      %dma_start3A_305 = arith.constant 0 : i32
      %dma_start3A_306 = tpu.memref_slice %arg6[%dma_start3A_304, %dma_start3A_305] : memref<16x128xi32, #tpu.memory_space<vmem>> -> memref<1x128xi32, #tpu.memory_space<vmem>>
      %dma_start3A_307 = tpu.memref_squeeze %dma_start3A_306 : memref<1x128xi32, #tpu.memory_space<vmem>> -> memref<128xi32, #tpu.memory_space<vmem>>
      %dma_start3A_308 = arith.constant 0 : i32
      %dma_start3A_309 = arith.constant 0 : i32
      %dma_start3A_310 = tpu.memref_slice %arg2[%dma_start3A_308, %dma_start3A_309] : memref<20480x64xf32, #tpu.memory_space<hbm>> -> memref<20480x64xf32, #tpu.memory_space<hbm>>
      tpu.enqueue_indirect_dma source(%dma_start3A_310 : memref<20480x64xf32, #tpu.memory_space<hbm>>) target(%arg9 : memref<128x64xf32, #tpu.memory_space<vmem>>) offsets(%dma_start3A_307 : memref<128xi32, #tpu.memory_space<vmem>>) semaphore(%arg13 : memref<!tpu.dma_semaphore, #tpu.memory_space<semaphore_mem>>)
      %dma_wait3A = arith.constant 0 : i32
      %dma_wait3A_311 = arith.constant 0 : i32
      %dma_wait3A_312 = tpu.memref_slice %arg6[%dma_wait3A, %dma_wait3A_311] : memref<16x128xi32, #tpu.memory_space<vmem>> -> memref<1x128xi32, #tpu.memory_space<vmem>>
      %dma_wait3A_313 = tpu.memref_squeeze %dma_wait3A_312 : memref<1x128xi32, #tpu.memory_space<vmem>> -> memref<128xi32, #tpu.memory_space<vmem>>
      %dma_wait3A_314 = arith.constant 0 : i32
      %dma_wait3A_315 = arith.constant 0 : i32
      %dma_wait3A_316 = tpu.memref_slice %arg2[%dma_wait3A_314, %dma_wait3A_315] : memref<20480x64xf32, #tpu.memory_space<hbm>> -> memref<20480x64xf32, #tpu.memory_space<hbm>>
      tpu.wait_indirect_dma semaphore(%arg12 : memref<!tpu.dma_semaphore, #tpu.memory_space<semaphore_mem>>) src(%dma_wait3A_316 : memref<20480x64xf32, #tpu.memory_space<hbm>>) dst(%arg8 : memref<128x64xf32, #tpu.memory_space<vmem>>)
      %dma_start3A_317 = arith.constant 0 : i32
      %dma_start3A_318 = arith.constant 0 : i32
      %dma_start3A_319 = tpu.memref_slice %arg7[%dma_start3A_317, %dma_start3A_318] : memref<16x128xi32, #tpu.memory_space<vmem>> -> memref<1x128xi32, #tpu.memory_space<vmem>>
      %dma_start3A_320 = tpu.memref_squeeze %dma_start3A_319 : memref<1x128xi32, #tpu.memory_space<vmem>> -> memref<128xi32, #tpu.memory_space<vmem>>
      %dma_start3A_321 = arith.constant 0 : i32
      %dma_start3A_322 = arith.constant 0 : i32
      %dma_start3A_323 = tpu.memref_slice %arg10[%dma_start3A_321, %dma_start3A_322] : memref<5376x64xf32, #tpu.memory_space<vmem_shared>> -> memref<5376x64xf32, #tpu.memory_space<vmem_shared>>
      tpu.enqueue_indirect_dma source(%arg8 : memref<128x64xf32, #tpu.memory_space<vmem>>) target(%dma_start3A_323 : memref<5376x64xf32, #tpu.memory_space<vmem_shared>>) offsets(%dma_start3A_320 : memref<128xi32, #tpu.memory_space<vmem>>) semaphore(%arg14 : memref<!tpu.dma_semaphore, #tpu.memory_space<semaphore_mem>>) {add = true}
      %dma_wait3A_324 = arith.constant 0 : i32
      %dma_wait3A_325 = arith.constant 0 : i32
      %dma_wait3A_326 = tpu.memref_slice %arg7[%dma_wait3A_324, %dma_wait3A_325] : memref<16x128xi32, #tpu.memory_space<vmem>> -> memref<1x128xi32, #tpu.memory_space<vmem>>
      %dma_wait3A_327 = tpu.memref_squeeze %dma_wait3A_326 : memref<1x128xi32, #tpu.memory_space<vmem>> -> memref<128xi32, #tpu.memory_space<vmem>>
      %dma_wait3A_328 = arith.constant 0 : i32
      %dma_wait3A_329 = arith.constant 0 : i32
      %dma_wait3A_330 = tpu.memref_slice %arg10[%dma_wait3A_328, %dma_wait3A_329] : memref<5376x64xf32, #tpu.memory_space<vmem_shared>> -> memref<5376x64xf32, #tpu.memory_space<vmem_shared>>
      tpu.wait_indirect_dma semaphore(%arg14 : memref<!tpu.dma_semaphore, #tpu.memory_space<semaphore_mem>>) src(%arg8 : memref<128x64xf32, #tpu.memory_space<vmem>>) dst(%dma_wait3A_330 : memref<5376x64xf32, #tpu.memory_space<vmem_shared>>)
      %dma_start3A_331 = arith.constant 2 : i32
      %dma_start3A_332 = arith.constant 0 : i32
      %dma_start3A_333 = tpu.memref_slice %arg6[%dma_start3A_331, %dma_start3A_332] : memref<16x128xi32, #tpu.memory_space<vmem>> -> memref<1x128xi32, #tpu.memory_space<vmem>>
      %dma_start3A_334 = tpu.memref_squeeze %dma_start3A_333 : memref<1x128xi32, #tpu.memory_space<vmem>> -> memref<128xi32, #tpu.memory_space<vmem>>
      %dma_start3A_335 = arith.constant 0 : i32
      %dma_start3A_336 = arith.constant 0 : i32
      %dma_start3A_337 = tpu.memref_slice %arg2[%dma_start3A_335, %dma_start3A_336] : memref<20480x64xf32, #tpu.memory_space<hbm>> -> memref<20480x64xf32, #tpu.memory_space<hbm>>
      tpu.enqueue_indirect_dma source(%dma_start3A_337 : memref<20480x64xf32, #tpu.memory_space<hbm>>) target(%arg8 : memref<128x64xf32, #tpu.memory_space<vmem>>) offsets(%dma_start3A_334 : memref<128xi32, #tpu.memory_space<vmem>>) semaphore(%arg12 : memref<!tpu.dma_semaphore, #tpu.memory_space<semaphore_mem>>)
      %dma_wait3A_338 = arith.constant 0 : i32
      %dma_wait3A_339 = arith.constant 0 : i32
      %dma_wait3A_340 = tpu.memref_slice %arg6[%dma_wait3A_338, %dma_wait3A_339] : memref<16x128xi32, #tpu.memory_space<vmem>> -> memref<1x128xi32, #tpu.memory_space<vmem>>
      %dma_wait3A_341 = tpu.memref_squeeze %dma_wait3A_340 : memref<1x128xi32, #tpu.memory_space<vmem>> -> memref<128xi32, #tpu.memory_space<vmem>>
      %dma_wait3A_342 = arith.constant 0 : i32
      %dma_wait3A_343 = arith.constant 0 : i32
      %dma_wait3A_344 = tpu.memref_slice %arg2[%dma_wait3A_342, %dma_wait3A_343] : memref<20480x64xf32, #tpu.memory_space<hbm>> -> memref<20480x64xf32, #tpu.memory_space<hbm>>
      tpu.wait_indirect_dma semaphore(%arg13 : memref<!tpu.dma_semaphore, #tpu.memory_space<semaphore_mem>>) src(%dma_wait3A_344 : memref<20480x64xf32, #tpu.memory_space<hbm>>) dst(%arg9 : memref<128x64xf32, #tpu.memory_space<vmem>>)
      %dma_start3A_345 = arith.constant 1 : i32
      %dma_start3A_346 = arith.constant 0 : i32
      %dma_start3A_347 = tpu.memref_slice %arg7[%dma_start3A_345, %dma_start3A_346] : memref<16x128xi32, #tpu.memory_space<vmem>> -> memref<1x128xi32, #tpu.memory_space<vmem>>
      %dma_start3A_348 = tpu.memref_squeeze %dma_start3A_347 : memref<1x128xi32, #tpu.memory_space<vmem>> -> memref<128xi32, #tpu.memory_space<vmem>>
      %dma_start3A_349 = arith.constant 0 : i32
      %dma_start3A_350 = arith.constant 0 : i32
      %dma_start3A_351 = tpu.memref_slice %arg10[%dma_start3A_349, %dma_start3A_350] : memref<5376x64xf32, #tpu.memory_space<vmem_shared>> -> memref<5376x64xf32, #tpu.memory_space<vmem_shared>>
      tpu.enqueue_indirect_dma source(%arg9 : memref<128x64xf32, #tpu.memory_space<vmem>>) target(%dma_start3A_351 : memref<5376x64xf32, #tpu.memory_space<vmem_shared>>) offsets(%dma_start3A_348 : memref<128xi32, #tpu.memory_space<vmem>>) semaphore(%arg15 : memref<!tpu.dma_semaphore, #tpu.memory_space<semaphore_mem>>) {add = true}
      %scan3A_352 = arith.constant 0 : i32
      %scan3A_353 = arith.constant 1 : i32
      %scan3A_354 = arith.constant 6 : i32
      %scan3A_355 = arith.addi %scan3A_353, %scan3A_354 : i32
      %scan3A_356 = arith.constant 1 : i32
      %scan3A_357 = scf.for %scan3A_416 = %scan3A_353 to %scan3A_355 step %scan3A_356 iter_args(%scan3A_417 = %scan3A_352) -> (i32)  : i32 {
        %mul3A_418 = arith.constant 2 : i32
        %mul3A_419 = arith.muli %mul3A_418, %scan3A_416 : i32
        %dma_wait3A_420 = arith.constant 0 : i32
        %dma_wait3A_421 = arith.constant 0 : i32
        %dma_wait3A_422 = tpu.memref_slice %arg7[%dma_wait3A_420, %dma_wait3A_421] : memref<16x128xi32, #tpu.memory_space<vmem>> -> memref<1x128xi32, #tpu.memory_space<vmem>>
        %dma_wait3A_423 = tpu.memref_squeeze %dma_wait3A_422 : memref<1x128xi32, #tpu.memory_space<vmem>> -> memref<128xi32, #tpu.memory_space<vmem>>
        %dma_wait3A_424 = arith.constant 0 : i32
        %dma_wait3A_425 = arith.constant 0 : i32
        %dma_wait3A_426 = tpu.memref_slice %arg10[%dma_wait3A_424, %dma_wait3A_425] : memref<5376x64xf32, #tpu.memory_space<vmem_shared>> -> memref<5376x64xf32, #tpu.memory_space<vmem_shared>>
        tpu.wait_indirect_dma semaphore(%arg15 : memref<!tpu.dma_semaphore, #tpu.memory_space<semaphore_mem>>) src(%arg9 : memref<128x64xf32, #tpu.memory_space<vmem>>) dst(%dma_wait3A_426 : memref<5376x64xf32, #tpu.memory_space<vmem_shared>>)
        %add3A_427 = arith.constant 1 : i32
        %add3A_428 = arith.addi %mul3A_419, %add3A_427 : i32
        %dma_start3A_429 = arith.constant 0 : i32
        %dma_start3A_430 = tpu.memref_slice %arg6[%add3A_428, %dma_start3A_429] : memref<16x128xi32, #tpu.memory_space<vmem>> -> memref<1x128xi32, #tpu.memory_space<vmem>>
        %dma_start3A_431 = tpu.memref_squeeze %dma_start3A_430 : memref<1x128xi32, #tpu.memory_space<vmem>> -> memref<128xi32, #tpu.memory_space<vmem>>
        %dma_start3A_432 = arith.constant 0 : i32
        %dma_start3A_433 = arith.constant 0 : i32
        %dma_start3A_434 = tpu.memref_slice %arg2[%dma_start3A_432, %dma_start3A_433] : memref<20480x64xf32, #tpu.memory_space<hbm>> -> memref<20480x64xf32, #tpu.memory_space<hbm>>
        tpu.enqueue_indirect_dma source(%dma_start3A_434 : memref<20480x64xf32, #tpu.memory_space<hbm>>) target(%arg9 : memref<128x64xf32, #tpu.memory_space<vmem>>) offsets(%dma_start3A_431 : memref<128xi32, #tpu.memory_space<vmem>>) semaphore(%arg13 : memref<!tpu.dma_semaphore, #tpu.memory_space<semaphore_mem>>)
        %dma_wait3A_435 = arith.constant 0 : i32
        %dma_wait3A_436 = arith.constant 0 : i32
        %dma_wait3A_437 = tpu.memref_slice %arg6[%dma_wait3A_435, %dma_wait3A_436] : memref<16x128xi32, #tpu.memory_space<vmem>> -> memref<1x128xi32, #tpu.memory_space<vmem>>
        %dma_wait3A_438 = tpu.memref_squeeze %dma_wait3A_437 : memref<1x128xi32, #tpu.memory_space<vmem>> -> memref<128xi32, #tpu.memory_space<vmem>>
        %dma_wait3A_439 = arith.constant 0 : i32
        %dma_wait3A_440 = arith.constant 0 : i32
        %dma_wait3A_441 = tpu.memref_slice %arg2[%dma_wait3A_439, %dma_wait3A_440] : memref<20480x64xf32, #tpu.memory_space<hbm>> -> memref<20480x64xf32, #tpu.memory_space<hbm>>
        tpu.wait_indirect_dma semaphore(%arg12 : memref<!tpu.dma_semaphore, #tpu.memory_space<semaphore_mem>>) src(%dma_wait3A_441 : memref<20480x64xf32, #tpu.memory_space<hbm>>) dst(%arg8 : memref<128x64xf32, #tpu.memory_space<vmem>>)
        %dma_start3A_442 = arith.constant 0 : i32
        %dma_start3A_443 = tpu.memref_slice %arg7[%mul3A_419, %dma_start3A_442] : memref<16x128xi32, #tpu.memory_space<vmem>> -> memref<1x128xi32, #tpu.memory_space<vmem>>
        %dma_start3A_444 = tpu.memref_squeeze %dma_start3A_443 : memref<1x128xi32, #tpu.memory_space<vmem>> -> memref<128xi32, #tpu.memory_space<vmem>>
        %dma_start3A_445 = arith.constant 0 : i32
        %dma_start3A_446 = arith.constant 0 : i32
        %dma_start3A_447 = tpu.memref_slice %arg10[%dma_start3A_445, %dma_start3A_446] : memref<5376x64xf32, #tpu.memory_space<vmem_shared>> -> memref<5376x64xf32, #tpu.memory_space<vmem_shared>>
        tpu.enqueue_indirect_dma source(%arg8 : memref<128x64xf32, #tpu.memory_space<vmem>>) target(%dma_start3A_447 : memref<5376x64xf32, #tpu.memory_space<vmem_shared>>) offsets(%dma_start3A_444 : memref<128xi32, #tpu.memory_space<vmem>>) semaphore(%arg14 : memref<!tpu.dma_semaphore, #tpu.memory_space<semaphore_mem>>) {add = true}
        %dma_wait3A_448 = arith.constant 0 : i32
        %dma_wait3A_449 = arith.constant 0 : i32
        %dma_wait3A_450 = tpu.memref_slice %arg7[%dma_wait3A_448, %dma_wait3A_449] : memref<16x128xi32, #tpu.memory_space<vmem>> -> memref<1x128xi32, #tpu.memory_space<vmem>>
        %dma_wait3A_451 = tpu.memref_squeeze %dma_wait3A_450 : memref<1x128xi32, #tpu.memory_space<vmem>> -> memref<128xi32, #tpu.memory_space<vmem>>
        %dma_wait3A_452 = arith.constant 0 : i32
        %dma_wait3A_453 = arith.constant 0 : i32
        %dma_wait3A_454 = tpu.memref_slice %arg10[%dma_wait3A_452, %dma_wait3A_453] : memref<5376x64xf32, #tpu.memory_space<vmem_shared>> -> memref<5376x64xf32, #tpu.memory_space<vmem_shared>>
        tpu.wait_indirect_dma semaphore(%arg14 : memref<!tpu.dma_semaphore, #tpu.memory_space<semaphore_mem>>) src(%arg8 : memref<128x64xf32, #tpu.memory_space<vmem>>) dst(%dma_wait3A_454 : memref<5376x64xf32, #tpu.memory_space<vmem_shared>>)
        %add3A_455 = arith.constant 2 : i32
        %add3A_456 = arith.addi %mul3A_419, %add3A_455 : i32
        %dma_start3A_457 = arith.constant 0 : i32
        %dma_start3A_458 = tpu.memref_slice %arg6[%add3A_456, %dma_start3A_457] : memref<16x128xi32, #tpu.memory_space<vmem>> -> memref<1x128xi32, #tpu.memory_space<vmem>>
        %dma_start3A_459 = tpu.memref_squeeze %dma_start3A_458 : memref<1x128xi32, #tpu.memory_space<vmem>> -> memref<128xi32, #tpu.memory_space<vmem>>
        %dma_start3A_460 = arith.constant 0 : i32
        %dma_start3A_461 = arith.constant 0 : i32
        %dma_start3A_462 = tpu.memref_slice %arg2[%dma_start3A_460, %dma_start3A_461] : memref<20480x64xf32, #tpu.memory_space<hbm>> -> memref<20480x64xf32, #tpu.memory_space<hbm>>
        tpu.enqueue_indirect_dma source(%dma_start3A_462 : memref<20480x64xf32, #tpu.memory_space<hbm>>) target(%arg8 : memref<128x64xf32, #tpu.memory_space<vmem>>) offsets(%dma_start3A_459 : memref<128xi32, #tpu.memory_space<vmem>>) semaphore(%arg12 : memref<!tpu.dma_semaphore, #tpu.memory_space<semaphore_mem>>)
        %dma_wait3A_463 = arith.constant 0 : i32
        %dma_wait3A_464 = arith.constant 0 : i32
        %dma_wait3A_465 = tpu.memref_slice %arg6[%dma_wait3A_463, %dma_wait3A_464] : memref<16x128xi32, #tpu.memory_space<vmem>> -> memref<1x128xi32, #tpu.memory_space<vmem>>
        %dma_wait3A_466 = tpu.memref_squeeze %dma_wait3A_465 : memref<1x128xi32, #tpu.memory_space<vmem>> -> memref<128xi32, #tpu.memory_space<vmem>>
        %dma_wait3A_467 = arith.constant 0 : i32
        %dma_wait3A_468 = arith.constant 0 : i32
        %dma_wait3A_469 = tpu.memref_slice %arg2[%dma_wait3A_467, %dma_wait3A_468] : memref<20480x64xf32, #tpu.memory_space<hbm>> -> memref<20480x64xf32, #tpu.memory_space<hbm>>
        tpu.wait_indirect_dma semaphore(%arg13 : memref<!tpu.dma_semaphore, #tpu.memory_space<semaphore_mem>>) src(%dma_wait3A_469 : memref<20480x64xf32, #tpu.memory_space<hbm>>) dst(%arg9 : memref<128x64xf32, #tpu.memory_space<vmem>>)
        %add3A_470 = arith.constant 1 : i32
        %add3A_471 = arith.addi %mul3A_419, %add3A_470 : i32
        %dma_start3A_472 = arith.constant 0 : i32
        %dma_start3A_473 = tpu.memref_slice %arg7[%add3A_471, %dma_start3A_472] : memref<16x128xi32, #tpu.memory_space<vmem>> -> memref<1x128xi32, #tpu.memory_space<vmem>>
        %dma_start3A_474 = tpu.memref_squeeze %dma_start3A_473 : memref<1x128xi32, #tpu.memory_space<vmem>> -> memref<128xi32, #tpu.memory_space<vmem>>
        %dma_start3A_475 = arith.constant 0 : i32
        %dma_start3A_476 = arith.constant 0 : i32
        %dma_start3A_477 = tpu.memref_slice %arg10[%dma_start3A_475, %dma_start3A_476] : memref<5376x64xf32, #tpu.memory_space<vmem_shared>> -> memref<5376x64xf32, #tpu.memory_space<vmem_shared>>
        tpu.enqueue_indirect_dma source(%arg9 : memref<128x64xf32, #tpu.memory_space<vmem>>) target(%dma_start3A_477 : memref<5376x64xf32, #tpu.memory_space<vmem_shared>>) offsets(%dma_start3A_474 : memref<128xi32, #tpu.memory_space<vmem>>) semaphore(%arg15 : memref<!tpu.dma_semaphore, #tpu.memory_space<semaphore_mem>>) {add = true}
        %scan3A_478 = arith.constant 0 : i32
        scf.yield %scan3A_478 : i32
      }
      %scan3A_358 = arith.constant 6 : i32
      %dma_wait3A_359 = arith.constant 0 : i32
      %dma_wait3A_360 = arith.constant 0 : i32
      %dma_wait3A_361 = tpu.memref_slice %arg7[%dma_wait3A_359, %dma_wait3A_360] : memref<16x128xi32, #tpu.memory_space<vmem>> -> memref<1x128xi32, #tpu.memory_space<vmem>>
      %dma_wait3A_362 = tpu.memref_squeeze %dma_wait3A_361 : memref<1x128xi32, #tpu.memory_space<vmem>> -> memref<128xi32, #tpu.memory_space<vmem>>
      %dma_wait3A_363 = arith.constant 0 : i32
      %dma_wait3A_364 = arith.constant 0 : i32
      %dma_wait3A_365 = tpu.memref_slice %arg10[%dma_wait3A_363, %dma_wait3A_364] : memref<5376x64xf32, #tpu.memory_space<vmem_shared>> -> memref<5376x64xf32, #tpu.memory_space<vmem_shared>>
      tpu.wait_indirect_dma semaphore(%arg15 : memref<!tpu.dma_semaphore, #tpu.memory_space<semaphore_mem>>) src(%arg9 : memref<128x64xf32, #tpu.memory_space<vmem>>) dst(%dma_wait3A_365 : memref<5376x64xf32, #tpu.memory_space<vmem_shared>>)
      %dma_start3A_366 = arith.constant 15 : i32
      %dma_start3A_367 = arith.constant 0 : i32
      %dma_start3A_368 = tpu.memref_slice %arg6[%dma_start3A_366, %dma_start3A_367] : memref<16x128xi32, #tpu.memory_space<vmem>> -> memref<1x128xi32, #tpu.memory_space<vmem>>
      %dma_start3A_369 = tpu.memref_squeeze %dma_start3A_368 : memref<1x128xi32, #tpu.memory_space<vmem>> -> memref<128xi32, #tpu.memory_space<vmem>>
      %dma_start3A_370 = arith.constant 0 : i32
      %dma_start3A_371 = arith.constant 0 : i32
      %dma_start3A_372 = tpu.memref_slice %arg2[%dma_start3A_370, %dma_start3A_371] : memref<20480x64xf32, #tpu.memory_space<hbm>> -> memref<20480x64xf32, #tpu.memory_space<hbm>>
      tpu.enqueue_indirect_dma source(%dma_start3A_372 : memref<20480x64xf32, #tpu.memory_space<hbm>>) target(%arg9 : memref<128x64xf32, #tpu.memory_space<vmem>>) offsets(%dma_start3A_369 : memref<128xi32, #tpu.memory_space<vmem>>) semaphore(%arg13 : memref<!tpu.dma_semaphore, #tpu.memory_space<semaphore_mem>>)
      %dma_wait3A_373 = arith.constant 0 : i32
      %dma_wait3A_374 = arith.constant 0 : i32
      %dma_wait3A_375 = tpu.memref_slice %arg6[%dma_wait3A_373, %dma_wait3A_374] : memref<16x128xi32, #tpu.memory_space<vmem>> -> memref<1x128xi32, #tpu.memory_space<vmem>>
      %dma_wait3A_376 = tpu.memref_squeeze %dma_wait3A_375 : memref<1x128xi32, #tpu.memory_space<vmem>> -> memref<128xi32, #tpu.memory_space<vmem>>
      %dma_wait3A_377 = arith.constant 0 : i32
      %dma_wait3A_378 = arith.constant 0 : i32
      %dma_wait3A_379 = tpu.memref_slice %arg2[%dma_wait3A_377, %dma_wait3A_378] : memref<20480x64xf32, #tpu.memory_space<hbm>> -> memref<20480x64xf32, #tpu.memory_space<hbm>>
      tpu.wait_indirect_dma semaphore(%arg12 : memref<!tpu.dma_semaphore, #tpu.memory_space<semaphore_mem>>) src(%dma_wait3A_379 : memref<20480x64xf32, #tpu.memory_space<hbm>>) dst(%arg8 : memref<128x64xf32, #tpu.memory_space<vmem>>)
      %dma_start3A_380 = arith.constant 14 : i32
      %dma_start3A_381 = arith.constant 0 : i32
      %dma_start3A_382 = tpu.memref_slice %arg7[%dma_start3A_380, %dma_start3A_381] : memref<16x128xi32, #tpu.memory_space<vmem>> -> memref<1x128xi32, #tpu.memory_space<vmem>>
      %dma_start3A_383 = tpu.memref_squeeze %dma_start3A_382 : memref<1x128xi32, #tpu.memory_space<vmem>> -> memref<128xi32, #tpu.memory_space<vmem>>
      %dma_start3A_384 = arith.constant 0 : i32
      %dma_start3A_385 = arith.constant 0 : i32
      %dma_start3A_386 = tpu.memref_slice %arg10[%dma_start3A_384, %dma_start3A_385] : memref<5376x64xf32, #tpu.memory_space<vmem_shared>> -> memref<5376x64xf32, #tpu.memory_space<vmem_shared>>
      tpu.enqueue_indirect_dma source(%arg8 : memref<128x64xf32, #tpu.memory_space<vmem>>) target(%dma_start3A_386 : memref<5376x64xf32, #tpu.memory_space<vmem_shared>>) offsets(%dma_start3A_383 : memref<128xi32, #tpu.memory_space<vmem>>) semaphore(%arg14 : memref<!tpu.dma_semaphore, #tpu.memory_space<semaphore_mem>>) {add = true}
      %dma_wait3A_387 = arith.constant 0 : i32
      %dma_wait3A_388 = arith.constant 0 : i32
      %dma_wait3A_389 = tpu.memref_slice %arg6[%dma_wait3A_387, %dma_wait3A_388] : memref<16x128xi32, #tpu.memory_space<vmem>> -> memref<1x128xi32, #tpu.memory_space<vmem>>
      %dma_wait3A_390 = tpu.memref_squeeze %dma_wait3A_389 : memref<1x128xi32, #tpu.memory_space<vmem>> -> memref<128xi32, #tpu.memory_space<vmem>>
      %dma_wait3A_391 = arith.constant 0 : i32
      %dma_wait3A_392 = arith.constant 0 : i32
      %dma_wait3A_393 = tpu.memref_slice %arg2[%dma_wait3A_391, %dma_wait3A_392] : memref<20480x64xf32, #tpu.memory_space<hbm>> -> memref<20480x64xf32, #tpu.memory_space<hbm>>
      tpu.wait_indirect_dma semaphore(%arg13 : memref<!tpu.dma_semaphore, #tpu.memory_space<semaphore_mem>>) src(%dma_wait3A_393 : memref<20480x64xf32, #tpu.memory_space<hbm>>) dst(%arg9 : memref<128x64xf32, #tpu.memory_space<vmem>>)
      %dma_start3A_394 = arith.constant 15 : i32
      %dma_start3A_395 = arith.constant 0 : i32
      %dma_start3A_396 = tpu.memref_slice %arg7[%dma_start3A_394, %dma_start3A_395] : memref<16x128xi32, #tpu.memory_space<vmem>> -> memref<1x128xi32, #tpu.memory_space<vmem>>
      %dma_start3A_397 = tpu.memref_squeeze %dma_start3A_396 : memref<1x128xi32, #tpu.memory_space<vmem>> -> memref<128xi32, #tpu.memory_space<vmem>>
      %dma_start3A_398 = arith.constant 0 : i32
      %dma_start3A_399 = arith.constant 0 : i32
      %dma_start3A_400 = tpu.memref_slice %arg10[%dma_start3A_398, %dma_start3A_399] : memref<5376x64xf32, #tpu.memory_space<vmem_shared>> -> memref<5376x64xf32, #tpu.memory_space<vmem_shared>>
      tpu.enqueue_indirect_dma source(%arg9 : memref<128x64xf32, #tpu.memory_space<vmem>>) target(%dma_start3A_400 : memref<5376x64xf32, #tpu.memory_space<vmem_shared>>) offsets(%dma_start3A_397 : memref<128xi32, #tpu.memory_space<vmem>>) semaphore(%arg15 : memref<!tpu.dma_semaphore, #tpu.memory_space<semaphore_mem>>) {add = true}
      %dma_wait3A_401 = arith.constant 0 : i32
      %dma_wait3A_402 = arith.constant 0 : i32
      %dma_wait3A_403 = tpu.memref_slice %arg7[%dma_wait3A_401, %dma_wait3A_402] : memref<16x128xi32, #tpu.memory_space<vmem>> -> memref<1x128xi32, #tpu.memory_space<vmem>>
      %dma_wait3A_404 = tpu.memref_squeeze %dma_wait3A_403 : memref<1x128xi32, #tpu.memory_space<vmem>> -> memref<128xi32, #tpu.memory_space<vmem>>
      %dma_wait3A_405 = arith.constant 0 : i32
      %dma_wait3A_406 = arith.constant 0 : i32
      %dma_wait3A_407 = tpu.memref_slice %arg10[%dma_wait3A_405, %dma_wait3A_406] : memref<5376x64xf32, #tpu.memory_space<vmem_shared>> -> memref<5376x64xf32, #tpu.memory_space<vmem_shared>>
      tpu.wait_indirect_dma semaphore(%arg14 : memref<!tpu.dma_semaphore, #tpu.memory_space<semaphore_mem>>) src(%arg8 : memref<128x64xf32, #tpu.memory_space<vmem>>) dst(%dma_wait3A_407 : memref<5376x64xf32, #tpu.memory_space<vmem_shared>>)
      %dma_wait3A_408 = arith.constant 0 : i32
      %dma_wait3A_409 = arith.constant 0 : i32
      %dma_wait3A_410 = tpu.memref_slice %arg7[%dma_wait3A_408, %dma_wait3A_409] : memref<16x128xi32, #tpu.memory_space<vmem>> -> memref<1x128xi32, #tpu.memory_space<vmem>>
      %dma_wait3A_411 = tpu.memref_squeeze %dma_wait3A_410 : memref<1x128xi32, #tpu.memory_space<vmem>> -> memref<128xi32, #tpu.memory_space<vmem>>
      %dma_wait3A_412 = arith.constant 0 : i32
      %dma_wait3A_413 = arith.constant 0 : i32
      %dma_wait3A_414 = tpu.memref_slice %arg10[%dma_wait3A_412, %dma_wait3A_413] : memref<5376x64xf32, #tpu.memory_space<vmem_shared>> -> memref<5376x64xf32, #tpu.memory_space<vmem_shared>>
      tpu.wait_indirect_dma semaphore(%arg15 : memref<!tpu.dma_semaphore, #tpu.memory_space<semaphore_mem>>) src(%arg9 : memref<128x64xf32, #tpu.memory_space<vmem>>) dst(%dma_wait3A_414 : memref<5376x64xf32, #tpu.memory_space<vmem_shared>>)
      %scan3A_415 = arith.constant 0 : i32
      scf.yield %scan3A_415 : i32
    }
    %scan3A_268 = arith.constant 10 : i32
    %barrier3A_269 = arith.constant 0 : index
    tpu.barrier barrier_id(%barrier3A_269)
    %mul3A = arith.constant 320 : i32
    %mul3A_270 = arith.muli %arg1, %mul3A : i32
    %add3A = arith.constant 0 : i32
    %add3A_271 = arith.addi %mul3A_270, %add3A : i32
    "tpu.region"() ({
      %run_scoped3A = tpu.sem_alloc : memref<!tpu.dma_semaphore, #tpu.memory_space<semaphore_mem>>
      %dma_start3A = arith.constant 0 : i32
      %dma_start3A_280 = arith.constant 0 : i32
      %dma_start3A_281 = tpu.memref_slice %arg8[%dma_start3A, %dma_start3A_280] : memref<128x64xf32, #tpu.memory_space<vmem>> -> memref<128x64xf32, #tpu.memory_space<vmem>>
      %dma_start3A_282 = arith.constant 0 : i32
      %dma_start3A_283 = tpu.memref_slice %arg10[%add3A_271, %dma_start3A_282] : memref<5376x64xf32, #tpu.memory_space<vmem_shared>> -> memref<128x64xf32, #tpu.memory_space<vmem_shared>>
      %dma_start3A_284 = arith.constant 0 : i32
      %dma_start3A_285 = arith.constant 0 : i32
      %dma_start3A_286 = tpu.memref_slice %arg8[%dma_start3A_284, %dma_start3A_285] : memref<128x64xf32, #tpu.memory_space<vmem>> -> memref<128x64xf32, #tpu.memory_space<vmem>>
      %dma_start3A_287 = arith.constant 0 : i32
      %dma_start3A_288 = tpu.memref_slice %arg10[%add3A_271, %dma_start3A_287] : memref<5376x64xf32, #tpu.memory_space<vmem_shared>> -> memref<128x64xf32, #tpu.memory_space<vmem_shared>>
      tpu.enqueue_dma source(%dma_start3A_288 : memref<128x64xf32, #tpu.memory_space<vmem_shared>>) target(%dma_start3A_286 : memref<128x64xf32, #tpu.memory_space<vmem>>) target_semaphore(%run_scoped3A : memref<!tpu.dma_semaphore, #tpu.memory_space<semaphore_mem>>)
      %dma_wait3A = arith.constant 0 : i32
      %dma_wait3A_289 = arith.constant 0 : i32
      %dma_wait3A_290 = tpu.memref_slice %arg8[%dma_wait3A, %dma_wait3A_289] : memref<128x64xf32, #tpu.memory_space<vmem>> -> memref<128x64xf32, #tpu.memory_space<vmem>>
      %dma_wait3A_291 = arith.constant 0 : i32
      %dma_wait3A_292 = tpu.memref_slice %arg10[%add3A_271, %dma_wait3A_291] : memref<5376x64xf32, #tpu.memory_space<vmem_shared>> -> memref<128x64xf32, #tpu.memory_space<vmem_shared>>
      %dma_wait3A_293 = arith.constant 0 : i32
      %dma_wait3A_294 = arith.constant 0 : i32
      %dma_wait3A_295 = tpu.memref_slice %arg8[%dma_wait3A_293, %dma_wait3A_294] : memref<128x64xf32, #tpu.memory_space<vmem>> -> memref<128x64xf32, #tpu.memory_space<vmem>>
      %dma_wait3A_296 = arith.constant 0 : i32
      %dma_wait3A_297 = tpu.memref_slice %arg10[%add3A_271, %dma_wait3A_296] : memref<5376x64xf32, #tpu.memory_space<vmem_shared>> -> memref<128x64xf32, #tpu.memory_space<vmem_shared>>
      tpu.wait_dma2 semaphore(%run_scoped3A : memref<!tpu.dma_semaphore, #tpu.memory_space<semaphore_mem>>) src(%dma_wait3A_297 : memref<128x64xf32, #tpu.memory_space<vmem_shared>>) dst(%dma_wait3A_295 : memref<128x64xf32, #tpu.memory_space<vmem>>)
      tpu.yield
    }) : () -> ()
    "tpu.region"() ({
      %run_scoped3A = tpu.sem_alloc : memref<!tpu.dma_semaphore, #tpu.memory_space<semaphore_mem>>
      %dma_start3A = arith.constant 0 : i32
      %dma_start3A_280 = arith.constant 0 : i32
      %dma_start3A_281 = tpu.memref_slice %arg8[%dma_start3A, %dma_start3A_280] : memref<128x64xf32, #tpu.memory_space<vmem>> -> memref<128x64xf32, #tpu.memory_space<vmem>>
      %dma_start3A_282 = arith.constant 0 : i32
      %dma_start3A_283 = tpu.memref_slice %arg5[%arg0, %add3A_271, %dma_start3A_282] : memref<2x5120x64xf32, #tpu.memory_space<hbm>> -> memref<1x128x64xf32, #tpu.memory_space<hbm>>
      %dma_start3A_284 = tpu.memref_squeeze %dma_start3A_283 : memref<1x128x64xf32, #tpu.memory_space<hbm>> -> memref<128x64xf32, #tpu.memory_space<hbm>>
      %dma_start3A_285 = arith.constant 0 : i32
      %dma_start3A_286 = tpu.memref_slice %arg5[%arg0, %add3A_271, %dma_start3A_285] : memref<2x5120x64xf32, #tpu.memory_space<hbm>> -> memref<1x128x64xf32, #tpu.memory_space<hbm>>
      %dma_start3A_287 = tpu.memref_squeeze %dma_start3A_286 : memref<1x128x64xf32, #tpu.memory_space<hbm>> -> memref<128x64xf32, #tpu.memory_space<hbm>>
      %dma_start3A_288 = arith.constant 0 : i32
      %dma_start3A_289 = arith.constant 0 : i32
      %dma_start3A_290 = tpu.memref_slice %arg8[%dma_start3A_288, %dma_start3A_289] : memref<128x64xf32, #tpu.memory_space<vmem>> -> memref<128x64xf32, #tpu.memory_space<vmem>>
      tpu.enqueue_dma source(%dma_start3A_290 : memref<128x64xf32, #tpu.memory_space<vmem>>) target(%dma_start3A_287 : memref<128x64xf32, #tpu.memory_space<hbm>>) target_semaphore(%run_scoped3A : memref<!tpu.dma_semaphore, #tpu.memory_space<semaphore_mem>>)
      %dma_wait3A = arith.constant 0 : i32
      %dma_wait3A_291 = arith.constant 0 : i32
      %dma_wait3A_292 = tpu.memref_slice %arg8[%dma_wait3A, %dma_wait3A_291] : memref<128x64xf32, #tpu.memory_space<vmem>> -> memref<128x64xf32, #tpu.memory_space<vmem>>
      %dma_wait3A_293 = arith.constant 0 : i32
      %dma_wait3A_294 = tpu.memref_slice %arg5[%arg0, %add3A_271, %dma_wait3A_293] : memref<2x5120x64xf32, #tpu.memory_space<hbm>> -> memref<1x128x64xf32, #tpu.memory_space<hbm>>
      %dma_wait3A_295 = tpu.memref_squeeze %dma_wait3A_294 : memref<1x128x64xf32, #tpu.memory_space<hbm>> -> memref<128x64xf32, #tpu.memory_space<hbm>>
      %dma_wait3A_296 = arith.constant 0 : i32
      %dma_wait3A_297 = tpu.memref_slice %arg5[%arg0, %add3A_271, %dma_wait3A_296] : memref<2x5120x64xf32, #tpu.memory_space<hbm>> -> memref<1x128x64xf32, #tpu.memory_space<hbm>>
      %dma_wait3A_298 = tpu.memref_squeeze %dma_wait3A_297 : memref<1x128x64xf32, #tpu.memory_space<hbm>> -> memref<128x64xf32, #tpu.memory_space<hbm>>
      %dma_wait3A_299 = arith.constant 0 : i32
      %dma_wait3A_300 = arith.constant 0 : i32
      %dma_wait3A_301 = tpu.memref_slice %arg8[%dma_wait3A_299, %dma_wait3A_300] : memref<128x64xf32, #tpu.memory_space<vmem>> -> memref<128x64xf32, #tpu.memory_space<vmem>>
      tpu.wait_dma2 semaphore(%run_scoped3A : memref<!tpu.dma_semaphore, #tpu.memory_space<semaphore_mem>>) src(%dma_wait3A_301 : memref<128x64xf32, #tpu.memory_space<vmem>>) dst(%dma_wait3A_298 : memref<128x64xf32, #tpu.memory_space<hbm>>)
      tpu.yield
    }) : () -> ()
    %mul3A_272 = arith.constant 320 : i32
    %mul3A_273 = arith.muli %arg1, %mul3A_272 : i32
    %add3A_274 = arith.constant 128 : i32
    %add3A_275 = arith.addi %mul3A_273, %add3A_274 : i32
    "tpu.region"() ({
      %run_scoped3A = tpu.sem_alloc : memref<!tpu.dma_semaphore, #tpu.memory_space<semaphore_mem>>
      %dma_start3A = arith.constant 0 : i32
      %dma_start3A_280 = arith.constant 0 : i32
      %dma_start3A_281 = tpu.memref_slice %arg8[%dma_start3A, %dma_start3A_280] : memref<128x64xf32, #tpu.memory_space<vmem>> -> memref<128x64xf32, #tpu.memory_space<vmem>>
      %dma_start3A_282 = arith.constant 0 : i32
      %dma_start3A_283 = tpu.memref_slice %arg10[%add3A_275, %dma_start3A_282] : memref<5376x64xf32, #tpu.memory_space<vmem_shared>> -> memref<128x64xf32, #tpu.memory_space<vmem_shared>>
      %dma_start3A_284 = arith.constant 0 : i32
      %dma_start3A_285 = arith.constant 0 : i32
      %dma_start3A_286 = tpu.memref_slice %arg8[%dma_start3A_284, %dma_start3A_285] : memref<128x64xf32, #tpu.memory_space<vmem>> -> memref<128x64xf32, #tpu.memory_space<vmem>>
      %dma_start3A_287 = arith.constant 0 : i32
      %dma_start3A_288 = tpu.memref_slice %arg10[%add3A_275, %dma_start3A_287] : memref<5376x64xf32, #tpu.memory_space<vmem_shared>> -> memref<128x64xf32, #tpu.memory_space<vmem_shared>>
      tpu.enqueue_dma source(%dma_start3A_288 : memref<128x64xf32, #tpu.memory_space<vmem_shared>>) target(%dma_start3A_286 : memref<128x64xf32, #tpu.memory_space<vmem>>) target_semaphore(%run_scoped3A : memref<!tpu.dma_semaphore, #tpu.memory_space<semaphore_mem>>)
      %dma_wait3A = arith.constant 0 : i32
      %dma_wait3A_289 = arith.constant 0 : i32
      %dma_wait3A_290 = tpu.memref_slice %arg8[%dma_wait3A, %dma_wait3A_289] : memref<128x64xf32, #tpu.memory_space<vmem>> -> memref<128x64xf32, #tpu.memory_space<vmem>>
      %dma_wait3A_291 = arith.constant 0 : i32
      %dma_wait3A_292 = tpu.memref_slice %arg10[%add3A_275, %dma_wait3A_291] : memref<5376x64xf32, #tpu.memory_space<vmem_shared>> -> memref<128x64xf32, #tpu.memory_space<vmem_shared>>
      %dma_wait3A_293 = arith.constant 0 : i32
      %dma_wait3A_294 = arith.constant 0 : i32
      %dma_wait3A_295 = tpu.memref_slice %arg8[%dma_wait3A_293, %dma_wait3A_294] : memref<128x64xf32, #tpu.memory_space<vmem>> -> memref<128x64xf32, #tpu.memory_space<vmem>>
      %dma_wait3A_296 = arith.constant 0 : i32
      %dma_wait3A_297 = tpu.memref_slice %arg10[%add3A_275, %dma_wait3A_296] : memref<5376x64xf32, #tpu.memory_space<vmem_shared>> -> memref<128x64xf32, #tpu.memory_space<vmem_shared>>
      tpu.wait_dma2 semaphore(%run_scoped3A : memref<!tpu.dma_semaphore, #tpu.memory_space<semaphore_mem>>) src(%dma_wait3A_297 : memref<128x64xf32, #tpu.memory_space<vmem_shared>>) dst(%dma_wait3A_295 : memref<128x64xf32, #tpu.memory_space<vmem>>)
      tpu.yield
    }) : () -> ()
    "tpu.region"() ({
      %run_scoped3A = tpu.sem_alloc : memref<!tpu.dma_semaphore, #tpu.memory_space<semaphore_mem>>
      %dma_start3A = arith.constant 0 : i32
      %dma_start3A_280 = arith.constant 0 : i32
      %dma_start3A_281 = tpu.memref_slice %arg8[%dma_start3A, %dma_start3A_280] : memref<128x64xf32, #tpu.memory_space<vmem>> -> memref<128x64xf32, #tpu.memory_space<vmem>>
      %dma_start3A_282 = arith.constant 0 : i32
      %dma_start3A_283 = tpu.memref_slice %arg5[%arg0, %add3A_275, %dma_start3A_282] : memref<2x5120x64xf32, #tpu.memory_space<hbm>> -> memref<1x128x64xf32, #tpu.memory_space<hbm>>
      %dma_start3A_284 = tpu.memref_squeeze %dma_start3A_283 : memref<1x128x64xf32, #tpu.memory_space<hbm>> -> memref<128x64xf32, #tpu.memory_space<hbm>>
      %dma_start3A_285 = arith.constant 0 : i32
      %dma_start3A_286 = tpu.memref_slice %arg5[%arg0, %add3A_275, %dma_start3A_285] : memref<2x5120x64xf32, #tpu.memory_space<hbm>> -> memref<1x128x64xf32, #tpu.memory_space<hbm>>
      %dma_start3A_287 = tpu.memref_squeeze %dma_start3A_286 : memref<1x128x64xf32, #tpu.memory_space<hbm>> -> memref<128x64xf32, #tpu.memory_space<hbm>>
      %dma_start3A_288 = arith.constant 0 : i32
      %dma_start3A_289 = arith.constant 0 : i32
      %dma_start3A_290 = tpu.memref_slice %arg8[%dma_start3A_288, %dma_start3A_289] : memref<128x64xf32, #tpu.memory_space<vmem>> -> memref<128x64xf32, #tpu.memory_space<vmem>>
      tpu.enqueue_dma source(%dma_start3A_290 : memref<128x64xf32, #tpu.memory_space<vmem>>) target(%dma_start3A_287 : memref<128x64xf32, #tpu.memory_space<hbm>>) target_semaphore(%run_scoped3A : memref<!tpu.dma_semaphore, #tpu.memory_space<semaphore_mem>>)
      %dma_wait3A = arith.constant 0 : i32
      %dma_wait3A_291 = arith.constant 0 : i32
      %dma_wait3A_292 = tpu.memref_slice %arg8[%dma_wait3A, %dma_wait3A_291] : memref<128x64xf32, #tpu.memory_space<vmem>> -> memref<128x64xf32, #tpu.memory_space<vmem>>
      %dma_wait3A_293 = arith.constant 0 : i32
      %dma_wait3A_294 = tpu.memref_slice %arg5[%arg0, %add3A_275, %dma_wait3A_293] : memref<2x5120x64xf32, #tpu.memory_space<hbm>> -> memref<1x128x64xf32, #tpu.memory_space<hbm>>
      %dma_wait3A_295 = tpu.memref_squeeze %dma_wait3A_294 : memref<1x128x64xf32, #tpu.memory_space<hbm>> -> memref<128x64xf32, #tpu.memory_space<hbm>>
      %dma_wait3A_296 = arith.constant 0 : i32
      %dma_wait3A_297 = tpu.memref_slice %arg5[%arg0, %add3A_275, %dma_wait3A_296] : memref<2x5120x64xf32, #tpu.memory_space<hbm>> -> memref<1x128x64xf32, #tpu.memory_space<hbm>>
      %dma_wait3A_298 = tpu.memref_squeeze %dma_wait3A_297 : memref<1x128x64xf32, #tpu.memory_space<hbm>> -> memref<128x64xf32, #tpu.memory_space<hbm>>
      %dma_wait3A_299 = arith.constant 0 : i32
      %dma_wait3A_300 = arith.constant 0 : i32
      %dma_wait3A_301 = tpu.memref_slice %arg8[%dma_wait3A_299, %dma_wait3A_300] : memref<128x64xf32, #tpu.memory_space<vmem>> -> memref<128x64xf32, #tpu.memory_space<vmem>>
      tpu.wait_dma2 semaphore(%run_scoped3A : memref<!tpu.dma_semaphore, #tpu.memory_space<semaphore_mem>>) src(%dma_wait3A_301 : memref<128x64xf32, #tpu.memory_space<vmem>>) dst(%dma_wait3A_298 : memref<128x64xf32, #tpu.memory_space<hbm>>)
      tpu.yield
    }) : () -> ()
    %mul3A_276 = arith.constant 320 : i32
    %mul3A_277 = arith.muli %arg1, %mul3A_276 : i32
    %add3A_278 = arith.constant 256 : i32
    %add3A_279 = arith.addi %mul3A_277, %add3A_278 : i32
    "tpu.region"() ({
      %run_scoped3A = tpu.sem_alloc : memref<!tpu.dma_semaphore, #tpu.memory_space<semaphore_mem>>
      %dma_start3A = arith.constant 0 : i32
      %dma_start3A_280 = arith.constant 0 : i32
      %dma_start3A_281 = tpu.memref_slice %arg8[%dma_start3A, %dma_start3A_280] : memref<128x64xf32, #tpu.memory_space<vmem>> -> memref<64x64xf32, #tpu.memory_space<vmem>>
      %dma_start3A_282 = arith.constant 0 : i32
      %dma_start3A_283 = tpu.memref_slice %arg10[%add3A_279, %dma_start3A_282] : memref<5376x64xf32, #tpu.memory_space<vmem_shared>> -> memref<64x64xf32, #tpu.memory_space<vmem_shared>>
      %dma_start3A_284 = arith.constant 0 : i32
      %dma_start3A_285 = arith.constant 0 : i32
      %dma_start3A_286 = tpu.memref_slice %arg8[%dma_start3A_284, %dma_start3A_285] : memref<128x64xf32, #tpu.memory_space<vmem>> -> memref<64x64xf32, #tpu.memory_space<vmem>>
      %dma_start3A_287 = arith.constant 0 : i32
      %dma_start3A_288 = tpu.memref_slice %arg10[%add3A_279, %dma_start3A_287] : memref<5376x64xf32, #tpu.memory_space<vmem_shared>> -> memref<64x64xf32, #tpu.memory_space<vmem_shared>>
      tpu.enqueue_dma source(%dma_start3A_288 : memref<64x64xf32, #tpu.memory_space<vmem_shared>>) target(%dma_start3A_286 : memref<64x64xf32, #tpu.memory_space<vmem>>) target_semaphore(%run_scoped3A : memref<!tpu.dma_semaphore, #tpu.memory_space<semaphore_mem>>)
      %dma_wait3A = arith.constant 0 : i32
      %dma_wait3A_289 = arith.constant 0 : i32
      %dma_wait3A_290 = tpu.memref_slice %arg8[%dma_wait3A, %dma_wait3A_289] : memref<128x64xf32, #tpu.memory_space<vmem>> -> memref<64x64xf32, #tpu.memory_space<vmem>>
      %dma_wait3A_291 = arith.constant 0 : i32
      %dma_wait3A_292 = tpu.memref_slice %arg10[%add3A_279, %dma_wait3A_291] : memref<5376x64xf32, #tpu.memory_space<vmem_shared>> -> memref<64x64xf32, #tpu.memory_space<vmem_shared>>
      %dma_wait3A_293 = arith.constant 0 : i32
      %dma_wait3A_294 = arith.constant 0 : i32
      %dma_wait3A_295 = tpu.memref_slice %arg8[%dma_wait3A_293, %dma_wait3A_294] : memref<128x64xf32, #tpu.memory_space<vmem>> -> memref<64x64xf32, #tpu.memory_space<vmem>>
      %dma_wait3A_296 = arith.constant 0 : i32
      %dma_wait3A_297 = tpu.memref_slice %arg10[%add3A_279, %dma_wait3A_296] : memref<5376x64xf32, #tpu.memory_space<vmem_shared>> -> memref<64x64xf32, #tpu.memory_space<vmem_shared>>
      tpu.wait_dma2 semaphore(%run_scoped3A : memref<!tpu.dma_semaphore, #tpu.memory_space<semaphore_mem>>) src(%dma_wait3A_297 : memref<64x64xf32, #tpu.memory_space<vmem_shared>>) dst(%dma_wait3A_295 : memref<64x64xf32, #tpu.memory_space<vmem>>)
      tpu.yield
    }) : () -> ()
    "tpu.region"() ({
      %run_scoped3A = tpu.sem_alloc : memref<!tpu.dma_semaphore, #tpu.memory_space<semaphore_mem>>
      %dma_start3A = arith.constant 0 : i32
      %dma_start3A_280 = arith.constant 0 : i32
      %dma_start3A_281 = tpu.memref_slice %arg8[%dma_start3A, %dma_start3A_280] : memref<128x64xf32, #tpu.memory_space<vmem>> -> memref<64x64xf32, #tpu.memory_space<vmem>>
      %dma_start3A_282 = arith.constant 0 : i32
      %dma_start3A_283 = tpu.memref_slice %arg5[%arg0, %add3A_279, %dma_start3A_282] : memref<2x5120x64xf32, #tpu.memory_space<hbm>> -> memref<1x64x64xf32, #tpu.memory_space<hbm>>
      %dma_start3A_284 = tpu.memref_squeeze %dma_start3A_283 : memref<1x64x64xf32, #tpu.memory_space<hbm>> -> memref<64x64xf32, #tpu.memory_space<hbm>>
      %dma_start3A_285 = arith.constant 0 : i32
      %dma_start3A_286 = tpu.memref_slice %arg5[%arg0, %add3A_279, %dma_start3A_285] : memref<2x5120x64xf32, #tpu.memory_space<hbm>> -> memref<1x64x64xf32, #tpu.memory_space<hbm>>
      %dma_start3A_287 = tpu.memref_squeeze %dma_start3A_286 : memref<1x64x64xf32, #tpu.memory_space<hbm>> -> memref<64x64xf32, #tpu.memory_space<hbm>>
      %dma_start3A_288 = arith.constant 0 : i32
      %dma_start3A_289 = arith.constant 0 : i32
      %dma_start3A_290 = tpu.memref_slice %arg8[%dma_start3A_288, %dma_start3A_289] : memref<128x64xf32, #tpu.memory_space<vmem>> -> memref<64x64xf32, #tpu.memory_space<vmem>>
      tpu.enqueue_dma source(%dma_start3A_290 : memref<64x64xf32, #tpu.memory_space<vmem>>) target(%dma_start3A_287 : memref<64x64xf32, #tpu.memory_space<hbm>>) target_semaphore(%run_scoped3A : memref<!tpu.dma_semaphore, #tpu.memory_space<semaphore_mem>>)
      %dma_wait3A = arith.constant 0 : i32
      %dma_wait3A_291 = arith.constant 0 : i32
      %dma_wait3A_292 = tpu.memref_slice %arg8[%dma_wait3A, %dma_wait3A_291] : memref<128x64xf32, #tpu.memory_space<vmem>> -> memref<64x64xf32, #tpu.memory_space<vmem>>
      %dma_wait3A_293 = arith.constant 0 : i32
      %dma_wait3A_294 = tpu.memref_slice %arg5[%arg0, %add3A_279, %dma_wait3A_293] : memref<2x5120x64xf32, #tpu.memory_space<hbm>> -> memref<1x64x64xf32, #tpu.memory_space<hbm>>
      %dma_wait3A_295 = tpu.memref_squeeze %dma_wait3A_294 : memref<1x64x64xf32, #tpu.memory_space<hbm>> -> memref<64x64xf32, #tpu.memory_space<hbm>>
      %dma_wait3A_296 = arith.constant 0 : i32
      %dma_wait3A_297 = tpu.memref_slice %arg5[%arg0, %add3A_279, %dma_wait3A_296] : memref<2x5120x64xf32, #tpu.memory_space<hbm>> -> memref<1x64x64xf32, #tpu.memory_space<hbm>>
      %dma_wait3A_298 = tpu.memref_squeeze %dma_wait3A_297 : memref<1x64x64xf32, #tpu.memory_space<hbm>> -> memref<64x64xf32, #tpu.memory_space<hbm>>
      %dma_wait3A_299 = arith.constant 0 : i32
      %dma_wait3A_300 = arith.constant 0 : i32
      %dma_wait3A_301 = tpu.memref_slice %arg8[%dma_wait3A_299, %dma_wait3A_300] : memref<128x64xf32, #tpu.memory_space<vmem>> -> memref<64x64xf32, #tpu.memory_space<vmem>>
      tpu.wait_dma2 semaphore(%run_scoped3A : memref<!tpu.dma_semaphore, #tpu.memory_space<semaphore_mem>>) src(%dma_wait3A_301 : memref<64x64xf32, #tpu.memory_space<vmem>>) dst(%dma_wait3A_298 : memref<64x64xf32, #tpu.memory_space<hbm>>)
      tpu.yield
    }) : () -> ()
    return
  }
}

#map = affine_map<(d0, d1) -> (0, 0)>
module attributes {stable_mosaic.version = 14 : i64} {
  func.func @deg_kernel(%arg0: i32, %arg1: i32, %arg2: memref<160x2048xi32, #tpu.memory_space<hbm>>, %arg3: memref<2x10240xf32, #tpu.memory_space<hbm>>, %arg4: memref<10240xf32, #tpu.memory_space<vmem>>, %arg5: memref<2048xi32, #tpu.memory_space<vmem>>, %arg6: memref<16x2560xf32, #tpu.memory_space<vmem_shared>>, %arg7: memref<16x160xf32, #tpu.memory_space<vmem>>, %arg8: memref<160xf32, #tpu.memory_space<vmem>>) attributes {dimension_semantics = [#tpu.dimension_semantics<core_parallel>, #tpu.dimension_semantics<subcore_parallel>], iteration_bounds = array<i64: 2, 16>, scalar_prefetch = 0 : i64, scratch_operands = 5 : i64, tpu.core_type = #tpu.core_type<sc_vector_subcore>, window_params = [{transform_indices = #map}, {transform_indices = #map}]} {
    %mul3A = arith.constant 16 : i32
    %mul3A_0 = arith.muli %arg0, %mul3A : i32
    %add3A = arith.addi %mul3A_0, %arg1 : i32
    %broadcast_in_dim3A = arith.constant 0.000000e+00 : f32
    %broadcast_in_dim3A_1 = vector.broadcast %broadcast_in_dim3A : f32 to vector<16xf32>
    %scan3A = arith.constant 0 : i32
    %scan3A_2 = arith.constant 0 : i32
    %scan3A_3 = arith.constant 160 : i32
    %scan3A_4 = arith.addi %scan3A_2, %scan3A_3 : i32
    %scan3A_5 = arith.constant 1 : i32
    %scan3A_6 = scf.for %scan3A_76 = %scan3A_2 to %scan3A_4 step %scan3A_5 iter_args(%scan3A_77 = %scan3A) -> (i32)  : i32 {
      %mul3A_78 = arith.constant 4 : i32
      %mul3A_79 = arith.muli %mul3A_78, %scan3A_76 : i32
      %add3A_80 = arith.constant 0 : i32
      %add3A_81 = arith.addi %mul3A_79, %add3A_80 : i32
      %mul3A_82 = arith.constant 16 : i32
      %mul3A_83 = arith.muli %add3A_81, %mul3A_82 : i32
      %swap3A = arith.index_cast %mul3A_83 : i32 to index
      %swap3A_84 = tpu.vector_load %arg4[%swap3A] {strides = array<i32>} : memref<10240xf32, #tpu.memory_space<vmem>>, vector<16xf32>,
      tpu.vector_store %arg4[%swap3A], %broadcast_in_dim3A_1 {strides = array<i32>} : memref<10240xf32, #tpu.memory_space<vmem>>, vector<16xf32>,
      %mul3A_85 = arith.constant 4 : i32
      %mul3A_86 = arith.muli %mul3A_85, %scan3A_76 : i32
      %add3A_87 = arith.constant 1 : i32
      %add3A_88 = arith.addi %mul3A_86, %add3A_87 : i32
      %mul3A_89 = arith.constant 16 : i32
      %mul3A_90 = arith.muli %add3A_88, %mul3A_89 : i32
      %swap3A_91 = arith.index_cast %mul3A_90 : i32 to index
      %swap3A_92 = tpu.vector_load %arg4[%swap3A_91] {strides = array<i32>} : memref<10240xf32, #tpu.memory_space<vmem>>, vector<16xf32>,
      tpu.vector_store %arg4[%swap3A_91], %broadcast_in_dim3A_1 {strides = array<i32>} : memref<10240xf32, #tpu.memory_space<vmem>>, vector<16xf32>,
      %mul3A_93 = arith.constant 4 : i32
      %mul3A_94 = arith.muli %mul3A_93, %scan3A_76 : i32
      %add3A_95 = arith.constant 2 : i32
      %add3A_96 = arith.addi %mul3A_94, %add3A_95 : i32
      %mul3A_97 = arith.constant 16 : i32
      %mul3A_98 = arith.muli %add3A_96, %mul3A_97 : i32
      %swap3A_99 = arith.index_cast %mul3A_98 : i32 to index
      %swap3A_100 = tpu.vector_load %arg4[%swap3A_99] {strides = array<i32>} : memref<10240xf32, #tpu.memory_space<vmem>>, vector<16xf32>,
      tpu.vector_store %arg4[%swap3A_99], %broadcast_in_dim3A_1 {strides = array<i32>} : memref<10240xf32, #tpu.memory_space<vmem>>, vector<16xf32>,
      %mul3A_101 = arith.constant 4 : i32
      %mul3A_102 = arith.muli %mul3A_101, %scan3A_76 : i32
      %add3A_103 = arith.constant 3 : i32
      %add3A_104 = arith.addi %mul3A_102, %add3A_103 : i32
      %mul3A_105 = arith.constant 16 : i32
      %mul3A_106 = arith.muli %add3A_104, %mul3A_105 : i32
      %swap3A_107 = arith.index_cast %mul3A_106 : i32 to index
      %swap3A_108 = tpu.vector_load %arg4[%swap3A_107] {strides = array<i32>} : memref<10240xf32, #tpu.memory_space<vmem>>, vector<16xf32>,
      tpu.vector_store %arg4[%swap3A_107], %broadcast_in_dim3A_1 {strides = array<i32>} : memref<10240xf32, #tpu.memory_space<vmem>>, vector<16xf32>,
      %scan3A_109 = arith.constant 0 : i32
      scf.yield %scan3A_109 : i32
    }
    %scan3A_7 = arith.constant 160 : i32
    %broadcast_in_dim3A_8 = arith.constant 1.000000e+00 : f32
    %broadcast_in_dim3A_9 = vector.broadcast %broadcast_in_dim3A_8 : f32 to vector<16xf32>
    %scan3A_10 = arith.constant 0 : i32
    %scan3A_11 = arith.constant 0 : i32
    %scan3A_12 = arith.constant 5 : i32
    %scan3A_13 = arith.addi %scan3A_11, %scan3A_12 : i32
    %scan3A_14 = arith.constant 1 : i32
    %scan3A_15 = scf.for %scan3A_76 = %scan3A_11 to %scan3A_13 step %scan3A_14 iter_args(%scan3A_77 = %scan3A_10) -> (i32)  : i32 {
      %mul3A_78 = arith.constant 5 : i32
      %mul3A_79 = arith.muli %add3A, %mul3A_78 : i32
      %add3A_80 = arith.addi %mul3A_79, %scan3A_76 : i32
      "tpu.region"() ({
        %run_scoped3A = tpu.sem_alloc : memref<!tpu.dma_semaphore, #tpu.memory_space<semaphore_mem>>
        %dma_start3A = arith.constant 0 : i32
        %dma_start3A_89 = tpu.memref_slice %arg2[%add3A_80, %dma_start3A] : memref<160x2048xi32, #tpu.memory_space<hbm>> -> memref<1x2048xi32, #tpu.memory_space<hbm>>
        %dma_start3A_90 = tpu.memref_squeeze %dma_start3A_89 : memref<1x2048xi32, #tpu.memory_space<hbm>> -> memref<2048xi32, #tpu.memory_space<hbm>>
        %dma_start3A_91 = arith.constant 0 : i32
        %dma_start3A_92 = tpu.memref_slice %arg2[%add3A_80, %dma_start3A_91] : memref<160x2048xi32, #tpu.memory_space<hbm>> -> memref<1x2048xi32, #tpu.memory_space<hbm>>
        %dma_start3A_93 = tpu.memref_squeeze %dma_start3A_92 : memref<1x2048xi32, #tpu.memory_space<hbm>> -> memref<2048xi32, #tpu.memory_space<hbm>>
        tpu.enqueue_dma source(%dma_start3A_93 : memref<2048xi32, #tpu.memory_space<hbm>>) target(%arg5 : memref<2048xi32, #tpu.memory_space<vmem>>) target_semaphore(%run_scoped3A : memref<!tpu.dma_semaphore, #tpu.memory_space<semaphore_mem>>)
        %dma_wait3A = arith.constant 0 : i32
        %dma_wait3A_94 = tpu.memref_slice %arg2[%add3A_80, %dma_wait3A] : memref<160x2048xi32, #tpu.memory_space<hbm>> -> memref<1x2048xi32, #tpu.memory_space<hbm>>
        %dma_wait3A_95 = tpu.memref_squeeze %dma_wait3A_94 : memref<1x2048xi32, #tpu.memory_space<hbm>> -> memref<2048xi32, #tpu.memory_space<hbm>>
        %dma_wait3A_96 = arith.constant 0 : i32
        %dma_wait3A_97 = tpu.memref_slice %arg2[%add3A_80, %dma_wait3A_96] : memref<160x2048xi32, #tpu.memory_space<hbm>> -> memref<1x2048xi32, #tpu.memory_space<hbm>>
        %dma_wait3A_98 = tpu.memref_squeeze %dma_wait3A_97 : memref<1x2048xi32, #tpu.memory_space<hbm>> -> memref<2048xi32, #tpu.memory_space<hbm>>
        tpu.wait_dma2 semaphore(%run_scoped3A : memref<!tpu.dma_semaphore, #tpu.memory_space<semaphore_mem>>) src(%dma_wait3A_98 : memref<2048xi32, #tpu.memory_space<hbm>>) dst(%arg5 : memref<2048xi32, #tpu.memory_space<vmem>>)
        tpu.yield
      }) : () -> ()
      %scan3A_81 = arith.constant 0 : i32
      %scan3A_82 = arith.constant 0 : i32
      %scan3A_83 = arith.constant 32 : i32
      %scan3A_84 = arith.addi %scan3A_82, %scan3A_83 : i32
      %scan3A_85 = arith.constant 1 : i32
      %scan3A_86 = scf.for %scan3A_89 = %scan3A_82 to %scan3A_84 step %scan3A_85 iter_args(%scan3A_90 = %scan3A_81) -> (i32)  : i32 {
        %mul3A_91 = arith.constant 4 : i32
        %mul3A_92 = arith.muli %mul3A_91, %scan3A_89 : i32
        %add3A_93 = arith.constant 0 : i32
        %add3A_94 = arith.addi %mul3A_92, %add3A_93 : i32
        %mul3A_95 = arith.constant 16 : i32
        %mul3A_96 = arith.muli %add3A_94, %mul3A_95 : i32
        %get3A = arith.index_cast %mul3A_96 : i32 to index
        %get3A_97 = tpu.vector_load %arg5[%get3A] {strides = array<i32>} : memref<2048xi32, #tpu.memory_space<vmem>>, vector<16xi32>,
        tpu.vector_store_idx %arg4[%get3A_97], %broadcast_in_dim3A_9 {add = true} : memref<10240xf32, #tpu.memory_space<vmem>>[vector<16xi32>], vector<16xf32>,
        %mul3A_98 = arith.constant 4 : i32
        %mul3A_99 = arith.muli %mul3A_98, %scan3A_89 : i32
        %add3A_100 = arith.constant 1 : i32
        %add3A_101 = arith.addi %mul3A_99, %add3A_100 : i32
        %mul3A_102 = arith.constant 16 : i32
        %mul3A_103 = arith.muli %add3A_101, %mul3A_102 : i32
        %get3A_104 = arith.index_cast %mul3A_103 : i32 to index
        %get3A_105 = tpu.vector_load %arg5[%get3A_104] {strides = array<i32>} : memref<2048xi32, #tpu.memory_space<vmem>>, vector<16xi32>,
        tpu.vector_store_idx %arg4[%get3A_105], %broadcast_in_dim3A_9 {add = true} : memref<10240xf32, #tpu.memory_space<vmem>>[vector<16xi32>], vector<16xf32>,
        %mul3A_106 = arith.constant 4 : i32
        %mul3A_107 = arith.muli %mul3A_106, %scan3A_89 : i32
        %add3A_108 = arith.constant 2 : i32
        %add3A_109 = arith.addi %mul3A_107, %add3A_108 : i32
        %mul3A_110 = arith.constant 16 : i32
        %mul3A_111 = arith.muli %add3A_109, %mul3A_110 : i32
        %get3A_112 = arith.index_cast %mul3A_111 : i32 to index
        %get3A_113 = tpu.vector_load %arg5[%get3A_112] {strides = array<i32>} : memref<2048xi32, #tpu.memory_space<vmem>>, vector<16xi32>,
        tpu.vector_store_idx %arg4[%get3A_113], %broadcast_in_dim3A_9 {add = true} : memref<10240xf32, #tpu.memory_space<vmem>>[vector<16xi32>], vector<16xf32>,
        %mul3A_114 = arith.constant 4 : i32
        %mul3A_115 = arith.muli %mul3A_114, %scan3A_89 : i32
        %add3A_116 = arith.constant 3 : i32
        %add3A_117 = arith.addi %mul3A_115, %add3A_116 : i32
        %mul3A_118 = arith.constant 16 : i32
        %mul3A_119 = arith.muli %add3A_117, %mul3A_118 : i32
        %get3A_120 = arith.index_cast %mul3A_119 : i32 to index
        %get3A_121 = tpu.vector_load %arg5[%get3A_120] {strides = array<i32>} : memref<2048xi32, #tpu.memory_space<vmem>>, vector<16xi32>,
        tpu.vector_store_idx %arg4[%get3A_121], %broadcast_in_dim3A_9 {add = true} : memref<10240xf32, #tpu.memory_space<vmem>>[vector<16xi32>], vector<16xf32>,
        %scan3A_122 = arith.constant 0 : i32
        scf.yield %scan3A_122 : i32
      }
      %scan3A_87 = arith.constant 32 : i32
      %scan3A_88 = arith.constant 0 : i32
      scf.yield %scan3A_88 : i32
    }
    %scan3A_16 = arith.constant 5 : i32
    "tpu.region"() ({
      %run_scoped3A = tpu.sem_alloc : memref<!tpu.dma_semaphore, #tpu.memory_space<semaphore_mem>>
      %dma_start3A = arith.constant 0 : i32
      %dma_start3A_76 = tpu.memref_slice %arg4[%dma_start3A] : memref<10240xf32, #tpu.memory_space<vmem>> -> memref<2560xf32, #tpu.memory_space<vmem>>
      %dma_start3A_77 = arith.constant 0 : i32
      %dma_start3A_78 = tpu.memref_slice %arg6[%arg1, %dma_start3A_77] : memref<16x2560xf32, #tpu.memory_space<vmem_shared>> -> memref<1x2560xf32, #tpu.memory_space<vmem_shared>>
      %dma_start3A_79 = tpu.memref_squeeze %dma_start3A_78 : memref<1x2560xf32, #tpu.memory_space<vmem_shared>> -> memref<2560xf32, #tpu.memory_space<vmem_shared>>
      %dma_start3A_80 = arith.constant 0 : i32
      %dma_start3A_81 = tpu.memref_slice %arg6[%arg1, %dma_start3A_80] : memref<16x2560xf32, #tpu.memory_space<vmem_shared>> -> memref<1x2560xf32, #tpu.memory_space<vmem_shared>>
      %dma_start3A_82 = tpu.memref_squeeze %dma_start3A_81 : memref<1x2560xf32, #tpu.memory_space<vmem_shared>> -> memref<2560xf32, #tpu.memory_space<vmem_shared>>
      %dma_start3A_83 = arith.constant 0 : i32
      %dma_start3A_84 = tpu.memref_slice %arg4[%dma_start3A_83] : memref<10240xf32, #tpu.memory_space<vmem>> -> memref<2560xf32, #tpu.memory_space<vmem>>
      tpu.enqueue_dma source(%dma_start3A_84 : memref<2560xf32, #tpu.memory_space<vmem>>) target(%dma_start3A_82 : memref<2560xf32, #tpu.memory_space<vmem_shared>>) target_semaphore(%run_scoped3A : memref<!tpu.dma_semaphore, #tpu.memory_space<semaphore_mem>>)
      %dma_wait3A = arith.constant 0 : i32
      %dma_wait3A_85 = tpu.memref_slice %arg4[%dma_wait3A] : memref<10240xf32, #tpu.memory_space<vmem>> -> memref<2560xf32, #tpu.memory_space<vmem>>
      %dma_wait3A_86 = arith.constant 0 : i32
      %dma_wait3A_87 = tpu.memref_slice %arg6[%arg1, %dma_wait3A_86] : memref<16x2560xf32, #tpu.memory_space<vmem_shared>> -> memref<1x2560xf32, #tpu.memory_space<vmem_shared>>
      %dma_wait3A_88 = tpu.memref_squeeze %dma_wait3A_87 : memref<1x2560xf32, #tpu.memory_space<vmem_shared>> -> memref<2560xf32, #tpu.memory_space<vmem_shared>>
      %dma_wait3A_89 = arith.constant 0 : i32
      %dma_wait3A_90 = tpu.memref_slice %arg6[%arg1, %dma_wait3A_89] : memref<16x2560xf32, #tpu.memory_space<vmem_shared>> -> memref<1x2560xf32, #tpu.memory_space<vmem_shared>>
      %dma_wait3A_91 = tpu.memref_squeeze %dma_wait3A_90 : memref<1x2560xf32, #tpu.memory_space<vmem_shared>> -> memref<2560xf32, #tpu.memory_space<vmem_shared>>
      %dma_wait3A_92 = arith.constant 0 : i32
      %dma_wait3A_93 = tpu.memref_slice %arg4[%dma_wait3A_92] : memref<10240xf32, #tpu.memory_space<vmem>> -> memref<2560xf32, #tpu.memory_space<vmem>>
      tpu.wait_dma2 semaphore(%run_scoped3A : memref<!tpu.dma_semaphore, #tpu.memory_space<semaphore_mem>>) src(%dma_wait3A_93 : memref<2560xf32, #tpu.memory_space<vmem>>) dst(%dma_wait3A_91 : memref<2560xf32, #tpu.memory_space<vmem_shared>>)
      tpu.yield
    }) : () -> ()
    %barrier3A = arith.constant 0 : index
    tpu.barrier barrier_id(%barrier3A)
    %mul3A_17 = arith.constant 160 : i32
    %mul3A_18 = arith.muli %arg1, %mul3A_17 : i32
    "tpu.region"() ({
      %run_scoped3A = tpu.sem_alloc : memref<!tpu.dma_semaphore, #tpu.memory_space<semaphore_mem>>
      %dma_start3A = arith.constant 0 : i32
      %dma_start3A_76 = tpu.memref_slice %arg6[%dma_start3A, %mul3A_18] : memref<16x2560xf32, #tpu.memory_space<vmem_shared>> -> memref<16x160xf32, #tpu.memory_space<vmem_shared>>
      %dma_start3A_77 = arith.constant 0 : i32
      %dma_start3A_78 = tpu.memref_slice %arg6[%dma_start3A_77, %mul3A_18] : memref<16x2560xf32, #tpu.memory_space<vmem_shared>> -> memref<16x160xf32, #tpu.memory_space<vmem_shared>>
      tpu.enqueue_dma source(%dma_start3A_78 : memref<16x160xf32, #tpu.memory_space<vmem_shared>>) target(%arg7 : memref<16x160xf32, #tpu.memory_space<vmem>>) target_semaphore(%run_scoped3A : memref<!tpu.dma_semaphore, #tpu.memory_space<semaphore_mem>>)
      %dma_wait3A = arith.constant 0 : i32
      %dma_wait3A_79 = tpu.memref_slice %arg6[%dma_wait3A, %mul3A_18] : memref<16x2560xf32, #tpu.memory_space<vmem_shared>> -> memref<16x160xf32, #tpu.memory_space<vmem_shared>>
      %dma_wait3A_80 = arith.constant 0 : i32
      %dma_wait3A_81 = tpu.memref_slice %arg6[%dma_wait3A_80, %mul3A_18] : memref<16x2560xf32, #tpu.memory_space<vmem_shared>> -> memref<16x160xf32, #tpu.memory_space<vmem_shared>>
      tpu.wait_dma2 semaphore(%run_scoped3A : memref<!tpu.dma_semaphore, #tpu.memory_space<semaphore_mem>>) src(%dma_wait3A_81 : memref<16x160xf32, #tpu.memory_space<vmem_shared>>) dst(%arg7 : memref<16x160xf32, #tpu.memory_space<vmem>>)
      tpu.yield
    }) : () -> ()
    %scan3A_19 = arith.constant 0 : i32
    %scan3A_20 = arith.constant 0 : i32
    %scan3A_21 = arith.constant 10 : i32
    %scan3A_22 = arith.addi %scan3A_20, %scan3A_21 : i32
    %scan3A_23 = arith.constant 1 : i32
    %scan3A_24 = scf.for %scan3A_76 = %scan3A_20 to %scan3A_22 step %scan3A_23 iter_args(%scan3A_77 = %scan3A_19) -> (i32)  : i32 {
      %mul3A_78 = arith.constant 16 : i32
      %mul3A_79 = arith.muli %scan3A_76, %mul3A_78 : i32
      %get3A = arith.constant 0 : i32
      %get3A_80 = arith.index_cast %get3A : i32 to index
      %get3A_81 = arith.index_cast %mul3A_79 : i32 to index
      %get3A_82 = tpu.vector_load %arg7[%get3A_80, %get3A_81] {strides = array<i32>} : memref<16x160xf32, #tpu.memory_space<vmem>>, vector<16xf32>,
      %mul3A_83 = arith.constant 16 : i32
      %mul3A_84 = arith.muli %scan3A_76, %mul3A_83 : i32
      %get3A_85 = arith.constant 1 : i32
      %get3A_86 = arith.index_cast %get3A_85 : i32 to index
      %get3A_87 = arith.index_cast %mul3A_84 : i32 to index
      %get3A_88 = tpu.vector_load %arg7[%get3A_86, %get3A_87] {strides = array<i32>} : memref<16x160xf32, #tpu.memory_space<vmem>>, vector<16xf32>,
      %add3A_89 = arith.addf %get3A_82, %get3A_88 : vector<16xf32>
      %mul3A_90 = arith.constant 16 : i32
      %mul3A_91 = arith.muli %scan3A_76, %mul3A_90 : i32
      %get3A_92 = arith.constant 2 : i32
      %get3A_93 = arith.index_cast %get3A_92 : i32 to index
      %get3A_94 = arith.index_cast %mul3A_91 : i32 to index
      %get3A_95 = tpu.vector_load %arg7[%get3A_93, %get3A_94] {strides = array<i32>} : memref<16x160xf32, #tpu.memory_space<vmem>>, vector<16xf32>,
      %add3A_96 = arith.addf %add3A_89, %get3A_95 : vector<16xf32>
      %mul3A_97 = arith.constant 16 : i32
      %mul3A_98 = arith.muli %scan3A_76, %mul3A_97 : i32
      %get3A_99 = arith.constant 3 : i32
      %get3A_100 = arith.index_cast %get3A_99 : i32 to index
      %get3A_101 = arith.index_cast %mul3A_98 : i32 to index
      %get3A_102 = tpu.vector_load %arg7[%get3A_100, %get3A_101] {strides = array<i32>} : memref<16x160xf32, #tpu.memory_space<vmem>>, vector<16xf32>,
      %add3A_103 = arith.addf %add3A_96, %get3A_102 : vector<16xf32>
      %mul3A_104 = arith.constant 16 : i32
      %mul3A_105 = arith.muli %scan3A_76, %mul3A_104 : i32
      %get3A_106 = arith.constant 4 : i32
      %get3A_107 = arith.index_cast %get3A_106 : i32 to index
      %get3A_108 = arith.index_cast %mul3A_105 : i32 to index
      %get3A_109 = tpu.vector_load %arg7[%get3A_107, %get3A_108] {strides = array<i32>} : memref<16x160xf32, #tpu.memory_space<vmem>>, vector<16xf32>,
      %add3A_110 = arith.addf %add3A_103, %get3A_109 : vector<16xf32>
      %mul3A_111 = arith.constant 16 : i32
      %mul3A_112 = arith.muli %scan3A_76, %mul3A_111 : i32
      %get3A_113 = arith.constant 5 : i32
      %get3A_114 = arith.index_cast %get3A_113 : i32 to index
      %get3A_115 = arith.index_cast %mul3A_112 : i32 to index
      %get3A_116 = tpu.vector_load %arg7[%get3A_114, %get3A_115] {strides = array<i32>} : memref<16x160xf32, #tpu.memory_space<vmem>>, vector<16xf32>,
      %add3A_117 = arith.addf %add3A_110, %get3A_116 : vector<16xf32>
      %mul3A_118 = arith.constant 16 : i32
      %mul3A_119 = arith.muli %scan3A_76, %mul3A_118 : i32
      %get3A_120 = arith.constant 6 : i32
      %get3A_121 = arith.index_cast %get3A_120 : i32 to index
      %get3A_122 = arith.index_cast %mul3A_119 : i32 to index
      %get3A_123 = tpu.vector_load %arg7[%get3A_121, %get3A_122] {strides = array<i32>} : memref<16x160xf32, #tpu.memory_space<vmem>>, vector<16xf32>,
      %add3A_124 = arith.addf %add3A_117, %get3A_123 : vector<16xf32>
      %mul3A_125 = arith.constant 16 : i32
      %mul3A_126 = arith.muli %scan3A_76, %mul3A_125 : i32
      %get3A_127 = arith.constant 7 : i32
      %get3A_128 = arith.index_cast %get3A_127 : i32 to index
      %get3A_129 = arith.index_cast %mul3A_126 : i32 to index
      %get3A_130 = tpu.vector_load %arg7[%get3A_128, %get3A_129] {strides = array<i32>} : memref<16x160xf32, #tpu.memory_space<vmem>>, vector<16xf32>,
      %add3A_131 = arith.addf %add3A_124, %get3A_130 : vector<16xf32>
      %mul3A_132 = arith.constant 16 : i32
      %mul3A_133 = arith.muli %scan3A_76, %mul3A_132 : i32
      %get3A_134 = arith.constant 8 : i32
      %get3A_135 = arith.index_cast %get3A_134 : i32 to index
      %get3A_136 = arith.index_cast %mul3A_133 : i32 to index
      %get3A_137 = tpu.vector_load %arg7[%get3A_135, %get3A_136] {strides = array<i32>} : memref<16x160xf32, #tpu.memory_space<vmem>>, vector<16xf32>,
      %add3A_138 = arith.addf %add3A_131, %get3A_137 : vector<16xf32>
      %mul3A_139 = arith.constant 16 : i32
      %mul3A_140 = arith.muli %scan3A_76, %mul3A_139 : i32
      %get3A_141 = arith.constant 9 : i32
      %get3A_142 = arith.index_cast %get3A_141 : i32 to index
      %get3A_143 = arith.index_cast %mul3A_140 : i32 to index
      %get3A_144 = tpu.vector_load %arg7[%get3A_142, %get3A_143] {strides = array<i32>} : memref<16x160xf32, #tpu.memory_space<vmem>>, vector<16xf32>,
      %add3A_145 = arith.addf %add3A_138, %get3A_144 : vector<16xf32>
      %mul3A_146 = arith.constant 16 : i32
      %mul3A_147 = arith.muli %scan3A_76, %mul3A_146 : i32
      %get3A_148 = arith.constant 10 : i32
      %get3A_149 = arith.index_cast %get3A_148 : i32 to index
      %get3A_150 = arith.index_cast %mul3A_147 : i32 to index
      %get3A_151 = tpu.vector_load %arg7[%get3A_149, %get3A_150] {strides = array<i32>} : memref<16x160xf32, #tpu.memory_space<vmem>>, vector<16xf32>,
      %add3A_152 = arith.addf %add3A_145, %get3A_151 : vector<16xf32>
      %mul3A_153 = arith.constant 16 : i32
      %mul3A_154 = arith.muli %scan3A_76, %mul3A_153 : i32
      %get3A_155 = arith.constant 11 : i32
      %get3A_156 = arith.index_cast %get3A_155 : i32 to index
      %get3A_157 = arith.index_cast %mul3A_154 : i32 to index
      %get3A_158 = tpu.vector_load %arg7[%get3A_156, %get3A_157] {strides = array<i32>} : memref<16x160xf32, #tpu.memory_space<vmem>>, vector<16xf32>,
      %add3A_159 = arith.addf %add3A_152, %get3A_158 : vector<16xf32>
      %mul3A_160 = arith.constant 16 : i32
      %mul3A_161 = arith.muli %scan3A_76, %mul3A_160 : i32
      %get3A_162 = arith.constant 12 : i32
      %get3A_163 = arith.index_cast %get3A_162 : i32 to index
      %get3A_164 = arith.index_cast %mul3A_161 : i32 to index
      %get3A_165 = tpu.vector_load %arg7[%get3A_163, %get3A_164] {strides = array<i32>} : memref<16x160xf32, #tpu.memory_space<vmem>>, vector<16xf32>,
      %add3A_166 = arith.addf %add3A_159, %get3A_165 : vector<16xf32>
      %mul3A_167 = arith.constant 16 : i32
      %mul3A_168 = arith.muli %scan3A_76, %mul3A_167 : i32
      %get3A_169 = arith.constant 13 : i32
      %get3A_170 = arith.index_cast %get3A_169 : i32 to index
      %get3A_171 = arith.index_cast %mul3A_168 : i32 to index
      %get3A_172 = tpu.vector_load %arg7[%get3A_170, %get3A_171] {strides = array<i32>} : memref<16x160xf32, #tpu.memory_space<vmem>>, vector<16xf32>,
      %add3A_173 = arith.addf %add3A_166, %get3A_172 : vector<16xf32>
      %mul3A_174 = arith.constant 16 : i32
      %mul3A_175 = arith.muli %scan3A_76, %mul3A_174 : i32
      %get3A_176 = arith.constant 14 : i32
      %get3A_177 = arith.index_cast %get3A_176 : i32 to index
      %get3A_178 = arith.index_cast %mul3A_175 : i32 to index
      %get3A_179 = tpu.vector_load %arg7[%get3A_177, %get3A_178] {strides = array<i32>} : memref<16x160xf32, #tpu.memory_space<vmem>>, vector<16xf32>,
      %add3A_180 = arith.addf %add3A_173, %get3A_179 : vector<16xf32>
      %mul3A_181 = arith.constant 16 : i32
      %mul3A_182 = arith.muli %scan3A_76, %mul3A_181 : i32
      %get3A_183 = arith.constant 15 : i32
      %get3A_184 = arith.index_cast %get3A_183 : i32 to index
      %get3A_185 = arith.index_cast %mul3A_182 : i32 to index
      %get3A_186 = tpu.vector_load %arg7[%get3A_184, %get3A_185] {strides = array<i32>} : memref<16x160xf32, #tpu.memory_space<vmem>>, vector<16xf32>,
      %add3A_187 = arith.addf %add3A_180, %get3A_186 : vector<16xf32>
      %mul3A_188 = arith.constant 16 : i32
      %mul3A_189 = arith.muli %scan3A_76, %mul3A_188 : i32
      %swap3A = arith.index_cast %mul3A_189 : i32 to index
      %swap3A_190 = tpu.vector_load %arg8[%swap3A] {strides = array<i32>} : memref<160xf32, #tpu.memory_space<vmem>>, vector<16xf32>,
      tpu.vector_store %arg8[%swap3A], %add3A_187 {strides = array<i32>} : memref<160xf32, #tpu.memory_space<vmem>>, vector<16xf32>,
      %scan3A_191 = arith.constant 0 : i32
      scf.yield %scan3A_191 : i32
    }
    %scan3A_25 = arith.constant 10 : i32
    %mul3A_26 = arith.constant 160 : i32
    %mul3A_27 = arith.muli %arg1, %mul3A_26 : i32
    %add3A_28 = arith.constant 0 : i32
    %add3A_29 = arith.addi %add3A_28, %mul3A_27 : i32
    "tpu.region"() ({
      %run_scoped3A = tpu.sem_alloc : memref<!tpu.dma_semaphore, #tpu.memory_space<semaphore_mem>>
      %dma_start3A = tpu.memref_slice %arg3[%arg0, %add3A_29] : memref<2x10240xf32, #tpu.memory_space<hbm>> -> memref<1x160xf32, #tpu.memory_space<hbm>>
      %dma_start3A_76 = tpu.memref_squeeze %dma_start3A : memref<1x160xf32, #tpu.memory_space<hbm>> -> memref<160xf32, #tpu.memory_space<hbm>>
      %dma_start3A_77 = tpu.memref_slice %arg3[%arg0, %add3A_29] : memref<2x10240xf32, #tpu.memory_space<hbm>> -> memref<1x160xf32, #tpu.memory_space<hbm>>
      %dma_start3A_78 = tpu.memref_squeeze %dma_start3A_77 : memref<1x160xf32, #tpu.memory_space<hbm>> -> memref<160xf32, #tpu.memory_space<hbm>>
      tpu.enqueue_dma source(%arg8 : memref<160xf32, #tpu.memory_space<vmem>>) target(%dma_start3A_78 : memref<160xf32, #tpu.memory_space<hbm>>) target_semaphore(%run_scoped3A : memref<!tpu.dma_semaphore, #tpu.memory_space<semaphore_mem>>)
      %dma_wait3A = tpu.memref_slice %arg3[%arg0, %add3A_29] : memref<2x10240xf32, #tpu.memory_space<hbm>> -> memref<1x160xf32, #tpu.memory_space<hbm>>
      %dma_wait3A_79 = tpu.memref_squeeze %dma_wait3A : memref<1x160xf32, #tpu.memory_space<hbm>> -> memref<160xf32, #tpu.memory_space<hbm>>
      %dma_wait3A_80 = tpu.memref_slice %arg3[%arg0, %add3A_29] : memref<2x10240xf32, #tpu.memory_space<hbm>> -> memref<1x160xf32, #tpu.memory_space<hbm>>
      %dma_wait3A_81 = tpu.memref_squeeze %dma_wait3A_80 : memref<1x160xf32, #tpu.memory_space<hbm>> -> memref<160xf32, #tpu.memory_space<hbm>>
      tpu.wait_dma2 semaphore(%run_scoped3A : memref<!tpu.dma_semaphore, #tpu.memory_space<semaphore_mem>>) src(%arg8 : memref<160xf32, #tpu.memory_space<vmem>>) dst(%dma_wait3A_81 : memref<160xf32, #tpu.memory_space<hbm>>)
      tpu.yield
    }) : () -> ()
    %barrier3A_30 = arith.constant 0 : index
    tpu.barrier barrier_id(%barrier3A_30)
    "tpu.region"() ({
      %run_scoped3A = tpu.sem_alloc : memref<!tpu.dma_semaphore, #tpu.memory_space<semaphore_mem>>
      %dma_start3A = arith.constant 2560 : i32
      %dma_start3A_76 = tpu.memref_slice %arg4[%dma_start3A] : memref<10240xf32, #tpu.memory_space<vmem>> -> memref<2560xf32, #tpu.memory_space<vmem>>
      %dma_start3A_77 = arith.constant 0 : i32
      %dma_start3A_78 = tpu.memref_slice %arg6[%arg1, %dma_start3A_77] : memref<16x2560xf32, #tpu.memory_space<vmem_shared>> -> memref<1x2560xf32, #tpu.memory_space<vmem_shared>>
      %dma_start3A_79 = tpu.memref_squeeze %dma_start3A_78 : memref<1x2560xf32, #tpu.memory_space<vmem_shared>> -> memref<2560xf32, #tpu.memory_space<vmem_shared>>
      %dma_start3A_80 = arith.constant 0 : i32
      %dma_start3A_81 = tpu.memref_slice %arg6[%arg1, %dma_start3A_80] : memref<16x2560xf32, #tpu.memory_space<vmem_shared>> -> memref<1x2560xf32, #tpu.memory_space<vmem_shared>>
      %dma_start3A_82 = tpu.memref_squeeze %dma_start3A_81 : memref<1x2560xf32, #tpu.memory_space<vmem_shared>> -> memref<2560xf32, #tpu.memory_space<vmem_shared>>
      %dma_start3A_83 = arith.constant 2560 : i32
      %dma_start3A_84 = tpu.memref_slice %arg4[%dma_start3A_83] : memref<10240xf32, #tpu.memory_space<vmem>> -> memref<2560xf32, #tpu.memory_space<vmem>>
      tpu.enqueue_dma source(%dma_start3A_84 : memref<2560xf32, #tpu.memory_space<vmem>>) target(%dma_start3A_82 : memref<2560xf32, #tpu.memory_space<vmem_shared>>) target_semaphore(%run_scoped3A : memref<!tpu.dma_semaphore, #tpu.memory_space<semaphore_mem>>)
      %dma_wait3A = arith.constant 2560 : i32
      %dma_wait3A_85 = tpu.memref_slice %arg4[%dma_wait3A] : memref<10240xf32, #tpu.memory_space<vmem>> -> memref<2560xf32, #tpu.memory_space<vmem>>
      %dma_wait3A_86 = arith.constant 0 : i32
      %dma_wait3A_87 = tpu.memref_slice %arg6[%arg1, %dma_wait3A_86] : memref<16x2560xf32, #tpu.memory_space<vmem_shared>> -> memref<1x2560xf32, #tpu.memory_space<vmem_shared>>
      %dma_wait3A_88 = tpu.memref_squeeze %dma_wait3A_87 : memref<1x2560xf32, #tpu.memory_space<vmem_shared>> -> memref<2560xf32, #tpu.memory_space<vmem_shared>>
      %dma_wait3A_89 = arith.constant 0 : i32
      %dma_wait3A_90 = tpu.memref_slice %arg6[%arg1, %dma_wait3A_89] : memref<16x2560xf32, #tpu.memory_space<vmem_shared>> -> memref<1x2560xf32, #tpu.memory_space<vmem_shared>>
      %dma_wait3A_91 = tpu.memref_squeeze %dma_wait3A_90 : memref<1x2560xf32, #tpu.memory_space<vmem_shared>> -> memref<2560xf32, #tpu.memory_space<vmem_shared>>
      %dma_wait3A_92 = arith.constant 2560 : i32
      %dma_wait3A_93 = tpu.memref_slice %arg4[%dma_wait3A_92] : memref<10240xf32, #tpu.memory_space<vmem>> -> memref<2560xf32, #tpu.memory_space<vmem>>
      tpu.wait_dma2 semaphore(%run_scoped3A : memref<!tpu.dma_semaphore, #tpu.memory_space<semaphore_mem>>) src(%dma_wait3A_93 : memref<2560xf32, #tpu.memory_space<vmem>>) dst(%dma_wait3A_91 : memref<2560xf32, #tpu.memory_space<vmem_shared>>)
      tpu.yield
    }) : () -> ()
    %barrier3A_31 = arith.constant 0 : index
    tpu.barrier barrier_id(%barrier3A_31)
    %mul3A_32 = arith.constant 160 : i32
    %mul3A_33 = arith.muli %arg1, %mul3A_32 : i32
    "tpu.region"() ({
      %run_scoped3A = tpu.sem_alloc : memref<!tpu.dma_semaphore, #tpu.memory_space<semaphore_mem>>
      %dma_start3A = arith.constant 0 : i32
      %dma_start3A_76 = tpu.memref_slice %arg6[%dma_start3A, %mul3A_33] : memref<16x2560xf32, #tpu.memory_space<vmem_shared>> -> memref<16x160xf32, #tpu.memory_space<vmem_shared>>
      %dma_start3A_77 = arith.constant 0 : i32
      %dma_start3A_78 = tpu.memref_slice %arg6[%dma_start3A_77, %mul3A_33] : memref<16x2560xf32, #tpu.memory_space<vmem_shared>> -> memref<16x160xf32, #tpu.memory_space<vmem_shared>>
      tpu.enqueue_dma source(%dma_start3A_78 : memref<16x160xf32, #tpu.memory_space<vmem_shared>>) target(%arg7 : memref<16x160xf32, #tpu.memory_space<vmem>>) target_semaphore(%run_scoped3A : memref<!tpu.dma_semaphore, #tpu.memory_space<semaphore_mem>>)
      %dma_wait3A = arith.constant 0 : i32
      %dma_wait3A_79 = tpu.memref_slice %arg6[%dma_wait3A, %mul3A_33] : memref<16x2560xf32, #tpu.memory_space<vmem_shared>> -> memref<16x160xf32, #tpu.memory_space<vmem_shared>>
      %dma_wait3A_80 = arith.constant 0 : i32
      %dma_wait3A_81 = tpu.memref_slice %arg6[%dma_wait3A_80, %mul3A_33] : memref<16x2560xf32, #tpu.memory_space<vmem_shared>> -> memref<16x160xf32, #tpu.memory_space<vmem_shared>>
      tpu.wait_dma2 semaphore(%run_scoped3A : memref<!tpu.dma_semaphore, #tpu.memory_space<semaphore_mem>>) src(%dma_wait3A_81 : memref<16x160xf32, #tpu.memory_space<vmem_shared>>) dst(%arg7 : memref<16x160xf32, #tpu.memory_space<vmem>>)
      tpu.yield
    }) : () -> ()
    %scan3A_34 = arith.constant 0 : i32
    %scan3A_35 = arith.constant 0 : i32
    %scan3A_36 = arith.constant 10 : i32
    %scan3A_37 = arith.addi %scan3A_35, %scan3A_36 : i32
    %scan3A_38 = arith.constant 1 : i32
    %scan3A_39 = scf.for %scan3A_76 = %scan3A_35 to %scan3A_37 step %scan3A_38 iter_args(%scan3A_77 = %scan3A_34) -> (i32)  : i32 {
      %mul3A_78 = arith.constant 16 : i32
      %mul3A_79 = arith.muli %scan3A_76, %mul3A_78 : i32
      %get3A = arith.constant 0 : i32
      %get3A_80 = arith.index_cast %get3A : i32 to index
      %get3A_81 = arith.index_cast %mul3A_79 : i32 to index
      %get3A_82 = tpu.vector_load %arg7[%get3A_80, %get3A_81] {strides = array<i32>} : memref<16x160xf32, #tpu.memory_space<vmem>>, vector<16xf32>,
      %mul3A_83 = arith.constant 16 : i32
      %mul3A_84 = arith.muli %scan3A_76, %mul3A_83 : i32
      %get3A_85 = arith.constant 1 : i32
      %get3A_86 = arith.index_cast %get3A_85 : i32 to index
      %get3A_87 = arith.index_cast %mul3A_84 : i32 to index
      %get3A_88 = tpu.vector_load %arg7[%get3A_86, %get3A_87] {strides = array<i32>} : memref<16x160xf32, #tpu.memory_space<vmem>>, vector<16xf32>,
      %add3A_89 = arith.addf %get3A_82, %get3A_88 : vector<16xf32>
      %mul3A_90 = arith.constant 16 : i32
      %mul3A_91 = arith.muli %scan3A_76, %mul3A_90 : i32
      %get3A_92 = arith.constant 2 : i32
      %get3A_93 = arith.index_cast %get3A_92 : i32 to index
      %get3A_94 = arith.index_cast %mul3A_91 : i32 to index
      %get3A_95 = tpu.vector_load %arg7[%get3A_93, %get3A_94] {strides = array<i32>} : memref<16x160xf32, #tpu.memory_space<vmem>>, vector<16xf32>,
      %add3A_96 = arith.addf %add3A_89, %get3A_95 : vector<16xf32>
      %mul3A_97 = arith.constant 16 : i32
      %mul3A_98 = arith.muli %scan3A_76, %mul3A_97 : i32
      %get3A_99 = arith.constant 3 : i32
      %get3A_100 = arith.index_cast %get3A_99 : i32 to index
      %get3A_101 = arith.index_cast %mul3A_98 : i32 to index
      %get3A_102 = tpu.vector_load %arg7[%get3A_100, %get3A_101] {strides = array<i32>} : memref<16x160xf32, #tpu.memory_space<vmem>>, vector<16xf32>,
      %add3A_103 = arith.addf %add3A_96, %get3A_102 : vector<16xf32>
      %mul3A_104 = arith.constant 16 : i32
      %mul3A_105 = arith.muli %scan3A_76, %mul3A_104 : i32
      %get3A_106 = arith.constant 4 : i32
      %get3A_107 = arith.index_cast %get3A_106 : i32 to index
      %get3A_108 = arith.index_cast %mul3A_105 : i32 to index
      %get3A_109 = tpu.vector_load %arg7[%get3A_107, %get3A_108] {strides = array<i32>} : memref<16x160xf32, #tpu.memory_space<vmem>>, vector<16xf32>,
      %add3A_110 = arith.addf %add3A_103, %get3A_109 : vector<16xf32>
      %mul3A_111 = arith.constant 16 : i32
      %mul3A_112 = arith.muli %scan3A_76, %mul3A_111 : i32
      %get3A_113 = arith.constant 5 : i32
      %get3A_114 = arith.index_cast %get3A_113 : i32 to index
      %get3A_115 = arith.index_cast %mul3A_112 : i32 to index
      %get3A_116 = tpu.vector_load %arg7[%get3A_114, %get3A_115] {strides = array<i32>} : memref<16x160xf32, #tpu.memory_space<vmem>>, vector<16xf32>,
      %add3A_117 = arith.addf %add3A_110, %get3A_116 : vector<16xf32>
      %mul3A_118 = arith.constant 16 : i32
      %mul3A_119 = arith.muli %scan3A_76, %mul3A_118 : i32
      %get3A_120 = arith.constant 6 : i32
      %get3A_121 = arith.index_cast %get3A_120 : i32 to index
      %get3A_122 = arith.index_cast %mul3A_119 : i32 to index
      %get3A_123 = tpu.vector_load %arg7[%get3A_121, %get3A_122] {strides = array<i32>} : memref<16x160xf32, #tpu.memory_space<vmem>>, vector<16xf32>,
      %add3A_124 = arith.addf %add3A_117, %get3A_123 : vector<16xf32>
      %mul3A_125 = arith.constant 16 : i32
      %mul3A_126 = arith.muli %scan3A_76, %mul3A_125 : i32
      %get3A_127 = arith.constant 7 : i32
      %get3A_128 = arith.index_cast %get3A_127 : i32 to index
      %get3A_129 = arith.index_cast %mul3A_126 : i32 to index
      %get3A_130 = tpu.vector_load %arg7[%get3A_128, %get3A_129] {strides = array<i32>} : memref<16x160xf32, #tpu.memory_space<vmem>>, vector<16xf32>,
      %add3A_131 = arith.addf %add3A_124, %get3A_130 : vector<16xf32>
      %mul3A_132 = arith.constant 16 : i32
      %mul3A_133 = arith.muli %scan3A_76, %mul3A_132 : i32
      %get3A_134 = arith.constant 8 : i32
      %get3A_135 = arith.index_cast %get3A_134 : i32 to index
      %get3A_136 = arith.index_cast %mul3A_133 : i32 to index
      %get3A_137 = tpu.vector_load %arg7[%get3A_135, %get3A_136] {strides = array<i32>} : memref<16x160xf32, #tpu.memory_space<vmem>>, vector<16xf32>,
      %add3A_138 = arith.addf %add3A_131, %get3A_137 : vector<16xf32>
      %mul3A_139 = arith.constant 16 : i32
      %mul3A_140 = arith.muli %scan3A_76, %mul3A_139 : i32
      %get3A_141 = arith.constant 9 : i32
      %get3A_142 = arith.index_cast %get3A_141 : i32 to index
      %get3A_143 = arith.index_cast %mul3A_140 : i32 to index
      %get3A_144 = tpu.vector_load %arg7[%get3A_142, %get3A_143] {strides = array<i32>} : memref<16x160xf32, #tpu.memory_space<vmem>>, vector<16xf32>,
      %add3A_145 = arith.addf %add3A_138, %get3A_144 : vector<16xf32>
      %mul3A_146 = arith.constant 16 : i32
      %mul3A_147 = arith.muli %scan3A_76, %mul3A_146 : i32
      %get3A_148 = arith.constant 10 : i32
      %get3A_149 = arith.index_cast %get3A_148 : i32 to index
      %get3A_150 = arith.index_cast %mul3A_147 : i32 to index
      %get3A_151 = tpu.vector_load %arg7[%get3A_149, %get3A_150] {strides = array<i32>} : memref<16x160xf32, #tpu.memory_space<vmem>>, vector<16xf32>,
      %add3A_152 = arith.addf %add3A_145, %get3A_151 : vector<16xf32>
      %mul3A_153 = arith.constant 16 : i32
      %mul3A_154 = arith.muli %scan3A_76, %mul3A_153 : i32
      %get3A_155 = arith.constant 11 : i32
      %get3A_156 = arith.index_cast %get3A_155 : i32 to index
      %get3A_157 = arith.index_cast %mul3A_154 : i32 to index
      %get3A_158 = tpu.vector_load %arg7[%get3A_156, %get3A_157] {strides = array<i32>} : memref<16x160xf32, #tpu.memory_space<vmem>>, vector<16xf32>,
      %add3A_159 = arith.addf %add3A_152, %get3A_158 : vector<16xf32>
      %mul3A_160 = arith.constant 16 : i32
      %mul3A_161 = arith.muli %scan3A_76, %mul3A_160 : i32
      %get3A_162 = arith.constant 12 : i32
      %get3A_163 = arith.index_cast %get3A_162 : i32 to index
      %get3A_164 = arith.index_cast %mul3A_161 : i32 to index
      %get3A_165 = tpu.vector_load %arg7[%get3A_163, %get3A_164] {strides = array<i32>} : memref<16x160xf32, #tpu.memory_space<vmem>>, vector<16xf32>,
      %add3A_166 = arith.addf %add3A_159, %get3A_165 : vector<16xf32>
      %mul3A_167 = arith.constant 16 : i32
      %mul3A_168 = arith.muli %scan3A_76, %mul3A_167 : i32
      %get3A_169 = arith.constant 13 : i32
      %get3A_170 = arith.index_cast %get3A_169 : i32 to index
      %get3A_171 = arith.index_cast %mul3A_168 : i32 to index
      %get3A_172 = tpu.vector_load %arg7[%get3A_170, %get3A_171] {strides = array<i32>} : memref<16x160xf32, #tpu.memory_space<vmem>>, vector<16xf32>,
      %add3A_173 = arith.addf %add3A_166, %get3A_172 : vector<16xf32>
      %mul3A_174 = arith.constant 16 : i32
      %mul3A_175 = arith.muli %scan3A_76, %mul3A_174 : i32
      %get3A_176 = arith.constant 14 : i32
      %get3A_177 = arith.index_cast %get3A_176 : i32 to index
      %get3A_178 = arith.index_cast %mul3A_175 : i32 to index
      %get3A_179 = tpu.vector_load %arg7[%get3A_177, %get3A_178] {strides = array<i32>} : memref<16x160xf32, #tpu.memory_space<vmem>>, vector<16xf32>,
      %add3A_180 = arith.addf %add3A_173, %get3A_179 : vector<16xf32>
      %mul3A_181 = arith.constant 16 : i32
      %mul3A_182 = arith.muli %scan3A_76, %mul3A_181 : i32
      %get3A_183 = arith.constant 15 : i32
      %get3A_184 = arith.index_cast %get3A_183 : i32 to index
      %get3A_185 = arith.index_cast %mul3A_182 : i32 to index
      %get3A_186 = tpu.vector_load %arg7[%get3A_184, %get3A_185] {strides = array<i32>} : memref<16x160xf32, #tpu.memory_space<vmem>>, vector<16xf32>,
      %add3A_187 = arith.addf %add3A_180, %get3A_186 : vector<16xf32>
      %mul3A_188 = arith.constant 16 : i32
      %mul3A_189 = arith.muli %scan3A_76, %mul3A_188 : i32
      %swap3A = arith.index_cast %mul3A_189 : i32 to index
      %swap3A_190 = tpu.vector_load %arg8[%swap3A] {strides = array<i32>} : memref<160xf32, #tpu.memory_space<vmem>>, vector<16xf32>,
      tpu.vector_store %arg8[%swap3A], %add3A_187 {strides = array<i32>} : memref<160xf32, #tpu.memory_space<vmem>>, vector<16xf32>,
      %scan3A_191 = arith.constant 0 : i32
      scf.yield %scan3A_191 : i32
    }
    %scan3A_40 = arith.constant 10 : i32
    %mul3A_41 = arith.constant 160 : i32
    %mul3A_42 = arith.muli %arg1, %mul3A_41 : i32
    %add3A_43 = arith.constant 2560 : i32
    %add3A_44 = arith.addi %add3A_43, %mul3A_42 : i32
    "tpu.region"() ({
      %run_scoped3A = tpu.sem_alloc : memref<!tpu.dma_semaphore, #tpu.memory_space<semaphore_mem>>
      %dma_start3A = tpu.memref_slice %arg3[%arg0, %add3A_44] : memref<2x10240xf32, #tpu.memory_space<hbm>> -> memref<1x160xf32, #tpu.memory_space<hbm>>
      %dma_start3A_76 = tpu.memref_squeeze %dma_start3A : memref<1x160xf32, #tpu.memory_space<hbm>> -> memref<160xf32, #tpu.memory_space<hbm>>
      %dma_start3A_77 = tpu.memref_slice %arg3[%arg0, %add3A_44] : memref<2x10240xf32, #tpu.memory_space<hbm>> -> memref<1x160xf32, #tpu.memory_space<hbm>>
      %dma_start3A_78 = tpu.memref_squeeze %dma_start3A_77 : memref<1x160xf32, #tpu.memory_space<hbm>> -> memref<160xf32, #tpu.memory_space<hbm>>
      tpu.enqueue_dma source(%arg8 : memref<160xf32, #tpu.memory_space<vmem>>) target(%dma_start3A_78 : memref<160xf32, #tpu.memory_space<hbm>>) target_semaphore(%run_scoped3A : memref<!tpu.dma_semaphore, #tpu.memory_space<semaphore_mem>>)
      %dma_wait3A = tpu.memref_slice %arg3[%arg0, %add3A_44] : memref<2x10240xf32, #tpu.memory_space<hbm>> -> memref<1x160xf32, #tpu.memory_space<hbm>>
      %dma_wait3A_79 = tpu.memref_squeeze %dma_wait3A : memref<1x160xf32, #tpu.memory_space<hbm>> -> memref<160xf32, #tpu.memory_space<hbm>>
      %dma_wait3A_80 = tpu.memref_slice %arg3[%arg0, %add3A_44] : memref<2x10240xf32, #tpu.memory_space<hbm>> -> memref<1x160xf32, #tpu.memory_space<hbm>>
      %dma_wait3A_81 = tpu.memref_squeeze %dma_wait3A_80 : memref<1x160xf32, #tpu.memory_space<hbm>> -> memref<160xf32, #tpu.memory_space<hbm>>
      tpu.wait_dma2 semaphore(%run_scoped3A : memref<!tpu.dma_semaphore, #tpu.memory_space<semaphore_mem>>) src(%arg8 : memref<160xf32, #tpu.memory_space<vmem>>) dst(%dma_wait3A_81 : memref<160xf32, #tpu.memory_space<hbm>>)
      tpu.yield
    }) : () -> ()
    %barrier3A_45 = arith.constant 0 : index
    tpu.barrier barrier_id(%barrier3A_45)
    "tpu.region"() ({
      %run_scoped3A = tpu.sem_alloc : memref<!tpu.dma_semaphore, #tpu.memory_space<semaphore_mem>>
      %dma_start3A = arith.constant 5120 : i32
      %dma_start3A_76 = tpu.memref_slice %arg4[%dma_start3A] : memref<10240xf32, #tpu.memory_space<vmem>> -> memref<2560xf32, #tpu.memory_space<vmem>>
      %dma_start3A_77 = arith.constant 0 : i32
      %dma_start3A_78 = tpu.memref_slice %arg6[%arg1, %dma_start3A_77] : memref<16x2560xf32, #tpu.memory_space<vmem_shared>> -> memref<1x2560xf32, #tpu.memory_space<vmem_shared>>
      %dma_start3A_79 = tpu.memref_squeeze %dma_start3A_78 : memref<1x2560xf32, #tpu.memory_space<vmem_shared>> -> memref<2560xf32, #tpu.memory_space<vmem_shared>>
      %dma_start3A_80 = arith.constant 0 : i32
      %dma_start3A_81 = tpu.memref_slice %arg6[%arg1, %dma_start3A_80] : memref<16x2560xf32, #tpu.memory_space<vmem_shared>> -> memref<1x2560xf32, #tpu.memory_space<vmem_shared>>
      %dma_start3A_82 = tpu.memref_squeeze %dma_start3A_81 : memref<1x2560xf32, #tpu.memory_space<vmem_shared>> -> memref<2560xf32, #tpu.memory_space<vmem_shared>>
      %dma_start3A_83 = arith.constant 5120 : i32
      %dma_start3A_84 = tpu.memref_slice %arg4[%dma_start3A_83] : memref<10240xf32, #tpu.memory_space<vmem>> -> memref<2560xf32, #tpu.memory_space<vmem>>
      tpu.enqueue_dma source(%dma_start3A_84 : memref<2560xf32, #tpu.memory_space<vmem>>) target(%dma_start3A_82 : memref<2560xf32, #tpu.memory_space<vmem_shared>>) target_semaphore(%run_scoped3A : memref<!tpu.dma_semaphore, #tpu.memory_space<semaphore_mem>>)
      %dma_wait3A = arith.constant 5120 : i32
      %dma_wait3A_85 = tpu.memref_slice %arg4[%dma_wait3A] : memref<10240xf32, #tpu.memory_space<vmem>> -> memref<2560xf32, #tpu.memory_space<vmem>>
      %dma_wait3A_86 = arith.constant 0 : i32
      %dma_wait3A_87 = tpu.memref_slice %arg6[%arg1, %dma_wait3A_86] : memref<16x2560xf32, #tpu.memory_space<vmem_shared>> -> memref<1x2560xf32, #tpu.memory_space<vmem_shared>>
      %dma_wait3A_88 = tpu.memref_squeeze %dma_wait3A_87 : memref<1x2560xf32, #tpu.memory_space<vmem_shared>> -> memref<2560xf32, #tpu.memory_space<vmem_shared>>
      %dma_wait3A_89 = arith.constant 0 : i32
      %dma_wait3A_90 = tpu.memref_slice %arg6[%arg1, %dma_wait3A_89] : memref<16x2560xf32, #tpu.memory_space<vmem_shared>> -> memref<1x2560xf32, #tpu.memory_space<vmem_shared>>
      %dma_wait3A_91 = tpu.memref_squeeze %dma_wait3A_90 : memref<1x2560xf32, #tpu.memory_space<vmem_shared>> -> memref<2560xf32, #tpu.memory_space<vmem_shared>>
      %dma_wait3A_92 = arith.constant 5120 : i32
      %dma_wait3A_93 = tpu.memref_slice %arg4[%dma_wait3A_92] : memref<10240xf32, #tpu.memory_space<vmem>> -> memref<2560xf32, #tpu.memory_space<vmem>>
      tpu.wait_dma2 semaphore(%run_scoped3A : memref<!tpu.dma_semaphore, #tpu.memory_space<semaphore_mem>>) src(%dma_wait3A_93 : memref<2560xf32, #tpu.memory_space<vmem>>) dst(%dma_wait3A_91 : memref<2560xf32, #tpu.memory_space<vmem_shared>>)
      tpu.yield
    }) : () -> ()
    %barrier3A_46 = arith.constant 0 : index
    tpu.barrier barrier_id(%barrier3A_46)
    %mul3A_47 = arith.constant 160 : i32
    %mul3A_48 = arith.muli %arg1, %mul3A_47 : i32
    "tpu.region"() ({
      %run_scoped3A = tpu.sem_alloc : memref<!tpu.dma_semaphore, #tpu.memory_space<semaphore_mem>>
      %dma_start3A = arith.constant 0 : i32
      %dma_start3A_76 = tpu.memref_slice %arg6[%dma_start3A, %mul3A_48] : memref<16x2560xf32, #tpu.memory_space<vmem_shared>> -> memref<16x160xf32, #tpu.memory_space<vmem_shared>>
      %dma_start3A_77 = arith.constant 0 : i32
      %dma_start3A_78 = tpu.memref_slice %arg6[%dma_start3A_77, %mul3A_48] : memref<16x2560xf32, #tpu.memory_space<vmem_shared>> -> memref<16x160xf32, #tpu.memory_space<vmem_shared>>
      tpu.enqueue_dma source(%dma_start3A_78 : memref<16x160xf32, #tpu.memory_space<vmem_shared>>) target(%arg7 : memref<16x160xf32, #tpu.memory_space<vmem>>) target_semaphore(%run_scoped3A : memref<!tpu.dma_semaphore, #tpu.memory_space<semaphore_mem>>)
      %dma_wait3A = arith.constant 0 : i32
      %dma_wait3A_79 = tpu.memref_slice %arg6[%dma_wait3A, %mul3A_48] : memref<16x2560xf32, #tpu.memory_space<vmem_shared>> -> memref<16x160xf32, #tpu.memory_space<vmem_shared>>
      %dma_wait3A_80 = arith.constant 0 : i32
      %dma_wait3A_81 = tpu.memref_slice %arg6[%dma_wait3A_80, %mul3A_48] : memref<16x2560xf32, #tpu.memory_space<vmem_shared>> -> memref<16x160xf32, #tpu.memory_space<vmem_shared>>
      tpu.wait_dma2 semaphore(%run_scoped3A : memref<!tpu.dma_semaphore, #tpu.memory_space<semaphore_mem>>) src(%dma_wait3A_81 : memref<16x160xf32, #tpu.memory_space<vmem_shared>>) dst(%arg7 : memref<16x160xf32, #tpu.memory_space<vmem>>)
      tpu.yield
    }) : () -> ()
    %scan3A_49 = arith.constant 0 : i32
    %scan3A_50 = arith.constant 0 : i32
    %scan3A_51 = arith.constant 10 : i32
    %scan3A_52 = arith.addi %scan3A_50, %scan3A_51 : i32
    %scan3A_53 = arith.constant 1 : i32
    %scan3A_54 = scf.for %scan3A_76 = %scan3A_50 to %scan3A_52 step %scan3A_53 iter_args(%scan3A_77 = %scan3A_49) -> (i32)  : i32 {
      %mul3A_78 = arith.constant 16 : i32
      %mul3A_79 = arith.muli %scan3A_76, %mul3A_78 : i32
      %get3A = arith.constant 0 : i32
      %get3A_80 = arith.index_cast %get3A : i32 to index
      %get3A_81 = arith.index_cast %mul3A_79 : i32 to index
      %get3A_82 = tpu.vector_load %arg7[%get3A_80, %get3A_81] {strides = array<i32>} : memref<16x160xf32, #tpu.memory_space<vmem>>, vector<16xf32>,
      %mul3A_83 = arith.constant 16 : i32
      %mul3A_84 = arith.muli %scan3A_76, %mul3A_83 : i32
      %get3A_85 = arith.constant 1 : i32
      %get3A_86 = arith.index_cast %get3A_85 : i32 to index
      %get3A_87 = arith.index_cast %mul3A_84 : i32 to index
      %get3A_88 = tpu.vector_load %arg7[%get3A_86, %get3A_87] {strides = array<i32>} : memref<16x160xf32, #tpu.memory_space<vmem>>, vector<16xf32>,
      %add3A_89 = arith.addf %get3A_82, %get3A_88 : vector<16xf32>
      %mul3A_90 = arith.constant 16 : i32
      %mul3A_91 = arith.muli %scan3A_76, %mul3A_90 : i32
      %get3A_92 = arith.constant 2 : i32
      %get3A_93 = arith.index_cast %get3A_92 : i32 to index
      %get3A_94 = arith.index_cast %mul3A_91 : i32 to index
      %get3A_95 = tpu.vector_load %arg7[%get3A_93, %get3A_94] {strides = array<i32>} : memref<16x160xf32, #tpu.memory_space<vmem>>, vector<16xf32>,
      %add3A_96 = arith.addf %add3A_89, %get3A_95 : vector<16xf32>
      %mul3A_97 = arith.constant 16 : i32
      %mul3A_98 = arith.muli %scan3A_76, %mul3A_97 : i32
      %get3A_99 = arith.constant 3 : i32
      %get3A_100 = arith.index_cast %get3A_99 : i32 to index
      %get3A_101 = arith.index_cast %mul3A_98 : i32 to index
      %get3A_102 = tpu.vector_load %arg7[%get3A_100, %get3A_101] {strides = array<i32>} : memref<16x160xf32, #tpu.memory_space<vmem>>, vector<16xf32>,
      %add3A_103 = arith.addf %add3A_96, %get3A_102 : vector<16xf32>
      %mul3A_104 = arith.constant 16 : i32
      %mul3A_105 = arith.muli %scan3A_76, %mul3A_104 : i32
      %get3A_106 = arith.constant 4 : i32
      %get3A_107 = arith.index_cast %get3A_106 : i32 to index
      %get3A_108 = arith.index_cast %mul3A_105 : i32 to index
      %get3A_109 = tpu.vector_load %arg7[%get3A_107, %get3A_108] {strides = array<i32>} : memref<16x160xf32, #tpu.memory_space<vmem>>, vector<16xf32>,
      %add3A_110 = arith.addf %add3A_103, %get3A_109 : vector<16xf32>
      %mul3A_111 = arith.constant 16 : i32
      %mul3A_112 = arith.muli %scan3A_76, %mul3A_111 : i32
      %get3A_113 = arith.constant 5 : i32
      %get3A_114 = arith.index_cast %get3A_113 : i32 to index
      %get3A_115 = arith.index_cast %mul3A_112 : i32 to index
      %get3A_116 = tpu.vector_load %arg7[%get3A_114, %get3A_115] {strides = array<i32>} : memref<16x160xf32, #tpu.memory_space<vmem>>, vector<16xf32>,
      %add3A_117 = arith.addf %add3A_110, %get3A_116 : vector<16xf32>
      %mul3A_118 = arith.constant 16 : i32
      %mul3A_119 = arith.muli %scan3A_76, %mul3A_118 : i32
      %get3A_120 = arith.constant 6 : i32
      %get3A_121 = arith.index_cast %get3A_120 : i32 to index
      %get3A_122 = arith.index_cast %mul3A_119 : i32 to index
      %get3A_123 = tpu.vector_load %arg7[%get3A_121, %get3A_122] {strides = array<i32>} : memref<16x160xf32, #tpu.memory_space<vmem>>, vector<16xf32>,
      %add3A_124 = arith.addf %add3A_117, %get3A_123 : vector<16xf32>
      %mul3A_125 = arith.constant 16 : i32
      %mul3A_126 = arith.muli %scan3A_76, %mul3A_125 : i32
      %get3A_127 = arith.constant 7 : i32
      %get3A_128 = arith.index_cast %get3A_127 : i32 to index
      %get3A_129 = arith.index_cast %mul3A_126 : i32 to index
      %get3A_130 = tpu.vector_load %arg7[%get3A_128, %get3A_129] {strides = array<i32>} : memref<16x160xf32, #tpu.memory_space<vmem>>, vector<16xf32>,
      %add3A_131 = arith.addf %add3A_124, %get3A_130 : vector<16xf32>
      %mul3A_132 = arith.constant 16 : i32
      %mul3A_133 = arith.muli %scan3A_76, %mul3A_132 : i32
      %get3A_134 = arith.constant 8 : i32
      %get3A_135 = arith.index_cast %get3A_134 : i32 to index
      %get3A_136 = arith.index_cast %mul3A_133 : i32 to index
      %get3A_137 = tpu.vector_load %arg7[%get3A_135, %get3A_136] {strides = array<i32>} : memref<16x160xf32, #tpu.memory_space<vmem>>, vector<16xf32>,
      %add3A_138 = arith.addf %add3A_131, %get3A_137 : vector<16xf32>
      %mul3A_139 = arith.constant 16 : i32
      %mul3A_140 = arith.muli %scan3A_76, %mul3A_139 : i32
      %get3A_141 = arith.constant 9 : i32
      %get3A_142 = arith.index_cast %get3A_141 : i32 to index
      %get3A_143 = arith.index_cast %mul3A_140 : i32 to index
      %get3A_144 = tpu.vector_load %arg7[%get3A_142, %get3A_143] {strides = array<i32>} : memref<16x160xf32, #tpu.memory_space<vmem>>, vector<16xf32>,
      %add3A_145 = arith.addf %add3A_138, %get3A_144 : vector<16xf32>
      %mul3A_146 = arith.constant 16 : i32
      %mul3A_147 = arith.muli %scan3A_76, %mul3A_146 : i32
      %get3A_148 = arith.constant 10 : i32
      %get3A_149 = arith.index_cast %get3A_148 : i32 to index
      %get3A_150 = arith.index_cast %mul3A_147 : i32 to index
      %get3A_151 = tpu.vector_load %arg7[%get3A_149, %get3A_150] {strides = array<i32>} : memref<16x160xf32, #tpu.memory_space<vmem>>, vector<16xf32>,
      %add3A_152 = arith.addf %add3A_145, %get3A_151 : vector<16xf32>
      %mul3A_153 = arith.constant 16 : i32
      %mul3A_154 = arith.muli %scan3A_76, %mul3A_153 : i32
      %get3A_155 = arith.constant 11 : i32
      %get3A_156 = arith.index_cast %get3A_155 : i32 to index
      %get3A_157 = arith.index_cast %mul3A_154 : i32 to index
      %get3A_158 = tpu.vector_load %arg7[%get3A_156, %get3A_157] {strides = array<i32>} : memref<16x160xf32, #tpu.memory_space<vmem>>, vector<16xf32>,
      %add3A_159 = arith.addf %add3A_152, %get3A_158 : vector<16xf32>
      %mul3A_160 = arith.constant 16 : i32
      %mul3A_161 = arith.muli %scan3A_76, %mul3A_160 : i32
      %get3A_162 = arith.constant 12 : i32
      %get3A_163 = arith.index_cast %get3A_162 : i32 to index
      %get3A_164 = arith.index_cast %mul3A_161 : i32 to index
      %get3A_165 = tpu.vector_load %arg7[%get3A_163, %get3A_164] {strides = array<i32>} : memref<16x160xf32, #tpu.memory_space<vmem>>, vector<16xf32>,
      %add3A_166 = arith.addf %add3A_159, %get3A_165 : vector<16xf32>
      %mul3A_167 = arith.constant 16 : i32
      %mul3A_168 = arith.muli %scan3A_76, %mul3A_167 : i32
      %get3A_169 = arith.constant 13 : i32
      %get3A_170 = arith.index_cast %get3A_169 : i32 to index
      %get3A_171 = arith.index_cast %mul3A_168 : i32 to index
      %get3A_172 = tpu.vector_load %arg7[%get3A_170, %get3A_171] {strides = array<i32>} : memref<16x160xf32, #tpu.memory_space<vmem>>, vector<16xf32>,
      %add3A_173 = arith.addf %add3A_166, %get3A_172 : vector<16xf32>
      %mul3A_174 = arith.constant 16 : i32
      %mul3A_175 = arith.muli %scan3A_76, %mul3A_174 : i32
      %get3A_176 = arith.constant 14 : i32
      %get3A_177 = arith.index_cast %get3A_176 : i32 to index
      %get3A_178 = arith.index_cast %mul3A_175 : i32 to index
      %get3A_179 = tpu.vector_load %arg7[%get3A_177, %get3A_178] {strides = array<i32>} : memref<16x160xf32, #tpu.memory_space<vmem>>, vector<16xf32>,
      %add3A_180 = arith.addf %add3A_173, %get3A_179 : vector<16xf32>
      %mul3A_181 = arith.constant 16 : i32
      %mul3A_182 = arith.muli %scan3A_76, %mul3A_181 : i32
      %get3A_183 = arith.constant 15 : i32
      %get3A_184 = arith.index_cast %get3A_183 : i32 to index
      %get3A_185 = arith.index_cast %mul3A_182 : i32 to index
      %get3A_186 = tpu.vector_load %arg7[%get3A_184, %get3A_185] {strides = array<i32>} : memref<16x160xf32, #tpu.memory_space<vmem>>, vector<16xf32>,
      %add3A_187 = arith.addf %add3A_180, %get3A_186 : vector<16xf32>
      %mul3A_188 = arith.constant 16 : i32
      %mul3A_189 = arith.muli %scan3A_76, %mul3A_188 : i32
      %swap3A = arith.index_cast %mul3A_189 : i32 to index
      %swap3A_190 = tpu.vector_load %arg8[%swap3A] {strides = array<i32>} : memref<160xf32, #tpu.memory_space<vmem>>, vector<16xf32>,
      tpu.vector_store %arg8[%swap3A], %add3A_187 {strides = array<i32>} : memref<160xf32, #tpu.memory_space<vmem>>, vector<16xf32>,
      %scan3A_191 = arith.constant 0 : i32
      scf.yield %scan3A_191 : i32
    }
    %scan3A_55 = arith.constant 10 : i32
    %mul3A_56 = arith.constant 160 : i32
    %mul3A_57 = arith.muli %arg1, %mul3A_56 : i32
    %add3A_58 = arith.constant 5120 : i32
    %add3A_59 = arith.addi %add3A_58, %mul3A_57 : i32
    "tpu.region"() ({
      %run_scoped3A = tpu.sem_alloc : memref<!tpu.dma_semaphore, #tpu.memory_space<semaphore_mem>>
      %dma_start3A = tpu.memref_slice %arg3[%arg0, %add3A_59] : memref<2x10240xf32, #tpu.memory_space<hbm>> -> memref<1x160xf32, #tpu.memory_space<hbm>>
      %dma_start3A_76 = tpu.memref_squeeze %dma_start3A : memref<1x160xf32, #tpu.memory_space<hbm>> -> memref<160xf32, #tpu.memory_space<hbm>>
      %dma_start3A_77 = tpu.memref_slice %arg3[%arg0, %add3A_59] : memref<2x10240xf32, #tpu.memory_space<hbm>> -> memref<1x160xf32, #tpu.memory_space<hbm>>
      %dma_start3A_78 = tpu.memref_squeeze %dma_start3A_77 : memref<1x160xf32, #tpu.memory_space<hbm>> -> memref<160xf32, #tpu.memory_space<hbm>>
      tpu.enqueue_dma source(%arg8 : memref<160xf32, #tpu.memory_space<vmem>>) target(%dma_start3A_78 : memref<160xf32, #tpu.memory_space<hbm>>) target_semaphore(%run_scoped3A : memref<!tpu.dma_semaphore, #tpu.memory_space<semaphore_mem>>)
      %dma_wait3A = tpu.memref_slice %arg3[%arg0, %add3A_59] : memref<2x10240xf32, #tpu.memory_space<hbm>> -> memref<1x160xf32, #tpu.memory_space<hbm>>
      %dma_wait3A_79 = tpu.memref_squeeze %dma_wait3A : memref<1x160xf32, #tpu.memory_space<hbm>> -> memref<160xf32, #tpu.memory_space<hbm>>
      %dma_wait3A_80 = tpu.memref_slice %arg3[%arg0, %add3A_59] : memref<2x10240xf32, #tpu.memory_space<hbm>> -> memref<1x160xf32, #tpu.memory_space<hbm>>
      %dma_wait3A_81 = tpu.memref_squeeze %dma_wait3A_80 : memref<1x160xf32, #tpu.memory_space<hbm>> -> memref<160xf32, #tpu.memory_space<hbm>>
      tpu.wait_dma2 semaphore(%run_scoped3A : memref<!tpu.dma_semaphore, #tpu.memory_space<semaphore_mem>>) src(%arg8 : memref<160xf32, #tpu.memory_space<vmem>>) dst(%dma_wait3A_81 : memref<160xf32, #tpu.memory_space<hbm>>)
      tpu.yield
    }) : () -> ()
    %barrier3A_60 = arith.constant 0 : index
    tpu.barrier barrier_id(%barrier3A_60)
    "tpu.region"() ({
      %run_scoped3A = tpu.sem_alloc : memref<!tpu.dma_semaphore, #tpu.memory_space<semaphore_mem>>
      %dma_start3A = arith.constant 7680 : i32
      %dma_start3A_76 = tpu.memref_slice %arg4[%dma_start3A] : memref<10240xf32, #tpu.memory_space<vmem>> -> memref<2560xf32, #tpu.memory_space<vmem>>
      %dma_start3A_77 = arith.constant 0 : i32
      %dma_start3A_78 = tpu.memref_slice %arg6[%arg1, %dma_start3A_77] : memref<16x2560xf32, #tpu.memory_space<vmem_shared>> -> memref<1x2560xf32, #tpu.memory_space<vmem_shared>>
      %dma_start3A_79 = tpu.memref_squeeze %dma_start3A_78 : memref<1x2560xf32, #tpu.memory_space<vmem_shared>> -> memref<2560xf32, #tpu.memory_space<vmem_shared>>
      %dma_start3A_80 = arith.constant 0 : i32
      %dma_start3A_81 = tpu.memref_slice %arg6[%arg1, %dma_start3A_80] : memref<16x2560xf32, #tpu.memory_space<vmem_shared>> -> memref<1x2560xf32, #tpu.memory_space<vmem_shared>>
      %dma_start3A_82 = tpu.memref_squeeze %dma_start3A_81 : memref<1x2560xf32, #tpu.memory_space<vmem_shared>> -> memref<2560xf32, #tpu.memory_space<vmem_shared>>
      %dma_start3A_83 = arith.constant 7680 : i32
      %dma_start3A_84 = tpu.memref_slice %arg4[%dma_start3A_83] : memref<10240xf32, #tpu.memory_space<vmem>> -> memref<2560xf32, #tpu.memory_space<vmem>>
      tpu.enqueue_dma source(%dma_start3A_84 : memref<2560xf32, #tpu.memory_space<vmem>>) target(%dma_start3A_82 : memref<2560xf32, #tpu.memory_space<vmem_shared>>) target_semaphore(%run_scoped3A : memref<!tpu.dma_semaphore, #tpu.memory_space<semaphore_mem>>)
      %dma_wait3A = arith.constant 7680 : i32
      %dma_wait3A_85 = tpu.memref_slice %arg4[%dma_wait3A] : memref<10240xf32, #tpu.memory_space<vmem>> -> memref<2560xf32, #tpu.memory_space<vmem>>
      %dma_wait3A_86 = arith.constant 0 : i32
      %dma_wait3A_87 = tpu.memref_slice %arg6[%arg1, %dma_wait3A_86] : memref<16x2560xf32, #tpu.memory_space<vmem_shared>> -> memref<1x2560xf32, #tpu.memory_space<vmem_shared>>
      %dma_wait3A_88 = tpu.memref_squeeze %dma_wait3A_87 : memref<1x2560xf32, #tpu.memory_space<vmem_shared>> -> memref<2560xf32, #tpu.memory_space<vmem_shared>>
      %dma_wait3A_89 = arith.constant 0 : i32
      %dma_wait3A_90 = tpu.memref_slice %arg6[%arg1, %dma_wait3A_89] : memref<16x2560xf32, #tpu.memory_space<vmem_shared>> -> memref<1x2560xf32, #tpu.memory_space<vmem_shared>>
      %dma_wait3A_91 = tpu.memref_squeeze %dma_wait3A_90 : memref<1x2560xf32, #tpu.memory_space<vmem_shared>> -> memref<2560xf32, #tpu.memory_space<vmem_shared>>
      %dma_wait3A_92 = arith.constant 7680 : i32
      %dma_wait3A_93 = tpu.memref_slice %arg4[%dma_wait3A_92] : memref<10240xf32, #tpu.memory_space<vmem>> -> memref<2560xf32, #tpu.memory_space<vmem>>
      tpu.wait_dma2 semaphore(%run_scoped3A : memref<!tpu.dma_semaphore, #tpu.memory_space<semaphore_mem>>) src(%dma_wait3A_93 : memref<2560xf32, #tpu.memory_space<vmem>>) dst(%dma_wait3A_91 : memref<2560xf32, #tpu.memory_space<vmem_shared>>)
      tpu.yield
    }) : () -> ()
    %barrier3A_61 = arith.constant 0 : index
    tpu.barrier barrier_id(%barrier3A_61)
    %mul3A_62 = arith.constant 160 : i32
    %mul3A_63 = arith.muli %arg1, %mul3A_62 : i32
    "tpu.region"() ({
      %run_scoped3A = tpu.sem_alloc : memref<!tpu.dma_semaphore, #tpu.memory_space<semaphore_mem>>
      %dma_start3A = arith.constant 0 : i32
      %dma_start3A_76 = tpu.memref_slice %arg6[%dma_start3A, %mul3A_63] : memref<16x2560xf32, #tpu.memory_space<vmem_shared>> -> memref<16x160xf32, #tpu.memory_space<vmem_shared>>
      %dma_start3A_77 = arith.constant 0 : i32
      %dma_start3A_78 = tpu.memref_slice %arg6[%dma_start3A_77, %mul3A_63] : memref<16x2560xf32, #tpu.memory_space<vmem_shared>> -> memref<16x160xf32, #tpu.memory_space<vmem_shared>>
      tpu.enqueue_dma source(%dma_start3A_78 : memref<16x160xf32, #tpu.memory_space<vmem_shared>>) target(%arg7 : memref<16x160xf32, #tpu.memory_space<vmem>>) target_semaphore(%run_scoped3A : memref<!tpu.dma_semaphore, #tpu.memory_space<semaphore_mem>>)
      %dma_wait3A = arith.constant 0 : i32
      %dma_wait3A_79 = tpu.memref_slice %arg6[%dma_wait3A, %mul3A_63] : memref<16x2560xf32, #tpu.memory_space<vmem_shared>> -> memref<16x160xf32, #tpu.memory_space<vmem_shared>>
      %dma_wait3A_80 = arith.constant 0 : i32
      %dma_wait3A_81 = tpu.memref_slice %arg6[%dma_wait3A_80, %mul3A_63] : memref<16x2560xf32, #tpu.memory_space<vmem_shared>> -> memref<16x160xf32, #tpu.memory_space<vmem_shared>>
      tpu.wait_dma2 semaphore(%run_scoped3A : memref<!tpu.dma_semaphore, #tpu.memory_space<semaphore_mem>>) src(%dma_wait3A_81 : memref<16x160xf32, #tpu.memory_space<vmem_shared>>) dst(%arg7 : memref<16x160xf32, #tpu.memory_space<vmem>>)
      tpu.yield
    }) : () -> ()
    %scan3A_64 = arith.constant 0 : i32
    %scan3A_65 = arith.constant 0 : i32
    %scan3A_66 = arith.constant 10 : i32
    %scan3A_67 = arith.addi %scan3A_65, %scan3A_66 : i32
    %scan3A_68 = arith.constant 1 : i32
    %scan3A_69 = scf.for %scan3A_76 = %scan3A_65 to %scan3A_67 step %scan3A_68 iter_args(%scan3A_77 = %scan3A_64) -> (i32)  : i32 {
      %mul3A_78 = arith.constant 16 : i32
      %mul3A_79 = arith.muli %scan3A_76, %mul3A_78 : i32
      %get3A = arith.constant 0 : i32
      %get3A_80 = arith.index_cast %get3A : i32 to index
      %get3A_81 = arith.index_cast %mul3A_79 : i32 to index
      %get3A_82 = tpu.vector_load %arg7[%get3A_80, %get3A_81] {strides = array<i32>} : memref<16x160xf32, #tpu.memory_space<vmem>>, vector<16xf32>,
      %mul3A_83 = arith.constant 16 : i32
      %mul3A_84 = arith.muli %scan3A_76, %mul3A_83 : i32
      %get3A_85 = arith.constant 1 : i32
      %get3A_86 = arith.index_cast %get3A_85 : i32 to index
      %get3A_87 = arith.index_cast %mul3A_84 : i32 to index
      %get3A_88 = tpu.vector_load %arg7[%get3A_86, %get3A_87] {strides = array<i32>} : memref<16x160xf32, #tpu.memory_space<vmem>>, vector<16xf32>,
      %add3A_89 = arith.addf %get3A_82, %get3A_88 : vector<16xf32>
      %mul3A_90 = arith.constant 16 : i32
      %mul3A_91 = arith.muli %scan3A_76, %mul3A_90 : i32
      %get3A_92 = arith.constant 2 : i32
      %get3A_93 = arith.index_cast %get3A_92 : i32 to index
      %get3A_94 = arith.index_cast %mul3A_91 : i32 to index
      %get3A_95 = tpu.vector_load %arg7[%get3A_93, %get3A_94] {strides = array<i32>} : memref<16x160xf32, #tpu.memory_space<vmem>>, vector<16xf32>,
      %add3A_96 = arith.addf %add3A_89, %get3A_95 : vector<16xf32>
      %mul3A_97 = arith.constant 16 : i32
      %mul3A_98 = arith.muli %scan3A_76, %mul3A_97 : i32
      %get3A_99 = arith.constant 3 : i32
      %get3A_100 = arith.index_cast %get3A_99 : i32 to index
      %get3A_101 = arith.index_cast %mul3A_98 : i32 to index
      %get3A_102 = tpu.vector_load %arg7[%get3A_100, %get3A_101] {strides = array<i32>} : memref<16x160xf32, #tpu.memory_space<vmem>>, vector<16xf32>,
      %add3A_103 = arith.addf %add3A_96, %get3A_102 : vector<16xf32>
      %mul3A_104 = arith.constant 16 : i32
      %mul3A_105 = arith.muli %scan3A_76, %mul3A_104 : i32
      %get3A_106 = arith.constant 4 : i32
      %get3A_107 = arith.index_cast %get3A_106 : i32 to index
      %get3A_108 = arith.index_cast %mul3A_105 : i32 to index
      %get3A_109 = tpu.vector_load %arg7[%get3A_107, %get3A_108] {strides = array<i32>} : memref<16x160xf32, #tpu.memory_space<vmem>>, vector<16xf32>,
      %add3A_110 = arith.addf %add3A_103, %get3A_109 : vector<16xf32>
      %mul3A_111 = arith.constant 16 : i32
      %mul3A_112 = arith.muli %scan3A_76, %mul3A_111 : i32
      %get3A_113 = arith.constant 5 : i32
      %get3A_114 = arith.index_cast %get3A_113 : i32 to index
      %get3A_115 = arith.index_cast %mul3A_112 : i32 to index
      %get3A_116 = tpu.vector_load %arg7[%get3A_114, %get3A_115] {strides = array<i32>} : memref<16x160xf32, #tpu.memory_space<vmem>>, vector<16xf32>,
      %add3A_117 = arith.addf %add3A_110, %get3A_116 : vector<16xf32>
      %mul3A_118 = arith.constant 16 : i32
      %mul3A_119 = arith.muli %scan3A_76, %mul3A_118 : i32
      %get3A_120 = arith.constant 6 : i32
      %get3A_121 = arith.index_cast %get3A_120 : i32 to index
      %get3A_122 = arith.index_cast %mul3A_119 : i32 to index
      %get3A_123 = tpu.vector_load %arg7[%get3A_121, %get3A_122] {strides = array<i32>} : memref<16x160xf32, #tpu.memory_space<vmem>>, vector<16xf32>,
      %add3A_124 = arith.addf %add3A_117, %get3A_123 : vector<16xf32>
      %mul3A_125 = arith.constant 16 : i32
      %mul3A_126 = arith.muli %scan3A_76, %mul3A_125 : i32
      %get3A_127 = arith.constant 7 : i32
      %get3A_128 = arith.index_cast %get3A_127 : i32 to index
      %get3A_129 = arith.index_cast %mul3A_126 : i32 to index
      %get3A_130 = tpu.vector_load %arg7[%get3A_128, %get3A_129] {strides = array<i32>} : memref<16x160xf32, #tpu.memory_space<vmem>>, vector<16xf32>,
      %add3A_131 = arith.addf %add3A_124, %get3A_130 : vector<16xf32>
      %mul3A_132 = arith.constant 16 : i32
      %mul3A_133 = arith.muli %scan3A_76, %mul3A_132 : i32
      %get3A_134 = arith.constant 8 : i32
      %get3A_135 = arith.index_cast %get3A_134 : i32 to index
      %get3A_136 = arith.index_cast %mul3A_133 : i32 to index
      %get3A_137 = tpu.vector_load %arg7[%get3A_135, %get3A_136] {strides = array<i32>} : memref<16x160xf32, #tpu.memory_space<vmem>>, vector<16xf32>,
      %add3A_138 = arith.addf %add3A_131, %get3A_137 : vector<16xf32>
      %mul3A_139 = arith.constant 16 : i32
      %mul3A_140 = arith.muli %scan3A_76, %mul3A_139 : i32
      %get3A_141 = arith.constant 9 : i32
      %get3A_142 = arith.index_cast %get3A_141 : i32 to index
      %get3A_143 = arith.index_cast %mul3A_140 : i32 to index
      %get3A_144 = tpu.vector_load %arg7[%get3A_142, %get3A_143] {strides = array<i32>} : memref<16x160xf32, #tpu.memory_space<vmem>>, vector<16xf32>,
      %add3A_145 = arith.addf %add3A_138, %get3A_144 : vector<16xf32>
      %mul3A_146 = arith.constant 16 : i32
      %mul3A_147 = arith.muli %scan3A_76, %mul3A_146 : i32
      %get3A_148 = arith.constant 10 : i32
      %get3A_149 = arith.index_cast %get3A_148 : i32 to index
      %get3A_150 = arith.index_cast %mul3A_147 : i32 to index
      %get3A_151 = tpu.vector_load %arg7[%get3A_149, %get3A_150] {strides = array<i32>} : memref<16x160xf32, #tpu.memory_space<vmem>>, vector<16xf32>,
      %add3A_152 = arith.addf %add3A_145, %get3A_151 : vector<16xf32>
      %mul3A_153 = arith.constant 16 : i32
      %mul3A_154 = arith.muli %scan3A_76, %mul3A_153 : i32
      %get3A_155 = arith.constant 11 : i32
      %get3A_156 = arith.index_cast %get3A_155 : i32 to index
      %get3A_157 = arith.index_cast %mul3A_154 : i32 to index
      %get3A_158 = tpu.vector_load %arg7[%get3A_156, %get3A_157] {strides = array<i32>} : memref<16x160xf32, #tpu.memory_space<vmem>>, vector<16xf32>,
      %add3A_159 = arith.addf %add3A_152, %get3A_158 : vector<16xf32>
      %mul3A_160 = arith.constant 16 : i32
      %mul3A_161 = arith.muli %scan3A_76, %mul3A_160 : i32
      %get3A_162 = arith.constant 12 : i32
      %get3A_163 = arith.index_cast %get3A_162 : i32 to index
      %get3A_164 = arith.index_cast %mul3A_161 : i32 to index
      %get3A_165 = tpu.vector_load %arg7[%get3A_163, %get3A_164] {strides = array<i32>} : memref<16x160xf32, #tpu.memory_space<vmem>>, vector<16xf32>,
      %add3A_166 = arith.addf %add3A_159, %get3A_165 : vector<16xf32>
      %mul3A_167 = arith.constant 16 : i32
      %mul3A_168 = arith.muli %scan3A_76, %mul3A_167 : i32
      %get3A_169 = arith.constant 13 : i32
      %get3A_170 = arith.index_cast %get3A_169 : i32 to index
      %get3A_171 = arith.index_cast %mul3A_168 : i32 to index
      %get3A_172 = tpu.vector_load %arg7[%get3A_170, %get3A_171] {strides = array<i32>} : memref<16x160xf32, #tpu.memory_space<vmem>>, vector<16xf32>,
      %add3A_173 = arith.addf %add3A_166, %get3A_172 : vector<16xf32>
      %mul3A_174 = arith.constant 16 : i32
      %mul3A_175 = arith.muli %scan3A_76, %mul3A_174 : i32
      %get3A_176 = arith.constant 14 : i32
      %get3A_177 = arith.index_cast %get3A_176 : i32 to index
      %get3A_178 = arith.index_cast %mul3A_175 : i32 to index
      %get3A_179 = tpu.vector_load %arg7[%get3A_177, %get3A_178] {strides = array<i32>} : memref<16x160xf32, #tpu.memory_space<vmem>>, vector<16xf32>,
      %add3A_180 = arith.addf %add3A_173, %get3A_179 : vector<16xf32>
      %mul3A_181 = arith.constant 16 : i32
      %mul3A_182 = arith.muli %scan3A_76, %mul3A_181 : i32
      %get3A_183 = arith.constant 15 : i32
      %get3A_184 = arith.index_cast %get3A_183 : i32 to index
      %get3A_185 = arith.index_cast %mul3A_182 : i32 to index
      %get3A_186 = tpu.vector_load %arg7[%get3A_184, %get3A_185] {strides = array<i32>} : memref<16x160xf32, #tpu.memory_space<vmem>>, vector<16xf32>,
      %add3A_187 = arith.addf %add3A_180, %get3A_186 : vector<16xf32>
      %mul3A_188 = arith.constant 16 : i32
      %mul3A_189 = arith.muli %scan3A_76, %mul3A_188 : i32
      %swap3A = arith.index_cast %mul3A_189 : i32 to index
      %swap3A_190 = tpu.vector_load %arg8[%swap3A] {strides = array<i32>} : memref<160xf32, #tpu.memory_space<vmem>>, vector<16xf32>,
      tpu.vector_store %arg8[%swap3A], %add3A_187 {strides = array<i32>} : memref<160xf32, #tpu.memory_space<vmem>>, vector<16xf32>,
      %scan3A_191 = arith.constant 0 : i32
      scf.yield %scan3A_191 : i32
    }
    %scan3A_70 = arith.constant 10 : i32
    %mul3A_71 = arith.constant 160 : i32
    %mul3A_72 = arith.muli %arg1, %mul3A_71 : i32
    %add3A_73 = arith.constant 7680 : i32
    %add3A_74 = arith.addi %add3A_73, %mul3A_72 : i32
    "tpu.region"() ({
      %run_scoped3A = tpu.sem_alloc : memref<!tpu.dma_semaphore, #tpu.memory_space<semaphore_mem>>
      %dma_start3A = tpu.memref_slice %arg3[%arg0, %add3A_74] : memref<2x10240xf32, #tpu.memory_space<hbm>> -> memref<1x160xf32, #tpu.memory_space<hbm>>
      %dma_start3A_76 = tpu.memref_squeeze %dma_start3A : memref<1x160xf32, #tpu.memory_space<hbm>> -> memref<160xf32, #tpu.memory_space<hbm>>
      %dma_start3A_77 = tpu.memref_slice %arg3[%arg0, %add3A_74] : memref<2x10240xf32, #tpu.memory_space<hbm>> -> memref<1x160xf32, #tpu.memory_space<hbm>>
      %dma_start3A_78 = tpu.memref_squeeze %dma_start3A_77 : memref<1x160xf32, #tpu.memory_space<hbm>> -> memref<160xf32, #tpu.memory_space<hbm>>
      tpu.enqueue_dma source(%arg8 : memref<160xf32, #tpu.memory_space<vmem>>) target(%dma_start3A_78 : memref<160xf32, #tpu.memory_space<hbm>>) target_semaphore(%run_scoped3A : memref<!tpu.dma_semaphore, #tpu.memory_space<semaphore_mem>>)
      %dma_wait3A = tpu.memref_slice %arg3[%arg0, %add3A_74] : memref<2x10240xf32, #tpu.memory_space<hbm>> -> memref<1x160xf32, #tpu.memory_space<hbm>>
      %dma_wait3A_79 = tpu.memref_squeeze %dma_wait3A : memref<1x160xf32, #tpu.memory_space<hbm>> -> memref<160xf32, #tpu.memory_space<hbm>>
      %dma_wait3A_80 = tpu.memref_slice %arg3[%arg0, %add3A_74] : memref<2x10240xf32, #tpu.memory_space<hbm>> -> memref<1x160xf32, #tpu.memory_space<hbm>>
      %dma_wait3A_81 = tpu.memref_squeeze %dma_wait3A_80 : memref<1x160xf32, #tpu.memory_space<hbm>> -> memref<160xf32, #tpu.memory_space<hbm>>
      tpu.wait_dma2 semaphore(%run_scoped3A : memref<!tpu.dma_semaphore, #tpu.memory_space<semaphore_mem>>) src(%arg8 : memref<160xf32, #tpu.memory_space<vmem>>) dst(%dma_wait3A_81 : memref<160xf32, #tpu.memory_space<hbm>>)
      tpu.yield
    }) : () -> ()
    %barrier3A_75 = arith.constant 0 : index
    tpu.barrier barrier_id(%barrier3A_75)
    return
  }
}

#map = affine_map<(d0, d1) -> (0, 0)>
#map1 = affine_map<(d0, d1) -> (0, 0, 0)>
module attributes {stable_mosaic.version = 14 : i64} {
  func.func @agg_kernel(%arg0: i32, %arg1: i32, %arg2: memref<20480x128xf32, #tpu.memory_space<hbm>>, %arg3: memref<160x16x128xi32, #tpu.memory_space<hbm>>, %arg4: memref<160x16x128xi32, #tpu.memory_space<hbm>>, %arg5: memref<2x10240x128xf32, #tpu.memory_space<hbm>>, %arg6: memref<16x128xi32, #tpu.memory_space<vmem>>, %arg7: memref<16x128xi32, #tpu.memory_space<vmem>>, %arg8: memref<128x128xf32, #tpu.memory_space<vmem>>, %arg9: memref<128x128xf32, #tpu.memory_space<vmem>>, %arg10: memref<10240x128xf32, #tpu.memory_space<vmem_shared>>, %arg11: memref<16x128xf32, #tpu.memory_space<vmem>>, %arg12: memref<!tpu.dma_semaphore, #tpu.memory_space<semaphore_mem>>, %arg13: memref<!tpu.dma_semaphore, #tpu.memory_space<semaphore_mem>>, %arg14: memref<!tpu.dma_semaphore, #tpu.memory_space<semaphore_mem>>, %arg15: memref<!tpu.dma_semaphore, #tpu.memory_space<semaphore_mem>>) attributes {dimension_semantics = [#tpu.dimension_semantics<core_parallel>, #tpu.dimension_semantics<subcore_parallel>], iteration_bounds = array<i64: 2, 16>, scalar_prefetch = 0 : i64, scratch_operands = 10 : i64, tpu.core_type = #tpu.core_type<sc_vector_subcore>, window_params = [{transform_indices = #map}, {transform_indices = #map1}, {transform_indices = #map1}, {transform_indices = #map1}]} {
    %mul3A = arith.constant 16 : i32
    %mul3A_0 = arith.muli %arg0, %mul3A : i32
    %add3A = arith.addi %mul3A_0, %arg1 : i32
    %broadcast_in_dim3A = arith.constant 0.000000e+00 : f32
    %broadcast_in_dim3A_1 = vector.broadcast %broadcast_in_dim3A : f32 to vector<16xf32>
    %swap3A = arith.constant 0 : i32
    %swap3A_2 = arith.index_cast %swap3A : i32 to index
    %swap3A_3 = arith.constant 0 : index
    %swap3A_4 = tpu.vector_load %arg11[%swap3A_2, %swap3A_3] {strides = array<i32>} : memref<16x128xf32, #tpu.memory_space<vmem>>, vector<16xf32>,
    tpu.vector_store %arg11[%swap3A_2, %swap3A_3], %broadcast_in_dim3A_1 {strides = array<i32>} : memref<16x128xf32, #tpu.memory_space<vmem>>, vector<16xf32>,
    %swap3A_5 = arith.constant 0 : i32
    %swap3A_6 = arith.index_cast %swap3A_5 : i32 to index
    %swap3A_7 = arith.constant 16 : index
    %swap3A_8 = tpu.vector_load %arg11[%swap3A_6, %swap3A_7] {strides = array<i32>} : memref<16x128xf32, #tpu.memory_space<vmem>>, vector<16xf32>,
    tpu.vector_store %arg11[%swap3A_6, %swap3A_7], %broadcast_in_dim3A_1 {strides = array<i32>} : memref<16x128xf32, #tpu.memory_space<vmem>>, vector<16xf32>,
    %swap3A_9 = arith.constant 0 : i32
    %swap3A_10 = arith.index_cast %swap3A_9 : i32 to index
    %swap3A_11 = arith.constant 32 : index
    %swap3A_12 = tpu.vector_load %arg11[%swap3A_10, %swap3A_11] {strides = array<i32>} : memref<16x128xf32, #tpu.memory_space<vmem>>, vector<16xf32>,
    tpu.vector_store %arg11[%swap3A_10, %swap3A_11], %broadcast_in_dim3A_1 {strides = array<i32>} : memref<16x128xf32, #tpu.memory_space<vmem>>, vector<16xf32>,
    %swap3A_13 = arith.constant 0 : i32
    %swap3A_14 = arith.index_cast %swap3A_13 : i32 to index
    %swap3A_15 = arith.constant 48 : index
    %swap3A_16 = tpu.vector_load %arg11[%swap3A_14, %swap3A_15] {strides = array<i32>} : memref<16x128xf32, #tpu.memory_space<vmem>>, vector<16xf32>,
    tpu.vector_store %arg11[%swap3A_14, %swap3A_15], %broadcast_in_dim3A_1 {strides = array<i32>} : memref<16x128xf32, #tpu.memory_space<vmem>>, vector<16xf32>,
    %swap3A_17 = arith.constant 0 : i32
    %swap3A_18 = arith.index_cast %swap3A_17 : i32 to index
    %swap3A_19 = arith.constant 64 : index
    %swap3A_20 = tpu.vector_load %arg11[%swap3A_18, %swap3A_19] {strides = array<i32>} : memref<16x128xf32, #tpu.memory_space<vmem>>, vector<16xf32>,
    tpu.vector_store %arg11[%swap3A_18, %swap3A_19], %broadcast_in_dim3A_1 {strides = array<i32>} : memref<16x128xf32, #tpu.memory_space<vmem>>, vector<16xf32>,
    %swap3A_21 = arith.constant 0 : i32
    %swap3A_22 = arith.index_cast %swap3A_21 : i32 to index
    %swap3A_23 = arith.constant 80 : index
    %swap3A_24 = tpu.vector_load %arg11[%swap3A_22, %swap3A_23] {strides = array<i32>} : memref<16x128xf32, #tpu.memory_space<vmem>>, vector<16xf32>,
    tpu.vector_store %arg11[%swap3A_22, %swap3A_23], %broadcast_in_dim3A_1 {strides = array<i32>} : memref<16x128xf32, #tpu.memory_space<vmem>>, vector<16xf32>,
    %swap3A_25 = arith.constant 0 : i32
    %swap3A_26 = arith.index_cast %swap3A_25 : i32 to index
    %swap3A_27 = arith.constant 96 : index
    %swap3A_28 = tpu.vector_load %arg11[%swap3A_26, %swap3A_27] {strides = array<i32>} : memref<16x128xf32, #tpu.memory_space<vmem>>, vector<16xf32>,
    tpu.vector_store %arg11[%swap3A_26, %swap3A_27], %broadcast_in_dim3A_1 {strides = array<i32>} : memref<16x128xf32, #tpu.memory_space<vmem>>, vector<16xf32>,
    %swap3A_29 = arith.constant 0 : i32
    %swap3A_30 = arith.index_cast %swap3A_29 : i32 to index
    %swap3A_31 = arith.constant 112 : index
    %swap3A_32 = tpu.vector_load %arg11[%swap3A_30, %swap3A_31] {strides = array<i32>} : memref<16x128xf32, #tpu.memory_space<vmem>>, vector<16xf32>,
    tpu.vector_store %arg11[%swap3A_30, %swap3A_31], %broadcast_in_dim3A_1 {strides = array<i32>} : memref<16x128xf32, #tpu.memory_space<vmem>>, vector<16xf32>,
    %swap3A_33 = arith.constant 1 : i32
    %swap3A_34 = arith.index_cast %swap3A_33 : i32 to index
    %swap3A_35 = arith.constant 0 : index
    %swap3A_36 = tpu.vector_load %arg11[%swap3A_34, %swap3A_35] {strides = array<i32>} : memref<16x128xf32, #tpu.memory_space<vmem>>, vector<16xf32>,
    tpu.vector_store %arg11[%swap3A_34, %swap3A_35], %broadcast_in_dim3A_1 {strides = array<i32>} : memref<16x128xf32, #tpu.memory_space<vmem>>, vector<16xf32>,
    %swap3A_37 = arith.constant 1 : i32
    %swap3A_38 = arith.index_cast %swap3A_37 : i32 to index
    %swap3A_39 = arith.constant 16 : index
    %swap3A_40 = tpu.vector_load %arg11[%swap3A_38, %swap3A_39] {strides = array<i32>} : memref<16x128xf32, #tpu.memory_space<vmem>>, vector<16xf32>,
    tpu.vector_store %arg11[%swap3A_38, %swap3A_39], %broadcast_in_dim3A_1 {strides = array<i32>} : memref<16x128xf32, #tpu.memory_space<vmem>>, vector<16xf32>,
    %swap3A_41 = arith.constant 1 : i32
    %swap3A_42 = arith.index_cast %swap3A_41 : i32 to index
    %swap3A_43 = arith.constant 32 : index
    %swap3A_44 = tpu.vector_load %arg11[%swap3A_42, %swap3A_43] {strides = array<i32>} : memref<16x128xf32, #tpu.memory_space<vmem>>, vector<16xf32>,
    tpu.vector_store %arg11[%swap3A_42, %swap3A_43], %broadcast_in_dim3A_1 {strides = array<i32>} : memref<16x128xf32, #tpu.memory_space<vmem>>, vector<16xf32>,
    %swap3A_45 = arith.constant 1 : i32
    %swap3A_46 = arith.index_cast %swap3A_45 : i32 to index
    %swap3A_47 = arith.constant 48 : index
    %swap3A_48 = tpu.vector_load %arg11[%swap3A_46, %swap3A_47] {strides = array<i32>} : memref<16x128xf32, #tpu.memory_space<vmem>>, vector<16xf32>,
    tpu.vector_store %arg11[%swap3A_46, %swap3A_47], %broadcast_in_dim3A_1 {strides = array<i32>} : memref<16x128xf32, #tpu.memory_space<vmem>>, vector<16xf32>,
    %swap3A_49 = arith.constant 1 : i32
    %swap3A_50 = arith.index_cast %swap3A_49 : i32 to index
    %swap3A_51 = arith.constant 64 : index
    %swap3A_52 = tpu.vector_load %arg11[%swap3A_50, %swap3A_51] {strides = array<i32>} : memref<16x128xf32, #tpu.memory_space<vmem>>, vector<16xf32>,
    tpu.vector_store %arg11[%swap3A_50, %swap3A_51], %broadcast_in_dim3A_1 {strides = array<i32>} : memref<16x128xf32, #tpu.memory_space<vmem>>, vector<16xf32>,
    %swap3A_53 = arith.constant 1 : i32
    %swap3A_54 = arith.index_cast %swap3A_53 : i32 to index
    %swap3A_55 = arith.constant 80 : index
    %swap3A_56 = tpu.vector_load %arg11[%swap3A_54, %swap3A_55] {strides = array<i32>} : memref<16x128xf32, #tpu.memory_space<vmem>>, vector<16xf32>,
    tpu.vector_store %arg11[%swap3A_54, %swap3A_55], %broadcast_in_dim3A_1 {strides = array<i32>} : memref<16x128xf32, #tpu.memory_space<vmem>>, vector<16xf32>,
    %swap3A_57 = arith.constant 1 : i32
    %swap3A_58 = arith.index_cast %swap3A_57 : i32 to index
    %swap3A_59 = arith.constant 96 : index
    %swap3A_60 = tpu.vector_load %arg11[%swap3A_58, %swap3A_59] {strides = array<i32>} : memref<16x128xf32, #tpu.memory_space<vmem>>, vector<16xf32>,
    tpu.vector_store %arg11[%swap3A_58, %swap3A_59], %broadcast_in_dim3A_1 {strides = array<i32>} : memref<16x128xf32, #tpu.memory_space<vmem>>, vector<16xf32>,
    %swap3A_61 = arith.constant 1 : i32
    %swap3A_62 = arith.index_cast %swap3A_61 : i32 to index
    %swap3A_63 = arith.constant 112 : index
    %swap3A_64 = tpu.vector_load %arg11[%swap3A_62, %swap3A_63] {strides = array<i32>} : memref<16x128xf32, #tpu.memory_space<vmem>>, vector<16xf32>,
    tpu.vector_store %arg11[%swap3A_62, %swap3A_63], %broadcast_in_dim3A_1 {strides = array<i32>} : memref<16x128xf32, #tpu.memory_space<vmem>>, vector<16xf32>,
    %swap3A_65 = arith.constant 2 : i32
    %swap3A_66 = arith.index_cast %swap3A_65 : i32 to index
    %swap3A_67 = arith.constant 0 : index
    %swap3A_68 = tpu.vector_load %arg11[%swap3A_66, %swap3A_67] {strides = array<i32>} : memref<16x128xf32, #tpu.memory_space<vmem>>, vector<16xf32>,
    tpu.vector_store %arg11[%swap3A_66, %swap3A_67], %broadcast_in_dim3A_1 {strides = array<i32>} : memref<16x128xf32, #tpu.memory_space<vmem>>, vector<16xf32>,
    %swap3A_69 = arith.constant 2 : i32
    %swap3A_70 = arith.index_cast %swap3A_69 : i32 to index
    %swap3A_71 = arith.constant 16 : index
    %swap3A_72 = tpu.vector_load %arg11[%swap3A_70, %swap3A_71] {strides = array<i32>} : memref<16x128xf32, #tpu.memory_space<vmem>>, vector<16xf32>,
    tpu.vector_store %arg11[%swap3A_70, %swap3A_71], %broadcast_in_dim3A_1 {strides = array<i32>} : memref<16x128xf32, #tpu.memory_space<vmem>>, vector<16xf32>,
    %swap3A_73 = arith.constant 2 : i32
    %swap3A_74 = arith.index_cast %swap3A_73 : i32 to index
    %swap3A_75 = arith.constant 32 : index
    %swap3A_76 = tpu.vector_load %arg11[%swap3A_74, %swap3A_75] {strides = array<i32>} : memref<16x128xf32, #tpu.memory_space<vmem>>, vector<16xf32>,
    tpu.vector_store %arg11[%swap3A_74, %swap3A_75], %broadcast_in_dim3A_1 {strides = array<i32>} : memref<16x128xf32, #tpu.memory_space<vmem>>, vector<16xf32>,
    %swap3A_77 = arith.constant 2 : i32
    %swap3A_78 = arith.index_cast %swap3A_77 : i32 to index
    %swap3A_79 = arith.constant 48 : index
    %swap3A_80 = tpu.vector_load %arg11[%swap3A_78, %swap3A_79] {strides = array<i32>} : memref<16x128xf32, #tpu.memory_space<vmem>>, vector<16xf32>,
    tpu.vector_store %arg11[%swap3A_78, %swap3A_79], %broadcast_in_dim3A_1 {strides = array<i32>} : memref<16x128xf32, #tpu.memory_space<vmem>>, vector<16xf32>,
    %swap3A_81 = arith.constant 2 : i32
    %swap3A_82 = arith.index_cast %swap3A_81 : i32 to index
    %swap3A_83 = arith.constant 64 : index
    %swap3A_84 = tpu.vector_load %arg11[%swap3A_82, %swap3A_83] {strides = array<i32>} : memref<16x128xf32, #tpu.memory_space<vmem>>, vector<16xf32>,
    tpu.vector_store %arg11[%swap3A_82, %swap3A_83], %broadcast_in_dim3A_1 {strides = array<i32>} : memref<16x128xf32, #tpu.memory_space<vmem>>, vector<16xf32>,
    %swap3A_85 = arith.constant 2 : i32
    %swap3A_86 = arith.index_cast %swap3A_85 : i32 to index
    %swap3A_87 = arith.constant 80 : index
    %swap3A_88 = tpu.vector_load %arg11[%swap3A_86, %swap3A_87] {strides = array<i32>} : memref<16x128xf32, #tpu.memory_space<vmem>>, vector<16xf32>,
    tpu.vector_store %arg11[%swap3A_86, %swap3A_87], %broadcast_in_dim3A_1 {strides = array<i32>} : memref<16x128xf32, #tpu.memory_space<vmem>>, vector<16xf32>,
    %swap3A_89 = arith.constant 2 : i32
    %swap3A_90 = arith.index_cast %swap3A_89 : i32 to index
    %swap3A_91 = arith.constant 96 : index
    %swap3A_92 = tpu.vector_load %arg11[%swap3A_90, %swap3A_91] {strides = array<i32>} : memref<16x128xf32, #tpu.memory_space<vmem>>, vector<16xf32>,
    tpu.vector_store %arg11[%swap3A_90, %swap3A_91], %broadcast_in_dim3A_1 {strides = array<i32>} : memref<16x128xf32, #tpu.memory_space<vmem>>, vector<16xf32>,
    %swap3A_93 = arith.constant 2 : i32
    %swap3A_94 = arith.index_cast %swap3A_93 : i32 to index
    %swap3A_95 = arith.constant 112 : index
    %swap3A_96 = tpu.vector_load %arg11[%swap3A_94, %swap3A_95] {strides = array<i32>} : memref<16x128xf32, #tpu.memory_space<vmem>>, vector<16xf32>,
    tpu.vector_store %arg11[%swap3A_94, %swap3A_95], %broadcast_in_dim3A_1 {strides = array<i32>} : memref<16x128xf32, #tpu.memory_space<vmem>>, vector<16xf32>,
    %swap3A_97 = arith.constant 3 : i32
    %swap3A_98 = arith.index_cast %swap3A_97 : i32 to index
    %swap3A_99 = arith.constant 0 : index
    %swap3A_100 = tpu.vector_load %arg11[%swap3A_98, %swap3A_99] {strides = array<i32>} : memref<16x128xf32, #tpu.memory_space<vmem>>, vector<16xf32>,
    tpu.vector_store %arg11[%swap3A_98, %swap3A_99], %broadcast_in_dim3A_1 {strides = array<i32>} : memref<16x128xf32, #tpu.memory_space<vmem>>, vector<16xf32>,
    %swap3A_101 = arith.constant 3 : i32
    %swap3A_102 = arith.index_cast %swap3A_101 : i32 to index
    %swap3A_103 = arith.constant 16 : index
    %swap3A_104 = tpu.vector_load %arg11[%swap3A_102, %swap3A_103] {strides = array<i32>} : memref<16x128xf32, #tpu.memory_space<vmem>>, vector<16xf32>,
    tpu.vector_store %arg11[%swap3A_102, %swap3A_103], %broadcast_in_dim3A_1 {strides = array<i32>} : memref<16x128xf32, #tpu.memory_space<vmem>>, vector<16xf32>,
    %swap3A_105 = arith.constant 3 : i32
    %swap3A_106 = arith.index_cast %swap3A_105 : i32 to index
    %swap3A_107 = arith.constant 32 : index
    %swap3A_108 = tpu.vector_load %arg11[%swap3A_106, %swap3A_107] {strides = array<i32>} : memref<16x128xf32, #tpu.memory_space<vmem>>, vector<16xf32>,
    tpu.vector_store %arg11[%swap3A_106, %swap3A_107], %broadcast_in_dim3A_1 {strides = array<i32>} : memref<16x128xf32, #tpu.memory_space<vmem>>, vector<16xf32>,
    %swap3A_109 = arith.constant 3 : i32
    %swap3A_110 = arith.index_cast %swap3A_109 : i32 to index
    %swap3A_111 = arith.constant 48 : index
    %swap3A_112 = tpu.vector_load %arg11[%swap3A_110, %swap3A_111] {strides = array<i32>} : memref<16x128xf32, #tpu.memory_space<vmem>>, vector<16xf32>,
    tpu.vector_store %arg11[%swap3A_110, %swap3A_111], %broadcast_in_dim3A_1 {strides = array<i32>} : memref<16x128xf32, #tpu.memory_space<vmem>>, vector<16xf32>,
    %swap3A_113 = arith.constant 3 : i32
    %swap3A_114 = arith.index_cast %swap3A_113 : i32 to index
    %swap3A_115 = arith.constant 64 : index
    %swap3A_116 = tpu.vector_load %arg11[%swap3A_114, %swap3A_115] {strides = array<i32>} : memref<16x128xf32, #tpu.memory_space<vmem>>, vector<16xf32>,
    tpu.vector_store %arg11[%swap3A_114, %swap3A_115], %broadcast_in_dim3A_1 {strides = array<i32>} : memref<16x128xf32, #tpu.memory_space<vmem>>, vector<16xf32>,
    %swap3A_117 = arith.constant 3 : i32
    %swap3A_118 = arith.index_cast %swap3A_117 : i32 to index
    %swap3A_119 = arith.constant 80 : index
    %swap3A_120 = tpu.vector_load %arg11[%swap3A_118, %swap3A_119] {strides = array<i32>} : memref<16x128xf32, #tpu.memory_space<vmem>>, vector<16xf32>,
    tpu.vector_store %arg11[%swap3A_118, %swap3A_119], %broadcast_in_dim3A_1 {strides = array<i32>} : memref<16x128xf32, #tpu.memory_space<vmem>>, vector<16xf32>,
    %swap3A_121 = arith.constant 3 : i32
    %swap3A_122 = arith.index_cast %swap3A_121 : i32 to index
    %swap3A_123 = arith.constant 96 : index
    %swap3A_124 = tpu.vector_load %arg11[%swap3A_122, %swap3A_123] {strides = array<i32>} : memref<16x128xf32, #tpu.memory_space<vmem>>, vector<16xf32>,
    tpu.vector_store %arg11[%swap3A_122, %swap3A_123], %broadcast_in_dim3A_1 {strides = array<i32>} : memref<16x128xf32, #tpu.memory_space<vmem>>, vector<16xf32>,
    %swap3A_125 = arith.constant 3 : i32
    %swap3A_126 = arith.index_cast %swap3A_125 : i32 to index
    %swap3A_127 = arith.constant 112 : index
    %swap3A_128 = tpu.vector_load %arg11[%swap3A_126, %swap3A_127] {strides = array<i32>} : memref<16x128xf32, #tpu.memory_space<vmem>>, vector<16xf32>,
    tpu.vector_store %arg11[%swap3A_126, %swap3A_127], %broadcast_in_dim3A_1 {strides = array<i32>} : memref<16x128xf32, #tpu.memory_space<vmem>>, vector<16xf32>,
    %swap3A_129 = arith.constant 4 : i32
    %swap3A_130 = arith.index_cast %swap3A_129 : i32 to index
    %swap3A_131 = arith.constant 0 : index
    %swap3A_132 = tpu.vector_load %arg11[%swap3A_130, %swap3A_131] {strides = array<i32>} : memref<16x128xf32, #tpu.memory_space<vmem>>, vector<16xf32>,
    tpu.vector_store %arg11[%swap3A_130, %swap3A_131], %broadcast_in_dim3A_1 {strides = array<i32>} : memref<16x128xf32, #tpu.memory_space<vmem>>, vector<16xf32>,
    %swap3A_133 = arith.constant 4 : i32
    %swap3A_134 = arith.index_cast %swap3A_133 : i32 to index
    %swap3A_135 = arith.constant 16 : index
    %swap3A_136 = tpu.vector_load %arg11[%swap3A_134, %swap3A_135] {strides = array<i32>} : memref<16x128xf32, #tpu.memory_space<vmem>>, vector<16xf32>,
    tpu.vector_store %arg11[%swap3A_134, %swap3A_135], %broadcast_in_dim3A_1 {strides = array<i32>} : memref<16x128xf32, #tpu.memory_space<vmem>>, vector<16xf32>,
    %swap3A_137 = arith.constant 4 : i32
    %swap3A_138 = arith.index_cast %swap3A_137 : i32 to index
    %swap3A_139 = arith.constant 32 : index
    %swap3A_140 = tpu.vector_load %arg11[%swap3A_138, %swap3A_139] {strides = array<i32>} : memref<16x128xf32, #tpu.memory_space<vmem>>, vector<16xf32>,
    tpu.vector_store %arg11[%swap3A_138, %swap3A_139], %broadcast_in_dim3A_1 {strides = array<i32>} : memref<16x128xf32, #tpu.memory_space<vmem>>, vector<16xf32>,
    %swap3A_141 = arith.constant 4 : i32
    %swap3A_142 = arith.index_cast %swap3A_141 : i32 to index
    %swap3A_143 = arith.constant 48 : index
    %swap3A_144 = tpu.vector_load %arg11[%swap3A_142, %swap3A_143] {strides = array<i32>} : memref<16x128xf32, #tpu.memory_space<vmem>>, vector<16xf32>,
    tpu.vector_store %arg11[%swap3A_142, %swap3A_143], %broadcast_in_dim3A_1 {strides = array<i32>} : memref<16x128xf32, #tpu.memory_space<vmem>>, vector<16xf32>,
    %swap3A_145 = arith.constant 4 : i32
    %swap3A_146 = arith.index_cast %swap3A_145 : i32 to index
    %swap3A_147 = arith.constant 64 : index
    %swap3A_148 = tpu.vector_load %arg11[%swap3A_146, %swap3A_147] {strides = array<i32>} : memref<16x128xf32, #tpu.memory_space<vmem>>, vector<16xf32>,
    tpu.vector_store %arg11[%swap3A_146, %swap3A_147], %broadcast_in_dim3A_1 {strides = array<i32>} : memref<16x128xf32, #tpu.memory_space<vmem>>, vector<16xf32>,
    %swap3A_149 = arith.constant 4 : i32
    %swap3A_150 = arith.index_cast %swap3A_149 : i32 to index
    %swap3A_151 = arith.constant 80 : index
    %swap3A_152 = tpu.vector_load %arg11[%swap3A_150, %swap3A_151] {strides = array<i32>} : memref<16x128xf32, #tpu.memory_space<vmem>>, vector<16xf32>,
    tpu.vector_store %arg11[%swap3A_150, %swap3A_151], %broadcast_in_dim3A_1 {strides = array<i32>} : memref<16x128xf32, #tpu.memory_space<vmem>>, vector<16xf32>,
    %swap3A_153 = arith.constant 4 : i32
    %swap3A_154 = arith.index_cast %swap3A_153 : i32 to index
    %swap3A_155 = arith.constant 96 : index
    %swap3A_156 = tpu.vector_load %arg11[%swap3A_154, %swap3A_155] {strides = array<i32>} : memref<16x128xf32, #tpu.memory_space<vmem>>, vector<16xf32>,
    tpu.vector_store %arg11[%swap3A_154, %swap3A_155], %broadcast_in_dim3A_1 {strides = array<i32>} : memref<16x128xf32, #tpu.memory_space<vmem>>, vector<16xf32>,
    %swap3A_157 = arith.constant 4 : i32
    %swap3A_158 = arith.index_cast %swap3A_157 : i32 to index
    %swap3A_159 = arith.constant 112 : index
    %swap3A_160 = tpu.vector_load %arg11[%swap3A_158, %swap3A_159] {strides = array<i32>} : memref<16x128xf32, #tpu.memory_space<vmem>>, vector<16xf32>,
    tpu.vector_store %arg11[%swap3A_158, %swap3A_159], %broadcast_in_dim3A_1 {strides = array<i32>} : memref<16x128xf32, #tpu.memory_space<vmem>>, vector<16xf32>,
    %swap3A_161 = arith.constant 5 : i32
    %swap3A_162 = arith.index_cast %swap3A_161 : i32 to index
    %swap3A_163 = arith.constant 0 : index
    %swap3A_164 = tpu.vector_load %arg11[%swap3A_162, %swap3A_163] {strides = array<i32>} : memref<16x128xf32, #tpu.memory_space<vmem>>, vector<16xf32>,
    tpu.vector_store %arg11[%swap3A_162, %swap3A_163], %broadcast_in_dim3A_1 {strides = array<i32>} : memref<16x128xf32, #tpu.memory_space<vmem>>, vector<16xf32>,
    %swap3A_165 = arith.constant 5 : i32
    %swap3A_166 = arith.index_cast %swap3A_165 : i32 to index
    %swap3A_167 = arith.constant 16 : index
    %swap3A_168 = tpu.vector_load %arg11[%swap3A_166, %swap3A_167] {strides = array<i32>} : memref<16x128xf32, #tpu.memory_space<vmem>>, vector<16xf32>,
    tpu.vector_store %arg11[%swap3A_166, %swap3A_167], %broadcast_in_dim3A_1 {strides = array<i32>} : memref<16x128xf32, #tpu.memory_space<vmem>>, vector<16xf32>,
    %swap3A_169 = arith.constant 5 : i32
    %swap3A_170 = arith.index_cast %swap3A_169 : i32 to index
    %swap3A_171 = arith.constant 32 : index
    %swap3A_172 = tpu.vector_load %arg11[%swap3A_170, %swap3A_171] {strides = array<i32>} : memref<16x128xf32, #tpu.memory_space<vmem>>, vector<16xf32>,
    tpu.vector_store %arg11[%swap3A_170, %swap3A_171], %broadcast_in_dim3A_1 {strides = array<i32>} : memref<16x128xf32, #tpu.memory_space<vmem>>, vector<16xf32>,
    %swap3A_173 = arith.constant 5 : i32
    %swap3A_174 = arith.index_cast %swap3A_173 : i32 to index
    %swap3A_175 = arith.constant 48 : index
    %swap3A_176 = tpu.vector_load %arg11[%swap3A_174, %swap3A_175] {strides = array<i32>} : memref<16x128xf32, #tpu.memory_space<vmem>>, vector<16xf32>,
    tpu.vector_store %arg11[%swap3A_174, %swap3A_175], %broadcast_in_dim3A_1 {strides = array<i32>} : memref<16x128xf32, #tpu.memory_space<vmem>>, vector<16xf32>,
    %swap3A_177 = arith.constant 5 : i32
    %swap3A_178 = arith.index_cast %swap3A_177 : i32 to index
    %swap3A_179 = arith.constant 64 : index
    %swap3A_180 = tpu.vector_load %arg11[%swap3A_178, %swap3A_179] {strides = array<i32>} : memref<16x128xf32, #tpu.memory_space<vmem>>, vector<16xf32>,
    tpu.vector_store %arg11[%swap3A_178, %swap3A_179], %broadcast_in_dim3A_1 {strides = array<i32>} : memref<16x128xf32, #tpu.memory_space<vmem>>, vector<16xf32>,
    %swap3A_181 = arith.constant 5 : i32
    %swap3A_182 = arith.index_cast %swap3A_181 : i32 to index
    %swap3A_183 = arith.constant 80 : index
    %swap3A_184 = tpu.vector_load %arg11[%swap3A_182, %swap3A_183] {strides = array<i32>} : memref<16x128xf32, #tpu.memory_space<vmem>>, vector<16xf32>,
    tpu.vector_store %arg11[%swap3A_182, %swap3A_183], %broadcast_in_dim3A_1 {strides = array<i32>} : memref<16x128xf32, #tpu.memory_space<vmem>>, vector<16xf32>,
    %swap3A_185 = arith.constant 5 : i32
    %swap3A_186 = arith.index_cast %swap3A_185 : i32 to index
    %swap3A_187 = arith.constant 96 : index
    %swap3A_188 = tpu.vector_load %arg11[%swap3A_186, %swap3A_187] {strides = array<i32>} : memref<16x128xf32, #tpu.memory_space<vmem>>, vector<16xf32>,
    tpu.vector_store %arg11[%swap3A_186, %swap3A_187], %broadcast_in_dim3A_1 {strides = array<i32>} : memref<16x128xf32, #tpu.memory_space<vmem>>, vector<16xf32>,
    %swap3A_189 = arith.constant 5 : i32
    %swap3A_190 = arith.index_cast %swap3A_189 : i32 to index
    %swap3A_191 = arith.constant 112 : index
    %swap3A_192 = tpu.vector_load %arg11[%swap3A_190, %swap3A_191] {strides = array<i32>} : memref<16x128xf32, #tpu.memory_space<vmem>>, vector<16xf32>,
    tpu.vector_store %arg11[%swap3A_190, %swap3A_191], %broadcast_in_dim3A_1 {strides = array<i32>} : memref<16x128xf32, #tpu.memory_space<vmem>>, vector<16xf32>,
    %swap3A_193 = arith.constant 6 : i32
    %swap3A_194 = arith.index_cast %swap3A_193 : i32 to index
    %swap3A_195 = arith.constant 0 : index
    %swap3A_196 = tpu.vector_load %arg11[%swap3A_194, %swap3A_195] {strides = array<i32>} : memref<16x128xf32, #tpu.memory_space<vmem>>, vector<16xf32>,
    tpu.vector_store %arg11[%swap3A_194, %swap3A_195], %broadcast_in_dim3A_1 {strides = array<i32>} : memref<16x128xf32, #tpu.memory_space<vmem>>, vector<16xf32>,
    %swap3A_197 = arith.constant 6 : i32
    %swap3A_198 = arith.index_cast %swap3A_197 : i32 to index
    %swap3A_199 = arith.constant 16 : index
    %swap3A_200 = tpu.vector_load %arg11[%swap3A_198, %swap3A_199] {strides = array<i32>} : memref<16x128xf32, #tpu.memory_space<vmem>>, vector<16xf32>,
    tpu.vector_store %arg11[%swap3A_198, %swap3A_199], %broadcast_in_dim3A_1 {strides = array<i32>} : memref<16x128xf32, #tpu.memory_space<vmem>>, vector<16xf32>,
    %swap3A_201 = arith.constant 6 : i32
    %swap3A_202 = arith.index_cast %swap3A_201 : i32 to index
    %swap3A_203 = arith.constant 32 : index
    %swap3A_204 = tpu.vector_load %arg11[%swap3A_202, %swap3A_203] {strides = array<i32>} : memref<16x128xf32, #tpu.memory_space<vmem>>, vector<16xf32>,
    tpu.vector_store %arg11[%swap3A_202, %swap3A_203], %broadcast_in_dim3A_1 {strides = array<i32>} : memref<16x128xf32, #tpu.memory_space<vmem>>, vector<16xf32>,
    %swap3A_205 = arith.constant 6 : i32
    %swap3A_206 = arith.index_cast %swap3A_205 : i32 to index
    %swap3A_207 = arith.constant 48 : index
    %swap3A_208 = tpu.vector_load %arg11[%swap3A_206, %swap3A_207] {strides = array<i32>} : memref<16x128xf32, #tpu.memory_space<vmem>>, vector<16xf32>,
    tpu.vector_store %arg11[%swap3A_206, %swap3A_207], %broadcast_in_dim3A_1 {strides = array<i32>} : memref<16x128xf32, #tpu.memory_space<vmem>>, vector<16xf32>,
    %swap3A_209 = arith.constant 6 : i32
    %swap3A_210 = arith.index_cast %swap3A_209 : i32 to index
    %swap3A_211 = arith.constant 64 : index
    %swap3A_212 = tpu.vector_load %arg11[%swap3A_210, %swap3A_211] {strides = array<i32>} : memref<16x128xf32, #tpu.memory_space<vmem>>, vector<16xf32>,
    tpu.vector_store %arg11[%swap3A_210, %swap3A_211], %broadcast_in_dim3A_1 {strides = array<i32>} : memref<16x128xf32, #tpu.memory_space<vmem>>, vector<16xf32>,
    %swap3A_213 = arith.constant 6 : i32
    %swap3A_214 = arith.index_cast %swap3A_213 : i32 to index
    %swap3A_215 = arith.constant 80 : index
    %swap3A_216 = tpu.vector_load %arg11[%swap3A_214, %swap3A_215] {strides = array<i32>} : memref<16x128xf32, #tpu.memory_space<vmem>>, vector<16xf32>,
    tpu.vector_store %arg11[%swap3A_214, %swap3A_215], %broadcast_in_dim3A_1 {strides = array<i32>} : memref<16x128xf32, #tpu.memory_space<vmem>>, vector<16xf32>,
    %swap3A_217 = arith.constant 6 : i32
    %swap3A_218 = arith.index_cast %swap3A_217 : i32 to index
    %swap3A_219 = arith.constant 96 : index
    %swap3A_220 = tpu.vector_load %arg11[%swap3A_218, %swap3A_219] {strides = array<i32>} : memref<16x128xf32, #tpu.memory_space<vmem>>, vector<16xf32>,
    tpu.vector_store %arg11[%swap3A_218, %swap3A_219], %broadcast_in_dim3A_1 {strides = array<i32>} : memref<16x128xf32, #tpu.memory_space<vmem>>, vector<16xf32>,
    %swap3A_221 = arith.constant 6 : i32
    %swap3A_222 = arith.index_cast %swap3A_221 : i32 to index
    %swap3A_223 = arith.constant 112 : index
    %swap3A_224 = tpu.vector_load %arg11[%swap3A_222, %swap3A_223] {strides = array<i32>} : memref<16x128xf32, #tpu.memory_space<vmem>>, vector<16xf32>,
    tpu.vector_store %arg11[%swap3A_222, %swap3A_223], %broadcast_in_dim3A_1 {strides = array<i32>} : memref<16x128xf32, #tpu.memory_space<vmem>>, vector<16xf32>,
    %swap3A_225 = arith.constant 7 : i32
    %swap3A_226 = arith.index_cast %swap3A_225 : i32 to index
    %swap3A_227 = arith.constant 0 : index
    %swap3A_228 = tpu.vector_load %arg11[%swap3A_226, %swap3A_227] {strides = array<i32>} : memref<16x128xf32, #tpu.memory_space<vmem>>, vector<16xf32>,
    tpu.vector_store %arg11[%swap3A_226, %swap3A_227], %broadcast_in_dim3A_1 {strides = array<i32>} : memref<16x128xf32, #tpu.memory_space<vmem>>, vector<16xf32>,
    %swap3A_229 = arith.constant 7 : i32
    %swap3A_230 = arith.index_cast %swap3A_229 : i32 to index
    %swap3A_231 = arith.constant 16 : index
    %swap3A_232 = tpu.vector_load %arg11[%swap3A_230, %swap3A_231] {strides = array<i32>} : memref<16x128xf32, #tpu.memory_space<vmem>>, vector<16xf32>,
    tpu.vector_store %arg11[%swap3A_230, %swap3A_231], %broadcast_in_dim3A_1 {strides = array<i32>} : memref<16x128xf32, #tpu.memory_space<vmem>>, vector<16xf32>,
    %swap3A_233 = arith.constant 7 : i32
    %swap3A_234 = arith.index_cast %swap3A_233 : i32 to index
    %swap3A_235 = arith.constant 32 : index
    %swap3A_236 = tpu.vector_load %arg11[%swap3A_234, %swap3A_235] {strides = array<i32>} : memref<16x128xf32, #tpu.memory_space<vmem>>, vector<16xf32>,
    tpu.vector_store %arg11[%swap3A_234, %swap3A_235], %broadcast_in_dim3A_1 {strides = array<i32>} : memref<16x128xf32, #tpu.memory_space<vmem>>, vector<16xf32>,
    %swap3A_237 = arith.constant 7 : i32
    %swap3A_238 = arith.index_cast %swap3A_237 : i32 to index
    %swap3A_239 = arith.constant 48 : index
    %swap3A_240 = tpu.vector_load %arg11[%swap3A_238, %swap3A_239] {strides = array<i32>} : memref<16x128xf32, #tpu.memory_space<vmem>>, vector<16xf32>,
    tpu.vector_store %arg11[%swap3A_238, %swap3A_239], %broadcast_in_dim3A_1 {strides = array<i32>} : memref<16x128xf32, #tpu.memory_space<vmem>>, vector<16xf32>,
    %swap3A_241 = arith.constant 7 : i32
    %swap3A_242 = arith.index_cast %swap3A_241 : i32 to index
    %swap3A_243 = arith.constant 64 : index
    %swap3A_244 = tpu.vector_load %arg11[%swap3A_242, %swap3A_243] {strides = array<i32>} : memref<16x128xf32, #tpu.memory_space<vmem>>, vector<16xf32>,
    tpu.vector_store %arg11[%swap3A_242, %swap3A_243], %broadcast_in_dim3A_1 {strides = array<i32>} : memref<16x128xf32, #tpu.memory_space<vmem>>, vector<16xf32>,
    %swap3A_245 = arith.constant 7 : i32
    %swap3A_246 = arith.index_cast %swap3A_245 : i32 to index
    %swap3A_247 = arith.constant 80 : index
    %swap3A_248 = tpu.vector_load %arg11[%swap3A_246, %swap3A_247] {strides = array<i32>} : memref<16x128xf32, #tpu.memory_space<vmem>>, vector<16xf32>,
    tpu.vector_store %arg11[%swap3A_246, %swap3A_247], %broadcast_in_dim3A_1 {strides = array<i32>} : memref<16x128xf32, #tpu.memory_space<vmem>>, vector<16xf32>,
    %swap3A_249 = arith.constant 7 : i32
    %swap3A_250 = arith.index_cast %swap3A_249 : i32 to index
    %swap3A_251 = arith.constant 96 : index
    %swap3A_252 = tpu.vector_load %arg11[%swap3A_250, %swap3A_251] {strides = array<i32>} : memref<16x128xf32, #tpu.memory_space<vmem>>, vector<16xf32>,
    tpu.vector_store %arg11[%swap3A_250, %swap3A_251], %broadcast_in_dim3A_1 {strides = array<i32>} : memref<16x128xf32, #tpu.memory_space<vmem>>, vector<16xf32>,
    %swap3A_253 = arith.constant 7 : i32
    %swap3A_254 = arith.index_cast %swap3A_253 : i32 to index
    %swap3A_255 = arith.constant 112 : index
    %swap3A_256 = tpu.vector_load %arg11[%swap3A_254, %swap3A_255] {strides = array<i32>} : memref<16x128xf32, #tpu.memory_space<vmem>>, vector<16xf32>,
    tpu.vector_store %arg11[%swap3A_254, %swap3A_255], %broadcast_in_dim3A_1 {strides = array<i32>} : memref<16x128xf32, #tpu.memory_space<vmem>>, vector<16xf32>,
    %swap3A_257 = arith.constant 8 : i32
    %swap3A_258 = arith.index_cast %swap3A_257 : i32 to index
    %swap3A_259 = arith.constant 0 : index
    %swap3A_260 = tpu.vector_load %arg11[%swap3A_258, %swap3A_259] {strides = array<i32>} : memref<16x128xf32, #tpu.memory_space<vmem>>, vector<16xf32>,
    tpu.vector_store %arg11[%swap3A_258, %swap3A_259], %broadcast_in_dim3A_1 {strides = array<i32>} : memref<16x128xf32, #tpu.memory_space<vmem>>, vector<16xf32>,
    %swap3A_261 = arith.constant 8 : i32
    %swap3A_262 = arith.index_cast %swap3A_261 : i32 to index
    %swap3A_263 = arith.constant 16 : index
    %swap3A_264 = tpu.vector_load %arg11[%swap3A_262, %swap3A_263] {strides = array<i32>} : memref<16x128xf32, #tpu.memory_space<vmem>>, vector<16xf32>,
    tpu.vector_store %arg11[%swap3A_262, %swap3A_263], %broadcast_in_dim3A_1 {strides = array<i32>} : memref<16x128xf32, #tpu.memory_space<vmem>>, vector<16xf32>,
    %swap3A_265 = arith.constant 8 : i32
    %swap3A_266 = arith.index_cast %swap3A_265 : i32 to index
    %swap3A_267 = arith.constant 32 : index
    %swap3A_268 = tpu.vector_load %arg11[%swap3A_266, %swap3A_267] {strides = array<i32>} : memref<16x128xf32, #tpu.memory_space<vmem>>, vector<16xf32>,
    tpu.vector_store %arg11[%swap3A_266, %swap3A_267], %broadcast_in_dim3A_1 {strides = array<i32>} : memref<16x128xf32, #tpu.memory_space<vmem>>, vector<16xf32>,
    %swap3A_269 = arith.constant 8 : i32
    %swap3A_270 = arith.index_cast %swap3A_269 : i32 to index
    %swap3A_271 = arith.constant 48 : index
    %swap3A_272 = tpu.vector_load %arg11[%swap3A_270, %swap3A_271] {strides = array<i32>} : memref<16x128xf32, #tpu.memory_space<vmem>>, vector<16xf32>,
    tpu.vector_store %arg11[%swap3A_270, %swap3A_271], %broadcast_in_dim3A_1 {strides = array<i32>} : memref<16x128xf32, #tpu.memory_space<vmem>>, vector<16xf32>,
    %swap3A_273 = arith.constant 8 : i32
    %swap3A_274 = arith.index_cast %swap3A_273 : i32 to index
    %swap3A_275 = arith.constant 64 : index
    %swap3A_276 = tpu.vector_load %arg11[%swap3A_274, %swap3A_275] {strides = array<i32>} : memref<16x128xf32, #tpu.memory_space<vmem>>, vector<16xf32>,
    tpu.vector_store %arg11[%swap3A_274, %swap3A_275], %broadcast_in_dim3A_1 {strides = array<i32>} : memref<16x128xf32, #tpu.memory_space<vmem>>, vector<16xf32>,
    %swap3A_277 = arith.constant 8 : i32
    %swap3A_278 = arith.index_cast %swap3A_277 : i32 to index
    %swap3A_279 = arith.constant 80 : index
    %swap3A_280 = tpu.vector_load %arg11[%swap3A_278, %swap3A_279] {strides = array<i32>} : memref<16x128xf32, #tpu.memory_space<vmem>>, vector<16xf32>,
    tpu.vector_store %arg11[%swap3A_278, %swap3A_279], %broadcast_in_dim3A_1 {strides = array<i32>} : memref<16x128xf32, #tpu.memory_space<vmem>>, vector<16xf32>,
    %swap3A_281 = arith.constant 8 : i32
    %swap3A_282 = arith.index_cast %swap3A_281 : i32 to index
    %swap3A_283 = arith.constant 96 : index
    %swap3A_284 = tpu.vector_load %arg11[%swap3A_282, %swap3A_283] {strides = array<i32>} : memref<16x128xf32, #tpu.memory_space<vmem>>, vector<16xf32>,
    tpu.vector_store %arg11[%swap3A_282, %swap3A_283], %broadcast_in_dim3A_1 {strides = array<i32>} : memref<16x128xf32, #tpu.memory_space<vmem>>, vector<16xf32>,
    %swap3A_285 = arith.constant 8 : i32
    %swap3A_286 = arith.index_cast %swap3A_285 : i32 to index
    %swap3A_287 = arith.constant 112 : index
    %swap3A_288 = tpu.vector_load %arg11[%swap3A_286, %swap3A_287] {strides = array<i32>} : memref<16x128xf32, #tpu.memory_space<vmem>>, vector<16xf32>,
    tpu.vector_store %arg11[%swap3A_286, %swap3A_287], %broadcast_in_dim3A_1 {strides = array<i32>} : memref<16x128xf32, #tpu.memory_space<vmem>>, vector<16xf32>,
    %swap3A_289 = arith.constant 9 : i32
    %swap3A_290 = arith.index_cast %swap3A_289 : i32 to index
    %swap3A_291 = arith.constant 0 : index
    %swap3A_292 = tpu.vector_load %arg11[%swap3A_290, %swap3A_291] {strides = array<i32>} : memref<16x128xf32, #tpu.memory_space<vmem>>, vector<16xf32>,
    tpu.vector_store %arg11[%swap3A_290, %swap3A_291], %broadcast_in_dim3A_1 {strides = array<i32>} : memref<16x128xf32, #tpu.memory_space<vmem>>, vector<16xf32>,
    %swap3A_293 = arith.constant 9 : i32
    %swap3A_294 = arith.index_cast %swap3A_293 : i32 to index
    %swap3A_295 = arith.constant 16 : index
    %swap3A_296 = tpu.vector_load %arg11[%swap3A_294, %swap3A_295] {strides = array<i32>} : memref<16x128xf32, #tpu.memory_space<vmem>>, vector<16xf32>,
    tpu.vector_store %arg11[%swap3A_294, %swap3A_295], %broadcast_in_dim3A_1 {strides = array<i32>} : memref<16x128xf32, #tpu.memory_space<vmem>>, vector<16xf32>,
    %swap3A_297 = arith.constant 9 : i32
    %swap3A_298 = arith.index_cast %swap3A_297 : i32 to index
    %swap3A_299 = arith.constant 32 : index
    %swap3A_300 = tpu.vector_load %arg11[%swap3A_298, %swap3A_299] {strides = array<i32>} : memref<16x128xf32, #tpu.memory_space<vmem>>, vector<16xf32>,
    tpu.vector_store %arg11[%swap3A_298, %swap3A_299], %broadcast_in_dim3A_1 {strides = array<i32>} : memref<16x128xf32, #tpu.memory_space<vmem>>, vector<16xf32>,
    %swap3A_301 = arith.constant 9 : i32
    %swap3A_302 = arith.index_cast %swap3A_301 : i32 to index
    %swap3A_303 = arith.constant 48 : index
    %swap3A_304 = tpu.vector_load %arg11[%swap3A_302, %swap3A_303] {strides = array<i32>} : memref<16x128xf32, #tpu.memory_space<vmem>>, vector<16xf32>,
    tpu.vector_store %arg11[%swap3A_302, %swap3A_303], %broadcast_in_dim3A_1 {strides = array<i32>} : memref<16x128xf32, #tpu.memory_space<vmem>>, vector<16xf32>,
    %swap3A_305 = arith.constant 9 : i32
    %swap3A_306 = arith.index_cast %swap3A_305 : i32 to index
    %swap3A_307 = arith.constant 64 : index
    %swap3A_308 = tpu.vector_load %arg11[%swap3A_306, %swap3A_307] {strides = array<i32>} : memref<16x128xf32, #tpu.memory_space<vmem>>, vector<16xf32>,
    tpu.vector_store %arg11[%swap3A_306, %swap3A_307], %broadcast_in_dim3A_1 {strides = array<i32>} : memref<16x128xf32, #tpu.memory_space<vmem>>, vector<16xf32>,
    %swap3A_309 = arith.constant 9 : i32
    %swap3A_310 = arith.index_cast %swap3A_309 : i32 to index
    %swap3A_311 = arith.constant 80 : index
    %swap3A_312 = tpu.vector_load %arg11[%swap3A_310, %swap3A_311] {strides = array<i32>} : memref<16x128xf32, #tpu.memory_space<vmem>>, vector<16xf32>,
    tpu.vector_store %arg11[%swap3A_310, %swap3A_311], %broadcast_in_dim3A_1 {strides = array<i32>} : memref<16x128xf32, #tpu.memory_space<vmem>>, vector<16xf32>,
    %swap3A_313 = arith.constant 9 : i32
    %swap3A_314 = arith.index_cast %swap3A_313 : i32 to index
    %swap3A_315 = arith.constant 96 : index
    %swap3A_316 = tpu.vector_load %arg11[%swap3A_314, %swap3A_315] {strides = array<i32>} : memref<16x128xf32, #tpu.memory_space<vmem>>, vector<16xf32>,
    tpu.vector_store %arg11[%swap3A_314, %swap3A_315], %broadcast_in_dim3A_1 {strides = array<i32>} : memref<16x128xf32, #tpu.memory_space<vmem>>, vector<16xf32>,
    %swap3A_317 = arith.constant 9 : i32
    %swap3A_318 = arith.index_cast %swap3A_317 : i32 to index
    %swap3A_319 = arith.constant 112 : index
    %swap3A_320 = tpu.vector_load %arg11[%swap3A_318, %swap3A_319] {strides = array<i32>} : memref<16x128xf32, #tpu.memory_space<vmem>>, vector<16xf32>,
    tpu.vector_store %arg11[%swap3A_318, %swap3A_319], %broadcast_in_dim3A_1 {strides = array<i32>} : memref<16x128xf32, #tpu.memory_space<vmem>>, vector<16xf32>,
    %swap3A_321 = arith.constant 10 : i32
    %swap3A_322 = arith.index_cast %swap3A_321 : i32 to index
    %swap3A_323 = arith.constant 0 : index
    %swap3A_324 = tpu.vector_load %arg11[%swap3A_322, %swap3A_323] {strides = array<i32>} : memref<16x128xf32, #tpu.memory_space<vmem>>, vector<16xf32>,
    tpu.vector_store %arg11[%swap3A_322, %swap3A_323], %broadcast_in_dim3A_1 {strides = array<i32>} : memref<16x128xf32, #tpu.memory_space<vmem>>, vector<16xf32>,
    %swap3A_325 = arith.constant 10 : i32
    %swap3A_326 = arith.index_cast %swap3A_325 : i32 to index
    %swap3A_327 = arith.constant 16 : index
    %swap3A_328 = tpu.vector_load %arg11[%swap3A_326, %swap3A_327] {strides = array<i32>} : memref<16x128xf32, #tpu.memory_space<vmem>>, vector<16xf32>,
    tpu.vector_store %arg11[%swap3A_326, %swap3A_327], %broadcast_in_dim3A_1 {strides = array<i32>} : memref<16x128xf32, #tpu.memory_space<vmem>>, vector<16xf32>,
    %swap3A_329 = arith.constant 10 : i32
    %swap3A_330 = arith.index_cast %swap3A_329 : i32 to index
    %swap3A_331 = arith.constant 32 : index
    %swap3A_332 = tpu.vector_load %arg11[%swap3A_330, %swap3A_331] {strides = array<i32>} : memref<16x128xf32, #tpu.memory_space<vmem>>, vector<16xf32>,
    tpu.vector_store %arg11[%swap3A_330, %swap3A_331], %broadcast_in_dim3A_1 {strides = array<i32>} : memref<16x128xf32, #tpu.memory_space<vmem>>, vector<16xf32>,
    %swap3A_333 = arith.constant 10 : i32
    %swap3A_334 = arith.index_cast %swap3A_333 : i32 to index
    %swap3A_335 = arith.constant 48 : index
    %swap3A_336 = tpu.vector_load %arg11[%swap3A_334, %swap3A_335] {strides = array<i32>} : memref<16x128xf32, #tpu.memory_space<vmem>>, vector<16xf32>,
    tpu.vector_store %arg11[%swap3A_334, %swap3A_335], %broadcast_in_dim3A_1 {strides = array<i32>} : memref<16x128xf32, #tpu.memory_space<vmem>>, vector<16xf32>,
    %swap3A_337 = arith.constant 10 : i32
    %swap3A_338 = arith.index_cast %swap3A_337 : i32 to index
    %swap3A_339 = arith.constant 64 : index
    %swap3A_340 = tpu.vector_load %arg11[%swap3A_338, %swap3A_339] {strides = array<i32>} : memref<16x128xf32, #tpu.memory_space<vmem>>, vector<16xf32>,
    tpu.vector_store %arg11[%swap3A_338, %swap3A_339], %broadcast_in_dim3A_1 {strides = array<i32>} : memref<16x128xf32, #tpu.memory_space<vmem>>, vector<16xf32>,
    %swap3A_341 = arith.constant 10 : i32
    %swap3A_342 = arith.index_cast %swap3A_341 : i32 to index
    %swap3A_343 = arith.constant 80 : index
    %swap3A_344 = tpu.vector_load %arg11[%swap3A_342, %swap3A_343] {strides = array<i32>} : memref<16x128xf32, #tpu.memory_space<vmem>>, vector<16xf32>,
    tpu.vector_store %arg11[%swap3A_342, %swap3A_343], %broadcast_in_dim3A_1 {strides = array<i32>} : memref<16x128xf32, #tpu.memory_space<vmem>>, vector<16xf32>,
    %swap3A_345 = arith.constant 10 : i32
    %swap3A_346 = arith.index_cast %swap3A_345 : i32 to index
    %swap3A_347 = arith.constant 96 : index
    %swap3A_348 = tpu.vector_load %arg11[%swap3A_346, %swap3A_347] {strides = array<i32>} : memref<16x128xf32, #tpu.memory_space<vmem>>, vector<16xf32>,
    tpu.vector_store %arg11[%swap3A_346, %swap3A_347], %broadcast_in_dim3A_1 {strides = array<i32>} : memref<16x128xf32, #tpu.memory_space<vmem>>, vector<16xf32>,
    %swap3A_349 = arith.constant 10 : i32
    %swap3A_350 = arith.index_cast %swap3A_349 : i32 to index
    %swap3A_351 = arith.constant 112 : index
    %swap3A_352 = tpu.vector_load %arg11[%swap3A_350, %swap3A_351] {strides = array<i32>} : memref<16x128xf32, #tpu.memory_space<vmem>>, vector<16xf32>,
    tpu.vector_store %arg11[%swap3A_350, %swap3A_351], %broadcast_in_dim3A_1 {strides = array<i32>} : memref<16x128xf32, #tpu.memory_space<vmem>>, vector<16xf32>,
    %swap3A_353 = arith.constant 11 : i32
    %swap3A_354 = arith.index_cast %swap3A_353 : i32 to index
    %swap3A_355 = arith.constant 0 : index
    %swap3A_356 = tpu.vector_load %arg11[%swap3A_354, %swap3A_355] {strides = array<i32>} : memref<16x128xf32, #tpu.memory_space<vmem>>, vector<16xf32>,
    tpu.vector_store %arg11[%swap3A_354, %swap3A_355], %broadcast_in_dim3A_1 {strides = array<i32>} : memref<16x128xf32, #tpu.memory_space<vmem>>, vector<16xf32>,
    %swap3A_357 = arith.constant 11 : i32
    %swap3A_358 = arith.index_cast %swap3A_357 : i32 to index
    %swap3A_359 = arith.constant 16 : index
    %swap3A_360 = tpu.vector_load %arg11[%swap3A_358, %swap3A_359] {strides = array<i32>} : memref<16x128xf32, #tpu.memory_space<vmem>>, vector<16xf32>,
    tpu.vector_store %arg11[%swap3A_358, %swap3A_359], %broadcast_in_dim3A_1 {strides = array<i32>} : memref<16x128xf32, #tpu.memory_space<vmem>>, vector<16xf32>,
    %swap3A_361 = arith.constant 11 : i32
    %swap3A_362 = arith.index_cast %swap3A_361 : i32 to index
    %swap3A_363 = arith.constant 32 : index
    %swap3A_364 = tpu.vector_load %arg11[%swap3A_362, %swap3A_363] {strides = array<i32>} : memref<16x128xf32, #tpu.memory_space<vmem>>, vector<16xf32>,
    tpu.vector_store %arg11[%swap3A_362, %swap3A_363], %broadcast_in_dim3A_1 {strides = array<i32>} : memref<16x128xf32, #tpu.memory_space<vmem>>, vector<16xf32>,
    %swap3A_365 = arith.constant 11 : i32
    %swap3A_366 = arith.index_cast %swap3A_365 : i32 to index
    %swap3A_367 = arith.constant 48 : index
    %swap3A_368 = tpu.vector_load %arg11[%swap3A_366, %swap3A_367] {strides = array<i32>} : memref<16x128xf32, #tpu.memory_space<vmem>>, vector<16xf32>,
    tpu.vector_store %arg11[%swap3A_366, %swap3A_367], %broadcast_in_dim3A_1 {strides = array<i32>} : memref<16x128xf32, #tpu.memory_space<vmem>>, vector<16xf32>,
    %swap3A_369 = arith.constant 11 : i32
    %swap3A_370 = arith.index_cast %swap3A_369 : i32 to index
    %swap3A_371 = arith.constant 64 : index
    %swap3A_372 = tpu.vector_load %arg11[%swap3A_370, %swap3A_371] {strides = array<i32>} : memref<16x128xf32, #tpu.memory_space<vmem>>, vector<16xf32>,
    tpu.vector_store %arg11[%swap3A_370, %swap3A_371], %broadcast_in_dim3A_1 {strides = array<i32>} : memref<16x128xf32, #tpu.memory_space<vmem>>, vector<16xf32>,
    %swap3A_373 = arith.constant 11 : i32
    %swap3A_374 = arith.index_cast %swap3A_373 : i32 to index
    %swap3A_375 = arith.constant 80 : index
    %swap3A_376 = tpu.vector_load %arg11[%swap3A_374, %swap3A_375] {strides = array<i32>} : memref<16x128xf32, #tpu.memory_space<vmem>>, vector<16xf32>,
    tpu.vector_store %arg11[%swap3A_374, %swap3A_375], %broadcast_in_dim3A_1 {strides = array<i32>} : memref<16x128xf32, #tpu.memory_space<vmem>>, vector<16xf32>,
    %swap3A_377 = arith.constant 11 : i32
    %swap3A_378 = arith.index_cast %swap3A_377 : i32 to index
    %swap3A_379 = arith.constant 96 : index
    %swap3A_380 = tpu.vector_load %arg11[%swap3A_378, %swap3A_379] {strides = array<i32>} : memref<16x128xf32, #tpu.memory_space<vmem>>, vector<16xf32>,
    tpu.vector_store %arg11[%swap3A_378, %swap3A_379], %broadcast_in_dim3A_1 {strides = array<i32>} : memref<16x128xf32, #tpu.memory_space<vmem>>, vector<16xf32>,
    %swap3A_381 = arith.constant 11 : i32
    %swap3A_382 = arith.index_cast %swap3A_381 : i32 to index
    %swap3A_383 = arith.constant 112 : index
    %swap3A_384 = tpu.vector_load %arg11[%swap3A_382, %swap3A_383] {strides = array<i32>} : memref<16x128xf32, #tpu.memory_space<vmem>>, vector<16xf32>,
    tpu.vector_store %arg11[%swap3A_382, %swap3A_383], %broadcast_in_dim3A_1 {strides = array<i32>} : memref<16x128xf32, #tpu.memory_space<vmem>>, vector<16xf32>,
    %swap3A_385 = arith.constant 12 : i32
    %swap3A_386 = arith.index_cast %swap3A_385 : i32 to index
    %swap3A_387 = arith.constant 0 : index
    %swap3A_388 = tpu.vector_load %arg11[%swap3A_386, %swap3A_387] {strides = array<i32>} : memref<16x128xf32, #tpu.memory_space<vmem>>, vector<16xf32>,
    tpu.vector_store %arg11[%swap3A_386, %swap3A_387], %broadcast_in_dim3A_1 {strides = array<i32>} : memref<16x128xf32, #tpu.memory_space<vmem>>, vector<16xf32>,
    %swap3A_389 = arith.constant 12 : i32
    %swap3A_390 = arith.index_cast %swap3A_389 : i32 to index
    %swap3A_391 = arith.constant 16 : index
    %swap3A_392 = tpu.vector_load %arg11[%swap3A_390, %swap3A_391] {strides = array<i32>} : memref<16x128xf32, #tpu.memory_space<vmem>>, vector<16xf32>,
    tpu.vector_store %arg11[%swap3A_390, %swap3A_391], %broadcast_in_dim3A_1 {strides = array<i32>} : memref<16x128xf32, #tpu.memory_space<vmem>>, vector<16xf32>,
    %swap3A_393 = arith.constant 12 : i32
    %swap3A_394 = arith.index_cast %swap3A_393 : i32 to index
    %swap3A_395 = arith.constant 32 : index
    %swap3A_396 = tpu.vector_load %arg11[%swap3A_394, %swap3A_395] {strides = array<i32>} : memref<16x128xf32, #tpu.memory_space<vmem>>, vector<16xf32>,
    tpu.vector_store %arg11[%swap3A_394, %swap3A_395], %broadcast_in_dim3A_1 {strides = array<i32>} : memref<16x128xf32, #tpu.memory_space<vmem>>, vector<16xf32>,
    %swap3A_397 = arith.constant 12 : i32
    %swap3A_398 = arith.index_cast %swap3A_397 : i32 to index
    %swap3A_399 = arith.constant 48 : index
    %swap3A_400 = tpu.vector_load %arg11[%swap3A_398, %swap3A_399] {strides = array<i32>} : memref<16x128xf32, #tpu.memory_space<vmem>>, vector<16xf32>,
    tpu.vector_store %arg11[%swap3A_398, %swap3A_399], %broadcast_in_dim3A_1 {strides = array<i32>} : memref<16x128xf32, #tpu.memory_space<vmem>>, vector<16xf32>,
    %swap3A_401 = arith.constant 12 : i32
    %swap3A_402 = arith.index_cast %swap3A_401 : i32 to index
    %swap3A_403 = arith.constant 64 : index
    %swap3A_404 = tpu.vector_load %arg11[%swap3A_402, %swap3A_403] {strides = array<i32>} : memref<16x128xf32, #tpu.memory_space<vmem>>, vector<16xf32>,
    tpu.vector_store %arg11[%swap3A_402, %swap3A_403], %broadcast_in_dim3A_1 {strides = array<i32>} : memref<16x128xf32, #tpu.memory_space<vmem>>, vector<16xf32>,
    %swap3A_405 = arith.constant 12 : i32
    %swap3A_406 = arith.index_cast %swap3A_405 : i32 to index
    %swap3A_407 = arith.constant 80 : index
    %swap3A_408 = tpu.vector_load %arg11[%swap3A_406, %swap3A_407] {strides = array<i32>} : memref<16x128xf32, #tpu.memory_space<vmem>>, vector<16xf32>,
    tpu.vector_store %arg11[%swap3A_406, %swap3A_407], %broadcast_in_dim3A_1 {strides = array<i32>} : memref<16x128xf32, #tpu.memory_space<vmem>>, vector<16xf32>,
    %swap3A_409 = arith.constant 12 : i32
    %swap3A_410 = arith.index_cast %swap3A_409 : i32 to index
    %swap3A_411 = arith.constant 96 : index
    %swap3A_412 = tpu.vector_load %arg11[%swap3A_410, %swap3A_411] {strides = array<i32>} : memref<16x128xf32, #tpu.memory_space<vmem>>, vector<16xf32>,
    tpu.vector_store %arg11[%swap3A_410, %swap3A_411], %broadcast_in_dim3A_1 {strides = array<i32>} : memref<16x128xf32, #tpu.memory_space<vmem>>, vector<16xf32>,
    %swap3A_413 = arith.constant 12 : i32
    %swap3A_414 = arith.index_cast %swap3A_413 : i32 to index
    %swap3A_415 = arith.constant 112 : index
    %swap3A_416 = tpu.vector_load %arg11[%swap3A_414, %swap3A_415] {strides = array<i32>} : memref<16x128xf32, #tpu.memory_space<vmem>>, vector<16xf32>,
    tpu.vector_store %arg11[%swap3A_414, %swap3A_415], %broadcast_in_dim3A_1 {strides = array<i32>} : memref<16x128xf32, #tpu.memory_space<vmem>>, vector<16xf32>,
    %swap3A_417 = arith.constant 13 : i32
    %swap3A_418 = arith.index_cast %swap3A_417 : i32 to index
    %swap3A_419 = arith.constant 0 : index
    %swap3A_420 = tpu.vector_load %arg11[%swap3A_418, %swap3A_419] {strides = array<i32>} : memref<16x128xf32, #tpu.memory_space<vmem>>, vector<16xf32>,
    tpu.vector_store %arg11[%swap3A_418, %swap3A_419], %broadcast_in_dim3A_1 {strides = array<i32>} : memref<16x128xf32, #tpu.memory_space<vmem>>, vector<16xf32>,
    %swap3A_421 = arith.constant 13 : i32
    %swap3A_422 = arith.index_cast %swap3A_421 : i32 to index
    %swap3A_423 = arith.constant 16 : index
    %swap3A_424 = tpu.vector_load %arg11[%swap3A_422, %swap3A_423] {strides = array<i32>} : memref<16x128xf32, #tpu.memory_space<vmem>>, vector<16xf32>,
    tpu.vector_store %arg11[%swap3A_422, %swap3A_423], %broadcast_in_dim3A_1 {strides = array<i32>} : memref<16x128xf32, #tpu.memory_space<vmem>>, vector<16xf32>,
    %swap3A_425 = arith.constant 13 : i32
    %swap3A_426 = arith.index_cast %swap3A_425 : i32 to index
    %swap3A_427 = arith.constant 32 : index
    %swap3A_428 = tpu.vector_load %arg11[%swap3A_426, %swap3A_427] {strides = array<i32>} : memref<16x128xf32, #tpu.memory_space<vmem>>, vector<16xf32>,
    tpu.vector_store %arg11[%swap3A_426, %swap3A_427], %broadcast_in_dim3A_1 {strides = array<i32>} : memref<16x128xf32, #tpu.memory_space<vmem>>, vector<16xf32>,
    %swap3A_429 = arith.constant 13 : i32
    %swap3A_430 = arith.index_cast %swap3A_429 : i32 to index
    %swap3A_431 = arith.constant 48 : index
    %swap3A_432 = tpu.vector_load %arg11[%swap3A_430, %swap3A_431] {strides = array<i32>} : memref<16x128xf32, #tpu.memory_space<vmem>>, vector<16xf32>,
    tpu.vector_store %arg11[%swap3A_430, %swap3A_431], %broadcast_in_dim3A_1 {strides = array<i32>} : memref<16x128xf32, #tpu.memory_space<vmem>>, vector<16xf32>,
    %swap3A_433 = arith.constant 13 : i32
    %swap3A_434 = arith.index_cast %swap3A_433 : i32 to index
    %swap3A_435 = arith.constant 64 : index
    %swap3A_436 = tpu.vector_load %arg11[%swap3A_434, %swap3A_435] {strides = array<i32>} : memref<16x128xf32, #tpu.memory_space<vmem>>, vector<16xf32>,
    tpu.vector_store %arg11[%swap3A_434, %swap3A_435], %broadcast_in_dim3A_1 {strides = array<i32>} : memref<16x128xf32, #tpu.memory_space<vmem>>, vector<16xf32>,
    %swap3A_437 = arith.constant 13 : i32
    %swap3A_438 = arith.index_cast %swap3A_437 : i32 to index
    %swap3A_439 = arith.constant 80 : index
    %swap3A_440 = tpu.vector_load %arg11[%swap3A_438, %swap3A_439] {strides = array<i32>} : memref<16x128xf32, #tpu.memory_space<vmem>>, vector<16xf32>,
    tpu.vector_store %arg11[%swap3A_438, %swap3A_439], %broadcast_in_dim3A_1 {strides = array<i32>} : memref<16x128xf32, #tpu.memory_space<vmem>>, vector<16xf32>,
    %swap3A_441 = arith.constant 13 : i32
    %swap3A_442 = arith.index_cast %swap3A_441 : i32 to index
    %swap3A_443 = arith.constant 96 : index
    %swap3A_444 = tpu.vector_load %arg11[%swap3A_442, %swap3A_443] {strides = array<i32>} : memref<16x128xf32, #tpu.memory_space<vmem>>, vector<16xf32>,
    tpu.vector_store %arg11[%swap3A_442, %swap3A_443], %broadcast_in_dim3A_1 {strides = array<i32>} : memref<16x128xf32, #tpu.memory_space<vmem>>, vector<16xf32>,
    %swap3A_445 = arith.constant 13 : i32
    %swap3A_446 = arith.index_cast %swap3A_445 : i32 to index
    %swap3A_447 = arith.constant 112 : index
    %swap3A_448 = tpu.vector_load %arg11[%swap3A_446, %swap3A_447] {strides = array<i32>} : memref<16x128xf32, #tpu.memory_space<vmem>>, vector<16xf32>,
    tpu.vector_store %arg11[%swap3A_446, %swap3A_447], %broadcast_in_dim3A_1 {strides = array<i32>} : memref<16x128xf32, #tpu.memory_space<vmem>>, vector<16xf32>,
    %swap3A_449 = arith.constant 14 : i32
    %swap3A_450 = arith.index_cast %swap3A_449 : i32 to index
    %swap3A_451 = arith.constant 0 : index
    %swap3A_452 = tpu.vector_load %arg11[%swap3A_450, %swap3A_451] {strides = array<i32>} : memref<16x128xf32, #tpu.memory_space<vmem>>, vector<16xf32>,
    tpu.vector_store %arg11[%swap3A_450, %swap3A_451], %broadcast_in_dim3A_1 {strides = array<i32>} : memref<16x128xf32, #tpu.memory_space<vmem>>, vector<16xf32>,
    %swap3A_453 = arith.constant 14 : i32
    %swap3A_454 = arith.index_cast %swap3A_453 : i32 to index
    %swap3A_455 = arith.constant 16 : index
    %swap3A_456 = tpu.vector_load %arg11[%swap3A_454, %swap3A_455] {strides = array<i32>} : memref<16x128xf32, #tpu.memory_space<vmem>>, vector<16xf32>,
    tpu.vector_store %arg11[%swap3A_454, %swap3A_455], %broadcast_in_dim3A_1 {strides = array<i32>} : memref<16x128xf32, #tpu.memory_space<vmem>>, vector<16xf32>,
    %swap3A_457 = arith.constant 14 : i32
    %swap3A_458 = arith.index_cast %swap3A_457 : i32 to index
    %swap3A_459 = arith.constant 32 : index
    %swap3A_460 = tpu.vector_load %arg11[%swap3A_458, %swap3A_459] {strides = array<i32>} : memref<16x128xf32, #tpu.memory_space<vmem>>, vector<16xf32>,
    tpu.vector_store %arg11[%swap3A_458, %swap3A_459], %broadcast_in_dim3A_1 {strides = array<i32>} : memref<16x128xf32, #tpu.memory_space<vmem>>, vector<16xf32>,
    %swap3A_461 = arith.constant 14 : i32
    %swap3A_462 = arith.index_cast %swap3A_461 : i32 to index
    %swap3A_463 = arith.constant 48 : index
    %swap3A_464 = tpu.vector_load %arg11[%swap3A_462, %swap3A_463] {strides = array<i32>} : memref<16x128xf32, #tpu.memory_space<vmem>>, vector<16xf32>,
    tpu.vector_store %arg11[%swap3A_462, %swap3A_463], %broadcast_in_dim3A_1 {strides = array<i32>} : memref<16x128xf32, #tpu.memory_space<vmem>>, vector<16xf32>,
    %swap3A_465 = arith.constant 14 : i32
    %swap3A_466 = arith.index_cast %swap3A_465 : i32 to index
    %swap3A_467 = arith.constant 64 : index
    %swap3A_468 = tpu.vector_load %arg11[%swap3A_466, %swap3A_467] {strides = array<i32>} : memref<16x128xf32, #tpu.memory_space<vmem>>, vector<16xf32>,
    tpu.vector_store %arg11[%swap3A_466, %swap3A_467], %broadcast_in_dim3A_1 {strides = array<i32>} : memref<16x128xf32, #tpu.memory_space<vmem>>, vector<16xf32>,
    %swap3A_469 = arith.constant 14 : i32
    %swap3A_470 = arith.index_cast %swap3A_469 : i32 to index
    %swap3A_471 = arith.constant 80 : index
    %swap3A_472 = tpu.vector_load %arg11[%swap3A_470, %swap3A_471] {strides = array<i32>} : memref<16x128xf32, #tpu.memory_space<vmem>>, vector<16xf32>,
    tpu.vector_store %arg11[%swap3A_470, %swap3A_471], %broadcast_in_dim3A_1 {strides = array<i32>} : memref<16x128xf32, #tpu.memory_space<vmem>>, vector<16xf32>,
    %swap3A_473 = arith.constant 14 : i32
    %swap3A_474 = arith.index_cast %swap3A_473 : i32 to index
    %swap3A_475 = arith.constant 96 : index
    %swap3A_476 = tpu.vector_load %arg11[%swap3A_474, %swap3A_475] {strides = array<i32>} : memref<16x128xf32, #tpu.memory_space<vmem>>, vector<16xf32>,
    tpu.vector_store %arg11[%swap3A_474, %swap3A_475], %broadcast_in_dim3A_1 {strides = array<i32>} : memref<16x128xf32, #tpu.memory_space<vmem>>, vector<16xf32>,
    %swap3A_477 = arith.constant 14 : i32
    %swap3A_478 = arith.index_cast %swap3A_477 : i32 to index
    %swap3A_479 = arith.constant 112 : index
    %swap3A_480 = tpu.vector_load %arg11[%swap3A_478, %swap3A_479] {strides = array<i32>} : memref<16x128xf32, #tpu.memory_space<vmem>>, vector<16xf32>,
    tpu.vector_store %arg11[%swap3A_478, %swap3A_479], %broadcast_in_dim3A_1 {strides = array<i32>} : memref<16x128xf32, #tpu.memory_space<vmem>>, vector<16xf32>,
    %swap3A_481 = arith.constant 15 : i32
    %swap3A_482 = arith.index_cast %swap3A_481 : i32 to index
    %swap3A_483 = arith.constant 0 : index
    %swap3A_484 = tpu.vector_load %arg11[%swap3A_482, %swap3A_483] {strides = array<i32>} : memref<16x128xf32, #tpu.memory_space<vmem>>, vector<16xf32>,
    tpu.vector_store %arg11[%swap3A_482, %swap3A_483], %broadcast_in_dim3A_1 {strides = array<i32>} : memref<16x128xf32, #tpu.memory_space<vmem>>, vector<16xf32>,
    %swap3A_485 = arith.constant 15 : i32
    %swap3A_486 = arith.index_cast %swap3A_485 : i32 to index
    %swap3A_487 = arith.constant 16 : index
    %swap3A_488 = tpu.vector_load %arg11[%swap3A_486, %swap3A_487] {strides = array<i32>} : memref<16x128xf32, #tpu.memory_space<vmem>>, vector<16xf32>,
    tpu.vector_store %arg11[%swap3A_486, %swap3A_487], %broadcast_in_dim3A_1 {strides = array<i32>} : memref<16x128xf32, #tpu.memory_space<vmem>>, vector<16xf32>,
    %swap3A_489 = arith.constant 15 : i32
    %swap3A_490 = arith.index_cast %swap3A_489 : i32 to index
    %swap3A_491 = arith.constant 32 : index
    %swap3A_492 = tpu.vector_load %arg11[%swap3A_490, %swap3A_491] {strides = array<i32>} : memref<16x128xf32, #tpu.memory_space<vmem>>, vector<16xf32>,
    tpu.vector_store %arg11[%swap3A_490, %swap3A_491], %broadcast_in_dim3A_1 {strides = array<i32>} : memref<16x128xf32, #tpu.memory_space<vmem>>, vector<16xf32>,
    %swap3A_493 = arith.constant 15 : i32
    %swap3A_494 = arith.index_cast %swap3A_493 : i32 to index
    %swap3A_495 = arith.constant 48 : index
    %swap3A_496 = tpu.vector_load %arg11[%swap3A_494, %swap3A_495] {strides = array<i32>} : memref<16x128xf32, #tpu.memory_space<vmem>>, vector<16xf32>,
    tpu.vector_store %arg11[%swap3A_494, %swap3A_495], %broadcast_in_dim3A_1 {strides = array<i32>} : memref<16x128xf32, #tpu.memory_space<vmem>>, vector<16xf32>,
    %swap3A_497 = arith.constant 15 : i32
    %swap3A_498 = arith.index_cast %swap3A_497 : i32 to index
    %swap3A_499 = arith.constant 64 : index
    %swap3A_500 = tpu.vector_load %arg11[%swap3A_498, %swap3A_499] {strides = array<i32>} : memref<16x128xf32, #tpu.memory_space<vmem>>, vector<16xf32>,
    tpu.vector_store %arg11[%swap3A_498, %swap3A_499], %broadcast_in_dim3A_1 {strides = array<i32>} : memref<16x128xf32, #tpu.memory_space<vmem>>, vector<16xf32>,
    %swap3A_501 = arith.constant 15 : i32
    %swap3A_502 = arith.index_cast %swap3A_501 : i32 to index
    %swap3A_503 = arith.constant 80 : index
    %swap3A_504 = tpu.vector_load %arg11[%swap3A_502, %swap3A_503] {strides = array<i32>} : memref<16x128xf32, #tpu.memory_space<vmem>>, vector<16xf32>,
    tpu.vector_store %arg11[%swap3A_502, %swap3A_503], %broadcast_in_dim3A_1 {strides = array<i32>} : memref<16x128xf32, #tpu.memory_space<vmem>>, vector<16xf32>,
    %swap3A_505 = arith.constant 15 : i32
    %swap3A_506 = arith.index_cast %swap3A_505 : i32 to index
    %swap3A_507 = arith.constant 96 : index
    %swap3A_508 = tpu.vector_load %arg11[%swap3A_506, %swap3A_507] {strides = array<i32>} : memref<16x128xf32, #tpu.memory_space<vmem>>, vector<16xf32>,
    tpu.vector_store %arg11[%swap3A_506, %swap3A_507], %broadcast_in_dim3A_1 {strides = array<i32>} : memref<16x128xf32, #tpu.memory_space<vmem>>, vector<16xf32>,
    %swap3A_509 = arith.constant 15 : i32
    %swap3A_510 = arith.index_cast %swap3A_509 : i32 to index
    %swap3A_511 = arith.constant 112 : index
    %swap3A_512 = tpu.vector_load %arg11[%swap3A_510, %swap3A_511] {strides = array<i32>} : memref<16x128xf32, #tpu.memory_space<vmem>>, vector<16xf32>,
    tpu.vector_store %arg11[%swap3A_510, %swap3A_511], %broadcast_in_dim3A_1 {strides = array<i32>} : memref<16x128xf32, #tpu.memory_space<vmem>>, vector<16xf32>,
    %scan3A = arith.constant 0 : i32
    %scan3A_513 = arith.constant 0 : i32
    %scan3A_514 = arith.constant 40 : i32
    %scan3A_515 = arith.addi %scan3A_513, %scan3A_514 : i32
    %scan3A_516 = arith.constant 1 : i32
    %scan3A_517 = scf.for %scan3A_534 = %scan3A_513 to %scan3A_515 step %scan3A_516 iter_args(%scan3A_535 = %scan3A) -> (i32)  : i32 {
      %mul3A_536 = arith.constant 40 : i32
      %mul3A_537 = arith.muli %arg1, %mul3A_536 : i32
      %add3A_538 = arith.addi %mul3A_537, %scan3A_534 : i32
      %mul3A_539 = arith.constant 16 : i32
      %mul3A_540 = arith.muli %add3A_538, %mul3A_539 : i32
      "tpu.region"() ({
        %run_scoped3A = tpu.sem_alloc : memref<!tpu.dma_semaphore, #tpu.memory_space<semaphore_mem>>
        %dma_start3A = arith.constant 0 : i32
        %dma_start3A_542 = tpu.memref_slice %arg10[%mul3A_540, %dma_start3A] : memref<10240x128xf32, #tpu.memory_space<vmem_shared>> -> memref<16x128xf32, #tpu.memory_space<vmem_shared>>
        %dma_start3A_543 = arith.constant 0 : i32
        %dma_start3A_544 = tpu.memref_slice %arg10[%mul3A_540, %dma_start3A_543] : memref<10240x128xf32, #tpu.memory_space<vmem_shared>> -> memref<16x128xf32, #tpu.memory_space<vmem_shared>>
        tpu.enqueue_dma source(%arg11 : memref<16x128xf32, #tpu.memory_space<vmem>>) target(%dma_start3A_544 : memref<16x128xf32, #tpu.memory_space<vmem_shared>>) target_semaphore(%run_scoped3A : memref<!tpu.dma_semaphore, #tpu.memory_space<semaphore_mem>>)
        %dma_wait3A = arith.constant 0 : i32
        %dma_wait3A_545 = tpu.memref_slice %arg10[%mul3A_540, %dma_wait3A] : memref<10240x128xf32, #tpu.memory_space<vmem_shared>> -> memref<16x128xf32, #tpu.memory_space<vmem_shared>>
        %dma_wait3A_546 = arith.constant 0 : i32
        %dma_wait3A_547 = tpu.memref_slice %arg10[%mul3A_540, %dma_wait3A_546] : memref<10240x128xf32, #tpu.memory_space<vmem_shared>> -> memref<16x128xf32, #tpu.memory_space<vmem_shared>>
        tpu.wait_dma2 semaphore(%run_scoped3A : memref<!tpu.dma_semaphore, #tpu.memory_space<semaphore_mem>>) src(%arg11 : memref<16x128xf32, #tpu.memory_space<vmem>>) dst(%dma_wait3A_547 : memref<16x128xf32, #tpu.memory_space<vmem_shared>>)
        tpu.yield
      }) : () -> ()
      %scan3A_541 = arith.constant 0 : i32
      scf.yield %scan3A_541 : i32
    }
    %scan3A_518 = arith.constant 40 : i32
    %barrier3A = arith.constant 0 : index
    tpu.barrier barrier_id(%barrier3A)
    %scan3A_519 = arith.constant 0 : i32
    %scan3A_520 = arith.constant 0 : i32
    %scan3A_521 = arith.constant 5 : i32
    %scan3A_522 = arith.addi %scan3A_520, %scan3A_521 : i32
    %scan3A_523 = arith.constant 1 : i32
    %scan3A_524 = scf.for %scan3A_534 = %scan3A_520 to %scan3A_522 step %scan3A_523 iter_args(%scan3A_535 = %scan3A_519) -> (i32)  : i32 {
      %mul3A_536 = arith.constant 5 : i32
      %mul3A_537 = arith.muli %add3A, %mul3A_536 : i32
      %add3A_538 = arith.addi %mul3A_537, %scan3A_534 : i32
      "tpu.region"() ({
        %run_scoped3A = tpu.sem_alloc : memref<!tpu.dma_semaphore, #tpu.memory_space<semaphore_mem>>
        %dma_start3A_660 = arith.constant 0 : i32
        %dma_start3A_661 = arith.constant 0 : i32
        %dma_start3A_662 = tpu.memref_slice %arg3[%add3A_538, %dma_start3A_660, %dma_start3A_661] : memref<160x16x128xi32, #tpu.memory_space<hbm>> -> memref<1x16x128xi32, #tpu.memory_space<hbm>>
        %dma_start3A_663 = tpu.memref_squeeze %dma_start3A_662 : memref<1x16x128xi32, #tpu.memory_space<hbm>> -> memref<16x128xi32, #tpu.memory_space<hbm>>
        %dma_start3A_664 = arith.constant 0 : i32
        %dma_start3A_665 = arith.constant 0 : i32
        %dma_start3A_666 = tpu.memref_slice %arg3[%add3A_538, %dma_start3A_664, %dma_start3A_665] : memref<160x16x128xi32, #tpu.memory_space<hbm>> -> memref<1x16x128xi32, #tpu.memory_space<hbm>>
        %dma_start3A_667 = tpu.memref_squeeze %dma_start3A_666 : memref<1x16x128xi32, #tpu.memory_space<hbm>> -> memref<16x128xi32, #tpu.memory_space<hbm>>
        tpu.enqueue_dma source(%dma_start3A_667 : memref<16x128xi32, #tpu.memory_space<hbm>>) target(%arg6 : memref<16x128xi32, #tpu.memory_space<vmem>>) target_semaphore(%run_scoped3A : memref<!tpu.dma_semaphore, #tpu.memory_space<semaphore_mem>>)
        %dma_wait3A_668 = arith.constant 0 : i32
        %dma_wait3A_669 = arith.constant 0 : i32
        %dma_wait3A_670 = tpu.memref_slice %arg3[%add3A_538, %dma_wait3A_668, %dma_wait3A_669] : memref<160x16x128xi32, #tpu.memory_space<hbm>> -> memref<1x16x128xi32, #tpu.memory_space<hbm>>
        %dma_wait3A_671 = tpu.memref_squeeze %dma_wait3A_670 : memref<1x16x128xi32, #tpu.memory_space<hbm>> -> memref<16x128xi32, #tpu.memory_space<hbm>>
        %dma_wait3A_672 = arith.constant 0 : i32
        %dma_wait3A_673 = arith.constant 0 : i32
        %dma_wait3A_674 = tpu.memref_slice %arg3[%add3A_538, %dma_wait3A_672, %dma_wait3A_673] : memref<160x16x128xi32, #tpu.memory_space<hbm>> -> memref<1x16x128xi32, #tpu.memory_space<hbm>>
        %dma_wait3A_675 = tpu.memref_squeeze %dma_wait3A_674 : memref<1x16x128xi32, #tpu.memory_space<hbm>> -> memref<16x128xi32, #tpu.memory_space<hbm>>
        tpu.wait_dma2 semaphore(%run_scoped3A : memref<!tpu.dma_semaphore, #tpu.memory_space<semaphore_mem>>) src(%dma_wait3A_675 : memref<16x128xi32, #tpu.memory_space<hbm>>) dst(%arg6 : memref<16x128xi32, #tpu.memory_space<vmem>>)
        tpu.yield
      }) : () -> ()
      %mul3A_539 = arith.constant 5 : i32
      %mul3A_540 = arith.muli %add3A, %mul3A_539 : i32
      %add3A_541 = arith.addi %mul3A_540, %scan3A_534 : i32
      "tpu.region"() ({
        %run_scoped3A = tpu.sem_alloc : memref<!tpu.dma_semaphore, #tpu.memory_space<semaphore_mem>>
        %dma_start3A_660 = arith.constant 0 : i32
        %dma_start3A_661 = arith.constant 0 : i32
        %dma_start3A_662 = tpu.memref_slice %arg4[%add3A_541, %dma_start3A_660, %dma_start3A_661] : memref<160x16x128xi32, #tpu.memory_space<hbm>> -> memref<1x16x128xi32, #tpu.memory_space<hbm>>
        %dma_start3A_663 = tpu.memref_squeeze %dma_start3A_662 : memref<1x16x128xi32, #tpu.memory_space<hbm>> -> memref<16x128xi32, #tpu.memory_space<hbm>>
        %dma_start3A_664 = arith.constant 0 : i32
        %dma_start3A_665 = arith.constant 0 : i32
        %dma_start3A_666 = tpu.memref_slice %arg4[%add3A_541, %dma_start3A_664, %dma_start3A_665] : memref<160x16x128xi32, #tpu.memory_space<hbm>> -> memref<1x16x128xi32, #tpu.memory_space<hbm>>
        %dma_start3A_667 = tpu.memref_squeeze %dma_start3A_666 : memref<1x16x128xi32, #tpu.memory_space<hbm>> -> memref<16x128xi32, #tpu.memory_space<hbm>>
        tpu.enqueue_dma source(%dma_start3A_667 : memref<16x128xi32, #tpu.memory_space<hbm>>) target(%arg7 : memref<16x128xi32, #tpu.memory_space<vmem>>) target_semaphore(%run_scoped3A : memref<!tpu.dma_semaphore, #tpu.memory_space<semaphore_mem>>)
        %dma_wait3A_668 = arith.constant 0 : i32
        %dma_wait3A_669 = arith.constant 0 : i32
        %dma_wait3A_670 = tpu.memref_slice %arg4[%add3A_541, %dma_wait3A_668, %dma_wait3A_669] : memref<160x16x128xi32, #tpu.memory_space<hbm>> -> memref<1x16x128xi32, #tpu.memory_space<hbm>>
        %dma_wait3A_671 = tpu.memref_squeeze %dma_wait3A_670 : memref<1x16x128xi32, #tpu.memory_space<hbm>> -> memref<16x128xi32, #tpu.memory_space<hbm>>
        %dma_wait3A_672 = arith.constant 0 : i32
        %dma_wait3A_673 = arith.constant 0 : i32
        %dma_wait3A_674 = tpu.memref_slice %arg4[%add3A_541, %dma_wait3A_672, %dma_wait3A_673] : memref<160x16x128xi32, #tpu.memory_space<hbm>> -> memref<1x16x128xi32, #tpu.memory_space<hbm>>
        %dma_wait3A_675 = tpu.memref_squeeze %dma_wait3A_674 : memref<1x16x128xi32, #tpu.memory_space<hbm>> -> memref<16x128xi32, #tpu.memory_space<hbm>>
        tpu.wait_dma2 semaphore(%run_scoped3A : memref<!tpu.dma_semaphore, #tpu.memory_space<semaphore_mem>>) src(%dma_wait3A_675 : memref<16x128xi32, #tpu.memory_space<hbm>>) dst(%arg7 : memref<16x128xi32, #tpu.memory_space<vmem>>)
        tpu.yield
      }) : () -> ()
      %dma_start3A = arith.constant 0 : i32
      %dma_start3A_542 = arith.constant 0 : i32
      %dma_start3A_543 = tpu.memref_slice %arg6[%dma_start3A, %dma_start3A_542] : memref<16x128xi32, #tpu.memory_space<vmem>> -> memref<1x128xi32, #tpu.memory_space<vmem>>
      %dma_start3A_544 = tpu.memref_squeeze %dma_start3A_543 : memref<1x128xi32, #tpu.memory_space<vmem>> -> memref<128xi32, #tpu.memory_space<vmem>>
      %dma_start3A_545 = arith.constant 0 : i32
      %dma_start3A_546 = arith.constant 0 : i32
      %dma_start3A_547 = tpu.memref_slice %arg2[%dma_start3A_545, %dma_start3A_546] : memref<20480x128xf32, #tpu.memory_space<hbm>> -> memref<20480x128xf32, #tpu.memory_space<hbm>>
      tpu.enqueue_indirect_dma source(%dma_start3A_547 : memref<20480x128xf32, #tpu.memory_space<hbm>>) target(%arg8 : memref<128x128xf32, #tpu.memory_space<vmem>>) offsets(%dma_start3A_544 : memref<128xi32, #tpu.memory_space<vmem>>) semaphore(%arg12 : memref<!tpu.dma_semaphore, #tpu.memory_space<semaphore_mem>>)
      %dma_start3A_548 = arith.constant 1 : i32
      %dma_start3A_549 = arith.constant 0 : i32
      %dma_start3A_550 = tpu.memref_slice %arg6[%dma_start3A_548, %dma_start3A_549] : memref<16x128xi32, #tpu.memory_space<vmem>> -> memref<1x128xi32, #tpu.memory_space<vmem>>
      %dma_start3A_551 = tpu.memref_squeeze %dma_start3A_550 : memref<1x128xi32, #tpu.memory_space<vmem>> -> memref<128xi32, #tpu.memory_space<vmem>>
      %dma_start3A_552 = arith.constant 0 : i32
      %dma_start3A_553 = arith.constant 0 : i32
      %dma_start3A_554 = tpu.memref_slice %arg2[%dma_start3A_552, %dma_start3A_553] : memref<20480x128xf32, #tpu.memory_space<hbm>> -> memref<20480x128xf32, #tpu.memory_space<hbm>>
      tpu.enqueue_indirect_dma source(%dma_start3A_554 : memref<20480x128xf32, #tpu.memory_space<hbm>>) target(%arg9 : memref<128x128xf32, #tpu.memory_space<vmem>>) offsets(%dma_start3A_551 : memref<128xi32, #tpu.memory_space<vmem>>) semaphore(%arg13 : memref<!tpu.dma_semaphore, #tpu.memory_space<semaphore_mem>>)
      %dma_wait3A = arith.constant 0 : i32
      %dma_wait3A_555 = arith.constant 0 : i32
      %dma_wait3A_556 = tpu.memref_slice %arg6[%dma_wait3A, %dma_wait3A_555] : memref<16x128xi32, #tpu.memory_space<vmem>> -> memref<1x128xi32, #tpu.memory_space<vmem>>
      %dma_wait3A_557 = tpu.memref_squeeze %dma_wait3A_556 : memref<1x128xi32, #tpu.memory_space<vmem>> -> memref<128xi32, #tpu.memory_space<vmem>>
      %dma_wait3A_558 = arith.constant 0 : i32
      %dma_wait3A_559 = arith.constant 0 : i32
      %dma_wait3A_560 = tpu.memref_slice %arg2[%dma_wait3A_558, %dma_wait3A_559] : memref<20480x128xf32, #tpu.memory_space<hbm>> -> memref<20480x128xf32, #tpu.memory_space<hbm>>
      tpu.wait_indirect_dma semaphore(%arg12 : memref<!tpu.dma_semaphore, #tpu.memory_space<semaphore_mem>>) src(%dma_wait3A_560 : memref<20480x128xf32, #tpu.memory_space<hbm>>) dst(%arg8 : memref<128x128xf32, #tpu.memory_space<vmem>>)
      %dma_start3A_561 = arith.constant 0 : i32
      %dma_start3A_562 = arith.constant 0 : i32
      %dma_start3A_563 = tpu.memref_slice %arg7[%dma_start3A_561, %dma_start3A_562] : memref<16x128xi32, #tpu.memory_space<vmem>> -> memref<1x128xi32, #tpu.memory_space<vmem>>
      %dma_start3A_564 = tpu.memref_squeeze %dma_start3A_563 : memref<1x128xi32, #tpu.memory_space<vmem>> -> memref<128xi32, #tpu.memory_space<vmem>>
      %dma_start3A_565 = arith.constant 0 : i32
      %dma_start3A_566 = arith.constant 0 : i32
      %dma_start3A_567 = tpu.memref_slice %arg10[%dma_start3A_565, %dma_start3A_566] : memref<10240x128xf32, #tpu.memory_space<vmem_shared>> -> memref<10240x128xf32, #tpu.memory_space<vmem_shared>>
      tpu.enqueue_indirect_dma source(%arg8 : memref<128x128xf32, #tpu.memory_space<vmem>>) target(%dma_start3A_567 : memref<10240x128xf32, #tpu.memory_space<vmem_shared>>) offsets(%dma_start3A_564 : memref<128xi32, #tpu.memory_space<vmem>>) semaphore(%arg14 : memref<!tpu.dma_semaphore, #tpu.memory_space<semaphore_mem>>) {add = true}
      %dma_wait3A_568 = arith.constant 0 : i32
      %dma_wait3A_569 = arith.constant 0 : i32
      %dma_wait3A_570 = tpu.memref_slice %arg7[%dma_wait3A_568, %dma_wait3A_569] : memref<16x128xi32, #tpu.memory_space<vmem>> -> memref<1x128xi32, #tpu.memory_space<vmem>>
      %dma_wait3A_571 = tpu.memref_squeeze %dma_wait3A_570 : memref<1x128xi32, #tpu.memory_space<vmem>> -> memref<128xi32, #tpu.memory_space<vmem>>
      %dma_wait3A_572 = arith.constant 0 : i32
      %dma_wait3A_573 = arith.constant 0 : i32
      %dma_wait3A_574 = tpu.memref_slice %arg10[%dma_wait3A_572, %dma_wait3A_573] : memref<10240x128xf32, #tpu.memory_space<vmem_shared>> -> memref<10240x128xf32, #tpu.memory_space<vmem_shared>>
      tpu.wait_indirect_dma semaphore(%arg14 : memref<!tpu.dma_semaphore, #tpu.memory_space<semaphore_mem>>) src(%arg8 : memref<128x128xf32, #tpu.memory_space<vmem>>) dst(%dma_wait3A_574 : memref<10240x128xf32, #tpu.memory_space<vmem_shared>>)
      %dma_start3A_575 = arith.constant 2 : i32
      %dma_start3A_576 = arith.constant 0 : i32
      %dma_start3A_577 = tpu.memref_slice %arg6[%dma_start3A_575, %dma_start3A_576] : memref<16x128xi32, #tpu.memory_space<vmem>> -> memref<1x128xi32, #tpu.memory_space<vmem>>
      %dma_start3A_578 = tpu.memref_squeeze %dma_start3A_577 : memref<1x128xi32, #tpu.memory_space<vmem>> -> memref<128xi32, #tpu.memory_space<vmem>>
      %dma_start3A_579 = arith.constant 0 : i32
      %dma_start3A_580 = arith.constant 0 : i32
      %dma_start3A_581 = tpu.memref_slice %arg2[%dma_start3A_579, %dma_start3A_580] : memref<20480x128xf32, #tpu.memory_space<hbm>> -> memref<20480x128xf32, #tpu.memory_space<hbm>>
      tpu.enqueue_indirect_dma source(%dma_start3A_581 : memref<20480x128xf32, #tpu.memory_space<hbm>>) target(%arg8 : memref<128x128xf32, #tpu.memory_space<vmem>>) offsets(%dma_start3A_578 : memref<128xi32, #tpu.memory_space<vmem>>) semaphore(%arg12 : memref<!tpu.dma_semaphore, #tpu.memory_space<semaphore_mem>>)
      %dma_wait3A_582 = arith.constant 0 : i32
      %dma_wait3A_583 = arith.constant 0 : i32
      %dma_wait3A_584 = tpu.memref_slice %arg6[%dma_wait3A_582, %dma_wait3A_583] : memref<16x128xi32, #tpu.memory_space<vmem>> -> memref<1x128xi32, #tpu.memory_space<vmem>>
      %dma_wait3A_585 = tpu.memref_squeeze %dma_wait3A_584 : memref<1x128xi32, #tpu.memory_space<vmem>> -> memref<128xi32, #tpu.memory_space<vmem>>
      %dma_wait3A_586 = arith.constant 0 : i32
      %dma_wait3A_587 = arith.constant 0 : i32
      %dma_wait3A_588 = tpu.memref_slice %arg2[%dma_wait3A_586, %dma_wait3A_587] : memref<20480x128xf32, #tpu.memory_space<hbm>> -> memref<20480x128xf32, #tpu.memory_space<hbm>>
      tpu.wait_indirect_dma semaphore(%arg13 : memref<!tpu.dma_semaphore, #tpu.memory_space<semaphore_mem>>) src(%dma_wait3A_588 : memref<20480x128xf32, #tpu.memory_space<hbm>>) dst(%arg9 : memref<128x128xf32, #tpu.memory_space<vmem>>)
      %dma_start3A_589 = arith.constant 1 : i32
      %dma_start3A_590 = arith.constant 0 : i32
      %dma_start3A_591 = tpu.memref_slice %arg7[%dma_start3A_589, %dma_start3A_590] : memref<16x128xi32, #tpu.memory_space<vmem>> -> memref<1x128xi32, #tpu.memory_space<vmem>>
      %dma_start3A_592 = tpu.memref_squeeze %dma_start3A_591 : memref<1x128xi32, #tpu.memory_space<vmem>> -> memref<128xi32, #tpu.memory_space<vmem>>
      %dma_start3A_593 = arith.constant 0 : i32
      %dma_start3A_594 = arith.constant 0 : i32
      %dma_start3A_595 = tpu.memref_slice %arg10[%dma_start3A_593, %dma_start3A_594] : memref<10240x128xf32, #tpu.memory_space<vmem_shared>> -> memref<10240x128xf32, #tpu.memory_space<vmem_shared>>
      tpu.enqueue_indirect_dma source(%arg9 : memref<128x128xf32, #tpu.memory_space<vmem>>) target(%dma_start3A_595 : memref<10240x128xf32, #tpu.memory_space<vmem_shared>>) offsets(%dma_start3A_592 : memref<128xi32, #tpu.memory_space<vmem>>) semaphore(%arg15 : memref<!tpu.dma_semaphore, #tpu.memory_space<semaphore_mem>>) {add = true}
      %scan3A_596 = arith.constant 0 : i32
      %scan3A_597 = arith.constant 1 : i32
      %scan3A_598 = arith.constant 6 : i32
      %scan3A_599 = arith.addi %scan3A_597, %scan3A_598 : i32
      %scan3A_600 = arith.constant 1 : i32
      %scan3A_601 = scf.for %scan3A_660 = %scan3A_597 to %scan3A_599 step %scan3A_600 iter_args(%scan3A_661 = %scan3A_596) -> (i32)  : i32 {
        %mul3A_662 = arith.constant 2 : i32
        %mul3A_663 = arith.muli %mul3A_662, %scan3A_660 : i32
        %dma_wait3A_664 = arith.constant 0 : i32
        %dma_wait3A_665 = arith.constant 0 : i32
        %dma_wait3A_666 = tpu.memref_slice %arg7[%dma_wait3A_664, %dma_wait3A_665] : memref<16x128xi32, #tpu.memory_space<vmem>> -> memref<1x128xi32, #tpu.memory_space<vmem>>
        %dma_wait3A_667 = tpu.memref_squeeze %dma_wait3A_666 : memref<1x128xi32, #tpu.memory_space<vmem>> -> memref<128xi32, #tpu.memory_space<vmem>>
        %dma_wait3A_668 = arith.constant 0 : i32
        %dma_wait3A_669 = arith.constant 0 : i32
        %dma_wait3A_670 = tpu.memref_slice %arg10[%dma_wait3A_668, %dma_wait3A_669] : memref<10240x128xf32, #tpu.memory_space<vmem_shared>> -> memref<10240x128xf32, #tpu.memory_space<vmem_shared>>
        tpu.wait_indirect_dma semaphore(%arg15 : memref<!tpu.dma_semaphore, #tpu.memory_space<semaphore_mem>>) src(%arg9 : memref<128x128xf32, #tpu.memory_space<vmem>>) dst(%dma_wait3A_670 : memref<10240x128xf32, #tpu.memory_space<vmem_shared>>)
        %add3A_671 = arith.constant 1 : i32
        %add3A_672 = arith.addi %mul3A_663, %add3A_671 : i32
        %dma_start3A_673 = arith.constant 0 : i32
        %dma_start3A_674 = tpu.memref_slice %arg6[%add3A_672, %dma_start3A_673] : memref<16x128xi32, #tpu.memory_space<vmem>> -> memref<1x128xi32, #tpu.memory_space<vmem>>
        %dma_start3A_675 = tpu.memref_squeeze %dma_start3A_674 : memref<1x128xi32, #tpu.memory_space<vmem>> -> memref<128xi32, #tpu.memory_space<vmem>>
        %dma_start3A_676 = arith.constant 0 : i32
        %dma_start3A_677 = arith.constant 0 : i32
        %dma_start3A_678 = tpu.memref_slice %arg2[%dma_start3A_676, %dma_start3A_677] : memref<20480x128xf32, #tpu.memory_space<hbm>> -> memref<20480x128xf32, #tpu.memory_space<hbm>>
        tpu.enqueue_indirect_dma source(%dma_start3A_678 : memref<20480x128xf32, #tpu.memory_space<hbm>>) target(%arg9 : memref<128x128xf32, #tpu.memory_space<vmem>>) offsets(%dma_start3A_675 : memref<128xi32, #tpu.memory_space<vmem>>) semaphore(%arg13 : memref<!tpu.dma_semaphore, #tpu.memory_space<semaphore_mem>>)
        %dma_wait3A_679 = arith.constant 0 : i32
        %dma_wait3A_680 = arith.constant 0 : i32
        %dma_wait3A_681 = tpu.memref_slice %arg6[%dma_wait3A_679, %dma_wait3A_680] : memref<16x128xi32, #tpu.memory_space<vmem>> -> memref<1x128xi32, #tpu.memory_space<vmem>>
        %dma_wait3A_682 = tpu.memref_squeeze %dma_wait3A_681 : memref<1x128xi32, #tpu.memory_space<vmem>> -> memref<128xi32, #tpu.memory_space<vmem>>
        %dma_wait3A_683 = arith.constant 0 : i32
        %dma_wait3A_684 = arith.constant 0 : i32
        %dma_wait3A_685 = tpu.memref_slice %arg2[%dma_wait3A_683, %dma_wait3A_684] : memref<20480x128xf32, #tpu.memory_space<hbm>> -> memref<20480x128xf32, #tpu.memory_space<hbm>>
        tpu.wait_indirect_dma semaphore(%arg12 : memref<!tpu.dma_semaphore, #tpu.memory_space<semaphore_mem>>) src(%dma_wait3A_685 : memref<20480x128xf32, #tpu.memory_space<hbm>>) dst(%arg8 : memref<128x128xf32, #tpu.memory_space<vmem>>)
        %dma_start3A_686 = arith.constant 0 : i32
        %dma_start3A_687 = tpu.memref_slice %arg7[%mul3A_663, %dma_start3A_686] : memref<16x128xi32, #tpu.memory_space<vmem>> -> memref<1x128xi32, #tpu.memory_space<vmem>>
        %dma_start3A_688 = tpu.memref_squeeze %dma_start3A_687 : memref<1x128xi32, #tpu.memory_space<vmem>> -> memref<128xi32, #tpu.memory_space<vmem>>
        %dma_start3A_689 = arith.constant 0 : i32
        %dma_start3A_690 = arith.constant 0 : i32
        %dma_start3A_691 = tpu.memref_slice %arg10[%dma_start3A_689, %dma_start3A_690] : memref<10240x128xf32, #tpu.memory_space<vmem_shared>> -> memref<10240x128xf32, #tpu.memory_space<vmem_shared>>
        tpu.enqueue_indirect_dma source(%arg8 : memref<128x128xf32, #tpu.memory_space<vmem>>) target(%dma_start3A_691 : memref<10240x128xf32, #tpu.memory_space<vmem_shared>>) offsets(%dma_start3A_688 : memref<128xi32, #tpu.memory_space<vmem>>) semaphore(%arg14 : memref<!tpu.dma_semaphore, #tpu.memory_space<semaphore_mem>>) {add = true}
        %dma_wait3A_692 = arith.constant 0 : i32
        %dma_wait3A_693 = arith.constant 0 : i32
        %dma_wait3A_694 = tpu.memref_slice %arg7[%dma_wait3A_692, %dma_wait3A_693] : memref<16x128xi32, #tpu.memory_space<vmem>> -> memref<1x128xi32, #tpu.memory_space<vmem>>
        %dma_wait3A_695 = tpu.memref_squeeze %dma_wait3A_694 : memref<1x128xi32, #tpu.memory_space<vmem>> -> memref<128xi32, #tpu.memory_space<vmem>>
        %dma_wait3A_696 = arith.constant 0 : i32
        %dma_wait3A_697 = arith.constant 0 : i32
        %dma_wait3A_698 = tpu.memref_slice %arg10[%dma_wait3A_696, %dma_wait3A_697] : memref<10240x128xf32, #tpu.memory_space<vmem_shared>> -> memref<10240x128xf32, #tpu.memory_space<vmem_shared>>
        tpu.wait_indirect_dma semaphore(%arg14 : memref<!tpu.dma_semaphore, #tpu.memory_space<semaphore_mem>>) src(%arg8 : memref<128x128xf32, #tpu.memory_space<vmem>>) dst(%dma_wait3A_698 : memref<10240x128xf32, #tpu.memory_space<vmem_shared>>)
        %add3A_699 = arith.constant 2 : i32
        %add3A_700 = arith.addi %mul3A_663, %add3A_699 : i32
        %dma_start3A_701 = arith.constant 0 : i32
        %dma_start3A_702 = tpu.memref_slice %arg6[%add3A_700, %dma_start3A_701] : memref<16x128xi32, #tpu.memory_space<vmem>> -> memref<1x128xi32, #tpu.memory_space<vmem>>
        %dma_start3A_703 = tpu.memref_squeeze %dma_start3A_702 : memref<1x128xi32, #tpu.memory_space<vmem>> -> memref<128xi32, #tpu.memory_space<vmem>>
        %dma_start3A_704 = arith.constant 0 : i32
        %dma_start3A_705 = arith.constant 0 : i32
        %dma_start3A_706 = tpu.memref_slice %arg2[%dma_start3A_704, %dma_start3A_705] : memref<20480x128xf32, #tpu.memory_space<hbm>> -> memref<20480x128xf32, #tpu.memory_space<hbm>>
        tpu.enqueue_indirect_dma source(%dma_start3A_706 : memref<20480x128xf32, #tpu.memory_space<hbm>>) target(%arg8 : memref<128x128xf32, #tpu.memory_space<vmem>>) offsets(%dma_start3A_703 : memref<128xi32, #tpu.memory_space<vmem>>) semaphore(%arg12 : memref<!tpu.dma_semaphore, #tpu.memory_space<semaphore_mem>>)
        %dma_wait3A_707 = arith.constant 0 : i32
        %dma_wait3A_708 = arith.constant 0 : i32
        %dma_wait3A_709 = tpu.memref_slice %arg6[%dma_wait3A_707, %dma_wait3A_708] : memref<16x128xi32, #tpu.memory_space<vmem>> -> memref<1x128xi32, #tpu.memory_space<vmem>>
        %dma_wait3A_710 = tpu.memref_squeeze %dma_wait3A_709 : memref<1x128xi32, #tpu.memory_space<vmem>> -> memref<128xi32, #tpu.memory_space<vmem>>
        %dma_wait3A_711 = arith.constant 0 : i32
        %dma_wait3A_712 = arith.constant 0 : i32
        %dma_wait3A_713 = tpu.memref_slice %arg2[%dma_wait3A_711, %dma_wait3A_712] : memref<20480x128xf32, #tpu.memory_space<hbm>> -> memref<20480x128xf32, #tpu.memory_space<hbm>>
        tpu.wait_indirect_dma semaphore(%arg13 : memref<!tpu.dma_semaphore, #tpu.memory_space<semaphore_mem>>) src(%dma_wait3A_713 : memref<20480x128xf32, #tpu.memory_space<hbm>>) dst(%arg9 : memref<128x128xf32, #tpu.memory_space<vmem>>)
        %add3A_714 = arith.constant 1 : i32
        %add3A_715 = arith.addi %mul3A_663, %add3A_714 : i32
        %dma_start3A_716 = arith.constant 0 : i32
        %dma_start3A_717 = tpu.memref_slice %arg7[%add3A_715, %dma_start3A_716] : memref<16x128xi32, #tpu.memory_space<vmem>> -> memref<1x128xi32, #tpu.memory_space<vmem>>
        %dma_start3A_718 = tpu.memref_squeeze %dma_start3A_717 : memref<1x128xi32, #tpu.memory_space<vmem>> -> memref<128xi32, #tpu.memory_space<vmem>>
        %dma_start3A_719 = arith.constant 0 : i32
        %dma_start3A_720 = arith.constant 0 : i32
        %dma_start3A_721 = tpu.memref_slice %arg10[%dma_start3A_719, %dma_start3A_720] : memref<10240x128xf32, #tpu.memory_space<vmem_shared>> -> memref<10240x128xf32, #tpu.memory_space<vmem_shared>>
        tpu.enqueue_indirect_dma source(%arg9 : memref<128x128xf32, #tpu.memory_space<vmem>>) target(%dma_start3A_721 : memref<10240x128xf32, #tpu.memory_space<vmem_shared>>) offsets(%dma_start3A_718 : memref<128xi32, #tpu.memory_space<vmem>>) semaphore(%arg15 : memref<!tpu.dma_semaphore, #tpu.memory_space<semaphore_mem>>) {add = true}
        %scan3A_722 = arith.constant 0 : i32
        scf.yield %scan3A_722 : i32
      }
      %scan3A_602 = arith.constant 6 : i32
      %dma_wait3A_603 = arith.constant 0 : i32
      %dma_wait3A_604 = arith.constant 0 : i32
      %dma_wait3A_605 = tpu.memref_slice %arg7[%dma_wait3A_603, %dma_wait3A_604] : memref<16x128xi32, #tpu.memory_space<vmem>> -> memref<1x128xi32, #tpu.memory_space<vmem>>
      %dma_wait3A_606 = tpu.memref_squeeze %dma_wait3A_605 : memref<1x128xi32, #tpu.memory_space<vmem>> -> memref<128xi32, #tpu.memory_space<vmem>>
      %dma_wait3A_607 = arith.constant 0 : i32
      %dma_wait3A_608 = arith.constant 0 : i32
      %dma_wait3A_609 = tpu.memref_slice %arg10[%dma_wait3A_607, %dma_wait3A_608] : memref<10240x128xf32, #tpu.memory_space<vmem_shared>> -> memref<10240x128xf32, #tpu.memory_space<vmem_shared>>
      tpu.wait_indirect_dma semaphore(%arg15 : memref<!tpu.dma_semaphore, #tpu.memory_space<semaphore_mem>>) src(%arg9 : memref<128x128xf32, #tpu.memory_space<vmem>>) dst(%dma_wait3A_609 : memref<10240x128xf32, #tpu.memory_space<vmem_shared>>)
      %dma_start3A_610 = arith.constant 15 : i32
      %dma_start3A_611 = arith.constant 0 : i32
      %dma_start3A_612 = tpu.memref_slice %arg6[%dma_start3A_610, %dma_start3A_611] : memref<16x128xi32, #tpu.memory_space<vmem>> -> memref<1x128xi32, #tpu.memory_space<vmem>>
      %dma_start3A_613 = tpu.memref_squeeze %dma_start3A_612 : memref<1x128xi32, #tpu.memory_space<vmem>> -> memref<128xi32, #tpu.memory_space<vmem>>
      %dma_start3A_614 = arith.constant 0 : i32
      %dma_start3A_615 = arith.constant 0 : i32
      %dma_start3A_616 = tpu.memref_slice %arg2[%dma_start3A_614, %dma_start3A_615] : memref<20480x128xf32, #tpu.memory_space<hbm>> -> memref<20480x128xf32, #tpu.memory_space<hbm>>
      tpu.enqueue_indirect_dma source(%dma_start3A_616 : memref<20480x128xf32, #tpu.memory_space<hbm>>) target(%arg9 : memref<128x128xf32, #tpu.memory_space<vmem>>) offsets(%dma_start3A_613 : memref<128xi32, #tpu.memory_space<vmem>>) semaphore(%arg13 : memref<!tpu.dma_semaphore, #tpu.memory_space<semaphore_mem>>)
      %dma_wait3A_617 = arith.constant 0 : i32
      %dma_wait3A_618 = arith.constant 0 : i32
      %dma_wait3A_619 = tpu.memref_slice %arg6[%dma_wait3A_617, %dma_wait3A_618] : memref<16x128xi32, #tpu.memory_space<vmem>> -> memref<1x128xi32, #tpu.memory_space<vmem>>
      %dma_wait3A_620 = tpu.memref_squeeze %dma_wait3A_619 : memref<1x128xi32, #tpu.memory_space<vmem>> -> memref<128xi32, #tpu.memory_space<vmem>>
      %dma_wait3A_621 = arith.constant 0 : i32
      %dma_wait3A_622 = arith.constant 0 : i32
      %dma_wait3A_623 = tpu.memref_slice %arg2[%dma_wait3A_621, %dma_wait3A_622] : memref<20480x128xf32, #tpu.memory_space<hbm>> -> memref<20480x128xf32, #tpu.memory_space<hbm>>
      tpu.wait_indirect_dma semaphore(%arg12 : memref<!tpu.dma_semaphore, #tpu.memory_space<semaphore_mem>>) src(%dma_wait3A_623 : memref<20480x128xf32, #tpu.memory_space<hbm>>) dst(%arg8 : memref<128x128xf32, #tpu.memory_space<vmem>>)
      %dma_start3A_624 = arith.constant 14 : i32
      %dma_start3A_625 = arith.constant 0 : i32
      %dma_start3A_626 = tpu.memref_slice %arg7[%dma_start3A_624, %dma_start3A_625] : memref<16x128xi32, #tpu.memory_space<vmem>> -> memref<1x128xi32, #tpu.memory_space<vmem>>
      %dma_start3A_627 = tpu.memref_squeeze %dma_start3A_626 : memref<1x128xi32, #tpu.memory_space<vmem>> -> memref<128xi32, #tpu.memory_space<vmem>>
      %dma_start3A_628 = arith.constant 0 : i32
      %dma_start3A_629 = arith.constant 0 : i32
      %dma_start3A_630 = tpu.memref_slice %arg10[%dma_start3A_628, %dma_start3A_629] : memref<10240x128xf32, #tpu.memory_space<vmem_shared>> -> memref<10240x128xf32, #tpu.memory_space<vmem_shared>>
      tpu.enqueue_indirect_dma source(%arg8 : memref<128x128xf32, #tpu.memory_space<vmem>>) target(%dma_start3A_630 : memref<10240x128xf32, #tpu.memory_space<vmem_shared>>) offsets(%dma_start3A_627 : memref<128xi32, #tpu.memory_space<vmem>>) semaphore(%arg14 : memref<!tpu.dma_semaphore, #tpu.memory_space<semaphore_mem>>) {add = true}
      %dma_wait3A_631 = arith.constant 0 : i32
      %dma_wait3A_632 = arith.constant 0 : i32
      %dma_wait3A_633 = tpu.memref_slice %arg6[%dma_wait3A_631, %dma_wait3A_632] : memref<16x128xi32, #tpu.memory_space<vmem>> -> memref<1x128xi32, #tpu.memory_space<vmem>>
      %dma_wait3A_634 = tpu.memref_squeeze %dma_wait3A_633 : memref<1x128xi32, #tpu.memory_space<vmem>> -> memref<128xi32, #tpu.memory_space<vmem>>
      %dma_wait3A_635 = arith.constant 0 : i32
      %dma_wait3A_636 = arith.constant 0 : i32
      %dma_wait3A_637 = tpu.memref_slice %arg2[%dma_wait3A_635, %dma_wait3A_636] : memref<20480x128xf32, #tpu.memory_space<hbm>> -> memref<20480x128xf32, #tpu.memory_space<hbm>>
      tpu.wait_indirect_dma semaphore(%arg13 : memref<!tpu.dma_semaphore, #tpu.memory_space<semaphore_mem>>) src(%dma_wait3A_637 : memref<20480x128xf32, #tpu.memory_space<hbm>>) dst(%arg9 : memref<128x128xf32, #tpu.memory_space<vmem>>)
      %dma_start3A_638 = arith.constant 15 : i32
      %dma_start3A_639 = arith.constant 0 : i32
      %dma_start3A_640 = tpu.memref_slice %arg7[%dma_start3A_638, %dma_start3A_639] : memref<16x128xi32, #tpu.memory_space<vmem>> -> memref<1x128xi32, #tpu.memory_space<vmem>>
      %dma_start3A_641 = tpu.memref_squeeze %dma_start3A_640 : memref<1x128xi32, #tpu.memory_space<vmem>> -> memref<128xi32, #tpu.memory_space<vmem>>
      %dma_start3A_642 = arith.constant 0 : i32
      %dma_start3A_643 = arith.constant 0 : i32
      %dma_start3A_644 = tpu.memref_slice %arg10[%dma_start3A_642, %dma_start3A_643] : memref<10240x128xf32, #tpu.memory_space<vmem_shared>> -> memref<10240x128xf32, #tpu.memory_space<vmem_shared>>
      tpu.enqueue_indirect_dma source(%arg9 : memref<128x128xf32, #tpu.memory_space<vmem>>) target(%dma_start3A_644 : memref<10240x128xf32, #tpu.memory_space<vmem_shared>>) offsets(%dma_start3A_641 : memref<128xi32, #tpu.memory_space<vmem>>) semaphore(%arg15 : memref<!tpu.dma_semaphore, #tpu.memory_space<semaphore_mem>>) {add = true}
      %dma_wait3A_645 = arith.constant 0 : i32
      %dma_wait3A_646 = arith.constant 0 : i32
      %dma_wait3A_647 = tpu.memref_slice %arg7[%dma_wait3A_645, %dma_wait3A_646] : memref<16x128xi32, #tpu.memory_space<vmem>> -> memref<1x128xi32, #tpu.memory_space<vmem>>
      %dma_wait3A_648 = tpu.memref_squeeze %dma_wait3A_647 : memref<1x128xi32, #tpu.memory_space<vmem>> -> memref<128xi32, #tpu.memory_space<vmem>>
      %dma_wait3A_649 = arith.constant 0 : i32
      %dma_wait3A_650 = arith.constant 0 : i32
      %dma_wait3A_651 = tpu.memref_slice %arg10[%dma_wait3A_649, %dma_wait3A_650] : memref<10240x128xf32, #tpu.memory_space<vmem_shared>> -> memref<10240x128xf32, #tpu.memory_space<vmem_shared>>
      tpu.wait_indirect_dma semaphore(%arg14 : memref<!tpu.dma_semaphore, #tpu.memory_space<semaphore_mem>>) src(%arg8 : memref<128x128xf32, #tpu.memory_space<vmem>>) dst(%dma_wait3A_651 : memref<10240x128xf32, #tpu.memory_space<vmem_shared>>)
      %dma_wait3A_652 = arith.constant 0 : i32
      %dma_wait3A_653 = arith.constant 0 : i32
      %dma_wait3A_654 = tpu.memref_slice %arg7[%dma_wait3A_652, %dma_wait3A_653] : memref<16x128xi32, #tpu.memory_space<vmem>> -> memref<1x128xi32, #tpu.memory_space<vmem>>
      %dma_wait3A_655 = tpu.memref_squeeze %dma_wait3A_654 : memref<1x128xi32, #tpu.memory_space<vmem>> -> memref<128xi32, #tpu.memory_space<vmem>>
      %dma_wait3A_656 = arith.constant 0 : i32
      %dma_wait3A_657 = arith.constant 0 : i32
      %dma_wait3A_658 = tpu.memref_slice %arg10[%dma_wait3A_656, %dma_wait3A_657] : memref<10240x128xf32, #tpu.memory_space<vmem_shared>> -> memref<10240x128xf32, #tpu.memory_space<vmem_shared>>
      tpu.wait_indirect_dma semaphore(%arg15 : memref<!tpu.dma_semaphore, #tpu.memory_space<semaphore_mem>>) src(%arg9 : memref<128x128xf32, #tpu.memory_space<vmem>>) dst(%dma_wait3A_658 : memref<10240x128xf32, #tpu.memory_space<vmem_shared>>)
      %scan3A_659 = arith.constant 0 : i32
      scf.yield %scan3A_659 : i32
    }
    %scan3A_525 = arith.constant 5 : i32
    %barrier3A_526 = arith.constant 0 : index
    tpu.barrier barrier_id(%barrier3A_526)
    %scan3A_527 = arith.constant 0 : i32
    %scan3A_528 = arith.constant 0 : i32
    %scan3A_529 = arith.constant 5 : i32
    %scan3A_530 = arith.addi %scan3A_528, %scan3A_529 : i32
    %scan3A_531 = arith.constant 1 : i32
    %scan3A_532 = scf.for %scan3A_534 = %scan3A_528 to %scan3A_530 step %scan3A_531 iter_args(%scan3A_535 = %scan3A_527) -> (i32)  : i32 {
      %mul3A_536 = arith.constant 5 : i32
      %mul3A_537 = arith.muli %arg1, %mul3A_536 : i32
      %add3A_538 = arith.addi %mul3A_537, %scan3A_534 : i32
      %mul3A_539 = arith.constant 128 : i32
      %mul3A_540 = arith.muli %add3A_538, %mul3A_539 : i32
      "tpu.region"() ({
        %run_scoped3A = tpu.sem_alloc : memref<!tpu.dma_semaphore, #tpu.memory_space<semaphore_mem>>
        %dma_start3A = arith.constant 0 : i32
        %dma_start3A_542 = tpu.memref_slice %arg10[%mul3A_540, %dma_start3A] : memref<10240x128xf32, #tpu.memory_space<vmem_shared>> -> memref<128x128xf32, #tpu.memory_space<vmem_shared>>
        %dma_start3A_543 = arith.constant 0 : i32
        %dma_start3A_544 = tpu.memref_slice %arg10[%mul3A_540, %dma_start3A_543] : memref<10240x128xf32, #tpu.memory_space<vmem_shared>> -> memref<128x128xf32, #tpu.memory_space<vmem_shared>>
        tpu.enqueue_dma source(%dma_start3A_544 : memref<128x128xf32, #tpu.memory_space<vmem_shared>>) target(%arg8 : memref<128x128xf32, #tpu.memory_space<vmem>>) target_semaphore(%run_scoped3A : memref<!tpu.dma_semaphore, #tpu.memory_space<semaphore_mem>>)
        %dma_wait3A = arith.constant 0 : i32
        %dma_wait3A_545 = tpu.memref_slice %arg10[%mul3A_540, %dma_wait3A] : memref<10240x128xf32, #tpu.memory_space<vmem_shared>> -> memref<128x128xf32, #tpu.memory_space<vmem_shared>>
        %dma_wait3A_546 = arith.constant 0 : i32
        %dma_wait3A_547 = tpu.memref_slice %arg10[%mul3A_540, %dma_wait3A_546] : memref<10240x128xf32, #tpu.memory_space<vmem_shared>> -> memref<128x128xf32, #tpu.memory_space<vmem_shared>>
        tpu.wait_dma2 semaphore(%run_scoped3A : memref<!tpu.dma_semaphore, #tpu.memory_space<semaphore_mem>>) src(%dma_wait3A_547 : memref<128x128xf32, #tpu.memory_space<vmem_shared>>) dst(%arg8 : memref<128x128xf32, #tpu.memory_space<vmem>>)
        tpu.yield
      }) : () -> ()
      "tpu.region"() ({
        %run_scoped3A = tpu.sem_alloc : memref<!tpu.dma_semaphore, #tpu.memory_space<semaphore_mem>>
        %dma_start3A = arith.constant 0 : i32
        %dma_start3A_542 = tpu.memref_slice %arg5[%arg0, %mul3A_540, %dma_start3A] : memref<2x10240x128xf32, #tpu.memory_space<hbm>> -> memref<1x128x128xf32, #tpu.memory_space<hbm>>
        %dma_start3A_543 = tpu.memref_squeeze %dma_start3A_542 : memref<1x128x128xf32, #tpu.memory_space<hbm>> -> memref<128x128xf32, #tpu.memory_space<hbm>>
        %dma_start3A_544 = arith.constant 0 : i32
        %dma_start3A_545 = tpu.memref_slice %arg5[%arg0, %mul3A_540, %dma_start3A_544] : memref<2x10240x128xf32, #tpu.memory_space<hbm>> -> memref<1x128x128xf32, #tpu.memory_space<hbm>>
        %dma_start3A_546 = tpu.memref_squeeze %dma_start3A_545 : memref<1x128x128xf32, #tpu.memory_space<hbm>> -> memref<128x128xf32, #tpu.memory_space<hbm>>
        tpu.enqueue_dma source(%arg8 : memref<128x128xf32, #tpu.memory_space<vmem>>) target(%dma_start3A_546 : memref<128x128xf32, #tpu.memory_space<hbm>>) target_semaphore(%run_scoped3A : memref<!tpu.dma_semaphore, #tpu.memory_space<semaphore_mem>>)
        %dma_wait3A = arith.constant 0 : i32
        %dma_wait3A_547 = tpu.memref_slice %arg5[%arg0, %mul3A_540, %dma_wait3A] : memref<2x10240x128xf32, #tpu.memory_space<hbm>> -> memref<1x128x128xf32, #tpu.memory_space<hbm>>
        %dma_wait3A_548 = tpu.memref_squeeze %dma_wait3A_547 : memref<1x128x128xf32, #tpu.memory_space<hbm>> -> memref<128x128xf32, #tpu.memory_space<hbm>>
        %dma_wait3A_549 = arith.constant 0 : i32
        %dma_wait3A_550 = tpu.memref_slice %arg5[%arg0, %mul3A_540, %dma_wait3A_549] : memref<2x10240x128xf32, #tpu.memory_space<hbm>> -> memref<1x128x128xf32, #tpu.memory_space<hbm>>
        %dma_wait3A_551 = tpu.memref_squeeze %dma_wait3A_550 : memref<1x128x128xf32, #tpu.memory_space<hbm>> -> memref<128x128xf32, #tpu.memory_space<hbm>>
        tpu.wait_dma2 semaphore(%run_scoped3A : memref<!tpu.dma_semaphore, #tpu.memory_space<semaphore_mem>>) src(%arg8 : memref<128x128xf32, #tpu.memory_space<vmem>>) dst(%dma_wait3A_551 : memref<128x128xf32, #tpu.memory_space<hbm>>)
        tpu.yield
      }) : () -> ()
      %scan3A_541 = arith.constant 0 : i32
      scf.yield %scan3A_541 : i32
    }
    %scan3A_533 = arith.constant 5 : i32
    return
  }
}

module attributes {stable_mosaic.version = 14 : i64} {
  func.func @_mm_body(%arg0: memref<10000x128xf32, #tpu.memory_space<vmem>>, %arg1: memref<128x128xf32, #tpu.memory_space<vmem>>, %arg2: memref<10000x128xf32, #tpu.memory_space<vmem>>) attributes {dimension_semantics = [], scalar_prefetch = 0 : i64, scratch_operands = 0 : i64, tpu.core_type = #tpu.core_type<tc>} {
    %get3A = arith.constant 0 : index
    %get3A_0 = arith.constant 0 : index
    %get3A_1 = vector.load %arg0[%get3A, %get3A_0] : memref<10000x128xf32, #tpu.memory_space<vmem>>, vector<10000x128xf32>
    %get3A_2 = arith.constant 0 : index
    %get3A_3 = arith.constant 0 : index
    %get3A_4 = vector.load %arg1[%get3A_2, %get3A_3] : memref<128x128xf32, #tpu.memory_space<vmem>>, vector<128x128xf32>
    %dot_general3A = arith.constant dense<0.000000e+00> : vector<10000x128xf32>
    %dot_general3A_5 = tpu.matmul %get3A_1, %get3A_4, %dot_general3A {dimension_numbers = #tpu.dot_dimension_numbers<[1], [0], [0], [1], [0, 0, 1, 1], [], []>, precision = #tpu.contract_precision<fp32>, transpose_lhs_hint = false} : vector<10000x128xf32>, vector<128x128xf32>, vector<10000x128xf32> -> vector<10000x128xf32>
    %swap3A = arith.constant 0 : index
    %swap3A_6 = arith.constant 0 : index
    %swap3A_7 = vector.load %arg2[%swap3A, %swap3A_6] : memref<10000x128xf32, #tpu.memory_space<vmem>>, vector<10000x128xf32>
    tpu.vector_store %arg2[%swap3A, %swap3A_6], %dot_general3A_5 {strides = array<i32>} : memref<10000x128xf32, #tpu.memory_space<vmem>>, vector<10000x128xf32>,
    return
  }
}

module attributes {stable_mosaic.version = 14 : i64} {
  func.func @body(%arg0: memref<2x320000xi32, #tpu.memory_space<vmem>>, %arg1: memref<327680xi32, #tpu.memory_space<vmem>>, %arg2: memref<2x327680xi32, #tpu.memory_space<vmem>>, %arg3: memref<327680xi32, #tpu.memory_space<vmem>>, %arg4: memref<2x327680xi32, #tpu.memory_space<vmem>>) attributes {dimension_semantics = [], scalar_prefetch = 0 : i64, scratch_operands = 0 : i64, tpu.core_type = #tpu.core_type<tc>} {
    %get3A = arith.constant 0 : index
    %get3A_0 = arith.constant 0 : index
    %get3A_1 = vector.load %arg0[%get3A, %get3A_0] : memref<2x320000xi32, #tpu.memory_space<vmem>>, vector<1x320000xi32>
    %get3A_2 = vector.shape_cast %get3A_1 : vector<1x320000xi32> to vector<320000xi32>
    %get3A_3 = arith.constant 1 : index
    %get3A_4 = arith.constant 0 : index
    %get3A_5 = vector.load %arg0[%get3A_3, %get3A_4] : memref<2x320000xi32, #tpu.memory_space<vmem>>, vector<1x320000xi32>
    %get3A_6 = vector.shape_cast %get3A_5 : vector<1x320000xi32> to vector<320000xi32>
    %iota3A = tpu.iota {dimensions = array<i32: 1>} : vector<1x7680xi32>
    %iota3A_7 = vector.shape_cast %iota3A : vector<1x7680xi32> to vector<7680xi32>
    %mul3A = arith.constant 53 : i32
    %mul3A_8 = vector.broadcast %mul3A : i32 to vector<7680xi32>
    %mul3A_9 = arith.muli %iota3A_7, %mul3A_8 : vector<7680xi32>
    %jit3A = arith.constant 10000 : i32
    %eq3A = arith.constant 0 : i32
    %eq3A_10 = arith.cmpi eq, %jit3A, %eq3A : i32
    %jit3A_11 = arith.constant 1 : i32
    %select_n3A = arith.select %eq3A_10, %jit3A_11, %jit3A : i32
    %rem3A = vector.broadcast %select_n3A : i32 to vector<7680xi32>
    %rem3A_12 = arith.remsi %mul3A_9, %rem3A : vector<7680xi32>
    %ne3A = arith.constant 0 : i32
    %ne3A_13 = vector.broadcast %ne3A : i32 to vector<7680xi32>
    %ne3A_14 = arith.cmpi ne, %rem3A_12, %ne3A_13 : vector<7680xi32>
    %lt3A = arith.constant 0 : i32
    %lt3A_15 = vector.broadcast %lt3A : i32 to vector<7680xi32>
    %lt3A_16 = arith.cmpi slt, %rem3A_12, %lt3A_15 : vector<7680xi32>
    %lt3A_17 = arith.constant 0 : i32
    %lt3A_18 = arith.cmpi slt, %select_n3A, %lt3A_17 : i32
    %ne3A_19 = vector.broadcast %lt3A_18 : i1 to vector<7680xi1>
    %ne3A_20 = vector.broadcast %ne3A_19 : vector<7680xi1> to vector<7680xi1>
    %ne3A_21 = arith.xori %lt3A_16, %ne3A_20 : vector<7680xi1>
    %and3A = arith.andi %ne3A_21, %ne3A_14 : vector<7680xi1>
    %add3A = vector.broadcast %select_n3A : i32 to vector<7680xi32>
    %add3A_22 = arith.addi %rem3A_12, %add3A : vector<7680xi32>
    %select_n3A_23 = arith.select %and3A, %add3A_22, %rem3A_12 : vector<7680xi1>, vector<7680xi32>
    %jit3A_24 = arith.constant 128 : i32
    %eq3A_25 = arith.constant 0 : i32
    %eq3A_26 = arith.cmpi eq, %jit3A_24, %eq3A_25 : i32
    %jit3A_27 = arith.constant 1 : i32
    %select_n3A_28 = arith.select %eq3A_26, %jit3A_27, %jit3A_24 : i32
    %rem3A_29 = vector.broadcast %select_n3A_28 : i32 to vector<7680xi32>
    %rem3A_30 = arith.remsi %iota3A_7, %rem3A_29 : vector<7680xi32>
    %ne3A_31 = arith.constant 0 : i32
    %ne3A_32 = vector.broadcast %ne3A_31 : i32 to vector<7680xi32>
    %ne3A_33 = arith.cmpi ne, %rem3A_30, %ne3A_32 : vector<7680xi32>
    %lt3A_34 = arith.constant 0 : i32
    %lt3A_35 = vector.broadcast %lt3A_34 : i32 to vector<7680xi32>
    %lt3A_36 = arith.cmpi slt, %rem3A_30, %lt3A_35 : vector<7680xi32>
    %lt3A_37 = arith.constant 0 : i32
    %lt3A_38 = arith.cmpi slt, %select_n3A_28, %lt3A_37 : i32
    %ne3A_39 = vector.broadcast %lt3A_38 : i1 to vector<7680xi1>
    %ne3A_40 = vector.broadcast %ne3A_39 : vector<7680xi1> to vector<7680xi1>
    %ne3A_41 = arith.xori %lt3A_36, %ne3A_40 : vector<7680xi1>
    %and3A_42 = arith.andi %ne3A_41, %ne3A_33 : vector<7680xi1>
    %add3A_43 = vector.broadcast %select_n3A_28 : i32 to vector<7680xi32>
    %add3A_44 = arith.addi %rem3A_30, %add3A_43 : vector<7680xi32>
    %select_n3A_45 = arith.select %and3A_42, %add3A_44, %rem3A_30 : vector<7680xi1>, vector<7680xi32>
    %add3A_46 = arith.constant 10000 : i32
    %add3A_47 = vector.broadcast %add3A_46 : i32 to vector<7680xi32>
    %add3A_48 = arith.addi %add3A_47, %select_n3A_45 : vector<7680xi32>
    %concatenate3A = tpu.concatenate %get3A_2, %select_n3A_23 in 0 : vector<320000xi32>, vector<7680xi32> -> vector<327680xi32>
    %concatenate3A_49 = tpu.concatenate %get3A_6, %add3A_48 in 0 : vector<320000xi32>, vector<7680xi32> -> vector<327680xi32>
    %slice3A = vector.extract_strided_slice %concatenate3A {offsets = [0], sizes = [163840], strides = [1]} : vector<327680xi32> to vector<163840xi32>
    %swap3A = arith.constant 0 : index
    %swap3A_50 = vector.load %arg1[%swap3A] : memref<327680xi32, #tpu.memory_space<vmem>>, vector<163840xi32>
    tpu.vector_store %arg1[%swap3A], %slice3A {strides = array<i32>} : memref<327680xi32, #tpu.memory_space<vmem>>, vector<163840xi32>,
    %slice3A_51 = vector.extract_strided_slice %concatenate3A {offsets = [163840], sizes = [163840], strides = [1]} : vector<327680xi32> to vector<163840xi32>
    %add3A_52 = arith.constant 10240 : i32
    %add3A_53 = vector.broadcast %add3A_52 : i32 to vector<163840xi32>
    %add3A_54 = arith.addi %slice3A_51, %add3A_53 : vector<163840xi32>
    %swap3A_55 = arith.constant 163840 : index
    %swap3A_56 = vector.load %arg1[%swap3A_55] : memref<327680xi32, #tpu.memory_space<vmem>>, vector<163840xi32>
    tpu.vector_store %arg1[%swap3A_55], %add3A_54 {strides = array<i32>} : memref<327680xi32, #tpu.memory_space<vmem>>, vector<163840xi32>,
    %swap3A_57 = arith.constant 0 : index
    %swap3A_58 = arith.constant 0 : index
    %swap3A_59 = vector.load %arg2[%swap3A_57, %swap3A_58] : memref<2x327680xi32, #tpu.memory_space<vmem>>, vector<1x327680xi32>
    %swap3A_60 = vector.shape_cast %swap3A_59 : vector<1x327680xi32> to vector<327680xi32>
    %swap3A_61 = vector.shape_cast %concatenate3A : vector<327680xi32> to vector<1x327680xi32>
    tpu.vector_store %arg2[%swap3A_57, %swap3A_58], %swap3A_61 {strides = array<i32>} : memref<2x327680xi32, #tpu.memory_space<vmem>>, vector<1x327680xi32>,
    %add3A_62 = arith.constant 10240 : i32
    %add3A_63 = vector.broadcast %add3A_62 : i32 to vector<327680xi32>
    %add3A_64 = arith.addi %concatenate3A, %add3A_63 : vector<327680xi32>
    %swap3A_65 = arith.constant 1 : index
    %swap3A_66 = arith.constant 0 : index
    %swap3A_67 = vector.load %arg2[%swap3A_65, %swap3A_66] : memref<2x327680xi32, #tpu.memory_space<vmem>>, vector<1x327680xi32>
    %swap3A_68 = vector.shape_cast %swap3A_67 : vector<1x327680xi32> to vector<327680xi32>
    %swap3A_69 = vector.shape_cast %add3A_64 : vector<327680xi32> to vector<1x327680xi32>
    tpu.vector_store %arg2[%swap3A_65, %swap3A_66], %swap3A_69 {strides = array<i32>} : memref<2x327680xi32, #tpu.memory_space<vmem>>, vector<1x327680xi32>,
    %swap3A_70 = arith.constant 0 : index
    %swap3A_71 = vector.load %arg3[%swap3A_70] : memref<327680xi32, #tpu.memory_space<vmem>>, vector<327680xi32>
    tpu.vector_store %arg3[%swap3A_70], %concatenate3A_49 {strides = array<i32>} : memref<327680xi32, #tpu.memory_space<vmem>>, vector<327680xi32>,
    %sub3A = arith.constant 0 : i32
    %sub3A_72 = vector.broadcast %sub3A : i32 to vector<327680xi32>
    %sub3A_73 = arith.subi %concatenate3A_49, %sub3A_72 : vector<327680xi32>
    %ge3A = arith.constant 0 : i32
    %ge3A_74 = vector.broadcast %ge3A : i32 to vector<327680xi32>
    %ge3A_75 = arith.cmpi sge, %sub3A_73, %ge3A_74 : vector<327680xi32>
    %lt3A_76 = arith.constant 5120 : i32
    %lt3A_77 = vector.broadcast %lt3A_76 : i32 to vector<327680xi32>
    %lt3A_78 = arith.cmpi slt, %sub3A_73, %lt3A_77 : vector<327680xi32>
    %and3A_79 = arith.andi %ge3A_75, %lt3A_78 : vector<327680xi1>
    %jit3A_80 = arith.constant 128 : i32
    %eq3A_81 = arith.constant 0 : i32
    %eq3A_82 = arith.cmpi eq, %jit3A_80, %eq3A_81 : i32
    %jit3A_83 = arith.constant 1 : i32
    %select_n3A_84 = arith.select %eq3A_82, %jit3A_83, %jit3A_80 : i32
    %rem3A_85 = vector.broadcast %select_n3A_84 : i32 to vector<327680xi32>
    %rem3A_86 = arith.remsi %concatenate3A_49, %rem3A_85 : vector<327680xi32>
    %ne3A_87 = arith.constant 0 : i32
    %ne3A_88 = vector.broadcast %ne3A_87 : i32 to vector<327680xi32>
    %ne3A_89 = arith.cmpi ne, %rem3A_86, %ne3A_88 : vector<327680xi32>
    %lt3A_90 = arith.constant 0 : i32
    %lt3A_91 = vector.broadcast %lt3A_90 : i32 to vector<327680xi32>
    %lt3A_92 = arith.cmpi slt, %rem3A_86, %lt3A_91 : vector<327680xi32>
    %lt3A_93 = arith.constant 0 : i32
    %lt3A_94 = arith.cmpi slt, %select_n3A_84, %lt3A_93 : i32
    %ne3A_95 = vector.broadcast %lt3A_94 : i1 to vector<327680xi1>
    %ne3A_96 = vector.broadcast %ne3A_95 : vector<327680xi1> to vector<327680xi1>
    %ne3A_97 = arith.xori %lt3A_92, %ne3A_96 : vector<327680xi1>
    %and3A_98 = arith.andi %ne3A_97, %ne3A_89 : vector<327680xi1>
    %add3A_99 = vector.broadcast %select_n3A_84 : i32 to vector<327680xi32>
    %add3A_100 = arith.addi %rem3A_86, %add3A_99 : vector<327680xi32>
    %select_n3A_101 = arith.select %and3A_98, %add3A_100, %rem3A_86 : vector<327680xi1>, vector<327680xi32>
    %add3A_102 = arith.constant 5120 : i32
    %add3A_103 = vector.broadcast %add3A_102 : i32 to vector<327680xi32>
    %add3A_104 = arith.addi %add3A_103, %select_n3A_101 : vector<327680xi32>
    %select_n3A_105 = arith.select %and3A_79, %sub3A_73, %add3A_104 : vector<327680xi1>, vector<327680xi32>
    %swap3A_106 = arith.constant 0 : index
    %swap3A_107 = arith.constant 0 : index
    %swap3A_108 = vector.load %arg4[%swap3A_106, %swap3A_107] : memref<2x327680xi32, #tpu.memory_space<vmem>>, vector<1x327680xi32>
    %swap3A_109 = vector.shape_cast %swap3A_108 : vector<1x327680xi32> to vector<327680xi32>
    %swap3A_110 = vector.shape_cast %select_n3A_105 : vector<327680xi32> to vector<1x327680xi32>
    tpu.vector_store %arg4[%swap3A_106, %swap3A_107], %swap3A_110 {strides = array<i32>} : memref<2x327680xi32, #tpu.memory_space<vmem>>, vector<1x327680xi32>,
    %sub3A_111 = arith.constant 5120 : i32
    %sub3A_112 = vector.broadcast %sub3A_111 : i32 to vector<327680xi32>
    %sub3A_113 = arith.subi %concatenate3A_49, %sub3A_112 : vector<327680xi32>
    %ge3A_114 = arith.constant 0 : i32
    %ge3A_115 = vector.broadcast %ge3A_114 : i32 to vector<327680xi32>
    %ge3A_116 = arith.cmpi sge, %sub3A_113, %ge3A_115 : vector<327680xi32>
    %lt3A_117 = arith.constant 5120 : i32
    %lt3A_118 = vector.broadcast %lt3A_117 : i32 to vector<327680xi32>
    %lt3A_119 = arith.cmpi slt, %sub3A_113, %lt3A_118 : vector<327680xi32>
    %and3A_120 = arith.andi %ge3A_116, %lt3A_119 : vector<327680xi1>
    %jit3A_121 = arith.constant 128 : i32
    %eq3A_122 = arith.constant 0 : i32
    %eq3A_123 = arith.cmpi eq, %jit3A_121, %eq3A_122 : i32
    %jit3A_124 = arith.constant 1 : i32
    %select_n3A_125 = arith.select %eq3A_123, %jit3A_124, %jit3A_121 : i32
    %rem3A_126 = vector.broadcast %select_n3A_125 : i32 to vector<327680xi32>
    %rem3A_127 = arith.remsi %concatenate3A_49, %rem3A_126 : vector<327680xi32>
    %ne3A_128 = arith.constant 0 : i32
    %ne3A_129 = vector.broadcast %ne3A_128 : i32 to vector<327680xi32>
    %ne3A_130 = arith.cmpi ne, %rem3A_127, %ne3A_129 : vector<327680xi32>
    %lt3A_131 = arith.constant 0 : i32
    %lt3A_132 = vector.broadcast %lt3A_131 : i32 to vector<327680xi32>
    %lt3A_133 = arith.cmpi slt, %rem3A_127, %lt3A_132 : vector<327680xi32>
    %lt3A_134 = arith.constant 0 : i32
    %lt3A_135 = arith.cmpi slt, %select_n3A_125, %lt3A_134 : i32
    %ne3A_136 = vector.broadcast %lt3A_135 : i1 to vector<327680xi1>
    %ne3A_137 = vector.broadcast %ne3A_136 : vector<327680xi1> to vector<327680xi1>
    %ne3A_138 = arith.xori %lt3A_133, %ne3A_137 : vector<327680xi1>
    %and3A_139 = arith.andi %ne3A_138, %ne3A_130 : vector<327680xi1>
    %add3A_140 = vector.broadcast %select_n3A_125 : i32 to vector<327680xi32>
    %add3A_141 = arith.addi %rem3A_127, %add3A_140 : vector<327680xi32>
    %select_n3A_142 = arith.select %and3A_139, %add3A_141, %rem3A_127 : vector<327680xi1>, vector<327680xi32>
    %add3A_143 = arith.constant 5120 : i32
    %add3A_144 = vector.broadcast %add3A_143 : i32 to vector<327680xi32>
    %add3A_145 = arith.addi %add3A_144, %select_n3A_142 : vector<327680xi32>
    %select_n3A_146 = arith.select %and3A_120, %sub3A_113, %add3A_145 : vector<327680xi1>, vector<327680xi32>
    %swap3A_147 = arith.constant 1 : index
    %swap3A_148 = arith.constant 0 : index
    %swap3A_149 = vector.load %arg4[%swap3A_147, %swap3A_148] : memref<2x327680xi32, #tpu.memory_space<vmem>>, vector<1x327680xi32>
    %swap3A_150 = vector.shape_cast %swap3A_149 : vector<1x327680xi32> to vector<327680xi32>
    %swap3A_151 = vector.shape_cast %select_n3A_146 : vector<327680xi32> to vector<1x327680xi32>
    tpu.vector_store %arg4[%swap3A_147, %swap3A_148], %swap3A_151 {strides = array<i32>} : memref<2x327680xi32, #tpu.memory_space<vmem>>, vector<1x327680xi32>,
    return
  }
}

module attributes {stable_mosaic.version = 14 : i64} {
  func.func @_scale_body(%arg0: memref<10000x128xf32, #tpu.memory_space<vmem>>, %arg1: memref<10240x1xf32, #tpu.memory_space<vmem>>, %arg2: memref<10240x1xf32, #tpu.memory_space<vmem>>, %arg3: memref<20480x128xf32, #tpu.memory_space<vmem>>) attributes {dimension_semantics = [], scalar_prefetch = 0 : i64, scratch_operands = 0 : i64, tpu.core_type = #tpu.core_type<tc>} {
    %get3A = arith.constant 0 : index
    %get3A_0 = arith.constant 0 : index
    %get3A_1 = vector.load %arg1[%get3A, %get3A_0] : memref<10240x1xf32, #tpu.memory_space<vmem>>, vector<10240x1xf32>
    %get3A_2 = arith.constant 0 : index
    %get3A_3 = arith.constant 0 : index
    %get3A_4 = vector.load %arg2[%get3A_2, %get3A_3] : memref<10240x1xf32, #tpu.memory_space<vmem>>, vector<10240x1xf32>
    %add3A = arith.addf %get3A_1, %get3A_4 : vector<10240x1xf32>
    %add3A_5 = arith.constant 1.000000e+00 : f32
    %add3A_6 = vector.broadcast %add3A_5 : f32 to vector<10240x1xf32>
    %add3A_7 = arith.addf %add3A, %add3A_6 : vector<10240x1xf32>
    %rsqrt3A = math.rsqrt %add3A_7 : vector<10240x1xf32>
    %slice3A = vector.extract_strided_slice %rsqrt3A {offsets = [0, 0], sizes = [10000, 1], strides = [1, 1]} : vector<10240x1xf32> to vector<10000x1xf32>
    %get3A_8 = arith.constant 0 : index
    %get3A_9 = arith.constant 0 : index
    %get3A_10 = vector.load %arg0[%get3A_8, %get3A_9] : memref<10000x128xf32, #tpu.memory_space<vmem>>, vector<10000x128xf32>
    %mul3A = vector.broadcast %slice3A : vector<10000x1xf32> to vector<10000x128xf32>
    %mul3A_11 = arith.mulf %mul3A, %get3A_10 : vector<10000x128xf32>
    %broadcast_in_dim3A = arith.constant 0.000000e+00 : f32
    %broadcast_in_dim3A_12 = vector.broadcast %broadcast_in_dim3A : f32 to vector<240x128xf32>
    %swap3A = arith.constant 0 : index
    %swap3A_13 = arith.constant 0 : index
    %swap3A_14 = vector.load %arg3[%swap3A, %swap3A_13] : memref<20480x128xf32, #tpu.memory_space<vmem>>, vector<10000x128xf32>
    tpu.vector_store %arg3[%swap3A, %swap3A_13], %mul3A_11 {strides = array<i32>} : memref<20480x128xf32, #tpu.memory_space<vmem>>, vector<10000x128xf32>,
    %swap3A_15 = arith.constant 10000 : index
    %swap3A_16 = arith.constant 0 : index
    %swap3A_17 = vector.load %arg3[%swap3A_15, %swap3A_16] : memref<20480x128xf32, #tpu.memory_space<vmem>>, vector<240x128xf32>
    tpu.vector_store %arg3[%swap3A_15, %swap3A_16], %broadcast_in_dim3A_12 {strides = array<i32>} : memref<20480x128xf32, #tpu.memory_space<vmem>>, vector<240x128xf32>,
    %swap3A_18 = arith.constant 10240 : index
    %swap3A_19 = arith.constant 0 : index
    %swap3A_20 = vector.load %arg3[%swap3A_18, %swap3A_19] : memref<20480x128xf32, #tpu.memory_space<vmem>>, vector<10000x128xf32>
    tpu.vector_store %arg3[%swap3A_18, %swap3A_19], %mul3A_11 {strides = array<i32>} : memref<20480x128xf32, #tpu.memory_space<vmem>>, vector<10000x128xf32>,
    %swap3A_21 = arith.constant 20240 : index
    %swap3A_22 = arith.constant 0 : index
    %swap3A_23 = vector.load %arg3[%swap3A_21, %swap3A_22] : memref<20480x128xf32, #tpu.memory_space<vmem>>, vector<240x128xf32>
    tpu.vector_store %arg3[%swap3A_21, %swap3A_22], %broadcast_in_dim3A_12 {strides = array<i32>} : memref<20480x128xf32, #tpu.memory_space<vmem>>, vector<240x128xf32>,
    return
  }
}

module attributes {stable_mosaic.version = 14 : i64} {
  func.func @_mid_body(%arg0: i32, %arg1: i32, %arg2: memref<2x1024x128xf32, #tpu.memory_space<vmem>>, %arg3: memref<1024x128xf32, #tpu.memory_space<vmem>>, %arg4: memref<1024x1xf32, #tpu.memory_space<vmem>>, %arg5: memref<1024x1xf32, #tpu.memory_space<vmem>>, %arg6: memref<128xf32, #tpu.memory_space<vmem>>, %arg7: memref<128x64xf32, #tpu.memory_space<vmem>>, %arg8: memref<1024x64xf32, #tpu.memory_space<vmem>>) attributes {dimension_semantics = [#tpu.dimension_semantics<arbitrary>, #tpu.dimension_semantics<arbitrary>], iteration_bounds = array<i64: 2, 10>, scalar_prefetch = 0 : i64, scratch_operands = 0 : i64, tpu.core_type = #tpu.core_type<tc>, window_params = [{transform_indices = @transform_0, window_bounds = array<i64: 2, 1024, 128>}, {transform_indices = @transform_1, window_bounds = array<i64: 1024, 128>}, {transform_indices = @transform_2, window_bounds = array<i64: 1024, 1>}, {transform_indices = @transform_3, window_bounds = array<i64: 1024, 1>}, {pipeline_mode = #tpu.pipeline_mode<synchronous>, transform_indices = @transform_4, window_bounds = array<i64: 128>}, {pipeline_mode = #tpu.pipeline_mode<synchronous>, transform_indices = @transform_5, window_bounds = array<i64: 128, 64>}, {transform_indices = @transform_6, window_bounds = array<i64: 1024, 64>}]} {
    %get3A = arith.constant 0 : index
    %get3A_0 = arith.constant 0 : index
    %get3A_1 = vector.load %arg4[%get3A, %get3A_0] : memref<1024x1xf32, #tpu.memory_space<vmem>>, vector<1024x1xf32>
    %get3A_2 = arith.constant 0 : index
    %get3A_3 = arith.constant 0 : index
    %get3A_4 = vector.load %arg5[%get3A_2, %get3A_3] : memref<1024x1xf32, #tpu.memory_space<vmem>>, vector<1024x1xf32>
    %add3A = arith.addf %get3A_1, %get3A_4 : vector<1024x1xf32>
    %add3A_5 = arith.constant 1.000000e+00 : f32
    %add3A_6 = vector.broadcast %add3A_5 : f32 to vector<1024x1xf32>
    %add3A_7 = arith.addf %add3A, %add3A_6 : vector<1024x1xf32>
    %rsqrt3A = math.rsqrt %add3A_7 : vector<1024x1xf32>
    %get3A_8 = arith.constant 0 : index
    %get3A_9 = arith.constant 0 : index
    %get3A_10 = arith.constant 0 : index
    %get3A_11 = vector.load %arg2[%get3A_8, %get3A_9, %get3A_10] : memref<2x1024x128xf32, #tpu.memory_space<vmem>>, vector<1x1024x128xf32>
    %get3A_12 = vector.shape_cast %get3A_11 : vector<1x1024x128xf32> to vector<1024x128xf32>
    %get3A_13 = arith.constant 1 : index
    %get3A_14 = arith.constant 0 : index
    %get3A_15 = arith.constant 0 : index
    %get3A_16 = vector.load %arg2[%get3A_13, %get3A_14, %get3A_15] : memref<2x1024x128xf32, #tpu.memory_space<vmem>>, vector<1x1024x128xf32>
    %get3A_17 = vector.shape_cast %get3A_16 : vector<1x1024x128xf32> to vector<1024x128xf32>
    %add3A_18 = arith.addf %get3A_12, %get3A_17 : vector<1024x128xf32>
    %get3A_19 = arith.constant 0 : index
    %get3A_20 = arith.constant 0 : index
    %get3A_21 = vector.load %arg3[%get3A_19, %get3A_20] : memref<1024x128xf32, #tpu.memory_space<vmem>>, vector<1024x128xf32>
    %add3A_22 = arith.addf %add3A_18, %get3A_21 : vector<1024x128xf32>
    %mul3A = vector.broadcast %rsqrt3A : vector<1024x1xf32> to vector<1024x128xf32>
    %mul3A_23 = arith.mulf %mul3A, %add3A_22 : vector<1024x128xf32>
    %get3A_24 = arith.constant 0 : index
    %get3A_25 = vector.load %arg6[%get3A_24] : memref<128xf32, #tpu.memory_space<vmem>>, vector<128xf32>
    %broadcast_in_dim3A = vector.shape_cast %get3A_25 : vector<128xf32> to vector<1x128xf32>
    %add3A_26 = vector.broadcast %broadcast_in_dim3A : vector<1x128xf32> to vector<1024x128xf32>
    %add3A_27 = arith.addf %mul3A_23, %add3A_26 : vector<1024x128xf32>
    %max3A = arith.constant 0.000000e+00 : f32
    %max3A_28 = vector.broadcast %max3A : f32 to vector<1024x128xf32>
    %max3A_29 = arith.maximumf %add3A_27, %max3A_28 : vector<1024x128xf32>
    %get3A_30 = arith.constant 0 : index
    %get3A_31 = arith.constant 0 : index
    %get3A_32 = vector.load %arg7[%get3A_30, %get3A_31] : memref<128x64xf32, #tpu.memory_space<vmem>>, vector<128x64xf32>
    %dot_general3A = arith.constant dense<0.000000e+00> : vector<1024x64xf32>
    %dot_general3A_33 = tpu.matmul %max3A_29, %get3A_32, %dot_general3A {dimension_numbers = #tpu.dot_dimension_numbers<[1], [0], [0], [1], [0, 0, 1, 1], [], []>, precision = #tpu.contract_precision<fp32>, transpose_lhs_hint = false} : vector<1024x128xf32>, vector<128x64xf32>, vector<1024x64xf32> -> vector<1024x64xf32>
    %mul3A_34 = vector.broadcast %rsqrt3A : vector<1024x1xf32> to vector<1024x64xf32>
    %mul3A_35 = arith.mulf %mul3A_34, %dot_general3A_33 : vector<1024x64xf32>
    %swap3A = arith.constant 0 : index
    %swap3A_36 = arith.constant 0 : index
    %swap3A_37 = vector.load %arg8[%swap3A, %swap3A_36] : memref<1024x64xf32, #tpu.memory_space<vmem>>, vector<1024x64xf32>
    tpu.vector_store %arg8[%swap3A, %swap3A_36], %mul3A_35 {strides = array<i32>} : memref<1024x64xf32, #tpu.memory_space<vmem>>, vector<1024x64xf32>,
    return
  }
  func.func @transform_0(%arg0: i32, %arg1: i32) -> (i32, i32, i32) {
    %c0_i32 = arith.constant 0 : i32
    %c0_i32_0 = arith.constant 0 : i32
    %c0_i32_1 = arith.constant 0 : i32
    return %c0_i32, %arg1, %c0_i32_0 : i32, i32, i32
  }
  func.func @transform_1(%arg0: i32, %arg1: i32) -> (i32, i32) {
    %c0_i32 = arith.constant 0 : i32
    %c0_i32_0 = arith.constant 0 : i32
    return %arg1, %c0_i32 : i32, i32
  }
  func.func @transform_2(%arg0: i32, %arg1: i32) -> (i32, i32) {
    %c0_i32 = arith.constant 0 : i32
    %c0_i32_0 = arith.constant 0 : i32
    return %arg1, %c0_i32 : i32, i32
  }
  func.func @transform_3(%arg0: i32, %arg1: i32) -> (i32, i32) {
    %c0_i32 = arith.constant 0 : i32
    %c0_i32_0 = arith.constant 0 : i32
    return %arg1, %c0_i32 : i32, i32
  }
  func.func @transform_4(%arg0: i32, %arg1: i32) -> i32 {
    %c0_i32 = arith.constant 0 : i32
    %c0_i32_0 = arith.constant 0 : i32
    return %c0_i32 : i32
  }
  func.func @transform_5(%arg0: i32, %arg1: i32) -> (i32, i32) {
    %c0_i32 = arith.constant 0 : i32
    %c0_i32_0 = arith.constant 0 : i32
    %c0_i32_1 = arith.constant 0 : i32
    return %c0_i32, %c0_i32_0 : i32, i32
  }
  func.func @transform_6(%arg0: i32, %arg1: i32) -> (i32, i32) {
    %mul3A = arith.constant 10 : i32
    %mul3A_0 = arith.muli %arg0, %mul3A : i32
    %add3A = arith.addi %mul3A_0, %arg1 : i32
    %c0_i32 = arith.constant 0 : i32
    %c0_i32_1 = arith.constant 0 : i32
    return %add3A, %c0_i32 : i32, i32
  }
}

module attributes {stable_mosaic.version = 14 : i64} {
  func.func @_final_body(%arg0: i32, %arg1: memref<1x1024x64xf32, #tpu.memory_space<vmem>>, %arg2: memref<1024x64xf32, #tpu.memory_space<vmem>>, %arg3: memref<1024x1xf32, #tpu.memory_space<vmem>>, %arg4: memref<1024x1xf32, #tpu.memory_space<vmem>>, %arg5: memref<64xf32, #tpu.memory_space<vmem>>, %arg6: memref<1024x64xf32, #tpu.memory_space<vmem>>) attributes {dimension_semantics = [#tpu.dimension_semantics<arbitrary>], iteration_bounds = array<i64: 10>, scalar_prefetch = 0 : i64, scratch_operands = 0 : i64, tpu.core_type = #tpu.core_type<tc>, window_params = [{transform_indices = @transform_0, window_bounds = array<i64: 1, 1024, 64>}, {transform_indices = @transform_1, window_bounds = array<i64: 1024, 64>}, {transform_indices = @transform_2, window_bounds = array<i64: 1024, 1>}, {transform_indices = @transform_3, window_bounds = array<i64: 1024, 1>}, {pipeline_mode = #tpu.pipeline_mode<synchronous>, transform_indices = @transform_4, window_bounds = array<i64: 64>}, {transform_indices = @transform_5, window_bounds = array<i64: 1024, 64>}]} {
    %get3A = arith.constant 0 : index
    %get3A_0 = arith.constant 0 : index
    %get3A_1 = vector.load %arg3[%get3A, %get3A_0] : memref<1024x1xf32, #tpu.memory_space<vmem>>, vector<1024x1xf32>
    %get3A_2 = arith.constant 0 : index
    %get3A_3 = arith.constant 0 : index
    %get3A_4 = vector.load %arg4[%get3A_2, %get3A_3] : memref<1024x1xf32, #tpu.memory_space<vmem>>, vector<1024x1xf32>
    %add3A = arith.addf %get3A_1, %get3A_4 : vector<1024x1xf32>
    %add3A_5 = arith.constant 1.000000e+00 : f32
    %add3A_6 = vector.broadcast %add3A_5 : f32 to vector<1024x1xf32>
    %add3A_7 = arith.addf %add3A, %add3A_6 : vector<1024x1xf32>
    %rsqrt3A = math.rsqrt %add3A_7 : vector<1024x1xf32>
    %get3A_8 = arith.constant 0 : index
    %get3A_9 = arith.constant 0 : index
    %get3A_10 = arith.constant 0 : index
    %get3A_11 = vector.load %arg1[%get3A_8, %get3A_9, %get3A_10] : memref<1x1024x64xf32, #tpu.memory_space<vmem>>, vector<1x1024x64xf32>
    %get3A_12 = vector.shape_cast %get3A_11 : vector<1x1024x64xf32> to vector<1024x64xf32>
    %get3A_13 = arith.constant 0 : index
    %get3A_14 = arith.constant 0 : index
    %get3A_15 = vector.load %arg2[%get3A_13, %get3A_14] : memref<1024x64xf32, #tpu.memory_space<vmem>>, vector<1024x64xf32>
    %add3A_16 = arith.addf %get3A_12, %get3A_15 : vector<1024x64xf32>
    %mul3A = vector.broadcast %rsqrt3A : vector<1024x1xf32> to vector<1024x64xf32>
    %mul3A_17 = arith.mulf %mul3A, %add3A_16 : vector<1024x64xf32>
    %get3A_18 = arith.constant 0 : index
    %get3A_19 = vector.load %arg5[%get3A_18] : memref<64xf32, #tpu.memory_space<vmem>>, vector<64xf32>
    %broadcast_in_dim3A = vector.shape_cast %get3A_19 : vector<64xf32> to vector<1x64xf32>
    %add3A_20 = vector.broadcast %broadcast_in_dim3A : vector<1x64xf32> to vector<1024x64xf32>
    %add3A_21 = arith.addf %mul3A_17, %add3A_20 : vector<1024x64xf32>
    %swap3A = arith.constant 0 : index
    %swap3A_22 = arith.constant 0 : index
    %swap3A_23 = vector.load %arg6[%swap3A, %swap3A_22] : memref<1024x64xf32, #tpu.memory_space<vmem>>, vector<1024x64xf32>
    tpu.vector_store %arg6[%swap3A, %swap3A_22], %add3A_21 {strides = array<i32>} : memref<1024x64xf32, #tpu.memory_space<vmem>>, vector<1024x64xf32>,
    return
  }
  func.func @transform_0(%arg0: i32) -> (i32, i32, i32) {
    %jit3A = arith.constant 5 : i32
    %div3A = arith.divsi %arg0, %jit3A : i32
    %sign3A = arith.constant 0 : i32
    %sign3A_0 = arith.cmpi sgt, %arg0, %sign3A : i32
    %sign3A_1 = arith.extui %sign3A_0 : i1 to i32
    %sign3A_2 = arith.constant 0 : i32
    %sign3A_3 = arith.cmpi slt, %arg0, %sign3A_2 : i32
    %sign3A_4 = arith.extui %sign3A_3 : i1 to i32
    %sign3A_5 = arith.subi %sign3A_1, %sign3A_4 : i32
    %sign3A_6 = arith.constant 0 : i32
    %sign3A_7 = arith.cmpi sgt, %jit3A, %sign3A_6 : i32
    %sign3A_8 = arith.extui %sign3A_7 : i1 to i32
    %sign3A_9 = arith.constant 0 : i32
    %sign3A_10 = arith.cmpi slt, %jit3A, %sign3A_9 : i32
    %sign3A_11 = arith.extui %sign3A_10 : i1 to i32
    %sign3A_12 = arith.subi %sign3A_8, %sign3A_11 : i32
    %ne3A = arith.cmpi ne, %sign3A_5, %sign3A_12 : i32
    %rem3A = arith.remsi %arg0, %jit3A : i32
    %ne3A_13 = arith.constant 0 : i32
    %ne3A_14 = arith.cmpi ne, %rem3A, %ne3A_13 : i32
    %and3A = arith.andi %ne3A, %ne3A_14 : i1
    %sub3A = arith.constant 1 : i32
    %sub3A_15 = arith.subi %div3A, %sub3A : i32
    %select_n3A = arith.select %and3A, %sub3A_15, %div3A : i32
    %jit3A_16 = arith.constant 5 : i32
    %eq3A = arith.constant 0 : i32
    %eq3A_17 = arith.cmpi eq, %jit3A_16, %eq3A : i32
    %jit3A_18 = arith.constant 1 : i32
    %select_n3A_19 = arith.select %eq3A_17, %jit3A_18, %jit3A_16 : i32
    %rem3A_20 = arith.remsi %arg0, %select_n3A_19 : i32
    %ne3A_21 = arith.constant 0 : i32
    %ne3A_22 = arith.cmpi ne, %rem3A_20, %ne3A_21 : i32
    %lt3A = arith.constant 0 : i32
    %lt3A_23 = arith.cmpi slt, %rem3A_20, %lt3A : i32
    %lt3A_24 = arith.constant 0 : i32
    %lt3A_25 = arith.cmpi slt, %select_n3A_19, %lt3A_24 : i32
    %ne3A_26 = arith.xori %lt3A_23, %lt3A_25 : i1
    %and3A_27 = arith.andi %ne3A_26, %ne3A_22 : i1
    %add3A = arith.addi %rem3A_20, %select_n3A_19 : i32
    %select_n3A_28 = arith.select %and3A_27, %add3A, %rem3A_20 : i32
    %c0_i32 = arith.constant 0 : i32
    %c0_i32_29 = arith.constant 0 : i32
    return %select_n3A, %select_n3A_28, %c0_i32 : i32, i32, i32
  }
  func.func @transform_1(%arg0: i32) -> (i32, i32) {
    %c0_i32 = arith.constant 0 : i32
    %c0_i32_0 = arith.constant 0 : i32
    return %arg0, %c0_i32 : i32, i32
  }
  func.func @transform_2(%arg0: i32) -> (i32, i32) {
    %c0_i32 = arith.constant 0 : i32
    %c0_i32_0 = arith.constant 0 : i32
    return %arg0, %c0_i32 : i32, i32
  }
  func.func @transform_3(%arg0: i32) -> (i32, i32) {
    %c0_i32 = arith.constant 0 : i32
    %c0_i32_0 = arith.constant 0 : i32
    return %arg0, %c0_i32 : i32, i32
  }
  func.func @transform_4(%arg0: i32) -> i32 {
    %c0_i32 = arith.constant 0 : i32
    %c0_i32_0 = arith.constant 0 : i32
    return %c0_i32 : i32
  }
  func.func @transform_5(%arg0: i32) -> (i32, i32) {
    %c0_i32 = arith.constant 0 : i32
    %c0_i32_0 = arith.constant 0 : i32
    return %arg0, %c0_i32 : i32, i32
  }
}

</mosaic_0001>

<sc_bundles>
// kernel: kernel.10.cloned.1.call-start
scs
__scs_entry_jumppad:
0x0: {  	(pc) =	sbr.rel $0x88, $3  }
0x1: {  	(tag) =	ssettag $0x0;
	lr =	simm.s32 $0x1  }
0x2: {  	[smem:$0x3F9B] =	sst lr;
	_ =	strace $0xD0000000  }
0x3: {  	_ = 	snop  }
0x4: {  	_ = 	snop  }
0x5: {  	_ = 	snop  }
0x6: {  	_ = 	snop  }
0x7: {  	_ = 	snop  }
__scs_overlays_trampoline_lowered:
0x8: {  	[smem:$0x3FAA] =	sst s0  }
0x9: {  	[smem:$0x3FAB] =	sst s1  }
0xa: {  	[smem:$0x3FAC] =	sst s2  }
0xb: {  	[smem:$0x3FAD] =	sst s3  }
0xc: {  	[smem:$0x3FAE] =	sst s4  }
0xd: {  	[smem:$0x3FAF] =	sst s5  }
0xe: {  	[smem:$0x3FB0] =	sst s6  }
0xf: {  	[smem:$0x3FB1] =	sst s7  }
0x10: {  	[smem:$0x3FB2] =	sst s8  }
0x11: {  	[smem:$0x3FB3] =	sst s9;
	s0 =	simm.s32 @!p0 $0x0  }
0x12: {  	s1 =	sld [smem:$0x3F99];
	s0 =	simm.s32 @p0 $0x1  }
0x13: {  	[smem:$0x3FB4] =	sst s0;
	s0 =	simm.s32 @!p1 $0x0  }
0x14: {  	s2 =	sld [smem:$0x3F98];
	s0 =	simm.s32 @p1 $0x1  }
0x15: {  	[smem:$0x3FB5] =	sst s0;
	s0 =	simm.s32 @!p2 $0x0  }
0x16: {  	s3 =	sld [smem:$0x3FDB];
	s0 =	simm.s32 @p2 $0x1  }
0x17: {  	s4 =	simm.s32 $0x1BF5;
	[smem:$0x3FB7] =	sst s0  }
0x18: {  	s0 =	sld [smem:$0x3F9A];
	_ =	swait.ge [sflag:s4], $0x0  }
0x19: {  	s7 =	sld [smem:$0x3F9B]  }
0x1a: {  	s8 =	sadd.s32 $0xFFFFE003, lr  }
0x1b: {  	s9 =	sadd.s32 $0xFFFFFEF7, lr;
	s5 =	simm.s32 $0xFFFFFFFF;
	p2 =	slt.u32 s8, $0xFFFFF086  }
0x1c: {  	p1 =	slt.u32 s9, $0xF7A;
	s5 =	simm.s32 @!p2 $0x0  }
0x1d: {  	s5 =	simm.s32 @p1 $0x1;
	p0 =	seq.s32 s7, s2  }
0x1e: {  	s7 =	smul.u32 @!p0 $0xF7A, s2;
	p2 =	seq.s32 @!p0 s5, $0x0  }
0x1f: {  	s9 =	smul.u32 $0xF7A, s1;
	s8 =	simm.s32 @!p0 $0x1BF5;
	p2 =	por !p2, p0  }
0x20: {  	[sflag:s8] =	ssyncset.s32 @!p0 $0xFFFFF086;
	s6 =	sadd.s32 @!p0 s3, s7;
	s7 =	simm.s32 @!p0 $0x108  }
0x21: {  	s3 =	sadd.s32 s3, s9;
	s6 =	sadd.s32 @!p0 $0x88, s6;
	s7 =	simm.s32 @p2 $0x1082  }
0x22: {  	[simem:s7], [sflag:s8] =	dma.local @!p0 [hbm:s6], $0xF7A  }
0x23: {  	s9 =	sor.u32 $0xD0000000, s2;
	s6 =	simm.s32 $0x108;
	_ =	swait.ge @!p0 [sflag:s8], $0x0  }
0x24: {  	s3 =	sadd.s32 $0x88, s3;
	s6 =	simm.s32 @!p1 $0x1082;
	[sflag:s4] =	ssyncset.s32 $0xFFFFF086  }
0x25: {  	[simem:s6], [sflag:s4] =	dma.local [hbm:s3], $0xF7A  }
0x26: {  	[smem:$0x3F9B] =	sst s1;
	(tag) =	ssettag s2;
	_ =	strace s9  }
0x27: {  	s1 =	sld [smem:$0x3FAB]  }
0x28: {  	s2 =	sld [smem:$0x3FAC]  }
0x29: {  	s4 =	sld [smem:$0x3FAE]  }
0x2a: {  	p0 =	seq.s32 s5, $0x0;
	s5 =	sld [smem:$0x3FAF]  }
0x2b: {  	s6 =	sld [smem:$0x3FB0]  }
0x2c: {  	s7 =	sld [smem:$0x3FB1]  }
0x2d: {  	s3 =	simm.s32 $0x108;
	s8 =	sld [smem:$0x3FB2]  }
0x2e: {  	s3 =	simm.s32 @!p0 $0x1082;
	s9 =	sld [smem:$0x3FB3]  }
0x2f: {  	lr =	sadd.s32 s0, s3;
	s0 =	sld [smem:$0x3FAA]  }
0x30: {  	s3 =	sld [smem:$0x3FAD]  }
0x31: {  	[smem:$0x3FB6] =	sst s10  }
0x32: {  	s10 =	sld [smem:$0x3FB4];
	_ =	sdelay $0x3  }
0x33: {  	p0 =	seq.s32 s10, $0x1;
	s10 =	sld [smem:$0x3FB6];
	_ =	sdelay $0x3  }
0x34: {  	[smem:$0x3FB6] =	sst s10  }
0x35: {  	s10 =	sld [smem:$0x3FB5];
	_ =	sdelay $0x3  }
0x36: {  	p1 =	seq.s32 s10, $0x1;
	s10 =	sld [smem:$0x3FB6];
	_ =	sdelay $0x3  }
0x37: {  	[smem:$0x3FB6] =	sst s10  }
0x38: {  	s10 =	sld [smem:$0x3FB7]  }
0x39: {  	_ = 	snop;
	(pc) =	sbr.ind lr, $3  }
0x3a: {  	_ = 	snop  }
0x3b: {  	_ = 	snop  }
0x3c: {  	p2 =	seq.s32 s10, $0x1;
	s10 =	sld [smem:$0x3FB6]  }
0x3d: {  	_ =	shalt  }
0x3e: {  	_ =	shalt  }
0x3f: {  	_ =	shalt  }
0x40: {  	_ =	shalt  }
0x41: {  	_ =	shalt  }
0x42: {  	_ =	shalt  }
0x43: {  	_ =	shalt  }
0x44: {  	_ =	shalt  }
0x45: {  	_ =	shalt  }
0x46: {  	_ =	shalt  }
0x47: {  	_ =	shalt  }
0x48: {  	_ =	shalt  }
0x49: {  	_ =	shalt  }
0x4a: {  	_ =	shalt  }
0x4b: {  	_ =	shalt  }
0x4c: {  	_ =	shalt  }
0x4d: {  	_ =	shalt  }
0x4e: {  	_ =	shalt  }
0x4f: {  	_ =	shalt  }
0x50: {  	_ =	shalt  }
0x51: {  	_ =	shalt  }
0x52: {  	_ =	shalt  }
0x53: {  	_ =	shalt  }
0x54: {  	_ =	shalt  }
0x55: {  	_ =	shalt  }
0x56: {  	_ =	shalt  }
0x57: {  	_ =	shalt  }
0x58: {  	_ =	shalt  }
0x59: {  	_ =	shalt  }
0x5a: {  	_ =	shalt  }
0x5b: {  	_ =	shalt  }
0x5c: {  	_ =	shalt  }
0x5d: {  	_ =	shalt  }
0x5e: {  	_ =	shalt  }
0x5f: {  	_ =	shalt  }
0x60: {  	_ =	shalt  }
0x61: {  	_ =	shalt  }
0x62: {  	_ =	shalt  }
0x63: {  	_ =	shalt  }
0x64: {  	_ =	shalt  }
0x65: {  	_ =	shalt  }
0x66: {  	_ =	shalt  }
0x67: {  	_ =	shalt  }
0x68: {  	_ =	shalt  }
0x69: {  	_ =	shalt  }
0x6a: {  	_ =	shalt  }
0x6b: {  	_ =	shalt  }
0x6c: {  	_ =	shalt  }
0x6d: {  	_ =	shalt  }
0x6e: {  	_ =	shalt  }
0x6f: {  	_ =	shalt  }
0x70: {  	_ =	shalt  }
0x71: {  	_ =	shalt  }
0x72: {  	_ =	shalt  }
0x73: {  	_ =	shalt  }
0x74: {  	_ =	shalt  }
0x75: {  	_ =	shalt  }
0x76: {  	_ =	shalt  }
0x77: {  	_ =	shalt  }
0x78: {  	_ =	shalt  }
0x79: {  	_ =	shalt  }
0x7a: {  	_ =	shalt  }
0x7b: {  	_ =	shalt  }
0x7c: {  	_ =	shalt  }
0x7d: {  	_ =	shalt  }
0x7e: {  	_ =	shalt  }
0x7f: {  	_ =	shalt  }
0x80: {  	_ =	shalt  }
0x81: {  	_ =	shalt  }
0x82: {  	_ =	shalt  }
0x83: {  	_ =	shalt  }
0x84: {  	_ =	shalt  }
0x85: {  	_ =	shalt  }
0x86: {  	_ =	shalt  }
0x87: {  	_ =	shalt  }
.Lfunc_end0:
.L_simem_size_0:
called_computation_lowered:
.L_overlay_start_0:
0x88: {  	s2 =	sld [smem:$0x3FD9]  }
0x89: {  	s3 =	sld [smem:$0x3FFE];
	_ =	sdelay $0x1  }
0x8a: {  	s1 =	srdreg.scid  }
0x8b: {  	s0 =	sand.u32 $0x1, s1  }
0x8c: {  	s17 =	sshll.u32 s0, $0xA;
	s2 =	sadd.s32 s3, s2  }
0x8d: {  	s2 =	sadd.s32 s2, s17  }
0x8e: {  	[smem:$0x3FC2] =	sst s2  }
0x8f: {  	_ = 	snop  }
0x90: {  	s2 =	sld [smem:$0x3FD0];
	(tm) =	ssettm $0x1  }
0x91: {  	s18 =	sld [smem:$0x3FFB];
	_ =	sdelay $0x3  }
0x92: {  	_ =	strace s18  }
0x93: {  	s3 =	sld [smem:$0x3FFC];
	_ =	sdelay $0x3  }
0x94: {  	_ =	strace s3  }
0x95: {  	s3 =	sld [smem:$0x3FFD];
	_ =	sdelay $0x3  }
0x96: {  	_ =	strace s3  }
0x97: {  	_ =	strace $0x8FFFFFFF  }
0x98: {  	s19 =	sld [smem:$0x3FDB];
	_ =	sdelay $0x1  }
0x99: {  	s4 =	simm.s32 $_scs_section_size  }
0x9a: {  	s5 =	simm.s32 $_size__tile_overlayer_lowered;
	s6 =	simm.s32 $_tile_overlayer_lowered  }
0x9b: {  	s22 =	simm.s32 $0x1BFF;
	s21 =	sshll.u32 s6, $0x1;
	s3 =	sadd.s32 s4, s19  }
0x9c: {  	s7 =	simm.s32 $0x0;
	s20 =	sshll.u32 s5, $0x1;
	s5 =	sadd.s32 s21, s3  }
0x9d: {  	[timem:s7], [sflag:s22] =	dma.local [hbm:s5], s20  }
0x9e: {  	_ =	swait.ge [sflag:s22], s20  }
0x9f: {  	s4 =	ssub.s32 $0x0, s20;
	[sflag:s22] =	ssyncset.done $0x0  }
0xa0: {  	[sflag:s22] =	ssyncadd.s32 s4;
	_ =	sdelay $0x1  }
0xa1: {  	s23 =	simm.s32 $0x1B8B  }
0xa2: {  	_ =	swait.ge [sflag:s23], $0x1  }
0xa3: {  	[sflag:s23] =	ssyncset.done $0x0  }
0xa4: {  	s25 =	simm.s32 $0x1B8E;
	s24 =	sld [smem:$0x3FFE];
	[sflag:s23] =	ssyncadd.s32 $0xFFFFFFFF  }
0xa5: {  	s26 =	simm.s32 $execute0_lowered;
	[smem:$0x3FD2] =	sst s25  }
0xa6: {  	s5 =	sshll.u32 s26, $0x1;
	_ =	strace $0x80000046;
	[dreg:$0x1] =	wrdreg $0xFFFFFFFF  }
0xa7: {  	s28 =	simm.s32 $_size_execute0_lowered;
	s3 =	sadd.s32 s3, s5;
	[dreg:$0x0] =	wrdreg $0x0  }
0xa8: {  	s5 =	sshll.u32 s28, $0x1;
	[dreg:$0x2] =	wrdreg s3  }
0xa9: {  	[dreg:$0x3] =	wrdreg s5  }
0xaa: {  	[dreg:$0x4] =	wrdreg $0xC0  }
0xab: {  	_ =	task [dreg:s7], $0x5FFFF  }
0xac: {  	[dreg:$0x1] =	wrdreg $0xFFFFFFFF  }
0xad: {  	[dreg:$0x0] =	wrdreg $0x60  }
0xae: {  	[dreg:$0x2] =	wrdreg s2  }
0xaf: {  	[dreg:$0x3] =	wrdreg s24  }
0xb0: {  	[dreg:$0x4] =	wrdreg $0x30000  }
0xb1: {  	[dreg:$0x5] =	wrdreg $0x9  }
0xb2: {  	_ =	task.clear_ibuf [dreg:s7], $0x6FFFF;
	_ =	strace $0x90000046  }
0xb3: {  	s29 =	simm.s32 $0x9;
	_ =	strace $0x80000048  }
0xb4: {  	_ =	swait.ge [sflag:s29], $0x1  }
0xb5: {  	[sflag:s29] =	ssyncadd.s32 $0xFFFFFFFF  }
0xb6: {  	_ =	strace $0x90000048  }
0xb7: {  	_ =	sfence  }
0xb8: {  	s30 =	sld [smem:$0x0];
	_ =	sdelay $0x2  }
0xb9: {  	s31 =	sshll.u32 s1, $0xD;
	s1 =	sshrl.u32 s1, $0x2  }
0xba: {  	s3 =	sand.u32 $0x4000, s31;
	s1 =	sadd.s32 s1, s30  }
0xbb: {  	s0 =	sor.u32 s3, s0;
	s1 =	sshll.u32 s1, $0x11  }
0xbc: {  	s0 =	sor.u32 s1, s0  }
0xbd: {  	s0 =	sadd.s32 $0x8F2B, s0  }
0xbe: {  	[sflag:s0] =	ssyncadd.remote.s32 $0x1  }
0xbf: {  	_ =	sfence.sel $0xFFFF  }
0xc0: {  	[dreg:$0x0] =	wrdreg $0xFFFFFFFF;
	(pc) =	sbr.abs _section_cstart, $3  }
0xc1: {  	[dreg:$0x1] =	wrdreg $0xFFFFFFFF  }
0xc2: {  	_ =	task.clear_ibuf [dreg:s7], $0x2FFFF;
	_ =	strace $0x9FFFFFFF  }
0xc3: {  	(tm) =	ssettm $0x7FFFFFFF  }
tec
execute0_lowered:
.L_overlay_start_1:
0x0: {  	(tag) =	ssettag $0x1  }
0x1: {  	s8 =	rddreg [dreg:$0x0]  }
0x2: {  	s1 =	srdreg.scid;
	s3 =	rddreg [dreg:$0x1]  }
0x3: {  	s0 =	stileid.u32;
	s6 =	rddreg [dreg:$0x2]  }
0x4: {  	s2 =	simm.s32 $0x0;
	s15 =	simm.s32 $0x2800;
	s16 =	simm.s32 $0x1  }
0x5: {  	s17 =	simm.s32 $0xA0;
	s18 =	simm.s32 $0xA00;
	s19 =	simm.s32 $0x3A00  }
0x6: {  	s20 =	simm.s32 $0x4400;
	s21 =	simm.s32 $0x1400;
	s22 =	simm.s32 $0x1E00  }
0x7: {  	s4 =	sand.u32 $0x1, s1;
	s5 =	smul.u32 $0xA0, s0;
	s1 =	rddreg [dreg:$0x3]  }
0x8: {  	s23 =	simm.s32 $0x0;
	[smem:$0x7FF] =	sst s2;
	s10 =	smul.u32 $0x2800, s0  }
0x9: {  	s7 =	smul.u32 $0x2800, s4;
	s9 =	ssub.s32 $0x2, s4;
	s4 =	sshll.u32 s4, $0x4  }
0xa: {  	_ =	strace $0x80000047;
	s29 =	sshrl.u32 s9, $0x1;
	s4 =	sor.u32 s0, s4  }
0xb: {  	s30 =	sshrl.u32 s10, $0x2;
	s7 =	sadd.s32 s5, s7;
	s12 =	ssub.s32 s9, s29  }
0xc: {  	s31 =	smul.u32 $0x500, s4;
	s4 =	sadd.s32 s5, s6;
	s7 =	sshrl.u32 s7, $0x3  }
0xd: {  	s10 =	smax.u32 s12, $0x1;
	s11 =	sadd.s32 s7, s3;
	s3 =	sadd.s32 s30, s6  }
0xe: {  	s8 =	sadd.s32 s8, s31;
	s5 =	sadd.s32 $0xD600, s11;
	s6 =	sadd.s32 $0xD740, s11  }
0xf: {  	s7 =	sadd.s32 $0xD880, s11;
	s9 =	sadd.s32 $0xD9C0, s11;
	s11 =	sadd.s32 $0x100, s8  }
0x10: {  	v0 =	vimm.f32 $0.0e+00;
	v1 =	vimm.f32 $1.000000000e+00;
	s12 =	sadd.s32 $0x200, s8;
	s13 =	sadd.s32 $0x300, s8;
	s14 =	sadd.s32 $0x400, s8  }
.LBB2_1:
0x11: {  	s25 =	simm.s32 $0x100;
	s24 =	simm.s32 $0x0  }
.LBB2_2:
0x12: {  	p0 =	sne.s32 s25, $0x9F00;
	[tilespmem:s24+$0x30] =	vst v0;
	s26 =	smov.u32 s25;
	s25 =	sadd.s32 $0x100, s25  }
.Ltmp0:
0x13: {  	[tilespmem:s24+$0x20] =	vst v0;
	(pc) =	sbr.rel @p0 .LBB2_2-.Ltmp0, $3  }
0x14: {  	[tilespmem:s24+$0x0] =	vst v0  }
0x15: {  	[tilespmem:s24+$0x10] =	vst v0;
	_ =	sdelay $0x1  }
0x16: {  	s24 =	sshra.s32 s26, $0x2  }
0x17: {  	[tilespmem:s24+$0x30] =	vst v0  }
0x18: {  	[tilespmem:s24+$0x20] =	vst v0  }
0x19: {  	[tilespmem:s24+$0x0] =	vst v0  }
0x1a: {  	[tilespmem:s24+$0x10] =	vst v0;
	s24 =	simm.s32 $0x0  }
0x1b: {  	[tilespmem:s15], [sflag:$0x1] =	stream.linear.gather [hbm4b:s8+s24], $0x800, $0x38;
	[tilespmem:$0x44A0] =	vst v63  }
0x1c: {  	_ =	swait.ge [sflag:s16], $0x800  }
0x1d: {  	[sflag:s16] =	ssyncset.done $0x0  }
0x1e: {  	[sflag:s16] =	ssyncadd.s32 $0xFFFFF800  }
.LBB2_4:
0x1f: {  	s25 =	sshra.s32 s24, $0x2  }
0x20: {  	v2 =	vld [tilespmem:s25+$0x2800];
	_ =	sdelay $0x7  }
0x21: {  	[tilespmem:v2+s2+$0x0] =	vst.idx.add.f32.msk $0xffff, v1  }
0x22: {  	v2 =	vld [tilespmem:s25+$0x2810];
	_ =	sdelay $0x7  }
0x23: {  	[tilespmem:v2+s2+$0x0] =	vst.idx.add.f32.msk $0xffff, v1  }
0x24: {  	v2 =	vld [tilespmem:s25+$0x2820];
	_ =	sdelay $0x7  }
0x25: {  	[tilespmem:v2+s2+$0x0] =	vst.idx.add.f32.msk $0xffff, v1  }
0x26: {  	v2 =	vld [tilespmem:s25+$0x2830];
	_ =	sdelay $0x2  }
0x27: {  	p0 =	sne.s32 s24, $0x1F00  }
.Ltmp1:
0x28: {  	_ = 	snop;
	(pc) =	sbr.rel @p0 .LBB2_4-.Ltmp1, $2  }
0x29: {  	_ =	sdelay $0x2  }
0x2a: {  	s24 =	sadd.s32 $0x100, s24;
	[tilespmem:v2+s2+$0x0] =	vst.idx.add.f32.msk $0xffff, v1  }
0x2b: {  	s24 =	simm.s32 $0x0  }
0x2c: {  	[tilespmem:s15], [sflag:$0x1] =	stream.linear.gather [hbm4b:s11+s24], $0x800, $0x38;
	[tilespmem:$0x44A0] =	vst v63  }
0x2d: {  	_ =	swait.ge [sflag:s16], $0x800  }
0x2e: {  	[sflag:s16] =	ssyncset.done $0x0  }
0x2f: {  	[sflag:s16] =	ssyncadd.s32 $0xFFFFF800  }
.LBB2_6:
0x30: {  	s25 =	sshra.s32 s24, $0x2  }
0x31: {  	v2 =	vld [tilespmem:s25+$0x2800];
	_ =	sdelay $0x7  }
0x32: {  	[tilespmem:v2+s2+$0x0] =	vst.idx.add.f32.msk $0xffff, v1  }
0x33: {  	v2 =	vld [tilespmem:s25+$0x2810];
	_ =	sdelay $0x7  }
0x34: {  	[tilespmem:v2+s2+$0x0] =	vst.idx.add.f32.msk $0xffff, v1  }
0x35: {  	v2 =	vld [tilespmem:s25+$0x2820];
	_ =	sdelay $0x7  }
0x36: {  	[tilespmem:v2+s2+$0x0] =	vst.idx.add.f32.msk $0xffff, v1  }
0x37: {  	v2 =	vld [tilespmem:s25+$0x2830];
	_ =	sdelay $0x2  }
0x38: {  	p0 =	sne.s32 s24, $0x1F00  }
.Ltmp2:
0x39: {  	_ = 	snop;
	(pc) =	sbr.rel @p0 .LBB2_6-.Ltmp2, $2  }
0x3a: {  	_ =	sdelay $0x2  }
0x3b: {  	s24 =	sadd.s32 $0x100, s24;
	[tilespmem:v2+s2+$0x0] =	vst.idx.add.f32.msk $0xffff, v1  }
0x3c: {  	s24 =	simm.s32 $0x0  }
0x3d: {  	[tilespmem:s15], [sflag:$0x1] =	stream.linear.gather [hbm4b:s12+s24], $0x800, $0x38;
	[tilespmem:$0x44A0] =	vst v63  }
0x3e: {  	_ =	swait.ge [sflag:s16], $0x800  }
0x3f: {  	[sflag:s16] =	ssyncset.done $0x0  }
0x40: {  	[sflag:s16] =	ssyncadd.s32 $0xFFFFF800  }
.LBB2_8:
0x41: {  	s25 =	sshra.s32 s24, $0x2  }
0x42: {  	v2 =	vld [tilespmem:s25+$0x2800];
	_ =	sdelay $0x7  }
0x43: {  	[tilespmem:v2+s2+$0x0] =	vst.idx.add.f32.msk $0xffff, v1  }
0x44: {  	v2 =	vld [tilespmem:s25+$0x2810];
	_ =	sdelay $0x7  }
0x45: {  	[tilespmem:v2+s2+$0x0] =	vst.idx.add.f32.msk $0xffff, v1  }
0x46: {  	v2 =	vld [tilespmem:s25+$0x2820];
	_ =	sdelay $0x7  }
0x47: {  	[tilespmem:v2+s2+$0x0] =	vst.idx.add.f32.msk $0xffff, v1  }
0x48: {  	v2 =	vld [tilespmem:s25+$0x2830];
	_ =	sdelay $0x2  }
0x49: {  	p0 =	sne.s32 s24, $0x1F00  }
.Ltmp3:
0x4a: {  	_ = 	snop;
	(pc) =	sbr.rel @p0 .LBB2_8-.Ltmp3, $2  }
0x4b: {  	_ =	sdelay $0x2  }
0x4c: {  	s24 =	sadd.s32 $0x100, s24;
	[tilespmem:v2+s2+$0x0] =	vst.idx.add.f32.msk $0xffff, v1  }
0x4d: {  	s24 =	simm.s32 $0x0  }
0x4e: {  	[tilespmem:s15], [sflag:$0x1] =	stream.linear.gather [hbm4b:s13+s24], $0x800, $0x38;
	[tilespmem:$0x44A0] =	vst v63  }
0x4f: {  	_ =	swait.ge [sflag:s16], $0x800  }
0x50: {  	[sflag:s16] =	ssyncset.done $0x0  }
0x51: {  	[sflag:s16] =	ssyncadd.s32 $0xFFFFF800  }
.LBB2_10:
0x52: {  	s25 =	sshra.s32 s24, $0x2  }
0x53: {  	v2 =	vld [tilespmem:s25+$0x2800];
	_ =	sdelay $0x7  }
0x54: {  	[tilespmem:v2+s2+$0x0] =	vst.idx.add.f32.msk $0xffff, v1  }
0x55: {  	v2 =	vld [tilespmem:s25+$0x2810];
	_ =	sdelay $0x7  }
0x56: {  	[tilespmem:v2+s2+$0x0] =	vst.idx.add.f32.msk $0xffff, v1  }
0x57: {  	v2 =	vld [tilespmem:s25+$0x2820];
	_ =	sdelay $0x7  }
0x58: {  	[tilespmem:v2+s2+$0x0] =	vst.idx.add.f32.msk $0xffff, v1  }
0x59: {  	v2 =	vld [tilespmem:s25+$0x2830];
	_ =	sdelay $0x2  }
0x5a: {  	p0 =	sne.s32 s24, $0x1F00  }
.Ltmp4:
0x5b: {  	_ = 	snop;
	(pc) =	sbr.rel @p0 .LBB2_10-.Ltmp4, $2  }
0x5c: {  	_ =	sdelay $0x2  }
0x5d: {  	s24 =	sadd.s32 $0x100, s24;
	[tilespmem:v2+s2+$0x0] =	vst.idx.add.f32.msk $0xffff, v1  }
0x5e: {  	s24 =	simm.s32 $0x0  }
0x5f: {  	[tilespmem:s15], [sflag:$0x1] =	stream.linear.gather [hbm4b:s14+s24], $0x800, $0x38;
	[tilespmem:$0x44A0] =	vst v63  }
0x60: {  	_ =	swait.ge [sflag:s16], $0x800  }
0x61: {  	[sflag:s16] =	ssyncset.done $0x0  }
0x62: {  	[sflag:s16] =	ssyncadd.s32 $0xFFFFF800  }
.LBB2_12:
0x63: {  	s25 =	sshra.s32 s24, $0x2  }
0x64: {  	v2 =	vld [tilespmem:s25+$0x2800];
	_ =	sdelay $0x7  }
0x65: {  	[tilespmem:v2+s2+$0x0] =	vst.idx.add.f32.msk $0xffff, v1  }
0x66: {  	v2 =	vld [tilespmem:s25+$0x2810];
	_ =	sdelay $0x7  }
0x67: {  	[tilespmem:v2+s2+$0x0] =	vst.idx.add.f32.msk $0xffff, v1  }
0x68: {  	v2 =	vld [tilespmem:s25+$0x2820];
	_ =	sdelay $0x7  }
0x69: {  	[tilespmem:v2+s2+$0x0] =	vst.idx.add.f32.msk $0xffff, v1  }
0x6a: {  	v2 =	vld [tilespmem:s25+$0x2830];
	_ =	sdelay $0x2  }
0x6b: {  	p0 =	sne.s32 s24, $0x1F00  }
.Ltmp5:
0x6c: {  	_ = 	snop;
	(pc) =	sbr.rel @p0 .LBB2_12-.Ltmp5, $2  }
0x6d: {  	_ =	sdelay $0x2  }
0x6e: {  	s24 =	sadd.s32 $0x100, s24;
	[tilespmem:v2+s2+$0x0] =	vst.idx.add.f32.msk $0xffff, v1  }
0x6f: {  	s24 =	simm.s32 $0x0  }
0x70: {  	[spmem:s3] =	stream.linear.scatter [tilespmem:s24], [sflag:$0x1], $0xA00, $0x38;
	[tilespmem:$0x44A0] =	vst v63  }
0x71: {  	_ =	swait.ge [sflag:s16], $0xA00  }
0x72: {  	[sflag:s16] =	ssyncset.done $0x0  }
0x73: {  	[sflag:s16] =	ssyncadd.s32 $0xFFFFF600  }
0x74: {  	[bflag:$0x0] =	sbarrier.arrive $0xFFFF  }
0x75: {  	[tilespmem:s19], [sflag:$0x1] =	stream.strided.gather [spmem:s4], $0xA00, s18, s17, $0x38;
	[tilespmem:$0x44A0] =	vst v63  }
0x76: {  	_ =	swait.ge [sflag:s16], $0xA00  }
0x77: {  	[sflag:s16] =	ssyncset.done $0x0  }
0x78: {  	s25 =	simm.s32 $0x0;
	[sflag:s16] =	ssyncadd.s32 $0xFFFFF600  }
0x79: {  	v2 =	vld [tilespmem:s25+$0x3A00]  }
0x7a: {  	v3 =	vld [tilespmem:s25+$0x3AA0];
	_ =	sdelay $0x1  }
0x7b: {  	v4 =	vld [tilespmem:s25+$0x3B40];
	_ =	sdelay $0x1  }
0x7c: {  	v5 =	vld [tilespmem:s25+$0x3BE0]  }
0x7d: {  	v2 =	vadd.f32 v3, v2  }
0x7e: {  	v3 =	vld [tilespmem:s25+$0x3C80]  }
0x7f: {  	v2 =	vadd.f32 v4, v2  }
0x80: {  	v4 =	vld [tilespmem:s25+$0x3D20]  }
0x81: {  	v2 =	vadd.f32 v5, v2  }
0x82: {  	v5 =	vld [tilespmem:s25+$0x3DC0]  }
0x83: {  	v2 =	vadd.f32 v3, v2  }
0x84: {  	v3 =	vld [tilespmem:s25+$0x3E60]  }
0x85: {  	s24 =	simm.s32 $0x10;
	v6 =	vld [tilespmem:s25+$0x3F00];
	v2 =	vadd.f32 v4, v2  }
0x86: {  	v7 =	vld [tilespmem:s24+$0x3A00]  }
0x87: {  	v4 =	vld [tilespmem:s25+$0x3FA0];
	v2 =	vadd.f32 v5, v2  }
0x88: {  	v5 =	vld [tilespmem:s24+$0x3AA0]  }
0x89: {  	v8 =	vld [tilespmem:s24+$0x3B40];
	v2 =	vadd.f32 v3, v2  }
0x8a: {  	v3 =	vld [tilespmem:s25+$0x4040]  }
0x8b: {  	v9 =	vld [tilespmem:s24+$0x3BE0];
	v2 =	vadd.f32 v6, v2  }
0x8c: {  	v6 =	vld [tilespmem:s25+$0x40E0]  }
0x8d: {  	v5 =	vadd.f32 v5, v7;
	v7 =	vld [tilespmem:s24+$0x3C80];
	v2 =	vadd.f32 v4, v2  }
0x8e: {  	v4 =	vld [tilespmem:s25+$0x4180]  }
0x8f: {  	v5 =	vadd.f32 v8, v5;
	v8 =	vld [tilespmem:s24+$0x3D20];
	v2 =	vadd.f32 v3, v2  }
0x90: {  	v3 =	vld [tilespmem:s25+$0x4220]  }
0x91: {  	v10 =	vld [tilespmem:s24+$0x3DC0];
	v5 =	vadd.f32 v9, v5;
	v2 =	vadd.f32 v6, v2  }
0x92: {  	v9 =	vld [tilespmem:s25+$0x42C0]  }
0x93: {  	v6 =	vadd.f32 v7, v5;
	v5 =	vld [tilespmem:s24+$0x3E60];
	v7 =	vadd.f32 v4, v2  }
0x94: {  	v4 =	vld [tilespmem:s25+$0x4360]  }
0x95: {  	v2 =	vld [tilespmem:s24+$0x3FA0];
	v8 =	vadd.f32 v8, v6;
	v11 =	vadd.f32 v3, v7  }
0x96: {  	s26 =	simm.s32 $0x20;
	v6 =	vld [tilespmem:s24+$0x3F00]  }
0x97: {  	s28 =	simm.s32 $0xC0;
	v3 =	vld [tilespmem:s26+$0x3A00];
	v7 =	vadd.f32 v10, v8;
	v8 =	vadd.f32 v9, v11  }
.LBB2_14:
0x98: {  	p0 =	sne.s32 s28, $0x240;
	v9 =	vld [tilespmem:s26+$0x3AA0]  }
0x99: {  	v5 =	vadd.f32 v5, v7;
	v7 =	vld [tilespmem:s24+$0x4040];
	v4 =	vadd.f32 v4, v8  }
0x9a: {  	v8 =	vld [tilespmem:s26+$0x3B40]  }
0x9b: {  	v5 =	vadd.f32 v6, v5;
	v6 =	vld [tilespmem:s24+$0x40E0];
	[tilespmem:s25+$0x4400] =	vst v4;
	s25 =	smov.u32 s24;
	s24 =	smov.u32 s26  }
0x9c: {  	v4 =	vld [tilespmem:s24+$0x3BE0]  }
0x9d: {  	v3 =	vadd.f32 v9, v3;
	v2 =	vadd.f32 v2, v5;
	v5 =	vld [tilespmem:s25+$0x4180]  }
0x9e: {  	v9 =	vld [tilespmem:s24+$0x3C80]  }
0x9f: {  	v3 =	vadd.f32 v8, v3;
	v2 =	vadd.f32 v7, v2;
	v7 =	vld [tilespmem:s25+$0x4220]  }
0xa0: {  	v8 =	vld [tilespmem:s24+$0x3D20]  }
0xa1: {  	v3 =	vadd.f32 v4, v3;
	v2 =	vadd.f32 v6, v2;
	v10 =	vld [tilespmem:s25+$0x42C0]  }
0xa2: {  	v11 =	vld [tilespmem:s24+$0x3DC0]  }
.Ltmp6:
0xa3: {  	v3 =	vadd.f32 v9, v3;
	v6 =	vadd.f32 v5, v2;
	v4 =	vld [tilespmem:s25+$0x4360];
	(pc) =	sbr.rel @p0 .LBB2_14-.Ltmp6, $4  }
0xa4: {  	v5 =	vld [tilespmem:s24+$0x3E60]  }
0xa5: {  	v8 =	vadd.f32 v8, v3;
	v2 =	vld [tilespmem:s24+$0x3FA0];
	v9 =	vadd.f32 v7, v6  }
0xa6: {  	s26 =	sshra.s32 s28, $0x2;
	v6 =	vld [tilespmem:s24+$0x3F00]  }
0xa7: {  	s28 =	sadd.s32 $0x40, s28;
	v3 =	vld [tilespmem:s26+$0x3A00];
	v7 =	vadd.f32 v11, v8;
	v8 =	vadd.f32 v10, v9  }
0xa8: {  	v9 =	vld [tilespmem:s26+$0x3AA0]  }
0xa9: {  	v10 =	vld [tilespmem:s24+$0x4040];
	v4 =	vadd.f32 v4, v8  }
0xaa: {  	v8 =	vld [tilespmem:s26+$0x3B40]  }
0xab: {  	v11 =	vld [tilespmem:s24+$0x40E0];
	v5 =	vadd.f32 v5, v7;
	[tilespmem:s25+$0x4400] =	vst v4  }
0xac: {  	v4 =	vld [tilespmem:s26+$0x3BE0]  }
0xad: {  	v5 =	vadd.f32 v6, v5;
	v3 =	vadd.f32 v9, v3  }
0xae: {  	v6 =	vld [tilespmem:s26+$0x3C80]  }
0xaf: {  	v7 =	vld [tilespmem:s26+$0x3D20];
	v2 =	vadd.f32 v2, v5;
	v3 =	vadd.f32 v8, v3  }
0xb0: {  	v5 =	vld [tilespmem:s24+$0x4180]  }
0xb1: {  	v2 =	vadd.f32 v10, v2;
	v8 =	vld [tilespmem:s24+$0x4220];
	v3 =	vadd.f32 v4, v3  }
0xb2: {  	v4 =	vld [tilespmem:s26+$0x3DC0]  }
0xb3: {  	v9 =	vld [tilespmem:s24+$0x42C0];
	v2 =	vadd.f32 v11, v2;
	v3 =	vadd.f32 v6, v3  }
0xb4: {  	v6 =	vld [tilespmem:s26+$0x3E60]  }
0xb5: {  	v2 =	vadd.f32 v5, v2;
	v5 =	vld [tilespmem:s24+$0x4360];
	v3 =	vadd.f32 v7, v3  }
0xb6: {  	v7 =	vld [tilespmem:s26+$0x3F00]  }
0xb7: {  	v2 =	vadd.f32 v8, v2;
	v3 =	vadd.f32 v4, v3  }
0xb8: {  	v4 =	vld [tilespmem:s26+$0x3FA0]  }
0xb9: {  	v2 =	vadd.f32 v9, v2;
	v3 =	vadd.f32 v6, v3  }
0xba: {  	v6 =	vld [tilespmem:s26+$0x4040]  }
0xbb: {  	v2 =	vadd.f32 v5, v2;
	v3 =	vadd.f32 v7, v3  }
0xbc: {  	v5 =	vld [tilespmem:s26+$0x40E0]  }
0xbd: {  	[tilespmem:s24+$0x4400] =	vst v2;
	v2 =	vadd.f32 v4, v3  }
0xbe: {  	v3 =	vld [tilespmem:s26+$0x4180]  }
0xbf: {  	v2 =	vadd.f32 v6, v2  }
0xc0: {  	v4 =	vld [tilespmem:s26+$0x4220]  }
0xc1: {  	v2 =	vadd.f32 v5, v2  }
0xc2: {  	v5 =	vld [tilespmem:s26+$0x42C0]  }
0xc3: {  	v2 =	vadd.f32 v3, v2  }
0xc4: {  	v3 =	vld [tilespmem:s26+$0x4360]  }
0xc5: {  	v2 =	vadd.f32 v4, v2;
	_ =	sdelay $0x1  }
0xc6: {  	v2 =	vadd.f32 v5, v2;
	_ =	sdelay $0x1  }
0xc7: {  	v2 =	vadd.f32 v3, v2;
	_ =	sdelay $0x1  }
0xc8: {  	s31 =	simm.s32 $0x0;
	[tilespmem:s26+$0x4400] =	vst v2  }
0xc9: {  	[hbm4b:s5+s31] =	stream.linear.scatter [tilespmem:s20], [sflag:$0x1], $0xA0, $0x38;
	[tilespmem:$0x44A0] =	vst v63  }
0xca: {  	_ =	swait.ge [sflag:s16], $0xA0  }
0xcb: {  	[sflag:s16] =	ssyncset.done $0x0  }
0xcc: {  	[sflag:s16] =	ssyncadd.s32 $0xFFFFFF60  }
0xcd: {  	[bflag:$0x0] =	sbarrier.arrive $0xFFFF  }
0xce: {  	[spmem:s3] =	stream.linear.scatter [tilespmem:s18], [sflag:$0x1], $0xA00, $0x38;
	[tilespmem:$0x44A0] =	vst v63  }
0xcf: {  	_ =	swait.ge [sflag:s16], $0xA00  }
0xd0: {  	[sflag:s16] =	ssyncset.done $0x0  }
0xd1: {  	[sflag:s16] =	ssyncadd.s32 $0xFFFFF600  }
0xd2: {  	[bflag:$0x0] =	sbarrier.arrive $0xFFFF  }
0xd3: {  	[tilespmem:s19], [sflag:$0x1] =	stream.strided.gather [spmem:s4], $0xA00, s18, s17, $0x38;
	[tilespmem:$0x44A0] =	vst v63  }
0xd4: {  	_ =	swait.ge [sflag:s16], $0xA00  }
0xd5: {  	[sflag:s16] =	ssyncset.done $0x0  }
0xd6: {  	s25 =	simm.s32 $0x0;
	[sflag:s16] =	ssyncadd.s32 $0xFFFFF600  }
0xd7: {  	v2 =	vld [tilespmem:s25+$0x3A00]  }
0xd8: {  	v3 =	vld [tilespmem:s25+$0x3AA0];
	_ =	sdelay $0x1  }
0xd9: {  	v4 =	vld [tilespmem:s25+$0x3B40];
	_ =	sdelay $0x1  }
0xda: {  	v5 =	vld [tilespmem:s25+$0x3BE0]  }
0xdb: {  	v2 =	vadd.f32 v3, v2  }
0xdc: {  	v3 =	vld [tilespmem:s25+$0x3C80]  }
0xdd: {  	v2 =	vadd.f32 v4, v2  }
0xde: {  	v4 =	vld [tilespmem:s25+$0x3D20]  }
0xdf: {  	v2 =	vadd.f32 v5, v2  }
0xe0: {  	v5 =	vld [tilespmem:s25+$0x3DC0]  }
0xe1: {  	v2 =	vadd.f32 v3, v2  }
0xe2: {  	v3 =	vld [tilespmem:s25+$0x3E60]  }
0xe3: {  	s24 =	simm.s32 $0x10;
	v6 =	vld [tilespmem:s25+$0x3F00];
	v2 =	vadd.f32 v4, v2  }
0xe4: {  	v7 =	vld [tilespmem:s24+$0x3A00]  }
0xe5: {  	v4 =	vld [tilespmem:s25+$0x3FA0];
	v2 =	vadd.f32 v5, v2  }
0xe6: {  	v5 =	vld [tilespmem:s24+$0x3AA0]  }
0xe7: {  	v8 =	vld [tilespmem:s24+$0x3B40];
	v2 =	vadd.f32 v3, v2  }
0xe8: {  	v3 =	vld [tilespmem:s25+$0x4040]  }
0xe9: {  	v9 =	vld [tilespmem:s24+$0x3BE0];
	v2 =	vadd.f32 v6, v2  }
0xea: {  	v6 =	vld [tilespmem:s25+$0x40E0]  }
0xeb: {  	v5 =	vadd.f32 v5, v7;
	v7 =	vld [tilespmem:s24+$0x3C80];
	v2 =	vadd.f32 v4, v2  }
0xec: {  	v4 =	vld [tilespmem:s25+$0x4180]  }
0xed: {  	v5 =	vadd.f32 v8, v5;
	v8 =	vld [tilespmem:s24+$0x3D20];
	v2 =	vadd.f32 v3, v2  }
0xee: {  	v3 =	vld [tilespmem:s25+$0x4220]  }
0xef: {  	v10 =	vld [tilespmem:s24+$0x3DC0];
	v5 =	vadd.f32 v9, v5;
	v2 =	vadd.f32 v6, v2  }
0xf0: {  	v9 =	vld [tilespmem:s25+$0x42C0]  }
0xf1: {  	v6 =	vadd.f32 v7, v5;
	v5 =	vld [tilespmem:s24+$0x3E60];
	v7 =	vadd.f32 v4, v2  }
0xf2: {  	v4 =	vld [tilespmem:s25+$0x4360]  }
0xf3: {  	v2 =	vld [tilespmem:s24+$0x3FA0];
	v8 =	vadd.f32 v8, v6;
	v11 =	vadd.f32 v3, v7  }
0xf4: {  	s26 =	simm.s32 $0x20;
	v6 =	vld [tilespmem:s24+$0x3F00]  }
0xf5: {  	s28 =	simm.s32 $0xC0;
	v3 =	vld [tilespmem:s26+$0x3A00];
	v7 =	vadd.f32 v10, v8;
	v8 =	vadd.f32 v9, v11  }
.LBB2_16:
0xf6: {  	p0 =	sne.s32 s28, $0x240;
	v9 =	vld [tilespmem:s26+$0x3AA0]  }
0xf7: {  	v5 =	vadd.f32 v5, v7;
	v7 =	vld [tilespmem:s24+$0x4040];
	v4 =	vadd.f32 v4, v8  }
0xf8: {  	v8 =	vld [tilespmem:s26+$0x3B40]  }
0xf9: {  	v5 =	vadd.f32 v6, v5;
	v6 =	vld [tilespmem:s24+$0x40E0];
	[tilespmem:s25+$0x4400] =	vst v4;
	s25 =	smov.u32 s24;
	s24 =	smov.u32 s26  }
0xfa: {  	v4 =	vld [tilespmem:s24+$0x3BE0]  }
0xfb: {  	v3 =	vadd.f32 v9, v3;
	v2 =	vadd.f32 v2, v5;
	v5 =	vld [tilespmem:s25+$0x4180]  }
0xfc: {  	v9 =	vld [tilespmem:s24+$0x3C80]  }
0xfd: {  	v3 =	vadd.f32 v8, v3;
	v2 =	vadd.f32 v7, v2;
	v7 =	vld [tilespmem:s25+$0x4220]  }
0xfe: {  	v8 =	vld [tilespmem:s24+$0x3D20]  }
0xff: {  	v3 =	vadd.f32 v4, v3;
	v2 =	vadd.f32 v6, v2;
	v10 =	vld [tilespmem:s25+$0x42C0]  }
0x100: {  	v11 =	vld [tilespmem:s24+$0x3DC0]  }
.Ltmp7:
0x101: {  	v3 =	vadd.f32 v9, v3;
	v6 =	vadd.f32 v5, v2;
	v4 =	vld [tilespmem:s25+$0x4360];
	(pc) =	sbr.rel @p0 .LBB2_16-.Ltmp7, $4  }
0x102: {  	v5 =	vld [tilespmem:s24+$0x3E60]  }
0x103: {  	v8 =	vadd.f32 v8, v3;
	v2 =	vld [tilespmem:s24+$0x3FA0];
	v9 =	vadd.f32 v7, v6  }
0x104: {  	s26 =	sshra.s32 s28, $0x2;
	v6 =	vld [tilespmem:s24+$0x3F00]  }
0x105: {  	s28 =	sadd.s32 $0x40, s28;
	v3 =	vld [tilespmem:s26+$0x3A00];
	v7 =	vadd.f32 v11, v8;
	v8 =	vadd.f32 v10, v9  }
0x106: {  	v9 =	vld [tilespmem:s26+$0x3AA0]  }
0x107: {  	v10 =	vld [tilespmem:s24+$0x4040];
	v4 =	vadd.f32 v4, v8  }
0x108: {  	v8 =	vld [tilespmem:s26+$0x3B40]  }
0x109: {  	v11 =	vld [tilespmem:s24+$0x40E0];
	v5 =	vadd.f32 v5, v7;
	[tilespmem:s25+$0x4400] =	vst v4  }
0x10a: {  	v4 =	vld [tilespmem:s26+$0x3BE0]  }
0x10b: {  	v5 =	vadd.f32 v6, v5;
	v3 =	vadd.f32 v9, v3  }
0x10c: {  	v6 =	vld [tilespmem:s26+$0x3C80]  }
0x10d: {  	v7 =	vld [tilespmem:s26+$0x3D20];
	v2 =	vadd.f32 v2, v5;
	v3 =	vadd.f32 v8, v3  }
0x10e: {  	v5 =	vld [tilespmem:s24+$0x4180]  }
0x10f: {  	v2 =	vadd.f32 v10, v2;
	v8 =	vld [tilespmem:s24+$0x4220];
	v3 =	vadd.f32 v4, v3  }
0x110: {  	v4 =	vld [tilespmem:s26+$0x3DC0]  }
0x111: {  	v9 =	vld [tilespmem:s24+$0x42C0];
	v2 =	vadd.f32 v11, v2;
	v3 =	vadd.f32 v6, v3  }
0x112: {  	v6 =	vld [tilespmem:s26+$0x3E60]  }
0x113: {  	v2 =	vadd.f32 v5, v2;
	v5 =	vld [tilespmem:s24+$0x4360];
	v3 =	vadd.f32 v7, v3  }
0x114: {  	v7 =	vld [tilespmem:s26+$0x3F00]  }
0x115: {  	v2 =	vadd.f32 v8, v2;
	v3 =	vadd.f32 v4, v3  }
0x116: {  	v4 =	vld [tilespmem:s26+$0x3FA0]  }
0x117: {  	v2 =	vadd.f32 v9, v2;
	v3 =	vadd.f32 v6, v3  }
0x118: {  	v6 =	vld [tilespmem:s26+$0x4040]  }
0x119: {  	v2 =	vadd.f32 v5, v2;
	v3 =	vadd.f32 v7, v3  }
0x11a: {  	v5 =	vld [tilespmem:s26+$0x40E0]  }
0x11b: {  	[tilespmem:s24+$0x4400] =	vst v2;
	v2 =	vadd.f32 v4, v3  }
0x11c: {  	v3 =	vld [tilespmem:s26+$0x4180]  }
0x11d: {  	v2 =	vadd.f32 v6, v2  }
0x11e: {  	v4 =	vld [tilespmem:s26+$0x4220]  }
0x11f: {  	v2 =	vadd.f32 v5, v2  }
0x120: {  	v5 =	vld [tilespmem:s26+$0x42C0]  }
0x121: {  	v2 =	vadd.f32 v3, v2  }
0x122: {  	v3 =	vld [tilespmem:s26+$0x4360]  }
0x123: {  	v2 =	vadd.f32 v4, v2;
	_ =	sdelay $0x1  }
0x124: {  	v2 =	vadd.f32 v5, v2;
	_ =	sdelay $0x1  }
0x125: {  	v2 =	vadd.f32 v3, v2;
	_ =	sdelay $0x1  }
0x126: {  	s31 =	simm.s32 $0x0;
	[tilespmem:s26+$0x4400] =	vst v2  }
0x127: {  	[hbm4b:s6+s31] =	stream.linear.scatter [tilespmem:s20], [sflag:$0x1], $0xA0, $0x38;
	[tilespmem:$0x44A0] =	vst v63  }
0x128: {  	_ =	swait.ge [sflag:s16], $0xA0  }
0x129: {  	[sflag:s16] =	ssyncset.done $0x0  }
0x12a: {  	[sflag:s16] =	ssyncadd.s32 $0xFFFFFF60  }
0x12b: {  	[bflag:$0x0] =	sbarrier.arrive $0xFFFF  }
0x12c: {  	[spmem:s3] =	stream.linear.scatter [tilespmem:s21], [sflag:$0x1], $0xA00, $0x38;
	[tilespmem:$0x44A0] =	vst v63  }
0x12d: {  	_ =	swait.ge [sflag:s16], $0xA00  }
0x12e: {  	[sflag:s16] =	ssyncset.done $0x0  }
0x12f: {  	[sflag:s16] =	ssyncadd.s32 $0xFFFFF600  }
0x130: {  	[bflag:$0x0] =	sbarrier.arrive $0xFFFF  }
0x131: {  	[tilespmem:s19], [sflag:$0x1] =	stream.strided.gather [spmem:s4], $0xA00, s18, s17, $0x38;
	[tilespmem:$0x44A0] =	vst v63  }
0x132: {  	_ =	swait.ge [sflag:s16], $0xA00  }
0x133: {  	[sflag:s16] =	ssyncset.done $0x0  }
0x134: {  	s25 =	simm.s32 $0x0;
	[sflag:s16] =	ssyncadd.s32 $0xFFFFF600  }
0x135: {  	v2 =	vld [tilespmem:s25+$0x3A00]  }
0x136: {  	v3 =	vld [tilespmem:s25+$0x3AA0];
	_ =	sdelay $0x1  }
0x137: {  	v4 =	vld [tilespmem:s25+$0x3B40];
	_ =	sdelay $0x1  }
0x138: {  	v5 =	vld [tilespmem:s25+$0x3BE0]  }
0x139: {  	v2 =	vadd.f32 v3, v2  }
0x13a: {  	v3 =	vld [tilespmem:s25+$0x3C80]  }
0x13b: {  	v2 =	vadd.f32 v4, v2  }
0x13c: {  	v4 =	vld [tilespmem:s25+$0x3D20]  }
0x13d: {  	v2 =	vadd.f32 v5, v2  }
0x13e: {  	v5 =	vld [tilespmem:s25+$0x3DC0]  }
0x13f: {  	v2 =	vadd.f32 v3, v2  }
0x140: {  	v3 =	vld [tilespmem:s25+$0x3E60]  }
0x141: {  	s24 =	simm.s32 $0x10;
	v6 =	vld [tilespmem:s25+$0x3F00];
	v2 =	vadd.f32 v4, v2  }
0x142: {  	v7 =	vld [tilespmem:s24+$0x3A00]  }
0x143: {  	v4 =	vld [tilespmem:s25+$0x3FA0];
	v2 =	vadd.f32 v5, v2  }
0x144: {  	v5 =	vld [tilespmem:s24+$0x3AA0]  }
0x145: {  	v8 =	vld [tilespmem:s24+$0x3B40];
	v2 =	vadd.f32 v3, v2  }
0x146: {  	v3 =	vld [tilespmem:s25+$0x4040]  }
0x147: {  	v9 =	vld [tilespmem:s24+$0x3BE0];
	v2 =	vadd.f32 v6, v2  }
0x148: {  	v6 =	vld [tilespmem:s25+$0x40E0]  }
0x149: {  	v5 =	vadd.f32 v5, v7;
	v7 =	vld [tilespmem:s24+$0x3C80];
	v2 =	vadd.f32 v4, v2  }
0x14a: {  	v4 =	vld [tilespmem:s25+$0x4180]  }
0x14b: {  	v5 =	vadd.f32 v8, v5;
	v8 =	vld [tilespmem:s24+$0x3D20];
	v2 =	vadd.f32 v3, v2  }
0x14c: {  	v3 =	vld [tilespmem:s25+$0x4220]  }
0x14d: {  	v10 =	vld [tilespmem:s24+$0x3DC0];
	v5 =	vadd.f32 v9, v5;
	v2 =	vadd.f32 v6, v2  }
0x14e: {  	v9 =	vld [tilespmem:s25+$0x42C0]  }
0x14f: {  	v6 =	vadd.f32 v7, v5;
	v5 =	vld [tilespmem:s24+$0x3E60];
	v7 =	vadd.f32 v4, v2  }
0x150: {  	v4 =	vld [tilespmem:s25+$0x4360]  }
0x151: {  	v2 =	vld [tilespmem:s24+$0x3FA0];
	v8 =	vadd.f32 v8, v6;
	v11 =	vadd.f32 v3, v7  }
0x152: {  	s26 =	simm.s32 $0x20;
	v6 =	vld [tilespmem:s24+$0x3F00]  }
0x153: {  	s28 =	simm.s32 $0xC0;
	v3 =	vld [tilespmem:s26+$0x3A00];
	v7 =	vadd.f32 v10, v8;
	v8 =	vadd.f32 v9, v11  }
.LBB2_18:
0x154: {  	p0 =	sne.s32 s28, $0x240;
	v9 =	vld [tilespmem:s26+$0x3AA0]  }
0x155: {  	v5 =	vadd.f32 v5, v7;
	v7 =	vld [tilespmem:s24+$0x4040];
	v4 =	vadd.f32 v4, v8  }
0x156: {  	v8 =	vld [tilespmem:s26+$0x3B40]  }
0x157: {  	v5 =	vadd.f32 v6, v5;
	v6 =	vld [tilespmem:s24+$0x40E0];
	[tilespmem:s25+$0x4400] =	vst v4;
	s25 =	smov.u32 s24;
	s24 =	smov.u32 s26  }
0x158: {  	v4 =	vld [tilespmem:s24+$0x3BE0]  }
0x159: {  	v3 =	vadd.f32 v9, v3;
	v2 =	vadd.f32 v2, v5;
	v5 =	vld [tilespmem:s25+$0x4180]  }
0x15a: {  	v9 =	vld [tilespmem:s24+$0x3C80]  }
0x15b: {  	v3 =	vadd.f32 v8, v3;
	v2 =	vadd.f32 v7, v2;
	v7 =	vld [tilespmem:s25+$0x4220]  }
0x15c: {  	v8 =	vld [tilespmem:s24+$0x3D20]  }
0x15d: {  	v3 =	vadd.f32 v4, v3;
	v2 =	vadd.f32 v6, v2;
	v10 =	vld [tilespmem:s25+$0x42C0]  }
0x15e: {  	v11 =	vld [tilespmem:s24+$0x3DC0]  }
.Ltmp8:
0x15f: {  	v3 =	vadd.f32 v9, v3;
	v6 =	vadd.f32 v5, v2;
	v4 =	vld [tilespmem:s25+$0x4360];
	(pc) =	sbr.rel @p0 .LBB2_18-.Ltmp8, $4  }
0x160: {  	v5 =	vld [tilespmem:s24+$0x3E60]  }
0x161: {  	v8 =	vadd.f32 v8, v3;
	v2 =	vld [tilespmem:s24+$0x3FA0];
	v9 =	vadd.f32 v7, v6  }
0x162: {  	s26 =	sshra.s32 s28, $0x2;
	v6 =	vld [tilespmem:s24+$0x3F00]  }
0x163: {  	s28 =	sadd.s32 $0x40, s28;
	v3 =	vld [tilespmem:s26+$0x3A00];
	v7 =	vadd.f32 v11, v8;
	v8 =	vadd.f32 v10, v9  }
0x164: {  	v9 =	vld [tilespmem:s26+$0x3AA0]  }
0x165: {  	v10 =	vld [tilespmem:s24+$0x4040];
	v4 =	vadd.f32 v4, v8  }
0x166: {  	v8 =	vld [tilespmem:s26+$0x3B40]  }
0x167: {  	v11 =	vld [tilespmem:s24+$0x40E0];
	v5 =	vadd.f32 v5, v7;
	[tilespmem:s25+$0x4400] =	vst v4  }
0x168: {  	v4 =	vld [tilespmem:s26+$0x3BE0]  }
0x169: {  	v5 =	vadd.f32 v6, v5;
	v3 =	vadd.f32 v9, v3  }
0x16a: {  	v6 =	vld [tilespmem:s26+$0x3C80]  }
0x16b: {  	v7 =	vld [tilespmem:s26+$0x3D20];
	v2 =	vadd.f32 v2, v5;
	v3 =	vadd.f32 v8, v3  }
0x16c: {  	v5 =	vld [tilespmem:s24+$0x4180]  }
0x16d: {  	v2 =	vadd.f32 v10, v2;
	v8 =	vld [tilespmem:s24+$0x4220];
	v3 =	vadd.f32 v4, v3  }
0x16e: {  	v4 =	vld [tilespmem:s26+$0x3DC0]  }
0x16f: {  	v9 =	vld [tilespmem:s24+$0x42C0];
	v2 =	vadd.f32 v11, v2;
	v3 =	vadd.f32 v6, v3  }
0x170: {  	v6 =	vld [tilespmem:s26+$0x3E60]  }
0x171: {  	v2 =	vadd.f32 v5, v2;
	v5 =	vld [tilespmem:s24+$0x4360];
	v3 =	vadd.f32 v7, v3  }
0x172: {  	v7 =	vld [tilespmem:s26+$0x3F00]  }
0x173: {  	v2 =	vadd.f32 v8, v2;
	v3 =	vadd.f32 v4, v3  }
0x174: {  	v4 =	vld [tilespmem:s26+$0x3FA0]  }
0x175: {  	v2 =	vadd.f32 v9, v2;
	v3 =	vadd.f32 v6, v3  }
0x176: {  	v6 =	vld [tilespmem:s26+$0x4040]  }
0x177: {  	v2 =	vadd.f32 v5, v2;
	v3 =	vadd.f32 v7, v3  }
0x178: {  	v5 =	vld [tilespmem:s26+$0x40E0]  }
0x179: {  	[tilespmem:s24+$0x4400] =	vst v2;
	v2 =	vadd.f32 v4, v3  }
0x17a: {  	v3 =	vld [tilespmem:s26+$0x4180]  }
0x17b: {  	v2 =	vadd.f32 v6, v2  }
0x17c: {  	v4 =	vld [tilespmem:s26+$0x4220]  }
0x17d: {  	v2 =	vadd.f32 v5, v2  }
0x17e: {  	v5 =	vld [tilespmem:s26+$0x42C0]  }
0x17f: {  	v2 =	vadd.f32 v3, v2  }
0x180: {  	v3 =	vld [tilespmem:s26+$0x4360]  }
0x181: {  	v2 =	vadd.f32 v4, v2;
	_ =	sdelay $0x1  }
0x182: {  	v2 =	vadd.f32 v5, v2;
	_ =	sdelay $0x1  }
0x183: {  	v2 =	vadd.f32 v3, v2;
	_ =	sdelay $0x1  }
0x184: {  	s31 =	simm.s32 $0x0;
	[tilespmem:s26+$0x4400] =	vst v2  }
0x185: {  	[hbm4b:s7+s31] =	stream.linear.scatter [tilespmem:s20], [sflag:$0x1], $0xA0, $0x38;
	[tilespmem:$0x44A0] =	vst v63  }
0x186: {  	_ =	swait.ge [sflag:s16], $0xA0  }
0x187: {  	[sflag:s16] =	ssyncset.done $0x0  }
0x188: {  	[sflag:s16] =	ssyncadd.s32 $0xFFFFFF60  }
0x189: {  	[bflag:$0x0] =	sbarrier.arrive $0xFFFF  }
0x18a: {  	[spmem:s3] =	stream.linear.scatter [tilespmem:s22], [sflag:$0x1], $0xA00, $0x38;
	[tilespmem:$0x44A0] =	vst v63  }
0x18b: {  	_ =	swait.ge [sflag:s16], $0xA00  }
0x18c: {  	[sflag:s16] =	ssyncset.done $0x0  }
0x18d: {  	[sflag:s16] =	ssyncadd.s32 $0xFFFFF600  }
0x18e: {  	[bflag:$0x0] =	sbarrier.arrive $0xFFFF  }
0x18f: {  	[tilespmem:s19], [sflag:$0x1] =	stream.strided.gather [spmem:s4], $0xA00, s18, s17, $0x38;
	[tilespmem:$0x44A0] =	vst v63  }
0x190: {  	_ =	swait.ge [sflag:s16], $0xA00  }
0x191: {  	[sflag:s16] =	ssyncset.done $0x0  }
0x192: {  	s25 =	simm.s32 $0x0;
	[sflag:s16] =	ssyncadd.s32 $0xFFFFF600  }
0x193: {  	v2 =	vld [tilespmem:s25+$0x3A00]  }
0x194: {  	v3 =	vld [tilespmem:s25+$0x3AA0];
	_ =	sdelay $0x1  }
0x195: {  	v4 =	vld [tilespmem:s25+$0x3B40];
	_ =	sdelay $0x1  }
0x196: {  	v5 =	vld [tilespmem:s25+$0x3BE0]  }
0x197: {  	v2 =	vadd.f32 v3, v2  }
0x198: {  	v3 =	vld [tilespmem:s25+$0x3C80]  }
0x199: {  	v2 =	vadd.f32 v4, v2  }
0x19a: {  	v4 =	vld [tilespmem:s25+$0x3D20]  }
0x19b: {  	v2 =	vadd.f32 v5, v2  }
0x19c: {  	v5 =	vld [tilespmem:s25+$0x3DC0]  }
0x19d: {  	v2 =	vadd.f32 v3, v2  }
0x19e: {  	v3 =	vld [tilespmem:s25+$0x3E60]  }
0x19f: {  	s24 =	simm.s32 $0x10;
	v6 =	vld [tilespmem:s25+$0x3F00];
	v2 =	vadd.f32 v4, v2  }
0x1a0: {  	v7 =	vld [tilespmem:s24+$0x3A00]  }
0x1a1: {  	v4 =	vld [tilespmem:s25+$0x3FA0];
	v2 =	vadd.f32 v5, v2  }
0x1a2: {  	v5 =	vld [tilespmem:s24+$0x3AA0]  }
0x1a3: {  	v8 =	vld [tilespmem:s24+$0x3B40];
	v2 =	vadd.f32 v3, v2  }
0x1a4: {  	v3 =	vld [tilespmem:s25+$0x4040]  }
0x1a5: {  	v9 =	vld [tilespmem:s24+$0x3BE0];
	v2 =	vadd.f32 v6, v2  }
0x1a6: {  	v6 =	vld [tilespmem:s25+$0x40E0]  }
0x1a7: {  	v5 =	vadd.f32 v5, v7;
	v7 =	vld [tilespmem:s24+$0x3C80];
	v2 =	vadd.f32 v4, v2  }
0x1a8: {  	v4 =	vld [tilespmem:s25+$0x4180]  }
0x1a9: {  	v5 =	vadd.f32 v8, v5;
	v8 =	vld [tilespmem:s24+$0x3D20];
	v2 =	vadd.f32 v3, v2  }
0x1aa: {  	v3 =	vld [tilespmem:s25+$0x4220]  }
0x1ab: {  	v10 =	vld [tilespmem:s24+$0x3DC0];
	v5 =	vadd.f32 v9, v5;
	v2 =	vadd.f32 v6, v2  }
0x1ac: {  	v9 =	vld [tilespmem:s25+$0x42C0]  }
0x1ad: {  	v6 =	vadd.f32 v7, v5;
	v5 =	vld [tilespmem:s24+$0x3E60];
	v7 =	vadd.f32 v4, v2  }
0x1ae: {  	v4 =	vld [tilespmem:s25+$0x4360]  }
0x1af: {  	v2 =	vld [tilespmem:s24+$0x3FA0];
	v8 =	vadd.f32 v8, v6;
	v11 =	vadd.f32 v3, v7  }
0x1b0: {  	s26 =	simm.s32 $0x20;
	v6 =	vld [tilespmem:s24+$0x3F00]  }
0x1b1: {  	s28 =	simm.s32 $0xC0;
	v3 =	vld [tilespmem:s26+$0x3A00];
	v7 =	vadd.f32 v10, v8;
	v8 =	vadd.f32 v9, v11  }
.LBB2_20:
0x1b2: {  	p0 =	sne.s32 s28, $0x240;
	v9 =	vld [tilespmem:s26+$0x3AA0]  }
0x1b3: {  	v5 =	vadd.f32 v5, v7;
	v7 =	vld [tilespmem:s24+$0x4040];
	v4 =	vadd.f32 v4, v8  }
0x1b4: {  	v8 =	vld [tilespmem:s26+$0x3B40]  }
0x1b5: {  	v5 =	vadd.f32 v6, v5;
	v6 =	vld [tilespmem:s24+$0x40E0];
	[tilespmem:s25+$0x4400] =	vst v4;
	s25 =	smov.u32 s24;
	s24 =	smov.u32 s26  }
0x1b6: {  	v4 =	vld [tilespmem:s24+$0x3BE0]  }
0x1b7: {  	v3 =	vadd.f32 v9, v3;
	v2 =	vadd.f32 v2, v5;
	v5 =	vld [tilespmem:s25+$0x4180]  }
0x1b8: {  	v9 =	vld [tilespmem:s24+$0x3C80]  }
0x1b9: {  	v3 =	vadd.f32 v8, v3;
	v2 =	vadd.f32 v7, v2;
	v7 =	vld [tilespmem:s25+$0x4220]  }
0x1ba: {  	v8 =	vld [tilespmem:s24+$0x3D20]  }
0x1bb: {  	v3 =	vadd.f32 v4, v3;
	v2 =	vadd.f32 v6, v2;
	v10 =	vld [tilespmem:s25+$0x42C0]  }
0x1bc: {  	v11 =	vld [tilespmem:s24+$0x3DC0]  }
.Ltmp9:
0x1bd: {  	v3 =	vadd.f32 v9, v3;
	v6 =	vadd.f32 v5, v2;
	v4 =	vld [tilespmem:s25+$0x4360];
	(pc) =	sbr.rel @p0 .LBB2_20-.Ltmp9, $4  }
0x1be: {  	v5 =	vld [tilespmem:s24+$0x3E60]  }
0x1bf: {  	v8 =	vadd.f32 v8, v3;
	v2 =	vld [tilespmem:s24+$0x3FA0];
	v9 =	vadd.f32 v7, v6  }
0x1c0: {  	s26 =	sshra.s32 s28, $0x2;
	v6 =	vld [tilespmem:s24+$0x3F00]  }
0x1c1: {  	s28 =	sadd.s32 $0x40, s28;
	v3 =	vld [tilespmem:s26+$0x3A00];
	v7 =	vadd.f32 v11, v8;
	v8 =	vadd.f32 v10, v9  }
0x1c2: {  	v9 =	vld [tilespmem:s26+$0x3AA0]  }
0x1c3: {  	v10 =	vld [tilespmem:s24+$0x4040];
	v4 =	vadd.f32 v4, v8  }
0x1c4: {  	v49 =	vld [tilespmem:s26+$0x3B40]  }
0x1c5: {  	v11 =	vld [tilespmem:s24+$0x40E0];
	v5 =	vadd.f32 v5, v7;
	[tilespmem:s25+$0x4400] =	vst v4  }
0x1c6: {  	v4 =	vld [tilespmem:s26+$0x3BE0]  }
0x1c7: {  	v5 =	vadd.f32 v6, v5;
	v3 =	vadd.f32 v9, v3  }
0x1c8: {  	v50 =	vld [tilespmem:s26+$0x3C80]  }
0x1c9: {  	v51 =	vld [tilespmem:s24+$0x4180];
	v2 =	vadd.f32 v2, v5;
	v3 =	vadd.f32 v49, v3  }
0x1ca: {  	v52 =	vld [tilespmem:s26+$0x3D20]  }
0x1cb: {  	v53 =	vld [tilespmem:s24+$0x4220];
	v2 =	vadd.f32 v10, v2;
	v3 =	vadd.f32 v4, v3  }
0x1cc: {  	v54 =	vld [tilespmem:s26+$0x3DC0]  }
0x1cd: {  	v55 =	vld [tilespmem:s24+$0x42C0];
	v2 =	vadd.f32 v11, v2;
	v3 =	vadd.f32 v50, v3  }
0x1ce: {  	v56 =	vld [tilespmem:s26+$0x3E60]  }
0x1cf: {  	v57 =	vld [tilespmem:s24+$0x4360];
	v2 =	vadd.f32 v51, v2;
	v3 =	vadd.f32 v52, v3  }
0x1d0: {  	v58 =	vld [tilespmem:s26+$0x3F00]  }
0x1d1: {  	v2 =	vadd.f32 v53, v2;
	v3 =	vadd.f32 v54, v3  }
0x1d2: {  	v59 =	vld [tilespmem:s26+$0x3FA0]  }
0x1d3: {  	v2 =	vadd.f32 v55, v2;
	v3 =	vadd.f32 v56, v3  }
0x1d4: {  	v60 =	vld [tilespmem:s26+$0x4040]  }
0x1d5: {  	v2 =	vadd.f32 v57, v2;
	v3 =	vadd.f32 v58, v3  }
0x1d6: {  	v61 =	vld [tilespmem:s26+$0x40E0]  }
0x1d7: {  	[tilespmem:s24+$0x4400] =	vst v2;
	v2 =	vadd.f32 v59, v3  }
0x1d8: {  	v3 =	vld [tilespmem:s26+$0x4180]  }
0x1d9: {  	v2 =	vadd.f32 v60, v2  }
0x1da: {  	v62 =	vld [tilespmem:s26+$0x4220]  }
0x1db: {  	v2 =	vadd.f32 v61, v2  }
0x1dc: {  	v63 =	vld [tilespmem:s26+$0x42C0]  }
0x1dd: {  	v2 =	vadd.f32 v3, v2  }
0x1de: {  	v3 =	vld [tilespmem:s26+$0x4360]  }
0x1df: {  	v2 =	vadd.f32 v62, v2;
	_ =	sdelay $0x1  }
0x1e0: {  	v2 =	vadd.f32 v63, v2;
	_ =	sdelay $0x1  }
0x1e1: {  	v2 =	vadd.f32 v3, v2  }
0x1e2: {  	s23 =	sadd.s32 $0x1, s23  }
0x1e3: {  	p0 =	sne.s32 s23, s10;
	[tilespmem:s26+$0x4400] =	vst v2  }
0x1e4: {  	[hbm4b:s9+s2] =	stream.linear.scatter [tilespmem:s20], [sflag:$0x1], $0xA0, $0x38;
	[tilespmem:$0x44A0] =	vst v63  }
.Ltmp10:
0x1e5: {  	_ =	swait.ge [sflag:s16], $0xA0;
	(pc) =	sbr.rel @p0 .LBB2_1-.Ltmp10, $3  }
0x1e6: {  	[sflag:s16] =	ssyncset.done $0x0  }
0x1e7: {  	[sflag:s16] =	ssyncadd.s32 $0xFFFFFF60  }
0x1e8: {  	[bflag:$0x0] =	sbarrier.arrive $0xFFFF;
	_ =	sdelay $0x1  }
0x1e9: {  	_ =	sfence.sel $0x180000  }
0x1ea: {  	[bflag:$0x0] =	sbarrier.arrive $0xFFFF  }
0x1eb: {  	p0 =	sne.s32 s0, $0x0;
	_ =	strace $0x90000047  }
0x1ec: {  	s0 =	sadd.s32 @!p0 $0x100000, s1;
	[bflag:$0x2] =	sbarrier.arrive $0xFFFF  }
0x1ed: {  	[sflag:s0] =	ssyncadd.tile.s32 @!p0 $0x1;
	_ =	shalt  }
.Lfunc_end2:
_tile_overlayer_lowered:
.L_overlay_start_2:
0x1ee: {  	(tag) =	ssettag $0x2  }
0x1ef: {  	s0 =	rddreg [dreg:$0x0];
	s2 =	stileid.u32  }
0x1f0: {  	s1 =	rddreg [dreg:$0x1];
	p0 =	sne.s32 s2, $0x0  }
0x1f1: {  	s3 =	rddreg [dreg:$0x2];
	[bflag:$0x3] =	sbarrier.arrive $0xFFFF;
	s2 =	simm.s32 @!p0 $0x1C01  }
0x1f2: {  	[timem:s3], [sflag:s2] =	dma.local @!p0 [hbm:s0], s1  }
0x1f3: {  	s0 =	simm.s32 @!p0 $0x1  }
0x1f4: {  	_ =	swait.ge @!p0 [sflag:s0], s1  }
0x1f5: {  	s1 =	ssub.s32 @!p0 $0x0, s1;
	[sflag:s0] =	ssyncset.done @!p0 $0x0  }
0x1f6: {  	[sflag:s0] =	ssyncadd.s32 @!p0 s1  }
0x1f7: {  	[bflag:$0x3] =	sbarrier.arrive $0xFFFF  }
0x1f8: {  	_ =	shalt  }

// kernel: kernel.13.cloned.1.call-start
scs
__scs_entry_jumppad:
0x0: {  	(pc) =	sbr.rel $0x88, $3  }
0x1: {  	(tag) =	ssettag $0x0;
	lr =	simm.s32 $0x1  }
0x2: {  	[smem:$0x3F9B] =	sst lr;
	_ =	strace $0xD0000000  }
0x3: {  	_ = 	snop  }
0x4: {  	_ = 	snop  }
0x5: {  	_ = 	snop  }
0x6: {  	_ = 	snop  }
0x7: {  	_ = 	snop  }
__scs_overlays_trampoline_lowered:
0x8: {  	[smem:$0x3FAA] =	sst s0  }
0x9: {  	[smem:$0x3FAB] =	sst s1  }
0xa: {  	[smem:$0x3FAC] =	sst s2  }
0xb: {  	[smem:$0x3FAD] =	sst s3  }
0xc: {  	[smem:$0x3FAE] =	sst s4  }
0xd: {  	[smem:$0x3FAF] =	sst s5  }
0xe: {  	[smem:$0x3FB0] =	sst s6  }
0xf: {  	[smem:$0x3FB1] =	sst s7  }
0x10: {  	[smem:$0x3FB2] =	sst s8  }
0x11: {  	[smem:$0x3FB3] =	sst s9;
	s0 =	simm.s32 @!p0 $0x0  }
0x12: {  	s1 =	sld [smem:$0x3F99];
	s0 =	simm.s32 @p0 $0x1  }
0x13: {  	[smem:$0x3FB4] =	sst s0;
	s0 =	simm.s32 @!p1 $0x0  }
0x14: {  	s2 =	sld [smem:$0x3F98];
	s0 =	simm.s32 @p1 $0x1  }
0x15: {  	[smem:$0x3FB5] =	sst s0;
	s0 =	simm.s32 @!p2 $0x0  }
0x16: {  	s3 =	sld [smem:$0x3FDB];
	s0 =	simm.s32 @p2 $0x1  }
0x17: {  	s4 =	simm.s32 $0x1BF5;
	[smem:$0x3FB7] =	sst s0  }
0x18: {  	s0 =	sld [smem:$0x3F9A];
	_ =	swait.ge [sflag:s4], $0x0  }
0x19: {  	s7 =	sld [smem:$0x3F9B]  }
0x1a: {  	s8 =	sadd.s32 $0xFFFFE003, lr  }
0x1b: {  	s9 =	sadd.s32 $0xFFFFFEF7, lr;
	s5 =	simm.s32 $0xFFFFFFFF;
	p2 =	slt.u32 s8, $0xFFFFF086  }
0x1c: {  	p1 =	slt.u32 s9, $0xF7A;
	s5 =	simm.s32 @!p2 $0x0  }
0x1d: {  	s5 =	simm.s32 @p1 $0x1;
	p0 =	seq.s32 s7, s2  }
0x1e: {  	s7 =	smul.u32 @!p0 $0xF7A, s2;
	p2 =	seq.s32 @!p0 s5, $0x0  }
0x1f: {  	s9 =	smul.u32 $0xF7A, s1;
	s8 =	simm.s32 @!p0 $0x1BF5;
	p2 =	por !p2, p0  }
0x20: {  	[sflag:s8] =	ssyncset.s32 @!p0 $0xFFFFF086;
	s6 =	sadd.s32 @!p0 s3, s7;
	s7 =	simm.s32 @!p0 $0x108  }
0x21: {  	s3 =	sadd.s32 s3, s9;
	s6 =	sadd.s32 @!p0 $0x88, s6;
	s7 =	simm.s32 @p2 $0x1082  }
0x22: {  	[simem:s7], [sflag:s8] =	dma.local @!p0 [hbm:s6], $0xF7A  }
0x23: {  	s9 =	sor.u32 $0xD0000000, s2;
	s6 =	simm.s32 $0x108;
	_ =	swait.ge @!p0 [sflag:s8], $0x0  }
0x24: {  	s3 =	sadd.s32 $0x88, s3;
	s6 =	simm.s32 @!p1 $0x1082;
	[sflag:s4] =	ssyncset.s32 $0xFFFFF086  }
0x25: {  	[simem:s6], [sflag:s4] =	dma.local [hbm:s3], $0xF7A  }
0x26: {  	[smem:$0x3F9B] =	sst s1;
	(tag) =	ssettag s2;
	_ =	strace s9  }
0x27: {  	s1 =	sld [smem:$0x3FAB]  }
0x28: {  	s2 =	sld [smem:$0x3FAC]  }
0x29: {  	s4 =	sld [smem:$0x3FAE]  }
0x2a: {  	p0 =	seq.s32 s5, $0x0;
	s5 =	sld [smem:$0x3FAF]  }
0x2b: {  	s6 =	sld [smem:$0x3FB0]  }
0x2c: {  	s7 =	sld [smem:$0x3FB1]  }
0x2d: {  	s3 =	simm.s32 $0x108;
	s8 =	sld [smem:$0x3FB2]  }
0x2e: {  	s3 =	simm.s32 @!p0 $0x1082;
	s9 =	sld [smem:$0x3FB3]  }
0x2f: {  	lr =	sadd.s32 s0, s3;
	s0 =	sld [smem:$0x3FAA]  }
0x30: {  	s3 =	sld [smem:$0x3FAD]  }
0x31: {  	[smem:$0x3FB6] =	sst s10  }
0x32: {  	s10 =	sld [smem:$0x3FB4];
	_ =	sdelay $0x3  }
0x33: {  	p0 =	seq.s32 s10, $0x1;
	s10 =	sld [smem:$0x3FB6];
	_ =	sdelay $0x3  }
0x34: {  	[smem:$0x3FB6] =	sst s10  }
0x35: {  	s10 =	sld [smem:$0x3FB5];
	_ =	sdelay $0x3  }
0x36: {  	p1 =	seq.s32 s10, $0x1;
	s10 =	sld [smem:$0x3FB6];
	_ =	sdelay $0x3  }
0x37: {  	[smem:$0x3FB6] =	sst s10  }
0x38: {  	s10 =	sld [smem:$0x3FB7]  }
0x39: {  	_ = 	snop;
	(pc) =	sbr.ind lr, $3  }
0x3a: {  	_ = 	snop  }
0x3b: {  	_ = 	snop  }
0x3c: {  	p2 =	seq.s32 s10, $0x1;
	s10 =	sld [smem:$0x3FB6]  }
0x3d: {  	_ =	shalt  }
0x3e: {  	_ =	shalt  }
0x3f: {  	_ =	shalt  }
0x40: {  	_ =	shalt  }
0x41: {  	_ =	shalt  }
0x42: {  	_ =	shalt  }
0x43: {  	_ =	shalt  }
0x44: {  	_ =	shalt  }
0x45: {  	_ =	shalt  }
0x46: {  	_ =	shalt  }
0x47: {  	_ =	shalt  }
0x48: {  	_ =	shalt  }
0x49: {  	_ =	shalt  }
0x4a: {  	_ =	shalt  }
0x4b: {  	_ =	shalt  }
0x4c: {  	_ =	shalt  }
0x4d: {  	_ =	shalt  }
0x4e: {  	_ =	shalt  }
0x4f: {  	_ =	shalt  }
0x50: {  	_ =	shalt  }
0x51: {  	_ =	shalt  }
0x52: {  	_ =	shalt  }
0x53: {  	_ =	shalt  }
0x54: {  	_ =	shalt  }
0x55: {  	_ =	shalt  }
0x56: {  	_ =	shalt  }
0x57: {  	_ =	shalt  }
0x58: {  	_ =	shalt  }
0x59: {  	_ =	shalt  }
0x5a: {  	_ =	shalt  }
0x5b: {  	_ =	shalt  }
0x5c: {  	_ =	shalt  }
0x5d: {  	_ =	shalt  }
0x5e: {  	_ =	shalt  }
0x5f: {  	_ =	shalt  }
0x60: {  	_ =	shalt  }
0x61: {  	_ =	shalt  }
0x62: {  	_ =	shalt  }
0x63: {  	_ =	shalt  }
0x64: {  	_ =	shalt  }
0x65: {  	_ =	shalt  }
0x66: {  	_ =	shalt  }
0x67: {  	_ =	shalt  }
0x68: {  	_ =	shalt  }
0x69: {  	_ =	shalt  }
0x6a: {  	_ =	shalt  }
0x6b: {  	_ =	shalt  }
0x6c: {  	_ =	shalt  }
0x6d: {  	_ =	shalt  }
0x6e: {  	_ =	shalt  }
0x6f: {  	_ =	shalt  }
0x70: {  	_ =	shalt  }
0x71: {  	_ =	shalt  }
0x72: {  	_ =	shalt  }
0x73: {  	_ =	shalt  }
0x74: {  	_ =	shalt  }
0x75: {  	_ =	shalt  }
0x76: {  	_ =	shalt  }
0x77: {  	_ =	shalt  }
0x78: {  	_ =	shalt  }
0x79: {  	_ =	shalt  }
0x7a: {  	_ =	shalt  }
0x7b: {  	_ =	shalt  }
0x7c: {  	_ =	shalt  }
0x7d: {  	_ =	shalt  }
0x7e: {  	_ =	shalt  }
0x7f: {  	_ =	shalt  }
0x80: {  	_ =	shalt  }
0x81: {  	_ =	shalt  }
0x82: {  	_ =	shalt  }
0x83: {  	_ =	shalt  }
0x84: {  	_ =	shalt  }
0x85: {  	_ =	shalt  }
0x86: {  	_ =	shalt  }
0x87: {  	_ =	shalt  }
.Lfunc_end0:
.L_simem_size_0:
called_computation.1_lowered:
.L_overlay_start_0:
0x88: {  	s2 =	sld [smem:$0x3FD9]  }
0x89: {  	s3 =	sld [smem:$0x3FFE];
	_ =	sdelay $0x1  }
0x8a: {  	s1 =	srdreg.scid  }
0x8b: {  	s0 =	sand.u32 $0x1, s1  }
0x8c: {  	s17 =	sshll.u32 s0, $0xA;
	s2 =	sadd.s32 s3, s2  }
0x8d: {  	s2 =	sadd.s32 s2, s17  }
0x8e: {  	[smem:$0x3FC2] =	sst s2  }
0x8f: {  	_ = 	snop  }
0x90: {  	s2 =	sld [smem:$0x3FD0];
	(tm) =	ssettm $0x1  }
0x91: {  	s18 =	sld [smem:$0x3FFB];
	_ =	sdelay $0x3  }
0x92: {  	_ =	strace s18  }
0x93: {  	s3 =	sld [smem:$0x3FFC];
	_ =	sdelay $0x3  }
0x94: {  	_ =	strace s3  }
0x95: {  	s3 =	sld [smem:$0x3FFD];
	_ =	sdelay $0x3  }
0x96: {  	_ =	strace s3  }
0x97: {  	_ =	strace $0x8FFFFFFF  }
0x98: {  	s19 =	sld [smem:$0x3FDB];
	_ =	sdelay $0x1  }
0x99: {  	s4 =	simm.s32 $_scs_section_size  }
0x9a: {  	s5 =	simm.s32 $_size__tile_overlayer_lowered;
	s6 =	simm.s32 $_tile_overlayer_lowered  }
0x9b: {  	s22 =	simm.s32 $0x1BFF;
	s21 =	sshll.u32 s6, $0x1;
	s3 =	sadd.s32 s4, s19  }
0x9c: {  	s7 =	simm.s32 $0x0;
	s20 =	sshll.u32 s5, $0x1;
	s5 =	sadd.s32 s21, s3  }
0x9d: {  	[timem:s7], [sflag:s22] =	dma.local [hbm:s5], s20  }
0x9e: {  	_ =	swait.ge [sflag:s22], s20  }
0x9f: {  	s4 =	ssub.s32 $0x0, s20;
	[sflag:s22] =	ssyncset.done $0x0  }
0xa0: {  	[sflag:s22] =	ssyncadd.s32 s4;
	_ =	sdelay $0x1  }
0xa1: {  	s23 =	simm.s32 $0x1B8B  }
0xa2: {  	_ =	swait.ge [sflag:s23], $0x1  }
0xa3: {  	[sflag:s23] =	ssyncset.done $0x0  }
0xa4: {  	s25 =	simm.s32 $0x1B8E;
	s24 =	sld [smem:$0x3FFE];
	[sflag:s23] =	ssyncadd.s32 $0xFFFFFFFF  }
0xa5: {  	s26 =	simm.s32 $execute0_lowered;
	[smem:$0x3FD2] =	sst s25  }
0xa6: {  	s5 =	sshll.u32 s26, $0x1;
	_ =	strace $0x80000049;
	[dreg:$0x1] =	wrdreg $0xFFFFFFFF  }
0xa7: {  	s28 =	simm.s32 $_size_execute0_lowered;
	s3 =	sadd.s32 s3, s5;
	[dreg:$0x0] =	wrdreg $0x0  }
0xa8: {  	s5 =	sshll.u32 s28, $0x1;
	[dreg:$0x2] =	wrdreg s3  }
0xa9: {  	[dreg:$0x3] =	wrdreg s5  }
0xaa: {  	[dreg:$0x4] =	wrdreg $0xC0  }
0xab: {  	_ =	task [dreg:s7], $0x5FFFF  }
0xac: {  	[dreg:$0x1] =	wrdreg $0xFFFFFFFF  }
0xad: {  	[dreg:$0x0] =	wrdreg $0x60  }
0xae: {  	[dreg:$0x2] =	wrdreg s24  }
0xaf: {  	[dreg:$0x3] =	wrdreg s2  }
0xb0: {  	[dreg:$0x4] =	wrdreg $0x90000  }
0xb1: {  	[dreg:$0x5] =	wrdreg $0x9  }
0xb2: {  	_ =	task.clear_ibuf [dreg:s7], $0x6FFFF;
	_ =	strace $0x90000049  }
0xb3: {  	s29 =	simm.s32 $0x9;
	_ =	strace $0x8000004B  }
0xb4: {  	_ =	swait.ge [sflag:s29], $0x1  }
0xb5: {  	[sflag:s29] =	ssyncadd.s32 $0xFFFFFFFF  }
0xb6: {  	_ =	strace $0x9000004B  }
0xb7: {  	_ =	sfence  }
0xb8: {  	s30 =	sld [smem:$0x0];
	_ =	sdelay $0x2  }
0xb9: {  	s31 =	sshll.u32 s1, $0xD;
	s1 =	sshrl.u32 s1, $0x2  }
0xba: {  	s3 =	sand.u32 $0x4000, s31;
	s1 =	sadd.s32 s1, s30  }
0xbb: {  	s0 =	sor.u32 s3, s0;
	s1 =	sshll.u32 s1, $0x11  }
0xbc: {  	s0 =	sor.u32 s1, s0  }
0xbd: {  	s0 =	sadd.s32 $0x8F2B, s0  }
0xbe: {  	[sflag:s0] =	ssyncadd.remote.s32 $0x1  }
0xbf: {  	_ =	sfence.sel $0xFFFF  }
0xc0: {  	[dreg:$0x0] =	wrdreg $0xFFFFFFFF;
	(pc) =	sbr.abs _section_cstart, $3  }
0xc1: {  	[dreg:$0x1] =	wrdreg $0xFFFFFFFF  }
0xc2: {  	_ =	task.clear_ibuf [dreg:s7], $0x2FFFF;
	_ =	strace $0x9FFFFFFF  }
0xc3: {  	(tm) =	ssettm $0x7FFFFFFF  }
tec
execute0_lowered:
.L_overlay_start_1:
0x0: {  	(tag) =	ssettag $0x1  }
0x1: {  	s0 =	rddreg [dreg:$0x0]  }
0x2: {  	s3 =	rddreg [dreg:$0x1]  }
0x3: {  	s1 =	rddreg [dreg:$0x2];
	s4 =	srdreg.scid  }
0x4: {  	s2 =	simm.s32 $0x0;
	s12 =	stileid.u32;
	s13 =	simm.s32 $0x180  }
0x5: {  	s14 =	simm.s32 $0x900;
	s28 =	simm.s32 $0x480;
	s29 =	simm.s32 $0xC00  }
0x6: {  	s30 =	simm.s32 $0x500;
	s31 =	simm.s32 $0xC80;
	s8 =	smul.u32 $0x14000, s12  }
0x7: {  	s5 =	sand.u32 $0x1, s4;
	[smem:$0x7FF] =	sst s2;
	s24 =	smul.u32 $0x500, s12  }
0x8: {  	s4 =	sadd.s32 $0x5D600, s0;
	s6 =	smul.u32 $0x5000, s5;
	_ =	strace $0x8000004A  }
0x9: {  	s7 =	smul.u32 $0x140000, s5;
	s5 =	ssub.s32 $0x2, s5;
	[dreg:$0x8] =	wrdreg s13  }
0xa: {  	[dreg:$0x9] =	wrdreg s14;
	s13 =	simm.s32 $0xF80;
	s10 =	sshrl.u32 s5, $0x1  }
0xb: {  	s15 =	sadd.s32 s8, s1;
	s18 =	sadd.s32 $0x4000, s8;
	s11 =	sadd.s32 $0x8000, s8  }
0xc: {  	s23 =	sadd.s32 $0xC000, s8;
	s9 =	sadd.s32 s6, s0;
	s0 =	sadd.s32 $0xAD600, s0  }
0xd: {  	s5 =	ssub.s32 s5, s10;
	[dreg:$0x14] =	wrdreg s15;
	s16 =	sadd.s32 s7, s8  }
0xe: {  	s19 =	sadd.s32 s7, s18;
	s10 =	sadd.s32 s18, s1;
	s20 =	sadd.s32 s7, s11  }
0xf: {  	s21 =	sadd.s32 s11, s1;
	s25 =	sadd.s32 s23, s1;
	[dreg:$0x17] =	wrdreg s10  }
0x10: {  	s3 =	sadd.s32 s6, s3;
	s8 =	sadd.s32 $0x10000, s8;
	[dreg:$0x19] =	wrdreg s21  }
0x11: {  	s11 =	simm.s32 $0x880;
	s15 =	smul.u32 $0x50000, s12;
	[dreg:$0x1b] =	wrdreg s25  }
0x12: {  	s12 =	simm.s32 $0xF00;
	s5 =	smax.u32 s5, $0x1;
	[dreg:$0x7] =	wrdreg s11  }
0x13: {  	s17 =	sshrl.u32 s16, $0x3;
	s3 =	sadd.s32 s24, s3;
	[dreg:$0x15] =	wrdreg s5  }
0x14: {  	s22 =	sshrl.u32 s20, $0x3;
	s10 =	sadd.s32 s8, s1;
	[dreg:$0x4] =	wrdreg s3  }
0x15: {  	s26 =	sadd.s32 s24, s9;
	s9 =	simm.s32 $0x100;
	[dreg:$0x1d] =	wrdreg s10  }
0x16: {  	s16 =	simm.s32 $0x200;
	s20 =	simm.s32 $0xA00;
	[dreg:$0x6] =	wrdreg s9  }
0x17: {  	s21 =	simm.s32 $0x300;
	s24 =	simm.s32 $0xB00;
	[dreg:$0xa] =	wrdreg s16  }
0x18: {  	s25 =	simm.s32 $0x400;
	s11 =	simm.s32 $0x780;
	[dreg:$0xd] =	wrdreg s20  }
0x19: {  	s5 =	sadd.s32 s0, s17;
	s6 =	sadd.s32 $0x3600, s26;
	[dreg:$0xe] =	wrdreg s21  }
0x1a: {  	s17 =	simm.s32 $0x980;
	s18 =	sshrl.u32 s15, $0x2;
	[dreg:$0x11] =	wrdreg s24  }
0x1b: {  	s20 =	simm.s32 $0x80;
	s21 =	simm.s32 $0x1000;
	[dreg:$0x12] =	wrdreg s25  }
0x1c: {  	s26 =	simm.s32 $0xB80;
	s24 =	simm.s32 $0x3;
	s25 =	simm.s32 $0x2  }
0x1d: {  	s3 =	simm.s32 $0xD00;
	s9 =	simm.s32 $0x700;
	[dreg:$0x16] =	wrdreg s5  }
0x1e: {  	s10 =	simm.s32 $0xE80;
	s15 =	simm.s32 $0x0;
	[dreg:$0x5] =	wrdreg s6  }
0x1f: {  	s5 =	sshrl.u32 s19, $0x3;
	[dreg:$0xb] =	wrdreg s17;
	s19 =	simm.s32 $0x280  }
0x20: {  	s16 =	sadd.s32 s18, s1;
	s17 =	simm.s32 $0x1D000;
	[dreg:$0x13] =	wrdreg s26  }
0x21: {  	s18 =	simm.s32 $0x5;
	s5 =	sadd.s32 s0, s5;
	[dreg:$0xc] =	wrdreg s19  }
0x22: {  	s26 =	simm.s32 $0x4;
	[dreg:$0x18] =	wrdreg s5;
	s5 =	sadd.s32 s0, s22  }
0x23: {  	s6 =	simm.s32 $0xD80;
	[dreg:$0x1a] =	wrdreg s5;
	s5 =	sadd.s32 s7, s23  }
0x24: {  	s19 =	simm.s32 $0x800;
	s22 =	simm.s32 $0xA80;
	s5 =	sshrl.u32 s5, $0x3  }
0x25: {  	[dreg:$0xf] =	wrdreg s22;
	s23 =	simm.s32 $0x380;
	s5 =	sadd.s32 s0, s5  }
0x26: {  	s22 =	simm.s32 $0x5000;
	[dreg:$0x1c] =	wrdreg s5;
	s5 =	sadd.s32 s7, s8  }
0x27: {  	[dreg:$0x10] =	wrdreg s23;
	s23 =	simm.s32 $0x1;
	s5 =	sshrl.u32 s5, $0x3  }
0x28: {  	s7 =	simm.s32 $0x680;
	s8 =	simm.s32 $0xE00;
	s0 =	sadd.s32 s0, s5  }
0x29: {  	v0 =	vimm.f32 $0.0e+00;
	s5 =	simm.s32 $0x600;
	[dreg:$0x1e] =	wrdreg s0;
	s0 =	simm.s32 $0x580  }
.LBB2_1:
0x2a: {  	[tilespmem:$0x1D000] =	vst v0  }
0x2b: {  	[tilespmem:$0x1D010] =	vst v0  }
0x2c: {  	[tilespmem:$0x1D020] =	vst v0  }
0x2d: {  	[tilespmem:$0x1D030] =	vst v0  }
0x2e: {  	[tilespmem:$0x1D040] =	vst v0  }
0x2f: {  	[tilespmem:$0x1D050] =	vst v0  }
0x30: {  	[tilespmem:$0x1D060] =	vst v0  }
0x31: {  	[tilespmem:$0x1D070] =	vst v0  }
0x32: {  	[tilespmem:$0x1D080] =	vst v0  }
0x33: {  	[tilespmem:$0x1D090] =	vst v0  }
0x34: {  	[tilespmem:$0x1D0A0] =	vst v0  }
0x35: {  	[tilespmem:$0x1D0B0] =	vst v0  }
0x36: {  	[tilespmem:$0x1D0C0] =	vst v0  }
0x37: {  	[tilespmem:$0x1D0D0] =	vst v0  }
0x38: {  	[tilespmem:$0x1D0E0] =	vst v0  }
0x39: {  	[tilespmem:$0x1D0F0] =	vst v0  }
0x3a: {  	[tilespmem:$0x1D100] =	vst v0  }
0x3b: {  	[tilespmem:$0x1D110] =	vst v0  }
0x3c: {  	[tilespmem:$0x1D120] =	vst v0  }
0x3d: {  	[tilespmem:$0x1D130] =	vst v0  }
0x3e: {  	[tilespmem:$0x1D140] =	vst v0  }
0x3f: {  	[tilespmem:$0x1D150] =	vst v0  }
0x40: {  	[tilespmem:$0x1D160] =	vst v0  }
0x41: {  	[tilespmem:$0x1D170] =	vst v0  }
0x42: {  	[tilespmem:$0x1D180] =	vst v0  }
0x43: {  	[tilespmem:$0x1D190] =	vst v0  }
0x44: {  	[tilespmem:$0x1D1A0] =	vst v0  }
0x45: {  	[tilespmem:$0x1D1B0] =	vst v0  }
0x46: {  	[tilespmem:$0x1D1C0] =	vst v0  }
0x47: {  	[tilespmem:$0x1D1D0] =	vst v0  }
0x48: {  	[tilespmem:$0x1D1E0] =	vst v0  }
0x49: {  	[tilespmem:$0x1D1F0] =	vst v0  }
0x4a: {  	[tilespmem:$0x1D200] =	vst v0  }
0x4b: {  	[tilespmem:$0x1D210] =	vst v0  }
0x4c: {  	[tilespmem:$0x1D220] =	vst v0  }
0x4d: {  	[tilespmem:$0x1D230] =	vst v0  }
0x4e: {  	[tilespmem:$0x1D240] =	vst v0  }
0x4f: {  	[tilespmem:$0x1D250] =	vst v0  }
0x50: {  	[tilespmem:$0x1D260] =	vst v0  }
0x51: {  	[tilespmem:$0x1D270] =	vst v0  }
0x52: {  	[tilespmem:$0x1D280] =	vst v0  }
0x53: {  	[tilespmem:$0x1D290] =	vst v0  }
0x54: {  	[tilespmem:$0x1D2A0] =	vst v0  }
0x55: {  	[tilespmem:$0x1D2B0] =	vst v0  }
0x56: {  	[tilespmem:$0x1D2C0] =	vst v0  }
0x57: {  	[tilespmem:$0x1D2D0] =	vst v0  }
0x58: {  	[tilespmem:$0x1D2E0] =	vst v0  }
0x59: {  	[tilespmem:$0x1D2F0] =	vst v0  }
0x5a: {  	[tilespmem:$0x1D300] =	vst v0  }
0x5b: {  	[tilespmem:$0x1D310] =	vst v0  }
0x5c: {  	[tilespmem:$0x1D320] =	vst v0  }
0x5d: {  	[tilespmem:$0x1D330] =	vst v0  }
0x5e: {  	[tilespmem:$0x1D340] =	vst v0  }
0x5f: {  	[tilespmem:$0x1D350] =	vst v0  }
0x60: {  	[tilespmem:$0x1D360] =	vst v0  }
0x61: {  	[tilespmem:$0x1D370] =	vst v0  }
0x62: {  	[tilespmem:$0x1D380] =	vst v0  }
0x63: {  	[tilespmem:$0x1D390] =	vst v0  }
0x64: {  	[tilespmem:$0x1D3A0] =	vst v0  }
0x65: {  	[tilespmem:$0x1D3B0] =	vst v0  }
0x66: {  	[tilespmem:$0x1D3C0] =	vst v0  }
0x67: {  	[tilespmem:$0x1D3D0] =	vst v0  }
0x68: {  	[tilespmem:$0x1D3E0] =	vst v0  }
0x69: {  	[tilespmem:$0x1D3F0] =	vst v0  }
0x6a: {  	[tilespmem:$0x1D400] =	vst v0  }
0x6b: {  	[tilespmem:$0x1D410] =	vst v0  }
0x6c: {  	[tilespmem:$0x1D420] =	vst v0  }
0x6d: {  	[tilespmem:$0x1D430] =	vst v0  }
0x6e: {  	[tilespmem:$0x1D440] =	vst v0  }
0x6f: {  	[tilespmem:$0x1D450] =	vst v0  }
0x70: {  	[tilespmem:$0x1D460] =	vst v0  }
0x71: {  	[tilespmem:$0x1D470] =	vst v0  }
0x72: {  	[tilespmem:$0x1D480] =	vst v0  }
0x73: {  	[tilespmem:$0x1D490] =	vst v0  }
0x74: {  	[tilespmem:$0x1D4A0] =	vst v0  }
0x75: {  	[tilespmem:$0x1D4B0] =	vst v0  }
0x76: {  	[tilespmem:$0x1D4C0] =	vst v0  }
0x77: {  	[tilespmem:$0x1D4D0] =	vst v0  }
0x78: {  	[tilespmem:$0x1D4E0] =	vst v0  }
0x79: {  	[tilespmem:$0x1D4F0] =	vst v0  }
0x7a: {  	[tilespmem:$0x1D500] =	vst v0  }
0x7b: {  	[tilespmem:$0x1D510] =	vst v0  }
0x7c: {  	[tilespmem:$0x1D520] =	vst v0  }
0x7d: {  	[tilespmem:$0x1D530] =	vst v0  }
0x7e: {  	[tilespmem:$0x1D540] =	vst v0  }
0x7f: {  	[tilespmem:$0x1D550] =	vst v0  }
0x80: {  	[tilespmem:$0x1D560] =	vst v0  }
0x81: {  	[tilespmem:$0x1D570] =	vst v0  }
0x82: {  	[tilespmem:$0x1D580] =	vst v0  }
0x83: {  	[tilespmem:$0x1D590] =	vst v0  }
0x84: {  	[tilespmem:$0x1D5A0] =	vst v0  }
0x85: {  	[tilespmem:$0x1D5B0] =	vst v0  }
0x86: {  	[tilespmem:$0x1D5C0] =	vst v0  }
0x87: {  	[tilespmem:$0x1D5D0] =	vst v0  }
0x88: {  	[tilespmem:$0x1D5E0] =	vst v0  }
0x89: {  	[tilespmem:$0x1D5F0] =	vst v0  }
0x8a: {  	[tilespmem:$0x1D600] =	vst v0  }
0x8b: {  	[tilespmem:$0x1D610] =	vst v0  }
0x8c: {  	[tilespmem:$0x1D620] =	vst v0  }
0x8d: {  	[tilespmem:$0x1D630] =	vst v0  }
0x8e: {  	[tilespmem:$0x1D640] =	vst v0  }
0x8f: {  	[tilespmem:$0x1D650] =	vst v0  }
0x90: {  	[tilespmem:$0x1D660] =	vst v0  }
0x91: {  	[tilespmem:$0x1D670] =	vst v0  }
0x92: {  	[tilespmem:$0x1D680] =	vst v0  }
0x93: {  	[tilespmem:$0x1D690] =	vst v0  }
0x94: {  	[tilespmem:$0x1D6A0] =	vst v0  }
0x95: {  	[tilespmem:$0x1D6B0] =	vst v0  }
0x96: {  	[tilespmem:$0x1D6C0] =	vst v0  }
0x97: {  	[tilespmem:$0x1D6D0] =	vst v0  }
0x98: {  	[tilespmem:$0x1D6E0] =	vst v0  }
0x99: {  	[tilespmem:$0x1D6F0] =	vst v0  }
0x9a: {  	[tilespmem:$0x1D700] =	vst v0  }
0x9b: {  	[tilespmem:$0x1D710] =	vst v0  }
0x9c: {  	[tilespmem:$0x1D720] =	vst v0  }
0x9d: {  	[tilespmem:$0x1D730] =	vst v0  }
0x9e: {  	[tilespmem:$0x1D740] =	vst v0  }
0x9f: {  	[tilespmem:$0x1D750] =	vst v0  }
0xa0: {  	[tilespmem:$0x1D760] =	vst v0  }
0xa1: {  	[tilespmem:$0x1D770] =	vst v0  }
0xa2: {  	[tilespmem:$0x1D780] =	vst v0  }
0xa3: {  	[tilespmem:$0x1D790] =	vst v0  }
0xa4: {  	[tilespmem:$0x1D7A0] =	vst v0  }
0xa5: {  	[tilespmem:$0x1D7B0] =	vst v0  }
0xa6: {  	[tilespmem:$0x1D7C0] =	vst v0  }
0xa7: {  	[tilespmem:$0x1D7D0] =	vst v0  }
0xa8: {  	[tilespmem:$0x1D7E0] =	vst v0  }
0xa9: {  	[dreg:$0x1f] =	wrdreg s15;
	[tilespmem:$0x1D7F0] =	vst v0;
	s14 =	sadd.s32 $0x0, s16  }
0xaa: {  	[spmem:s14] =	stream.linear.scatter [tilespmem:s17], [sflag:$0x5], $0x800, $0x38;
	[tilespmem:$0x1D800] =	vst v63  }
0xab: {  	s14 =	simm.s32 $0x2000;
	_ =	swait.ge [sflag:s18], $0x800  }
.LBB2_2:
0xac: {  	s15 =	sshra.s32 s14, $0x2;
	[sflag:s18] =	ssyncset.done $0x0;
	p0 =	sne.s32 s14, $0x4E000  }
.Ltmp0:
0xad: {  	s15 =	sadd.s32 s15, s16;
	[sflag:s18] =	ssyncadd.s32 $0xFFFFF800;
	(pc) =	sbr.rel @p0 .LBB2_2-.Ltmp0, $3  }
0xae: {  	[spmem:s15] =	stream.linear.scatter [tilespmem:s17], [sflag:$0x5], $0x800, $0x38;
	[tilespmem:$0x1D800] =	vst v63  }
0xaf: {  	s14 =	sadd.s32 $0x2000, s14;
	_ =	sdelay $0x1  }
0xb0: {  	_ =	swait.ge [sflag:s18], $0x800  }
0xb1: {  	[sflag:s18] =	ssyncset.done $0x0  }
0xb2: {  	[sflag:s18] =	ssyncadd.s32 $0xFFFFF800  }
0xb3: {  	[bflag:$0x0] =	sbarrier.arrive $0xFFFF  }
0xb4: {  	s14 =	rddreg [dreg:$0x5]  }
0xb5: {  	s14 =	sadd.s32 $0x0, s14  }
0xb6: {  	[tilespmem:s2], [sflag:$0x5] =	stream.linear.gather [hbm4b:s14+s2], $0x800, $0x38;
	[tilespmem:$0x1D800] =	vst v63  }
0xb7: {  	_ =	swait.ge [sflag:s18], $0x800  }
0xb8: {  	s17 =	rddreg [dreg:$0x4];
	[sflag:s18] =	ssyncset.done $0x0  }
0xb9: {  	[sflag:s18] =	ssyncadd.s32 $0xFFFFF800;
	s14 =	sadd.s32 $0x0, s17  }
0xba: {  	[tilespmem:s19], [sflag:$0x5] =	stream.linear.gather [hbm4b:s14+s2], $0x800, $0x38;
	[tilespmem:$0x1D800] =	vst v63  }
0xbb: {  	_ =	swait.ge [sflag:s18], $0x800  }
0xbc: {  	[sflag:s18] =	ssyncset.done $0x0  }
0xbd: {  	[sflag:s18] =	ssyncadd.s32 $0xFFFFF800  }
0xbe: {  	[tilespmem:s21], [sflag:$0x1] =	stream.indirect.gather [hbm4b:s4+s20], $0x80, s2, s20, $0xb8;
	[tilespmem:$0x1D800] =	vst v63  }
0xbf: {  	_ = 	snop  }
0xc0: {  	[tilespmem:s22], [sflag:$0x2] =	stream.indirect.gather [hbm4b:s4+s20], $0x80, s20, s20, $0xb8;
	[tilespmem:$0x1D800] =	vst v63  }
0xc1: {  	_ =	swait.ge [sflag:s23], $0x4000  }
0xc2: {  	[sflag:s23] =	ssyncset.done $0x0  }
0xc3: {  	[sflag:s23] =	ssyncadd.s32 $0xFFFFC000  }
0xc4: {  	[spmem:s1] =	stream.indirect.scatter.add.f32 [tilespmem:s21], [sflag:$0x3], $0x80, s19, s20, $0xb8;
	[tilespmem:$0x1D800] =	vst v63  }
0xc5: {  	_ =	swait.ge [sflag:s24], $0x4000  }
0xc6: {  	[sflag:s24] =	ssyncset.done $0x0  }
0xc7: {  	s15 =	rddreg [dreg:$0x6];
	[sflag:s24] =	ssyncadd.s32 $0xFFFFC000  }
0xc8: {  	[tilespmem:s21], [sflag:$0x1] =	stream.indirect.gather [hbm4b:s4+s20], $0x80, s15, s20, $0xb8;
	[tilespmem:$0x1D800] =	vst v63  }
0xc9: {  	_ =	swait.ge [sflag:s25], $0x4000  }
0xca: {  	[sflag:s25] =	ssyncset.done $0x0  }
0xcb: {  	s17 =	rddreg [dreg:$0x7];
	[sflag:s25] =	ssyncadd.s32 $0xFFFFC000  }
0xcc: {  	[spmem:s1] =	stream.indirect.scatter.add.f32 [tilespmem:s22], [sflag:$0x4], $0x80, s17, s20, $0xb8;
	[tilespmem:$0x1D800] =	vst v63  }
0xcd: {  	_ =	swait.ge [sflag:s26], $0x4000  }
0xce: {  	[sflag:s26] =	ssyncset.done $0x0  }
0xcf: {  	s15 =	rddreg [dreg:$0x8];
	[sflag:s26] =	ssyncadd.s32 $0xFFFFC000  }
0xd0: {  	[tilespmem:s22], [sflag:$0x2] =	stream.indirect.gather [hbm4b:s4+s20], $0x80, s15, s20, $0xb8;
	[tilespmem:$0x1D800] =	vst v63  }
0xd1: {  	_ =	swait.ge [sflag:s23], $0x4000  }
0xd2: {  	[sflag:s23] =	ssyncset.done $0x0  }
0xd3: {  	s17 =	rddreg [dreg:$0x9];
	[sflag:s23] =	ssyncadd.s32 $0xFFFFC000  }
0xd4: {  	[spmem:s1] =	stream.indirect.scatter.add.f32 [tilespmem:s21], [sflag:$0x3], $0x80, s17, s20, $0xb8;
	[tilespmem:$0x1D800] =	vst v63  }
0xd5: {  	_ =	swait.ge [sflag:s24], $0x4000  }
0xd6: {  	[sflag:s24] =	ssyncset.done $0x0  }
0xd7: {  	s15 =	rddreg [dreg:$0xa];
	[sflag:s24] =	ssyncadd.s32 $0xFFFFC000  }
0xd8: {  	[tilespmem:s21], [sflag:$0x1] =	stream.indirect.gather [hbm4b:s4+s20], $0x80, s15, s20, $0xb8;
	[tilespmem:$0x1D800] =	vst v63  }
0xd9: {  	_ =	swait.ge [sflag:s25], $0x4000  }
0xda: {  	[sflag:s25] =	ssyncset.done $0x0  }
0xdb: {  	s17 =	rddreg [dreg:$0xb];
	[sflag:s25] =	ssyncadd.s32 $0xFFFFC000  }
0xdc: {  	[spmem:s1] =	stream.indirect.scatter.add.f32 [tilespmem:s22], [sflag:$0x4], $0x80, s17, s20, $0xb8;
	[tilespmem:$0x1D800] =	vst v63  }
0xdd: {  	_ =	swait.ge [sflag:s26], $0x4000  }
0xde: {  	[sflag:s26] =	ssyncset.done $0x0  }
0xdf: {  	s15 =	rddreg [dreg:$0xc];
	[sflag:s26] =	ssyncadd.s32 $0xFFFFC000  }
0xe0: {  	[tilespmem:s22], [sflag:$0x2] =	stream.indirect.gather [hbm4b:s4+s20], $0x80, s15, s20, $0xb8;
	[tilespmem:$0x1D800] =	vst v63  }
0xe1: {  	_ =	swait.ge [sflag:s23], $0x4000  }
0xe2: {  	[sflag:s23] =	ssyncset.done $0x0  }
0xe3: {  	s17 =	rddreg [dreg:$0xd];
	[sflag:s23] =	ssyncadd.s32 $0xFFFFC000  }
0xe4: {  	[spmem:s1] =	stream.indirect.scatter.add.f32 [tilespmem:s21], [sflag:$0x3], $0x80, s17, s20, $0xb8;
	[tilespmem:$0x1D800] =	vst v63  }
0xe5: {  	_ =	swait.ge [sflag:s24], $0x4000  }
0xe6: {  	[sflag:s24] =	ssyncset.done $0x0  }
0xe7: {  	s15 =	rddreg [dreg:$0xe];
	[sflag:s24] =	ssyncadd.s32 $0xFFFFC000  }
0xe8: {  	[tilespmem:s21], [sflag:$0x1] =	stream.indirect.gather [hbm4b:s4+s20], $0x80, s15, s20, $0xb8;
	[tilespmem:$0x1D800] =	vst v63  }
0xe9: {  	_ =	swait.ge [sflag:s25], $0x4000  }
0xea: {  	[sflag:s25] =	ssyncset.done $0x0  }
0xeb: {  	s17 =	rddreg [dreg:$0xf];
	[sflag:s25] =	ssyncadd.s32 $0xFFFFC000  }
0xec: {  	[spmem:s1] =	stream.indirect.scatter.add.f32 [tilespmem:s22], [sflag:$0x4], $0x80, s17, s20, $0xb8;
	[tilespmem:$0x1D800] =	vst v63  }
0xed: {  	_ =	swait.ge [sflag:s26], $0x4000  }
0xee: {  	[sflag:s26] =	ssyncset.done $0x0  }
0xef: {  	s15 =	rddreg [dreg:$0x10];
	[sflag:s26] =	ssyncadd.s32 $0xFFFFC000  }
0xf0: {  	[tilespmem:s22], [sflag:$0x2] =	stream.indirect.gather [hbm4b:s4+s20], $0x80, s15, s20, $0xb8;
	[tilespmem:$0x1D800] =	vst v63  }
0xf1: {  	_ =	swait.ge [sflag:s23], $0x4000  }
0xf2: {  	[sflag:s23] =	ssyncset.done $0x0  }
0xf3: {  	s17 =	rddreg [dreg:$0x11];
	[sflag:s23] =	ssyncadd.s32 $0xFFFFC000  }
0xf4: {  	[spmem:s1] =	stream.indirect.scatter.add.f32 [tilespmem:s21], [sflag:$0x3], $0x80, s17, s20, $0xb8;
	[tilespmem:$0x1D800] =	vst v63  }
0xf5: {  	_ =	swait.ge [sflag:s24], $0x4000  }
0xf6: {  	[sflag:s24] =	ssyncset.done $0x0  }
0xf7: {  	s15 =	rddreg [dreg:$0x12];
	[sflag:s24] =	ssyncadd.s32 $0xFFFFC000  }
0xf8: {  	[tilespmem:s21], [sflag:$0x1] =	stream.indirect.gather [hbm4b:s4+s20], $0x80, s15, s20, $0xb8;
	[tilespmem:$0x1D800] =	vst v63  }
0xf9: {  	_ =	swait.ge [sflag:s25], $0x4000  }
0xfa: {  	[sflag:s25] =	ssyncset.done $0x0  }
0xfb: {  	s17 =	rddreg [dreg:$0x13];
	[sflag:s25] =	ssyncadd.s32 $0xFFFFC000  }
0xfc: {  	[spmem:s1] =	stream.indirect.scatter.add.f32 [tilespmem:s22], [sflag:$0x4], $0x80, s17, s20, $0xb8;
	[tilespmem:$0x1D800] =	vst v63  }
0xfd: {  	_ =	swait.ge [sflag:s26], $0x4000  }
0xfe: {  	[sflag:s26] =	ssyncset.done $0x0  }
0xff: {  	[sflag:s26] =	ssyncadd.s32 $0xFFFFC000  }
0x100: {  	[tilespmem:s22], [sflag:$0x2] =	stream.indirect.gather [hbm4b:s4+s20], $0x80, s28, s20, $0xb8;
	[tilespmem:$0x1D800] =	vst v63  }
0x101: {  	_ =	swait.ge [sflag:s23], $0x4000  }
0x102: {  	[sflag:s23] =	ssyncset.done $0x0  }
0x103: {  	[sflag:s23] =	ssyncadd.s32 $0xFFFFC000  }
0x104: {  	[spmem:s1] =	stream.indirect.scatter.add.f32 [tilespmem:s21], [sflag:$0x3], $0x80, s29, s20, $0xb8;
	[tilespmem:$0x1D800] =	vst v63  }
0x105: {  	_ =	swait.ge [sflag:s24], $0x4000  }
0x106: {  	[sflag:s24] =	ssyncset.done $0x0  }
0x107: {  	[sflag:s24] =	ssyncadd.s32 $0xFFFFC000  }
0x108: {  	[tilespmem:s21], [sflag:$0x1] =	stream.indirect.gather [hbm4b:s4+s20], $0x80, s30, s20, $0xb8;
	[tilespmem:$0x1D800] =	vst v63  }
0x109: {  	_ =	swait.ge [sflag:s25], $0x4000  }
0x10a: {  	[sflag:s25] =	ssyncset.done $0x0  }
0x10b: {  	[sflag:s25] =	ssyncadd.s32 $0xFFFFC000  }
0x10c: {  	[spmem:s1] =	stream.indirect.scatter.add.f32 [tilespmem:s22], [sflag:$0x4], $0x80, s31, s20, $0xb8;
	[tilespmem:$0x1D800] =	vst v63  }
0x10d: {  	_ =	swait.ge [sflag:s26], $0x4000  }
0x10e: {  	[sflag:s26] =	ssyncset.done $0x0  }
0x10f: {  	[sflag:s26] =	ssyncadd.s32 $0xFFFFC000  }
0x110: {  	[tilespmem:s22], [sflag:$0x2] =	stream.indirect.gather [hbm4b:s4+s20], $0x80, s0, s20, $0xb8;
	[tilespmem:$0x1D800] =	vst v63  }
0x111: {  	_ =	swait.ge [sflag:s23], $0x4000  }
0x112: {  	[sflag:s23] =	ssyncset.done $0x0  }
0x113: {  	[sflag:s23] =	ssyncadd.s32 $0xFFFFC000  }
0x114: {  	[spmem:s1] =	stream.indirect.scatter.add.f32 [tilespmem:s21], [sflag:$0x3], $0x80, s3, s20, $0xb8;
	[tilespmem:$0x1D800] =	vst v63  }
0x115: {  	_ =	swait.ge [sflag:s24], $0x4000  }
0x116: {  	[sflag:s24] =	ssyncset.done $0x0  }
0x117: {  	[sflag:s24] =	ssyncadd.s32 $0xFFFFC000  }
0x118: {  	[tilespmem:s21], [sflag:$0x1] =	stream.indirect.gather [hbm4b:s4+s20], $0x80, s5, s20, $0xb8;
	[tilespmem:$0x1D800] =	vst v63  }
0x119: {  	_ =	swait.ge [sflag:s25], $0x4000  }
0x11a: {  	[sflag:s25] =	ssyncset.done $0x0  }
0x11b: {  	[sflag:s25] =	ssyncadd.s32 $0xFFFFC000  }
0x11c: {  	[spmem:s1] =	stream.indirect.scatter.add.f32 [tilespmem:s22], [sflag:$0x4], $0x80, s6, s20, $0xb8;
	[tilespmem:$0x1D800] =	vst v63  }
0x11d: {  	_ =	swait.ge [sflag:s26], $0x4000  }
0x11e: {  	[sflag:s26] =	ssyncset.done $0x0  }
0x11f: {  	[sflag:s26] =	ssyncadd.s32 $0xFFFFC000  }
0x120: {  	[tilespmem:s22], [sflag:$0x2] =	stream.indirect.gather [hbm4b:s4+s20], $0x80, s7, s20, $0xb8;
	[tilespmem:$0x1D800] =	vst v63  }
0x121: {  	_ =	swait.ge [sflag:s23], $0x4000  }
0x122: {  	[sflag:s23] =	ssyncset.done $0x0  }
0x123: {  	[sflag:s23] =	ssyncadd.s32 $0xFFFFC000  }
0x124: {  	[spmem:s1] =	stream.indirect.scatter.add.f32 [tilespmem:s21], [sflag:$0x3], $0x80, s8, s20, $0xb8;
	[tilespmem:$0x1D800] =	vst v63  }
0x125: {  	_ =	swait.ge [sflag:s24], $0x4000  }
0x126: {  	[sflag:s24] =	ssyncset.done $0x0  }
0x127: {  	[sflag:s24] =	ssyncadd.s32 $0xFFFFC000  }
0x128: {  	[tilespmem:s21], [sflag:$0x1] =	stream.indirect.gather [hbm4b:s4+s20], $0x80, s9, s20, $0xb8;
	[tilespmem:$0x1D800] =	vst v63  }
0x129: {  	_ =	swait.ge [sflag:s25], $0x4000  }
0x12a: {  	[sflag:s25] =	ssyncset.done $0x0  }
0x12b: {  	[sflag:s25] =	ssyncadd.s32 $0xFFFFC000  }
0x12c: {  	[spmem:s1] =	stream.indirect.scatter.add.f32 [tilespmem:s22], [sflag:$0x4], $0x80, s10, s20, $0xb8;
	[tilespmem:$0x1D800] =	vst v63  }
0x12d: {  	_ =	swait.ge [sflag:s26], $0x4000  }
0x12e: {  	[sflag:s26] =	ssyncset.done $0x0  }
0x12f: {  	[sflag:s26] =	ssyncadd.s32 $0xFFFFC000  }
0x130: {  	[tilespmem:s22], [sflag:$0x2] =	stream.indirect.gather [hbm4b:s4+s20], $0x80, s11, s20, $0xb8;
	[tilespmem:$0x1D800] =	vst v63  }
0x131: {  	_ =	swait.ge [sflag:s23], $0x4000  }
0x132: {  	[sflag:s23] =	ssyncset.done $0x0  }
0x133: {  	[sflag:s23] =	ssyncadd.s32 $0xFFFFC000  }
0x134: {  	[spmem:s1] =	stream.indirect.scatter.add.f32 [tilespmem:s21], [sflag:$0x3], $0x80, s12, s20, $0xb8;
	[tilespmem:$0x1D800] =	vst v63  }
0x135: {  	_ =	swait.ge [sflag:s25], $0x4000  }
0x136: {  	[sflag:s25] =	ssyncset.done $0x0  }
0x137: {  	[sflag:s25] =	ssyncadd.s32 $0xFFFFC000  }
0x138: {  	[spmem:s1] =	stream.indirect.scatter.add.f32 [tilespmem:s22], [sflag:$0x4], $0x80, s13, s20, $0xb8;
	[tilespmem:$0x1D800] =	vst v63  }
0x139: {  	_ =	swait.ge [sflag:s24], $0x4000  }
0x13a: {  	[sflag:s24] =	ssyncset.done $0x0  }
0x13b: {  	[sflag:s24] =	ssyncadd.s32 $0xFFFFC000  }
0x13c: {  	s14 =	simm.s32 $0x200;
	_ =	swait.ge [sflag:s26], $0x4000  }
0x13d: {  	s15 =	simm.s32 $0x100;
	s17 =	rddreg [dreg:$0x5];
	[sflag:s26] =	ssyncset.done $0x0  }
.LBB2_4:
0x13e: {  	[sflag:s26] =	ssyncadd.s32 $0xFFFFC000;
	s17 =	sadd.s32 s15, s17  }
0x13f: {  	[tilespmem:s2], [sflag:$0x5] =	stream.linear.gather [hbm4b:s17+s2], $0x800, $0x38;
	[tilespmem:$0x1D800] =	vst v63  }
0x140: {  	_ =	swait.ge [sflag:s18], $0x800  }
0x141: {  	s17 =	rddreg [dreg:$0x4];
	[sflag:s18] =	ssyncset.done $0x0  }
0x142: {  	[sflag:s18] =	ssyncadd.s32 $0xFFFFF800;
	s17 =	sadd.s32 s15, s17  }
0x143: {  	[tilespmem:s19], [sflag:$0x5] =	stream.linear.gather [hbm4b:s17+s2], $0x800, $0x38;
	[tilespmem:$0x1D800] =	vst v63  }
0x144: {  	_ =	swait.ge [sflag:s18], $0x800  }
0x145: {  	[sflag:s18] =	ssyncset.done $0x0  }
0x146: {  	[sflag:s18] =	ssyncadd.s32 $0xFFFFF800  }
0x147: {  	[tilespmem:s21], [sflag:$0x1] =	stream.indirect.gather [hbm4b:s4+s20], $0x80, s2, s20, $0xb8;
	[tilespmem:$0x1D800] =	vst v63  }
0x148: {  	_ = 	snop  }
0x149: {  	[tilespmem:s22], [sflag:$0x2] =	stream.indirect.gather [hbm4b:s4+s20], $0x80, s20, s20, $0xb8;
	[tilespmem:$0x1D800] =	vst v63  }
0x14a: {  	_ =	swait.ge [sflag:s23], $0x4000  }
0x14b: {  	[sflag:s23] =	ssyncset.done $0x0  }
0x14c: {  	[sflag:s23] =	ssyncadd.s32 $0xFFFFC000  }
0x14d: {  	[spmem:s1] =	stream.indirect.scatter.add.f32 [tilespmem:s21], [sflag:$0x3], $0x80, s19, s20, $0xb8;
	[tilespmem:$0x1D800] =	vst v63  }
0x14e: {  	_ =	swait.ge [sflag:s24], $0x4000  }
0x14f: {  	[sflag:s24] =	ssyncset.done $0x0  }
0x150: {  	s17 =	rddreg [dreg:$0x6];
	[sflag:s24] =	ssyncadd.s32 $0xFFFFC000  }
0x151: {  	[tilespmem:s21], [sflag:$0x1] =	stream.indirect.gather [hbm4b:s4+s20], $0x80, s17, s20, $0xb8;
	[tilespmem:$0x1D800] =	vst v63  }
0x152: {  	_ =	swait.ge [sflag:s25], $0x4000  }
0x153: {  	[sflag:s25] =	ssyncset.done $0x0  }
0x154: {  	s17 =	rddreg [dreg:$0x7];
	[sflag:s25] =	ssyncadd.s32 $0xFFFFC000  }
0x155: {  	[spmem:s1] =	stream.indirect.scatter.add.f32 [tilespmem:s22], [sflag:$0x4], $0x80, s17, s20, $0xb8;
	[tilespmem:$0x1D800] =	vst v63  }
0x156: {  	_ =	swait.ge [sflag:s26], $0x4000  }
0x157: {  	[sflag:s26] =	ssyncset.done $0x0  }
0x158: {  	s17 =	rddreg [dreg:$0x8];
	[sflag:s26] =	ssyncadd.s32 $0xFFFFC000  }
0x159: {  	[tilespmem:s22], [sflag:$0x2] =	stream.indirect.gather [hbm4b:s4+s20], $0x80, s17, s20, $0xb8;
	[tilespmem:$0x1D800] =	vst v63  }
0x15a: {  	_ =	swait.ge [sflag:s23], $0x4000  }
0x15b: {  	[sflag:s23] =	ssyncset.done $0x0  }
0x15c: {  	s17 =	rddreg [dreg:$0x9];
	[sflag:s23] =	ssyncadd.s32 $0xFFFFC000  }
0x15d: {  	[spmem:s1] =	stream.indirect.scatter.add.f32 [tilespmem:s21], [sflag:$0x3], $0x80, s17, s20, $0xb8;
	[tilespmem:$0x1D800] =	vst v63  }
0x15e: {  	_ =	swait.ge [sflag:s24], $0x4000  }
0x15f: {  	[sflag:s24] =	ssyncset.done $0x0  }
0x160: {  	s17 =	rddreg [dreg:$0xa];
	[sflag:s24] =	ssyncadd.s32 $0xFFFFC000  }
0x161: {  	[tilespmem:s21], [sflag:$0x1] =	stream.indirect.gather [hbm4b:s4+s20], $0x80, s17, s20, $0xb8;
	[tilespmem:$0x1D800] =	vst v63  }
0x162: {  	_ =	swait.ge [sflag:s25], $0x4000  }
0x163: {  	[sflag:s25] =	ssyncset.done $0x0  }
0x164: {  	s17 =	rddreg [dreg:$0xb];
	[sflag:s25] =	ssyncadd.s32 $0xFFFFC000  }
0x165: {  	[spmem:s1] =	stream.indirect.scatter.add.f32 [tilespmem:s22], [sflag:$0x4], $0x80, s17, s20, $0xb8;
	[tilespmem:$0x1D800] =	vst v63  }
0x166: {  	_ =	swait.ge [sflag:s26], $0x4000  }
0x167: {  	[sflag:s26] =	ssyncset.done $0x0  }
0x168: {  	s17 =	rddreg [dreg:$0xc];
	[sflag:s26] =	ssyncadd.s32 $0xFFFFC000  }
0x169: {  	[tilespmem:s22], [sflag:$0x2] =	stream.indirect.gather [hbm4b:s4+s20], $0x80, s17, s20, $0xb8;
	[tilespmem:$0x1D800] =	vst v63  }
0x16a: {  	_ =	swait.ge [sflag:s23], $0x4000  }
0x16b: {  	[sflag:s23] =	ssyncset.done $0x0  }
0x16c: {  	s17 =	rddreg [dreg:$0xd];
	[sflag:s23] =	ssyncadd.s32 $0xFFFFC000  }
0x16d: {  	[spmem:s1] =	stream.indirect.scatter.add.f32 [tilespmem:s21], [sflag:$0x3], $0x80, s17, s20, $0xb8;
	[tilespmem:$0x1D800] =	vst v63  }
0x16e: {  	_ =	swait.ge [sflag:s24], $0x4000  }
0x16f: {  	[sflag:s24] =	ssyncset.done $0x0  }
0x170: {  	s17 =	rddreg [dreg:$0xe];
	[sflag:s24] =	ssyncadd.s32 $0xFFFFC000  }
0x171: {  	[tilespmem:s21], [sflag:$0x1] =	stream.indirect.gather [hbm4b:s4+s20], $0x80, s17, s20, $0xb8;
	[tilespmem:$0x1D800] =	vst v63  }
0x172: {  	_ =	swait.ge [sflag:s25], $0x4000  }
0x173: {  	[sflag:s25] =	ssyncset.done $0x0  }
0x174: {  	s17 =	rddreg [dreg:$0xf];
	[sflag:s25] =	ssyncadd.s32 $0xFFFFC000  }
0x175: {  	[spmem:s1] =	stream.indirect.scatter.add.f32 [tilespmem:s22], [sflag:$0x4], $0x80, s17, s20, $0xb8;
	[tilespmem:$0x1D800] =	vst v63  }
0x176: {  	_ =	swait.ge [sflag:s26], $0x4000  }
0x177: {  	[sflag:s26] =	ssyncset.done $0x0  }
0x178: {  	s17 =	rddreg [dreg:$0x10];
	[sflag:s26] =	ssyncadd.s32 $0xFFFFC000  }
0x179: {  	[tilespmem:s22], [sflag:$0x2] =	stream.indirect.gather [hbm4b:s4+s20], $0x80, s17, s20, $0xb8;
	[tilespmem:$0x1D800] =	vst v63  }
0x17a: {  	_ =	swait.ge [sflag:s23], $0x4000  }
0x17b: {  	[sflag:s23] =	ssyncset.done $0x0  }
0x17c: {  	s17 =	rddreg [dreg:$0x11];
	[sflag:s23] =	ssyncadd.s32 $0xFFFFC000  }
0x17d: {  	[spmem:s1] =	stream.indirect.scatter.add.f32 [tilespmem:s21], [sflag:$0x3], $0x80, s17, s20, $0xb8;
	[tilespmem:$0x1D800] =	vst v63  }
0x17e: {  	_ =	swait.ge [sflag:s24], $0x4000  }
0x17f: {  	[sflag:s24] =	ssyncset.done $0x0  }
0x180: {  	s17 =	rddreg [dreg:$0x12];
	[sflag:s24] =	ssyncadd.s32 $0xFFFFC000  }
0x181: {  	[tilespmem:s21], [sflag:$0x1] =	stream.indirect.gather [hbm4b:s4+s20], $0x80, s17, s20, $0xb8;
	[tilespmem:$0x1D800] =	vst v63  }
0x182: {  	_ =	swait.ge [sflag:s25], $0x4000  }
0x183: {  	[sflag:s25] =	ssyncset.done $0x0  }
0x184: {  	s17 =	rddreg [dreg:$0x13];
	[sflag:s25] =	ssyncadd.s32 $0xFFFFC000  }
0x185: {  	[spmem:s1] =	stream.indirect.scatter.add.f32 [tilespmem:s22], [sflag:$0x4], $0x80, s17, s20, $0xb8;
	[tilespmem:$0x1D800] =	vst v63  }
0x186: {  	_ =	swait.ge [sflag:s26], $0x4000  }
0x187: {  	s28 =	smov.u32 s14;
	[sflag:s26] =	ssyncset.done $0x0  }
0x188: {  	s15 =	smov.u32 s28;
	s28 =	simm.s32 $0x480;
	[sflag:s26] =	ssyncadd.s32 $0xFFFFC000  }
0x189: {  	[tilespmem:s22], [sflag:$0x2] =	stream.indirect.gather [hbm4b:s4+s20], $0x80, s28, s20, $0xb8;
	[tilespmem:$0x1D800] =	vst v63  }
0x18a: {  	_ =	swait.ge [sflag:s23], $0x4000  }
0x18b: {  	[sflag:s23] =	ssyncset.done $0x0  }
0x18c: {  	[sflag:s23] =	ssyncadd.s32 $0xFFFFC000  }
0x18d: {  	[spmem:s1] =	stream.indirect.scatter.add.f32 [tilespmem:s21], [sflag:$0x3], $0x80, s29, s20, $0xb8;
	[tilespmem:$0x1D800] =	vst v63  }
0x18e: {  	_ =	swait.ge [sflag:s24], $0x4000  }
0x18f: {  	[sflag:s24] =	ssyncset.done $0x0  }
0x190: {  	[sflag:s24] =	ssyncadd.s32 $0xFFFFC000  }
0x191: {  	[tilespmem:s21], [sflag:$0x1] =	stream.indirect.gather [hbm4b:s4+s20], $0x80, s30, s20, $0xb8;
	[tilespmem:$0x1D800] =	vst v63  }
0x192: {  	_ =	swait.ge [sflag:s25], $0x4000  }
0x193: {  	[sflag:s25] =	ssyncset.done $0x0  }
0x194: {  	[sflag:s25] =	ssyncadd.s32 $0xFFFFC000  }
0x195: {  	[spmem:s1] =	stream.indirect.scatter.add.f32 [tilespmem:s22], [sflag:$0x4], $0x80, s31, s20, $0xb8;
	[tilespmem:$0x1D800] =	vst v63  }
0x196: {  	_ =	swait.ge [sflag:s26], $0x4000  }
0x197: {  	[sflag:s26] =	ssyncset.done $0x0  }
0x198: {  	[sflag:s26] =	ssyncadd.s32 $0xFFFFC000  }
0x199: {  	[tilespmem:s22], [sflag:$0x2] =	stream.indirect.gather [hbm4b:s4+s20], $0x80, s0, s20, $0xb8;
	[tilespmem:$0x1D800] =	vst v63  }
0x19a: {  	_ =	swait.ge [sflag:s23], $0x4000  }
0x19b: {  	[sflag:s23] =	ssyncset.done $0x0  }
0x19c: {  	[sflag:s23] =	ssyncadd.s32 $0xFFFFC000  }
0x19d: {  	[spmem:s1] =	stream.indirect.scatter.add.f32 [tilespmem:s21], [sflag:$0x3], $0x80, s3, s20, $0xb8;
	[tilespmem:$0x1D800] =	vst v63  }
0x19e: {  	_ =	swait.ge [sflag:s24], $0x4000  }
0x19f: {  	[sflag:s24] =	ssyncset.done $0x0  }
0x1a0: {  	[sflag:s24] =	ssyncadd.s32 $0xFFFFC000  }
0x1a1: {  	[tilespmem:s21], [sflag:$0x1] =	stream.indirect.gather [hbm4b:s4+s20], $0x80, s5, s20, $0xb8;
	[tilespmem:$0x1D800] =	vst v63  }
0x1a2: {  	_ =	swait.ge [sflag:s25], $0x4000  }
0x1a3: {  	[sflag:s25] =	ssyncset.done $0x0  }
0x1a4: {  	[sflag:s25] =	ssyncadd.s32 $0xFFFFC000  }
0x1a5: {  	[spmem:s1] =	stream.indirect.scatter.add.f32 [tilespmem:s22], [sflag:$0x4], $0x80, s6, s20, $0xb8;
	[tilespmem:$0x1D800] =	vst v63  }
0x1a6: {  	_ =	swait.ge [sflag:s26], $0x4000  }
0x1a7: {  	[sflag:s26] =	ssyncset.done $0x0  }
0x1a8: {  	[sflag:s26] =	ssyncadd.s32 $0xFFFFC000  }
0x1a9: {  	[tilespmem:s22], [sflag:$0x2] =	stream.indirect.gather [hbm4b:s4+s20], $0x80, s7, s20, $0xb8;
	[tilespmem:$0x1D800] =	vst v63  }
0x1aa: {  	_ =	swait.ge [sflag:s23], $0x4000  }
0x1ab: {  	[sflag:s23] =	ssyncset.done $0x0  }
0x1ac: {  	[sflag:s23] =	ssyncadd.s32 $0xFFFFC000  }
0x1ad: {  	[spmem:s1] =	stream.indirect.scatter.add.f32 [tilespmem:s21], [sflag:$0x3], $0x80, s8, s20, $0xb8;
	[tilespmem:$0x1D800] =	vst v63  }
0x1ae: {  	_ =	swait.ge [sflag:s24], $0x4000  }
0x1af: {  	[sflag:s24] =	ssyncset.done $0x0  }
0x1b0: {  	[sflag:s24] =	ssyncadd.s32 $0xFFFFC000  }
0x1b1: {  	[tilespmem:s21], [sflag:$0x1] =	stream.indirect.gather [hbm4b:s4+s20], $0x80, s9, s20, $0xb8;
	[tilespmem:$0x1D800] =	vst v63  }
0x1b2: {  	_ =	swait.ge [sflag:s25], $0x4000  }
0x1b3: {  	[sflag:s25] =	ssyncset.done $0x0  }
0x1b4: {  	[sflag:s25] =	ssyncadd.s32 $0xFFFFC000  }
0x1b5: {  	[spmem:s1] =	stream.indirect.scatter.add.f32 [tilespmem:s22], [sflag:$0x4], $0x80, s10, s20, $0xb8;
	[tilespmem:$0x1D800] =	vst v63  }
0x1b6: {  	_ =	swait.ge [sflag:s26], $0x4000  }
0x1b7: {  	[sflag:s26] =	ssyncset.done $0x0  }
0x1b8: {  	[sflag:s26] =	ssyncadd.s32 $0xFFFFC000  }
0x1b9: {  	[tilespmem:s22], [sflag:$0x2] =	stream.indirect.gather [hbm4b:s4+s20], $0x80, s11, s20, $0xb8;
	[tilespmem:$0x1D800] =	vst v63  }
0x1ba: {  	_ =	swait.ge [sflag:s23], $0x4000  }
0x1bb: {  	[sflag:s23] =	ssyncset.done $0x0  }
0x1bc: {  	[sflag:s23] =	ssyncadd.s32 $0xFFFFC000  }
0x1bd: {  	[spmem:s1] =	stream.indirect.scatter.add.f32 [tilespmem:s21], [sflag:$0x3], $0x80, s12, s20, $0xb8;
	[tilespmem:$0x1D800] =	vst v63  }
0x1be: {  	_ =	swait.ge [sflag:s25], $0x4000  }
0x1bf: {  	[sflag:s25] =	ssyncset.done $0x0  }
0x1c0: {  	p0 =	sne.s32 s14, $0x400;
	[sflag:s25] =	ssyncadd.s32 $0xFFFFC000  }
0x1c1: {  	[spmem:s1] =	stream.indirect.scatter.add.f32 [tilespmem:s22], [sflag:$0x4], $0x80, s13, s20, $0xb8;
	[tilespmem:$0x1D800] =	vst v63  }
.Ltmp1:
0x1c2: {  	_ =	swait.ge [sflag:s24], $0x4000;
	(pc) =	sbr.rel @p0 .LBB2_4-.Ltmp1, $4  }
0x1c3: {  	[sflag:s24] =	ssyncset.done $0x0  }
0x1c4: {  	[sflag:s24] =	ssyncadd.s32 $0xFFFFC000  }
0x1c5: {  	_ =	swait.ge [sflag:s26], $0x4000  }
0x1c6: {  	s14 =	sadd.s32 $0x100, s14;
	s17 =	rddreg [dreg:$0x5];
	[sflag:s26] =	ssyncset.done $0x0  }
0x1c7: {  	[sflag:s26] =	ssyncadd.s32 $0xFFFFC000;
	s14 =	sadd.s32 s15, s17  }
0x1c8: {  	[tilespmem:s2], [sflag:$0x5] =	stream.linear.gather [hbm4b:s14+s2], $0x800, $0x38;
	[tilespmem:$0x1D800] =	vst v63  }
0x1c9: {  	_ =	swait.ge [sflag:s18], $0x800  }
0x1ca: {  	s17 =	rddreg [dreg:$0x4];
	[sflag:s18] =	ssyncset.done $0x0  }
0x1cb: {  	s14 =	sadd.s32 s15, s17;
	[sflag:s18] =	ssyncadd.s32 $0xFFFFF800  }
0x1cc: {  	[tilespmem:s19], [sflag:$0x5] =	stream.linear.gather [hbm4b:s14+s2], $0x800, $0x38;
	[tilespmem:$0x1D800] =	vst v63  }
0x1cd: {  	_ =	swait.ge [sflag:s18], $0x800  }
0x1ce: {  	[sflag:s18] =	ssyncset.done $0x0  }
0x1cf: {  	[sflag:s18] =	ssyncadd.s32 $0xFFFFF800  }
0x1d0: {  	[tilespmem:s21], [sflag:$0x1] =	stream.indirect.gather [hbm4b:s4+s20], $0x80, s2, s20, $0xb8;
	[tilespmem:$0x1D800] =	vst v63  }
0x1d1: {  	_ = 	snop  }
0x1d2: {  	[tilespmem:s22], [sflag:$0x2] =	stream.indirect.gather [hbm4b:s4+s20], $0x80, s20, s20, $0xb8;
	[tilespmem:$0x1D800] =	vst v63  }
0x1d3: {  	_ =	swait.ge [sflag:s23], $0x4000  }
0x1d4: {  	[sflag:s23] =	ssyncset.done $0x0  }
0x1d5: {  	[sflag:s23] =	ssyncadd.s32 $0xFFFFC000  }
0x1d6: {  	[spmem:s1] =	stream.indirect.scatter.add.f32 [tilespmem:s21], [sflag:$0x3], $0x80, s19, s20, $0xb8;
	[tilespmem:$0x1D800] =	vst v63  }
0x1d7: {  	_ =	swait.ge [sflag:s24], $0x4000  }
0x1d8: {  	[sflag:s24] =	ssyncset.done $0x0  }
0x1d9: {  	s15 =	rddreg [dreg:$0x6];
	[sflag:s24] =	ssyncadd.s32 $0xFFFFC000  }
0x1da: {  	[tilespmem:s21], [sflag:$0x1] =	stream.indirect.gather [hbm4b:s4+s20], $0x80, s15, s20, $0xb8;
	[tilespmem:$0x1D800] =	vst v63  }
0x1db: {  	_ =	swait.ge [sflag:s25], $0x4000  }
0x1dc: {  	[sflag:s25] =	ssyncset.done $0x0  }
0x1dd: {  	s17 =	rddreg [dreg:$0x7];
	[sflag:s25] =	ssyncadd.s32 $0xFFFFC000  }
0x1de: {  	[spmem:s1] =	stream.indirect.scatter.add.f32 [tilespmem:s22], [sflag:$0x4], $0x80, s17, s20, $0xb8;
	[tilespmem:$0x1D800] =	vst v63  }
0x1df: {  	_ =	swait.ge [sflag:s26], $0x4000  }
0x1e0: {  	[sflag:s26] =	ssyncset.done $0x0  }
0x1e1: {  	s15 =	rddreg [dreg:$0x8];
	[sflag:s26] =	ssyncadd.s32 $0xFFFFC000  }
0x1e2: {  	[tilespmem:s22], [sflag:$0x2] =	stream.indirect.gather [hbm4b:s4+s20], $0x80, s15, s20, $0xb8;
	[tilespmem:$0x1D800] =	vst v63  }
0x1e3: {  	_ =	swait.ge [sflag:s23], $0x4000  }
0x1e4: {  	[sflag:s23] =	ssyncset.done $0x0  }
0x1e5: {  	s17 =	rddreg [dreg:$0x9];
	[sflag:s23] =	ssyncadd.s32 $0xFFFFC000  }
0x1e6: {  	[spmem:s1] =	stream.indirect.scatter.add.f32 [tilespmem:s21], [sflag:$0x3], $0x80, s17, s20, $0xb8;
	[tilespmem:$0x1D800] =	vst v63  }
0x1e7: {  	_ =	swait.ge [sflag:s24], $0x4000  }
0x1e8: {  	[sflag:s24] =	ssyncset.done $0x0  }
0x1e9: {  	s15 =	rddreg [dreg:$0xa];
	[sflag:s24] =	ssyncadd.s32 $0xFFFFC000  }
0x1ea: {  	[tilespmem:s21], [sflag:$0x1] =	stream.indirect.gather [hbm4b:s4+s20], $0x80, s15, s20, $0xb8;
	[tilespmem:$0x1D800] =	vst v63  }
0x1eb: {  	_ =	swait.ge [sflag:s25], $0x4000  }
0x1ec: {  	[sflag:s25] =	ssyncset.done $0x0  }
0x1ed: {  	s17 =	rddreg [dreg:$0xb];
	[sflag:s25] =	ssyncadd.s32 $0xFFFFC000  }
0x1ee: {  	[spmem:s1] =	stream.indirect.scatter.add.f32 [tilespmem:s22], [sflag:$0x4], $0x80, s17, s20, $0xb8;
	[tilespmem:$0x1D800] =	vst v63  }
0x1ef: {  	_ =	swait.ge [sflag:s26], $0x4000  }
0x1f0: {  	[sflag:s26] =	ssyncset.done $0x0  }
0x1f1: {  	s15 =	rddreg [dreg:$0xc];
	[sflag:s26] =	ssyncadd.s32 $0xFFFFC000  }
0x1f2: {  	[tilespmem:s22], [sflag:$0x2] =	stream.indirect.gather [hbm4b:s4+s20], $0x80, s15, s20, $0xb8;
	[tilespmem:$0x1D800] =	vst v63  }
0x1f3: {  	_ =	swait.ge [sflag:s23], $0x4000  }
0x1f4: {  	[sflag:s23] =	ssyncset.done $0x0  }
0x1f5: {  	s17 =	rddreg [dreg:$0xd];
	[sflag:s23] =	ssyncadd.s32 $0xFFFFC000  }
0x1f6: {  	[spmem:s1] =	stream.indirect.scatter.add.f32 [tilespmem:s21], [sflag:$0x3], $0x80, s17, s20, $0xb8;
	[tilespmem:$0x1D800] =	vst v63  }
0x1f7: {  	_ =	swait.ge [sflag:s24], $0x4000  }
0x1f8: {  	[sflag:s24] =	ssyncset.done $0x0  }
0x1f9: {  	s15 =	rddreg [dreg:$0xe];
	[sflag:s24] =	ssyncadd.s32 $0xFFFFC000  }
0x1fa: {  	[tilespmem:s21], [sflag:$0x1] =	stream.indirect.gather [hbm4b:s4+s20], $0x80, s15, s20, $0xb8;
	[tilespmem:$0x1D800] =	vst v63  }
0x1fb: {  	_ =	swait.ge [sflag:s25], $0x4000  }
0x1fc: {  	[sflag:s25] =	ssyncset.done $0x0  }
0x1fd: {  	s17 =	rddreg [dreg:$0xf];
	[sflag:s25] =	ssyncadd.s32 $0xFFFFC000  }
0x1fe: {  	[spmem:s1] =	stream.indirect.scatter.add.f32 [tilespmem:s22], [sflag:$0x4], $0x80, s17, s20, $0xb8;
	[tilespmem:$0x1D800] =	vst v63  }
0x1ff: {  	_ =	swait.ge [sflag:s26], $0x4000  }
0x200: {  	[sflag:s26] =	ssyncset.done $0x0  }
0x201: {  	s15 =	rddreg [dreg:$0x10];
	[sflag:s26] =	ssyncadd.s32 $0xFFFFC000  }
0x202: {  	[tilespmem:s22], [sflag:$0x2] =	stream.indirect.gather [hbm4b:s4+s20], $0x80, s15, s20, $0xb8;
	[tilespmem:$0x1D800] =	vst v63  }
0x203: {  	_ =	swait.ge [sflag:s23], $0x4000  }
0x204: {  	[sflag:s23] =	ssyncset.done $0x0  }
0x205: {  	s17 =	rddreg [dreg:$0x11];
	[sflag:s23] =	ssyncadd.s32 $0xFFFFC000  }
0x206: {  	[spmem:s1] =	stream.indirect.scatter.add.f32 [tilespmem:s21], [sflag:$0x3], $0x80, s17, s20, $0xb8;
	[tilespmem:$0x1D800] =	vst v63  }
0x207: {  	_ =	swait.ge [sflag:s24], $0x4000  }
0x208: {  	[sflag:s24] =	ssyncset.done $0x0  }
0x209: {  	s15 =	rddreg [dreg:$0x12];
	[sflag:s24] =	ssyncadd.s32 $0xFFFFC000  }
0x20a: {  	[tilespmem:s21], [sflag:$0x1] =	stream.indirect.gather [hbm4b:s4+s20], $0x80, s15, s20, $0xb8;
	[tilespmem:$0x1D800] =	vst v63  }
0x20b: {  	_ =	swait.ge [sflag:s25], $0x4000  }
0x20c: {  	[sflag:s25] =	ssyncset.done $0x0  }
0x20d: {  	s17 =	rddreg [dreg:$0x13];
	[sflag:s25] =	ssyncadd.s32 $0xFFFFC000  }
0x20e: {  	[spmem:s1] =	stream.indirect.scatter.add.f32 [tilespmem:s22], [sflag:$0x4], $0x80, s17, s20, $0xb8;
	[tilespmem:$0x1D800] =	vst v63  }
0x20f: {  	_ =	swait.ge [sflag:s26], $0x4000  }
0x210: {  	[sflag:s26] =	ssyncset.done $0x0  }
0x211: {  	[sflag:s26] =	ssyncadd.s32 $0xFFFFC000  }
0x212: {  	[tilespmem:s22], [sflag:$0x2] =	stream.indirect.gather [hbm4b:s4+s20], $0x80, s28, s20, $0xb8;
	[tilespmem:$0x1D800] =	vst v63  }
0x213: {  	_ =	swait.ge [sflag:s23], $0x4000  }
0x214: {  	[sflag:s23] =	ssyncset.done $0x0  }
0x215: {  	[sflag:s23] =	ssyncadd.s32 $0xFFFFC000  }
0x216: {  	[spmem:s1] =	stream.indirect.scatter.add.f32 [tilespmem:s21], [sflag:$0x3], $0x80, s29, s20, $0xb8;
	[tilespmem:$0x1D800] =	vst v63  }
0x217: {  	_ =	swait.ge [sflag:s24], $0x4000  }
0x218: {  	[sflag:s24] =	ssyncset.done $0x0  }
0x219: {  	[sflag:s24] =	ssyncadd.s32 $0xFFFFC000  }
0x21a: {  	[tilespmem:s21], [sflag:$0x1] =	stream.indirect.gather [hbm4b:s4+s20], $0x80, s30, s20, $0xb8;
	[tilespmem:$0x1D800] =	vst v63  }
0x21b: {  	_ =	swait.ge [sflag:s25], $0x4000  }
0x21c: {  	[sflag:s25] =	ssyncset.done $0x0  }
0x21d: {  	[sflag:s25] =	ssyncadd.s32 $0xFFFFC000  }
0x21e: {  	[spmem:s1] =	stream.indirect.scatter.add.f32 [tilespmem:s22], [sflag:$0x4], $0x80, s31, s20, $0xb8;
	[tilespmem:$0x1D800] =	vst v63  }
0x21f: {  	_ =	swait.ge [sflag:s26], $0x4000  }
0x220: {  	[sflag:s26] =	ssyncset.done $0x0  }
0x221: {  	[sflag:s26] =	ssyncadd.s32 $0xFFFFC000  }
0x222: {  	[tilespmem:s22], [sflag:$0x2] =	stream.indirect.gather [hbm4b:s4+s20], $0x80, s0, s20, $0xb8;
	[tilespmem:$0x1D800] =	vst v63  }
0x223: {  	_ =	swait.ge [sflag:s23], $0x4000  }
0x224: {  	[sflag:s23] =	ssyncset.done $0x0  }
0x225: {  	[sflag:s23] =	ssyncadd.s32 $0xFFFFC000  }
0x226: {  	[spmem:s1] =	stream.indirect.scatter.add.f32 [tilespmem:s21], [sflag:$0x3], $0x80, s3, s20, $0xb8;
	[tilespmem:$0x1D800] =	vst v63  }
0x227: {  	_ =	swait.ge [sflag:s24], $0x4000  }
0x228: {  	[sflag:s24] =	ssyncset.done $0x0  }
0x229: {  	[sflag:s24] =	ssyncadd.s32 $0xFFFFC000  }
0x22a: {  	[tilespmem:s21], [sflag:$0x1] =	stream.indirect.gather [hbm4b:s4+s20], $0x80, s5, s20, $0xb8;
	[tilespmem:$0x1D800] =	vst v63  }
0x22b: {  	_ =	swait.ge [sflag:s25], $0x4000  }
0x22c: {  	[sflag:s25] =	ssyncset.done $0x0  }
0x22d: {  	[sflag:s25] =	ssyncadd.s32 $0xFFFFC000  }
0x22e: {  	[spmem:s1] =	stream.indirect.scatter.add.f32 [tilespmem:s22], [sflag:$0x4], $0x80, s6, s20, $0xb8;
	[tilespmem:$0x1D800] =	vst v63  }
0x22f: {  	_ =	swait.ge [sflag:s26], $0x4000  }
0x230: {  	[sflag:s26] =	ssyncset.done $0x0  }
0x231: {  	[sflag:s26] =	ssyncadd.s32 $0xFFFFC000  }
0x232: {  	[tilespmem:s22], [sflag:$0x2] =	stream.indirect.gather [hbm4b:s4+s20], $0x80, s7, s20, $0xb8;
	[tilespmem:$0x1D800] =	vst v63  }
0x233: {  	_ =	swait.ge [sflag:s23], $0x4000  }
0x234: {  	[sflag:s23] =	ssyncset.done $0x0  }
0x235: {  	[sflag:s23] =	ssyncadd.s32 $0xFFFFC000  }
0x236: {  	[spmem:s1] =	stream.indirect.scatter.add.f32 [tilespmem:s21], [sflag:$0x3], $0x80, s8, s20, $0xb8;
	[tilespmem:$0x1D800] =	vst v63  }
0x237: {  	_ =	swait.ge [sflag:s24], $0x4000  }
0x238: {  	[sflag:s24] =	ssyncset.done $0x0  }
0x239: {  	[sflag:s24] =	ssyncadd.s32 $0xFFFFC000  }
0x23a: {  	[tilespmem:s21], [sflag:$0x1] =	stream.indirect.gather [hbm4b:s4+s20], $0x80, s9, s20, $0xb8;
	[tilespmem:$0x1D800] =	vst v63  }
0x23b: {  	_ =	swait.ge [sflag:s25], $0x4000  }
0x23c: {  	[sflag:s25] =	ssyncset.done $0x0  }
0x23d: {  	[sflag:s25] =	ssyncadd.s32 $0xFFFFC000  }
0x23e: {  	[spmem:s1] =	stream.indirect.scatter.add.f32 [tilespmem:s22], [sflag:$0x4], $0x80, s10, s20, $0xb8;
	[tilespmem:$0x1D800] =	vst v63  }
0x23f: {  	_ =	swait.ge [sflag:s26], $0x4000  }
0x240: {  	[sflag:s26] =	ssyncset.done $0x0  }
0x241: {  	[sflag:s26] =	ssyncadd.s32 $0xFFFFC000  }
0x242: {  	[tilespmem:s22], [sflag:$0x2] =	stream.indirect.gather [hbm4b:s4+s20], $0x80, s11, s20, $0xb8;
	[tilespmem:$0x1D800] =	vst v63  }
0x243: {  	_ =	swait.ge [sflag:s23], $0x4000  }
0x244: {  	[sflag:s23] =	ssyncset.done $0x0  }
0x245: {  	[sflag:s23] =	ssyncadd.s32 $0xFFFFC000  }
0x246: {  	[spmem:s1] =	stream.indirect.scatter.add.f32 [tilespmem:s21], [sflag:$0x3], $0x80, s12, s20, $0xb8;
	[tilespmem:$0x1D800] =	vst v63  }
0x247: {  	_ =	swait.ge [sflag:s25], $0x4000  }
0x248: {  	[sflag:s25] =	ssyncset.done $0x0  }
0x249: {  	[sflag:s25] =	ssyncadd.s32 $0xFFFFC000  }
0x24a: {  	[spmem:s1] =	stream.indirect.scatter.add.f32 [tilespmem:s22], [sflag:$0x4], $0x80, s13, s20, $0xb8;
	[tilespmem:$0x1D800] =	vst v63  }
0x24b: {  	_ =	swait.ge [sflag:s24], $0x4000  }
0x24c: {  	[sflag:s24] =	ssyncset.done $0x0  }
0x24d: {  	[sflag:s24] =	ssyncadd.s32 $0xFFFFC000  }
0x24e: {  	_ =	swait.ge [sflag:s26], $0x4000  }
0x24f: {  	[sflag:s26] =	ssyncset.done $0x0  }
0x250: {  	[sflag:s26] =	ssyncadd.s32 $0xFFFFC000  }
0x251: {  	[bflag:$0x0] =	sbarrier.arrive $0xFFFF  }
0x252: {  	s15 =	rddreg [dreg:$0x14]  }
0x253: {  	[tilespmem:s21], [sflag:$0x5] =	stream.linear.gather [spmem:s15], $0x4000, $0x38;
	[tilespmem:$0x1D800] =	vst v63  }
0x254: {  	_ =	swait.ge [sflag:s18], $0x4000  }
0x255: {  	[sflag:s18] =	ssyncset.done $0x0  }
0x256: {  	s17 =	rddreg [dreg:$0x16];
	[sflag:s18] =	ssyncadd.s32 $0xFFFFC000  }
0x257: {  	[hbm4b:s17+s2] =	stream.linear.scatter [tilespmem:s21], [sflag:$0x5], $0x4000, $0x38;
	[tilespmem:$0x1D800] =	vst v63  }
0x258: {  	_ =	swait.ge [sflag:s18], $0x4000  }
0x259: {  	[sflag:s18] =	ssyncset.done $0x0  }
0x25a: {  	s15 =	rddreg [dreg:$0x17];
	[sflag:s18] =	ssyncadd.s32 $0xFFFFC000  }
0x25b: {  	[tilespmem:s21], [sflag:$0x5] =	stream.linear.gather [spmem:s15], $0x4000, $0x38;
	[tilespmem:$0x1D800] =	vst v63  }
0x25c: {  	_ =	swait.ge [sflag:s18], $0x4000  }
0x25d: {  	[sflag:s18] =	ssyncset.done $0x0  }
0x25e: {  	s17 =	rddreg [dreg:$0x18];
	[sflag:s18] =	ssyncadd.s32 $0xFFFFC000  }
0x25f: {  	[hbm4b:s17+s2] =	stream.linear.scatter [tilespmem:s21], [sflag:$0x5], $0x4000, $0x38;
	[tilespmem:$0x1D800] =	vst v63  }
0x260: {  	_ =	swait.ge [sflag:s18], $0x4000  }
0x261: {  	[sflag:s18] =	ssyncset.done $0x0  }
0x262: {  	s15 =	rddreg [dreg:$0x19];
	[sflag:s18] =	ssyncadd.s32 $0xFFFFC000  }
0x263: {  	[tilespmem:s21], [sflag:$0x5] =	stream.linear.gather [spmem:s15], $0x4000, $0x38;
	[tilespmem:$0x1D800] =	vst v63  }
0x264: {  	_ =	swait.ge [sflag:s18], $0x4000  }
0x265: {  	[sflag:s18] =	ssyncset.done $0x0  }
0x266: {  	s17 =	rddreg [dreg:$0x1a];
	[sflag:s18] =	ssyncadd.s32 $0xFFFFC000  }
0x267: {  	[hbm4b:s17+s2] =	stream.linear.scatter [tilespmem:s21], [sflag:$0x5], $0x4000, $0x38;
	[tilespmem:$0x1D800] =	vst v63  }
0x268: {  	_ =	swait.ge [sflag:s18], $0x4000  }
0x269: {  	[sflag:s18] =	ssyncset.done $0x0  }
0x26a: {  	s15 =	rddreg [dreg:$0x1b];
	[sflag:s18] =	ssyncadd.s32 $0xFFFFC000  }
0x26b: {  	[tilespmem:s21], [sflag:$0x5] =	stream.linear.gather [spmem:s15], $0x4000, $0x38;
	[tilespmem:$0x1D800] =	vst v63  }
0x26c: {  	_ =	swait.ge [sflag:s18], $0x4000  }
0x26d: {  	[sflag:s18] =	ssyncset.done $0x0  }
0x26e: {  	s17 =	rddreg [dreg:$0x1c];
	[sflag:s18] =	ssyncadd.s32 $0xFFFFC000  }
0x26f: {  	[hbm4b:s17+s2] =	stream.linear.scatter [tilespmem:s21], [sflag:$0x5], $0x4000, $0x38;
	[tilespmem:$0x1D800] =	vst v63  }
0x270: {  	_ =	swait.ge [sflag:s18], $0x4000  }
0x271: {  	[sflag:s18] =	ssyncset.done $0x0  }
0x272: {  	s15 =	rddreg [dreg:$0x1d];
	[sflag:s18] =	ssyncadd.s32 $0xFFFFC000  }
0x273: {  	[tilespmem:s21], [sflag:$0x5] =	stream.linear.gather [spmem:s15], $0x4000, $0x38;
	[tilespmem:$0x1D800] =	vst v63  }
0x274: {  	_ =	swait.ge [sflag:s18], $0x4000  }
0x275: {  	[sflag:s18] =	ssyncset.done $0x0  }
0x276: {  	s17 =	rddreg [dreg:$0x1e];
	[sflag:s18] =	ssyncadd.s32 $0xFFFFC000  }
0x277: {  	[hbm4b:s17+s2] =	stream.linear.scatter [tilespmem:s21], [sflag:$0x5], $0x4000, $0x38;
	[tilespmem:$0x1D800] =	vst v63  }
0x278: {  	_ =	swait.ge [sflag:s18], $0x4000  }
0x279: {  	s14 =	rddreg [dreg:$0x1f]  }
0x27a: {  	s17 =	rddreg [dreg:$0x15];
	s15 =	sadd.s32 $0x1, s14  }
0x27b: {  	p0 =	sne.s32 s15, s17  }
.Ltmp2:
0x27c: {  	_ = 	snop;
	(pc) =	sbr.rel @p0 .LBB2_1-.Ltmp2, $3  }
0x27d: {  	_ =	sdelay $0x1  }
0x27e: {  	[sflag:s18] =	ssyncset.done $0x0  }
0x27f: {  	[sflag:s18] =	ssyncadd.s32 $0xFFFFC000;
	s17 =	simm.s32 $0x1D000  }
0x280: {  	_ =	sfence.sel $0x180000  }
0x281: {  	[bflag:$0x0] =	sbarrier.arrive $0xFFFF  }
0x282: {  	_ =	strace $0x9000004A  }
0x283: {  	s0 =	stileid.u32;
	[bflag:$0x2] =	sbarrier.arrive $0xFFFF  }
0x284: {  	p0 =	sne.s32 s0, $0x0;
	s0 =	rddreg [dreg:$0x3]  }
0x285: {  	s0 =	sadd.s32 @!p0 $0x100000, s0  }
0x286: {  	[sflag:s0] =	ssyncadd.tile.s32 @!p0 $0x1;
	_ =	shalt  }
.Lfunc_end2:
_tile_overlayer_lowered:
.L_overlay_start_2:
0x287: {  	(tag) =	ssettag $0x2  }
0x288: {  	s0 =	rddreg [dreg:$0x0];
	s2 =	stileid.u32  }
0x289: {  	s1 =	rddreg [dreg:$0x1];
	p0 =	sne.s32 s2, $0x0  }
0x28a: {  	s3 =	rddreg [dreg:$0x2];
	[bflag:$0x3] =	sbarrier.arrive $0xFFFF;
	s2 =	simm.s32 @!p0 $0x1C05  }
0x28b: {  	[timem:s3], [sflag:s2] =	dma.local @!p0 [hbm:s0], s1  }
0x28c: {  	s0 =	simm.s32 @!p0 $0x5  }
0x28d: {  	_ =	swait.ge @!p0 [sflag:s0], s1  }
0x28e: {  	s1 =	ssub.s32 @!p0 $0x0, s1;
	[sflag:s0] =	ssyncset.done @!p0 $0x0  }
0x28f: {  	[sflag:s0] =	ssyncadd.s32 @!p0 s1  }
0x290: {  	[bflag:$0x3] =	sbarrier.arrive $0xFFFF  }
0x291: {  	_ =	shalt  }

// kernel: kernel.16.cloned.1.call-start
scs
__scs_entry_jumppad:
0x0: {  	(pc) =	sbr.rel $0x88, $3  }
0x1: {  	(tag) =	ssettag $0x0;
	lr =	simm.s32 $0x1  }
0x2: {  	[smem:$0x3F9B] =	sst lr;
	_ =	strace $0xD0000000  }
0x3: {  	_ = 	snop  }
0x4: {  	_ = 	snop  }
0x5: {  	_ = 	snop  }
0x6: {  	_ = 	snop  }
0x7: {  	_ = 	snop  }
__scs_overlays_trampoline_lowered:
0x8: {  	[smem:$0x3FAA] =	sst s0  }
0x9: {  	[smem:$0x3FAB] =	sst s1  }
0xa: {  	[smem:$0x3FAC] =	sst s2  }
0xb: {  	[smem:$0x3FAD] =	sst s3  }
0xc: {  	[smem:$0x3FAE] =	sst s4  }
0xd: {  	[smem:$0x3FAF] =	sst s5  }
0xe: {  	[smem:$0x3FB0] =	sst s6  }
0xf: {  	[smem:$0x3FB1] =	sst s7  }
0x10: {  	[smem:$0x3FB2] =	sst s8  }
0x11: {  	[smem:$0x3FB3] =	sst s9;
	s0 =	simm.s32 @!p0 $0x0  }
0x12: {  	s1 =	sld [smem:$0x3F99];
	s0 =	simm.s32 @p0 $0x1  }
0x13: {  	[smem:$0x3FB4] =	sst s0;
	s0 =	simm.s32 @!p1 $0x0  }
0x14: {  	s2 =	sld [smem:$0x3F98];
	s0 =	simm.s32 @p1 $0x1  }
0x15: {  	[smem:$0x3FB5] =	sst s0;
	s0 =	simm.s32 @!p2 $0x0  }
0x16: {  	s3 =	sld [smem:$0x3FDB];
	s0 =	simm.s32 @p2 $0x1  }
0x17: {  	s4 =	simm.s32 $0x1BF5;
	[smem:$0x3FB7] =	sst s0  }
0x18: {  	s0 =	sld [smem:$0x3F9A];
	_ =	swait.ge [sflag:s4], $0x0  }
0x19: {  	s7 =	sld [smem:$0x3F9B]  }
0x1a: {  	s8 =	sadd.s32 $0xFFFFE003, lr  }
0x1b: {  	s9 =	sadd.s32 $0xFFFFFEF7, lr;
	s5 =	simm.s32 $0xFFFFFFFF;
	p2 =	slt.u32 s8, $0xFFFFF086  }
0x1c: {  	p1 =	slt.u32 s9, $0xF7A;
	s5 =	simm.s32 @!p2 $0x0  }
0x1d: {  	s5 =	simm.s32 @p1 $0x1;
	p0 =	seq.s32 s7, s2  }
0x1e: {  	s7 =	smul.u32 @!p0 $0xF7A, s2;
	p2 =	seq.s32 @!p0 s5, $0x0  }
0x1f: {  	s9 =	smul.u32 $0xF7A, s1;
	s8 =	simm.s32 @!p0 $0x1BF5;
	p2 =	por !p2, p0  }
0x20: {  	[sflag:s8] =	ssyncset.s32 @!p0 $0xFFFFF086;
	s6 =	sadd.s32 @!p0 s3, s7;
	s7 =	simm.s32 @!p0 $0x108  }
0x21: {  	s3 =	sadd.s32 s3, s9;
	s6 =	sadd.s32 @!p0 $0x88, s6;
	s7 =	simm.s32 @p2 $0x1082  }
0x22: {  	[simem:s7], [sflag:s8] =	dma.local @!p0 [hbm:s6], $0xF7A  }
0x23: {  	s9 =	sor.u32 $0xD0000000, s2;
	s6 =	simm.s32 $0x108;
	_ =	swait.ge @!p0 [sflag:s8], $0x0  }
0x24: {  	s3 =	sadd.s32 $0x88, s3;
	s6 =	simm.s32 @!p1 $0x1082;
	[sflag:s4] =	ssyncset.s32 $0xFFFFF086  }
0x25: {  	[simem:s6], [sflag:s4] =	dma.local [hbm:s3], $0xF7A  }
0x26: {  	[smem:$0x3F9B] =	sst s1;
	(tag) =	ssettag s2;
	_ =	strace s9  }
0x27: {  	s1 =	sld [smem:$0x3FAB]  }
0x28: {  	s2 =	sld [smem:$0x3FAC]  }
0x29: {  	s4 =	sld [smem:$0x3FAE]  }
0x2a: {  	p0 =	seq.s32 s5, $0x0;
	s5 =	sld [smem:$0x3FAF]  }
0x2b: {  	s6 =	sld [smem:$0x3FB0]  }
0x2c: {  	s7 =	sld [smem:$0x3FB1]  }
0x2d: {  	s3 =	simm.s32 $0x108;
	s8 =	sld [smem:$0x3FB2]  }
0x2e: {  	s3 =	simm.s32 @!p0 $0x1082;
	s9 =	sld [smem:$0x3FB3]  }
0x2f: {  	lr =	sadd.s32 s0, s3;
	s0 =	sld [smem:$0x3FAA]  }
0x30: {  	s3 =	sld [smem:$0x3FAD]  }
0x31: {  	[smem:$0x3FB6] =	sst s10  }
0x32: {  	s10 =	sld [smem:$0x3FB4];
	_ =	sdelay $0x3  }
0x33: {  	p0 =	seq.s32 s10, $0x1;
	s10 =	sld [smem:$0x3FB6];
	_ =	sdelay $0x3  }
0x34: {  	[smem:$0x3FB6] =	sst s10  }
0x35: {  	s10 =	sld [smem:$0x3FB5];
	_ =	sdelay $0x3  }
0x36: {  	p1 =	seq.s32 s10, $0x1;
	s10 =	sld [smem:$0x3FB6];
	_ =	sdelay $0x3  }
0x37: {  	[smem:$0x3FB6] =	sst s10  }
0x38: {  	s10 =	sld [smem:$0x3FB7]  }
0x39: {  	_ = 	snop;
	(pc) =	sbr.ind lr, $3  }
0x3a: {  	_ = 	snop  }
0x3b: {  	_ = 	snop  }
0x3c: {  	p2 =	seq.s32 s10, $0x1;
	s10 =	sld [smem:$0x3FB6]  }
0x3d: {  	_ =	shalt  }
0x3e: {  	_ =	shalt  }
0x3f: {  	_ =	shalt  }
0x40: {  	_ =	shalt  }
0x41: {  	_ =	shalt  }
0x42: {  	_ =	shalt  }
0x43: {  	_ =	shalt  }
0x44: {  	_ =	shalt  }
0x45: {  	_ =	shalt  }
0x46: {  	_ =	shalt  }
0x47: {  	_ =	shalt  }
0x48: {  	_ =	shalt  }
0x49: {  	_ =	shalt  }
0x4a: {  	_ =	shalt  }
0x4b: {  	_ =	shalt  }
0x4c: {  	_ =	shalt  }
0x4d: {  	_ =	shalt  }
0x4e: {  	_ =	shalt  }
0x4f: {  	_ =	shalt  }
0x50: {  	_ =	shalt  }
0x51: {  	_ =	shalt  }
0x52: {  	_ =	shalt  }
0x53: {  	_ =	shalt  }
0x54: {  	_ =	shalt  }
0x55: {  	_ =	shalt  }
0x56: {  	_ =	shalt  }
0x57: {  	_ =	shalt  }
0x58: {  	_ =	shalt  }
0x59: {  	_ =	shalt  }
0x5a: {  	_ =	shalt  }
0x5b: {  	_ =	shalt  }
0x5c: {  	_ =	shalt  }
0x5d: {  	_ =	shalt  }
0x5e: {  	_ =	shalt  }
0x5f: {  	_ =	shalt  }
0x60: {  	_ =	shalt  }
0x61: {  	_ =	shalt  }
0x62: {  	_ =	shalt  }
0x63: {  	_ =	shalt  }
0x64: {  	_ =	shalt  }
0x65: {  	_ =	shalt  }
0x66: {  	_ =	shalt  }
0x67: {  	_ =	shalt  }
0x68: {  	_ =	shalt  }
0x69: {  	_ =	shalt  }
0x6a: {  	_ =	shalt  }
0x6b: {  	_ =	shalt  }
0x6c: {  	_ =	shalt  }
0x6d: {  	_ =	shalt  }
0x6e: {  	_ =	shalt  }
0x6f: {  	_ =	shalt  }
0x70: {  	_ =	shalt  }
0x71: {  	_ =	shalt  }
0x72: {  	_ =	shalt  }
0x73: {  	_ =	shalt  }
0x74: {  	_ =	shalt  }
0x75: {  	_ =	shalt  }
0x76: {  	_ =	shalt  }
0x77: {  	_ =	shalt  }
0x78: {  	_ =	shalt  }
0x79: {  	_ =	shalt  }
0x7a: {  	_ =	shalt  }
0x7b: {  	_ =	shalt  }
0x7c: {  	_ =	shalt  }
0x7d: {  	_ =	shalt  }
0x7e: {  	_ =	shalt  }
0x7f: {  	_ =	shalt  }
0x80: {  	_ =	shalt  }
0x81: {  	_ =	shalt  }
0x82: {  	_ =	shalt  }
0x83: {  	_ =	shalt  }
0x84: {  	_ =	shalt  }
0x85: {  	_ =	shalt  }
0x86: {  	_ =	shalt  }
0x87: {  	_ =	shalt  }
.Lfunc_end0:
.L_simem_size_0:
called_computation.2_lowered:
.L_overlay_start_0:
0x88: {  	s2 =	sld [smem:$0x3FD9]  }
0x89: {  	s3 =	sld [smem:$0x3FFE];
	_ =	sdelay $0x1  }
0x8a: {  	s1 =	srdreg.scid  }
0x8b: {  	s0 =	sand.u32 $0x1, s1  }
0x8c: {  	s16 =	sshll.u32 s0, $0xA;
	s2 =	sadd.s32 s3, s2  }
0x8d: {  	s2 =	sadd.s32 s2, s16  }
0x8e: {  	[smem:$0x3FC2] =	sst s2  }
0x8f: {  	_ = 	snop  }
0x90: {  	(tm) =	ssettm $0x1  }
0x91: {  	s17 =	sld [smem:$0x3FFB];
	_ =	sdelay $0x3  }
0x92: {  	_ =	strace s17  }
0x93: {  	s2 =	sld [smem:$0x3FFC];
	_ =	sdelay $0x3  }
0x94: {  	_ =	strace s2  }
0x95: {  	s2 =	sld [smem:$0x3FFD];
	_ =	sdelay $0x3  }
0x96: {  	_ =	strace s2  }
0x97: {  	_ =	strace $0x8FFFFFFF  }
0x98: {  	s18 =	sld [smem:$0x3FDB];
	_ =	sdelay $0x1  }
0x99: {  	s19 =	simm.s32 $_scs_section_size  }
0x9a: {  	s4 =	simm.s32 $_size__tile_overlayer_lowered;
	s5 =	simm.s32 $_tile_overlayer_lowered  }
0x9b: {  	s22 =	simm.s32 $0x1BFF;
	s21 =	sshll.u32 s5, $0x1;
	s2 =	sadd.s32 s19, s18  }
0x9c: {  	s6 =	simm.s32 $0x0;
	s20 =	sshll.u32 s4, $0x1;
	s4 =	sadd.s32 s21, s2  }
0x9d: {  	[timem:s6], [sflag:s22] =	dma.local [hbm:s4], s20  }
0x9e: {  	_ =	swait.ge [sflag:s22], s20  }
0x9f: {  	s3 =	ssub.s32 $0x0, s20;
	[sflag:s22] =	ssyncset.done $0x0  }
0xa0: {  	[sflag:s22] =	ssyncadd.s32 s3;
	_ =	sdelay $0x1  }
0xa1: {  	s23 =	simm.s32 $0x1B8B  }
0xa2: {  	_ =	swait.ge [sflag:s23], $0x1  }
0xa3: {  	[sflag:s23] =	ssyncset.done $0x0  }
0xa4: {  	s25 =	simm.s32 $0x1B8E;
	s24 =	sld [smem:$0x3FFE];
	[sflag:s23] =	ssyncadd.s32 $0xFFFFFFFF  }
0xa5: {  	s26 =	simm.s32 $execute0_lowered;
	[smem:$0x3FD2] =	sst s25  }
0xa6: {  	s4 =	sshll.u32 s26, $0x1;
	_ =	strace $0x8000004C;
	[dreg:$0x1] =	wrdreg $0xFFFFFFFF  }
0xa7: {  	s28 =	simm.s32 $_size_execute0_lowered;
	s2 =	sadd.s32 s2, s4;
	[dreg:$0x0] =	wrdreg $0x0  }
0xa8: {  	s4 =	sshll.u32 s28, $0x1;
	[dreg:$0x2] =	wrdreg s2  }
0xa9: {  	[dreg:$0x3] =	wrdreg s4  }
0xaa: {  	[dreg:$0x4] =	wrdreg $0xC0  }
0xab: {  	_ =	task [dreg:s6], $0x5FFFF  }
0xac: {  	[dreg:$0x1] =	wrdreg $0xFFFFFFFF  }
0xad: {  	[dreg:$0x0] =	wrdreg $0x60  }
0xae: {  	[dreg:$0x2] =	wrdreg s24  }
0xaf: {  	[dreg:$0x3] =	wrdreg $0x50000  }
0xb0: {  	[dreg:$0x4] =	wrdreg $0x9  }
0xb1: {  	_ =	task.clear_ibuf [dreg:s6], $0x5FFFF;
	_ =	strace $0x9000004C  }
0xb2: {  	s29 =	simm.s32 $0x9;
	_ =	strace $0x8000004E  }
0xb3: {  	_ =	swait.ge [sflag:s29], $0x1  }
0xb4: {  	[sflag:s29] =	ssyncadd.s32 $0xFFFFFFFF  }
0xb5: {  	_ =	strace $0x9000004E  }
0xb6: {  	_ =	sfence  }
0xb7: {  	s30 =	sld [smem:$0x0];
	_ =	sdelay $0x2  }
0xb8: {  	s31 =	sshll.u32 s1, $0xD;
	s1 =	sshrl.u32 s1, $0x2  }
0xb9: {  	s3 =	sand.u32 $0x4000, s31;
	s1 =	sadd.s32 s1, s30  }
0xba: {  	s0 =	sor.u32 s3, s0;
	s1 =	sshll.u32 s1, $0x11  }
0xbb: {  	s0 =	sor.u32 s1, s0  }
0xbc: {  	s0 =	sadd.s32 $0x8F2B, s0  }
0xbd: {  	[sflag:s0] =	ssyncadd.remote.s32 $0x1  }
0xbe: {  	_ =	sfence.sel $0xFFFF  }
0xbf: {  	[dreg:$0x0] =	wrdreg $0xFFFFFFFF;
	(pc) =	sbr.abs _section_cstart, $3  }
0xc0: {  	[dreg:$0x1] =	wrdreg $0xFFFFFFFF  }
0xc1: {  	_ =	task.clear_ibuf [dreg:s6], $0x2FFFF;
	_ =	strace $0x9FFFFFFF  }
0xc2: {  	(tm) =	ssettm $0x7FFFFFFF  }
0xc3: {  	_ =	shalt  }
tec
execute0_lowered:
.L_overlay_start_1:
0x0: {  	(tag) =	ssettag $0x1  }
0x1: {  	s0 =	rddreg [dreg:$0x0]  }
0x2: {  	s1 =	rddreg [dreg:$0x1];
	s2 =	simm.s32 $0x0  }
0x3: {  	[smem:$0x7FF] =	sst s2;
	s6 =	sadd.s32 $0xFD600, s0  }
0x4: {  	s9 =	sadd.s32 $0x111600, s0;
	_ =	strace $0x8000004D;
	[dreg:$0x3] =	wrdreg s6  }
0x5: {  	s14 =	simm.s32 $0x100;
	[dreg:$0x4] =	wrdreg s9  }
0x6: {  	s15 =	simm.s32 $0x880;
	[dreg:$0x7] =	wrdreg s14  }
0x7: {  	s16 =	simm.s32 $0x180;
	[dreg:$0x8] =	wrdreg s15  }
0x8: {  	s18 =	simm.s32 $0x900;
	[dreg:$0x9] =	wrdreg s16  }
0x9: {  	s19 =	simm.s32 $0x200;
	[dreg:$0xa] =	wrdreg s18  }
0xa: {  	s20 =	simm.s32 $0x980;
	[dreg:$0xb] =	wrdreg s19  }
0xb: {  	s21 =	simm.s32 $0x280;
	[dreg:$0xc] =	wrdreg s20  }
0xc: {  	s3 =	srdreg.scid;
	s23 =	simm.s32 $0xA00;
	[dreg:$0xd] =	wrdreg s21  }
0xd: {  	s24 =	simm.s32 $0x300;
	s25 =	simm.s32 $0xA80;
	[dreg:$0xe] =	wrdreg s23  }
0xe: {  	s26 =	simm.s32 $0x380;
	s28 =	simm.s32 $0xB00;
	[dreg:$0xf] =	wrdreg s24  }
0xf: {  	s4 =	sadd.s32 $0xAD600, s0;
	s5 =	sand.u32 $0x1, s3;
	[dreg:$0x10] =	wrdreg s25  }
0x10: {  	s3 =	stileid.u32;
	s0 =	sadd.s32 $0xD5600, s0;
	[dreg:$0x11] =	wrdreg s26  }
0x11: {  	s7 =	smul.u32 $0xA0, s5;
	s30 =	sor.u32 $0x10, s3;
	[dreg:$0x12] =	wrdreg s28  }
0x12: {  	s29 =	ssub.s32 $0x2, s5;
	s15 =	simm.s32 $0xC80;
	[dreg:$0x6] =	wrdreg s30  }
0x13: {  	s8 =	smul.u32 $0x5000, s3;
	s19 =	simm.s32 $0xD00;
	[dreg:$0x18] =	wrdreg s15  }
0x14: {  	s5 =	smul.u32 $0x50000, s5;
	s21 =	simm.s32 $0x600;
	[dreg:$0x1a] =	wrdreg s19  }
0x15: {  	s10 =	sshrl.u32 s29, $0x1;
	s30 =	simm.s32 $0x400;
	[dreg:$0x1b] =	wrdreg s21  }
0x16: {  	s6 =	ssub.s32 s29, s10;
	[dreg:$0x5] =	wrdreg s7;
	s31 =	sadd.s32 s8, s5  }
0x17: {  	s11 =	sadd.s32 $0x2000, s8;
	s12 =	sadd.s32 s8, s1;
	[dreg:$0x13] =	wrdreg s30  }
0x18: {  	s8 =	sadd.s32 $0x4000, s8;
	s10 =	simm.s32 $0xC00;
	[dreg:$0x1c] =	wrdreg s12  }
0x19: {  	s9 =	sshrl.u32 s31, $0x3;
	s17 =	sadd.s32 s8, s1;
	[dreg:$0x16] =	wrdreg s10  }
0x1a: {  	s13 =	sadd.s32 s5, s11;
	s6 =	smax.u32 s6, $0x1;
	[smem:$0x7E8] =	sst s17  }
0x1b: {  	s5 =	sadd.s32 s5, s8;
	s8 =	simm.s32 $0x480;
	[smem:$0x7EA] =	sst s6  }
0x1c: {  	s7 =	sadd.s32 s0, s9;
	[dreg:$0x15] =	wrdreg s8  }
0x1d: {  	s22 =	smul.u32 $0x15000, s3;
	s9 =	sadd.s32 s11, s1;
	[dreg:$0x1d] =	wrdreg s7  }
0x1e: {  	s5 =	sshrl.u32 s5, $0x3;
	s6 =	simm.s32 $0xB80;
	[dreg:$0x1e] =	wrdreg s9  }
0x1f: {  	s17 =	simm.s32 $0x580;
	s7 =	sshrl.u32 s13, $0x3;
	[dreg:$0x14] =	wrdreg s6  }
0x20: {  	s13 =	simm.s32 $0x500;
	[dreg:$0x19] =	wrdreg s17;
	s7 =	sadd.s32 s0, s7  }
0x21: {  	s0 =	sadd.s32 s0, s5;
	s5 =	sshrl.u32 s22, $0x2;
	[dreg:$0x17] =	wrdreg s13  }
0x22: {  	[dreg:$0x1f] =	wrdreg s7;
	s12 =	sadd.s32 s5, s1  }
0x23: {  	[smem:$0x7E9] =	sst s0;
	s5 =	sadd.s32 $0x400, s12  }
0x24: {  	s29 =	sadd.s32 $0x800, s12;
	[smem:$0x7EB] =	sst s5  }
0x25: {  	s31 =	sadd.s32 $0xC00, s12;
	[smem:$0x7EC] =	sst s29  }
0x26: {  	s7 =	sadd.s32 $0x1000, s12;
	[smem:$0x7ED] =	sst s31  }
0x27: {  	s9 =	sadd.s32 $0x1400, s12;
	[smem:$0x7EE] =	sst s7  }
0x28: {  	s11 =	sadd.s32 $0x1800, s12;
	[smem:$0x7EF] =	sst s9  }
0x29: {  	s14 =	sadd.s32 $0x1C00, s12;
	[smem:$0x7F0] =	sst s11  }
0x2a: {  	s16 =	sadd.s32 $0x2000, s12;
	[smem:$0x7F1] =	sst s14  }
0x2b: {  	s18 =	sadd.s32 $0x2400, s12;
	[smem:$0x7F2] =	sst s16  }
0x2c: {  	s20 =	sadd.s32 $0x2800, s12;
	[smem:$0x7F3] =	sst s18  }
0x2d: {  	s15 =	simm.s32 $0x2;
	s22 =	sadd.s32 $0x2C00, s12;
	[smem:$0x7F4] =	sst s20  }
0x2e: {  	s19 =	simm.s32 $0xE00;
	s23 =	sadd.s32 $0x3000, s12;
	[smem:$0x7F5] =	sst s22  }
0x2f: {  	s21 =	simm.s32 $0xE80;
	s24 =	sadd.s32 $0x3400, s12;
	[smem:$0x7F6] =	sst s23  }
0x30: {  	s10 =	simm.s32 $0x1000;
	s25 =	sadd.s32 $0x3800, s12;
	[smem:$0x7F7] =	sst s24  }
0x31: {  	s8 =	simm.s32 $0x800;
	s26 =	sadd.s32 $0x3C00, s12;
	[smem:$0x7F8] =	sst s25  }
0x32: {  	s6 =	simm.s32 $0xA400;
	s28 =	sadd.s32 $0x4000, s12;
	[smem:$0x7F9] =	sst s26  }
0x33: {  	s17 =	simm.s32 $0xD80;
	s30 =	sadd.s32 $0x4800, s12;
	[smem:$0x7FA] =	sst s28  }
0x34: {  	s13 =	simm.s32 $0x1;
	s29 =	sadd.s32 $0x4400, s12;
	[smem:$0x7FC] =	sst s30  }
0x35: {  	s31 =	sadd.s32 $0x4C00, s12;
	s5 =	sadd.s32 $0x5000, s12;
	s7 =	simm.s32 $0x5  }
0x36: {  	s9 =	simm.s32 $0x80;
	s11 =	simm.s32 $0x3000;
	s14 =	simm.s32 $0x3  }
0x37: {  	s16 =	simm.s32 $0x4;
	s18 =	simm.s32 $0x680;
	s20 =	simm.s32 $0x700  }
0x38: {  	s22 =	simm.s32 $0x780;
	s23 =	simm.s32 $0xF00;
	[smem:$0x7FB] =	sst s29  }
0x39: {  	v0 =	vimm.f32 $0.0e+00;
	s24 =	simm.s32 $0xF80;
	s25 =	simm.s32 $0x0;
	[smem:$0x7FD] =	sst s31  }
.LBB2_1:
0x3a: {  	[tilespmem:$0xA400] =	vst v0  }
0x3b: {  	[tilespmem:$0xA410] =	vst v0  }
0x3c: {  	[tilespmem:$0xA420] =	vst v0  }
0x3d: {  	[tilespmem:$0xA430] =	vst v0  }
0x3e: {  	[tilespmem:$0xA440] =	vst v0  }
0x3f: {  	[tilespmem:$0xA450] =	vst v0  }
0x40: {  	[tilespmem:$0xA460] =	vst v0  }
0x41: {  	[tilespmem:$0xA470] =	vst v0  }
0x42: {  	[tilespmem:$0xA480] =	vst v0  }
0x43: {  	[tilespmem:$0xA490] =	vst v0  }
0x44: {  	[tilespmem:$0xA4A0] =	vst v0  }
0x45: {  	[tilespmem:$0xA4B0] =	vst v0  }
0x46: {  	[tilespmem:$0xA4C0] =	vst v0  }
0x47: {  	[tilespmem:$0xA4D0] =	vst v0  }
0x48: {  	[tilespmem:$0xA4E0] =	vst v0  }
0x49: {  	[tilespmem:$0xA4F0] =	vst v0  }
0x4a: {  	[tilespmem:$0xA500] =	vst v0  }
0x4b: {  	[tilespmem:$0xA510] =	vst v0  }
0x4c: {  	[tilespmem:$0xA520] =	vst v0  }
0x4d: {  	[tilespmem:$0xA530] =	vst v0  }
0x4e: {  	[tilespmem:$0xA540] =	vst v0  }
0x4f: {  	[tilespmem:$0xA550] =	vst v0  }
0x50: {  	[tilespmem:$0xA560] =	vst v0  }
0x51: {  	[tilespmem:$0xA570] =	vst v0  }
0x52: {  	[tilespmem:$0xA580] =	vst v0  }
0x53: {  	[tilespmem:$0xA590] =	vst v0  }
0x54: {  	[tilespmem:$0xA5A0] =	vst v0  }
0x55: {  	[tilespmem:$0xA5B0] =	vst v0  }
0x56: {  	[tilespmem:$0xA5C0] =	vst v0  }
0x57: {  	[tilespmem:$0xA5D0] =	vst v0  }
0x58: {  	[tilespmem:$0xA5E0] =	vst v0  }
0x59: {  	[tilespmem:$0xA5F0] =	vst v0  }
0x5a: {  	[tilespmem:$0xA600] =	vst v0  }
0x5b: {  	[tilespmem:$0xA610] =	vst v0  }
0x5c: {  	[tilespmem:$0xA620] =	vst v0  }
0x5d: {  	[tilespmem:$0xA630] =	vst v0  }
0x5e: {  	[tilespmem:$0xA640] =	vst v0  }
0x5f: {  	[tilespmem:$0xA650] =	vst v0  }
0x60: {  	[tilespmem:$0xA660] =	vst v0  }
0x61: {  	[tilespmem:$0xA670] =	vst v0  }
0x62: {  	[tilespmem:$0xA680] =	vst v0  }
0x63: {  	[tilespmem:$0xA690] =	vst v0  }
0x64: {  	[tilespmem:$0xA6A0] =	vst v0  }
0x65: {  	[tilespmem:$0xA6B0] =	vst v0  }
0x66: {  	[tilespmem:$0xA6C0] =	vst v0  }
0x67: {  	[tilespmem:$0xA6D0] =	vst v0  }
0x68: {  	[tilespmem:$0xA6E0] =	vst v0  }
0x69: {  	[tilespmem:$0xA6F0] =	vst v0  }
0x6a: {  	[tilespmem:$0xA700] =	vst v0  }
0x6b: {  	[tilespmem:$0xA710] =	vst v0  }
0x6c: {  	[tilespmem:$0xA720] =	vst v0  }
0x6d: {  	[tilespmem:$0xA730] =	vst v0  }
0x6e: {  	[tilespmem:$0xA740] =	vst v0  }
0x6f: {  	[tilespmem:$0xA750] =	vst v0  }
0x70: {  	[tilespmem:$0xA760] =	vst v0  }
0x71: {  	[tilespmem:$0xA770] =	vst v0  }
0x72: {  	[tilespmem:$0xA780] =	vst v0  }
0x73: {  	[tilespmem:$0xA790] =	vst v0  }
0x74: {  	[tilespmem:$0xA7A0] =	vst v0  }
0x75: {  	[tilespmem:$0xA7B0] =	vst v0  }
0x76: {  	[tilespmem:$0xA7C0] =	vst v0  }
0x77: {  	[tilespmem:$0xA7D0] =	vst v0  }
0x78: {  	[tilespmem:$0xA7E0] =	vst v0  }
0x79: {  	[tilespmem:$0xA7F0] =	vst v0  }
0x7a: {  	[spmem:s12] =	stream.linear.scatter [tilespmem:s6], [sflag:$0x5], $0x400, $0x38;
	[tilespmem:$0xA800] =	vst v63  }
0x7b: {  	_ =	swait.ge [sflag:s7], $0x400  }
0x7c: {  	s0 =	sld [smem:$0x7EB]  }
0x7d: {  	[sflag:s7] =	ssyncset.done $0x0  }
0x7e: {  	[sflag:s7] =	ssyncadd.s32 $0xFFFFFC00  }
0x7f: {  	[spmem:s0] =	stream.linear.scatter [tilespmem:s6], [sflag:$0x5], $0x400, $0x38;
	[tilespmem:$0xA800] =	vst v63  }
0x80: {  	_ =	swait.ge [sflag:s7], $0x400  }
0x81: {  	s26 =	sld [smem:$0x7EC]  }
0x82: {  	[sflag:s7] =	ssyncset.done $0x0  }
0x83: {  	[sflag:s7] =	ssyncadd.s32 $0xFFFFFC00  }
0x84: {  	[spmem:s26] =	stream.linear.scatter [tilespmem:s6], [sflag:$0x5], $0x400, $0x38;
	[tilespmem:$0xA800] =	vst v63  }
0x85: {  	_ =	swait.ge [sflag:s7], $0x400  }
0x86: {  	s30 =	sld [smem:$0x7ED]  }
0x87: {  	[sflag:s7] =	ssyncset.done $0x0  }
0x88: {  	[sflag:s7] =	ssyncadd.s32 $0xFFFFFC00  }
0x89: {  	[spmem:s30] =	stream.linear.scatter [tilespmem:s6], [sflag:$0x5], $0x400, $0x38;
	[tilespmem:$0xA800] =	vst v63  }
0x8a: {  	_ =	swait.ge [sflag:s7], $0x400  }
0x8b: {  	s31 =	sld [smem:$0x7EE]  }
0x8c: {  	[sflag:s7] =	ssyncset.done $0x0  }
0x8d: {  	[sflag:s7] =	ssyncadd.s32 $0xFFFFFC00  }
0x8e: {  	[spmem:s31] =	stream.linear.scatter [tilespmem:s6], [sflag:$0x5], $0x400, $0x38;
	[tilespmem:$0xA800] =	vst v63  }
0x8f: {  	_ =	swait.ge [sflag:s7], $0x400  }
0x90: {  	s26 =	sld [smem:$0x7EF]  }
0x91: {  	[sflag:s7] =	ssyncset.done $0x0  }
0x92: {  	[sflag:s7] =	ssyncadd.s32 $0xFFFFFC00  }
0x93: {  	[spmem:s26] =	stream.linear.scatter [tilespmem:s6], [sflag:$0x5], $0x400, $0x38;
	[tilespmem:$0xA800] =	vst v63  }
0x94: {  	_ =	swait.ge [sflag:s7], $0x400  }
0x95: {  	s30 =	sld [smem:$0x7F0]  }
0x96: {  	[sflag:s7] =	ssyncset.done $0x0  }
0x97: {  	[sflag:s7] =	ssyncadd.s32 $0xFFFFFC00  }
0x98: {  	[spmem:s30] =	stream.linear.scatter [tilespmem:s6], [sflag:$0x5], $0x400, $0x38;
	[tilespmem:$0xA800] =	vst v63  }
0x99: {  	_ =	swait.ge [sflag:s7], $0x400  }
0x9a: {  	s31 =	sld [smem:$0x7F1]  }
0x9b: {  	[sflag:s7] =	ssyncset.done $0x0  }
0x9c: {  	[sflag:s7] =	ssyncadd.s32 $0xFFFFFC00  }
0x9d: {  	[spmem:s31] =	stream.linear.scatter [tilespmem:s6], [sflag:$0x5], $0x400, $0x38;
	[tilespmem:$0xA800] =	vst v63  }
0x9e: {  	_ =	swait.ge [sflag:s7], $0x400  }
0x9f: {  	s26 =	sld [smem:$0x7F2]  }
0xa0: {  	[sflag:s7] =	ssyncset.done $0x0  }
0xa1: {  	[sflag:s7] =	ssyncadd.s32 $0xFFFFFC00  }
0xa2: {  	[spmem:s26] =	stream.linear.scatter [tilespmem:s6], [sflag:$0x5], $0x400, $0x38;
	[tilespmem:$0xA800] =	vst v63  }
0xa3: {  	_ =	swait.ge [sflag:s7], $0x400  }
0xa4: {  	s30 =	sld [smem:$0x7F3]  }
0xa5: {  	[sflag:s7] =	ssyncset.done $0x0  }
0xa6: {  	[sflag:s7] =	ssyncadd.s32 $0xFFFFFC00  }
0xa7: {  	[spmem:s30] =	stream.linear.scatter [tilespmem:s6], [sflag:$0x5], $0x400, $0x38;
	[tilespmem:$0xA800] =	vst v63  }
0xa8: {  	_ =	swait.ge [sflag:s7], $0x400  }
0xa9: {  	s31 =	sld [smem:$0x7F4]  }
0xaa: {  	[sflag:s7] =	ssyncset.done $0x0  }
0xab: {  	[sflag:s7] =	ssyncadd.s32 $0xFFFFFC00  }
0xac: {  	[spmem:s31] =	stream.linear.scatter [tilespmem:s6], [sflag:$0x5], $0x400, $0x38;
	[tilespmem:$0xA800] =	vst v63  }
0xad: {  	_ =	swait.ge [sflag:s7], $0x400  }
0xae: {  	s26 =	sld [smem:$0x7F5]  }
0xaf: {  	[sflag:s7] =	ssyncset.done $0x0  }
0xb0: {  	[sflag:s7] =	ssyncadd.s32 $0xFFFFFC00  }
0xb1: {  	[spmem:s26] =	stream.linear.scatter [tilespmem:s6], [sflag:$0x5], $0x400, $0x38;
	[tilespmem:$0xA800] =	vst v63  }
0xb2: {  	_ =	swait.ge [sflag:s7], $0x400  }
0xb3: {  	s30 =	sld [smem:$0x7F6]  }
0xb4: {  	[sflag:s7] =	ssyncset.done $0x0  }
0xb5: {  	[sflag:s7] =	ssyncadd.s32 $0xFFFFFC00  }
0xb6: {  	[spmem:s30] =	stream.linear.scatter [tilespmem:s6], [sflag:$0x5], $0x400, $0x38;
	[tilespmem:$0xA800] =	vst v63  }
0xb7: {  	_ =	swait.ge [sflag:s7], $0x400  }
0xb8: {  	s31 =	sld [smem:$0x7F7]  }
0xb9: {  	[sflag:s7] =	ssyncset.done $0x0  }
0xba: {  	[sflag:s7] =	ssyncadd.s32 $0xFFFFFC00  }
0xbb: {  	[spmem:s31] =	stream.linear.scatter [tilespmem:s6], [sflag:$0x5], $0x400, $0x38;
	[tilespmem:$0xA800] =	vst v63  }
0xbc: {  	_ =	swait.ge [sflag:s7], $0x400  }
0xbd: {  	s26 =	sld [smem:$0x7F8]  }
0xbe: {  	[sflag:s7] =	ssyncset.done $0x0  }
0xbf: {  	[sflag:s7] =	ssyncadd.s32 $0xFFFFFC00  }
0xc0: {  	[spmem:s26] =	stream.linear.scatter [tilespmem:s6], [sflag:$0x5], $0x400, $0x38;
	[tilespmem:$0xA800] =	vst v63  }
0xc1: {  	_ =	swait.ge [sflag:s7], $0x400  }
0xc2: {  	s30 =	sld [smem:$0x7F9]  }
0xc3: {  	[sflag:s7] =	ssyncset.done $0x0  }
0xc4: {  	[sflag:s7] =	ssyncadd.s32 $0xFFFFFC00  }
0xc5: {  	[spmem:s30] =	stream.linear.scatter [tilespmem:s6], [sflag:$0x5], $0x400, $0x38;
	[tilespmem:$0xA800] =	vst v63  }
0xc6: {  	_ =	swait.ge [sflag:s7], $0x400  }
0xc7: {  	s31 =	sld [smem:$0x7FA]  }
0xc8: {  	[sflag:s7] =	ssyncset.done $0x0  }
0xc9: {  	[sflag:s7] =	ssyncadd.s32 $0xFFFFFC00  }
0xca: {  	[spmem:s31] =	stream.linear.scatter [tilespmem:s6], [sflag:$0x5], $0x400, $0x38;
	[tilespmem:$0xA800] =	vst v63  }
0xcb: {  	_ =	swait.ge [sflag:s7], $0x400  }
0xcc: {  	s26 =	sld [smem:$0x7FB]  }
0xcd: {  	[sflag:s7] =	ssyncset.done $0x0  }
0xce: {  	[sflag:s7] =	ssyncadd.s32 $0xFFFFFC00  }
0xcf: {  	[spmem:s26] =	stream.linear.scatter [tilespmem:s6], [sflag:$0x5], $0x400, $0x38;
	[tilespmem:$0xA800] =	vst v63  }
0xd0: {  	_ =	swait.ge [sflag:s7], $0x400  }
0xd1: {  	s30 =	sld [smem:$0x7FC]  }
0xd2: {  	[sflag:s7] =	ssyncset.done $0x0  }
0xd3: {  	[sflag:s7] =	ssyncadd.s32 $0xFFFFFC00  }
0xd4: {  	[spmem:s30] =	stream.linear.scatter [tilespmem:s6], [sflag:$0x5], $0x400, $0x38;
	[tilespmem:$0xA800] =	vst v63  }
0xd5: {  	_ =	swait.ge [sflag:s7], $0x400  }
0xd6: {  	s31 =	sld [smem:$0x7FD]  }
0xd7: {  	[sflag:s7] =	ssyncset.done $0x0  }
0xd8: {  	[sflag:s7] =	ssyncadd.s32 $0xFFFFFC00  }
0xd9: {  	[spmem:s31] =	stream.linear.scatter [tilespmem:s6], [sflag:$0x5], $0x400, $0x38;
	[tilespmem:$0xA800] =	vst v63  }
0xda: {  	_ =	swait.ge [sflag:s7], $0x400  }
0xdb: {  	[sflag:s7] =	ssyncset.done $0x0  }
0xdc: {  	[sflag:s7] =	ssyncadd.s32 $0xFFFFFC00  }
0xdd: {  	[spmem:s5] =	stream.linear.scatter [tilespmem:s6], [sflag:$0x5], $0x400, $0x38;
	[tilespmem:$0xA800] =	vst v63  }
0xde: {  	_ =	swait.ge [sflag:s7], $0x400  }
0xdf: {  	[sflag:s7] =	ssyncset.done $0x0  }
0xe0: {  	[sflag:s7] =	ssyncadd.s32 $0xFFFFFC00  }
0xe1: {  	[bflag:$0x0] =	sbarrier.arrive $0xFFFF  }
0xe2: {  	p0 =	por $0x1, $0x1;
	s26 =	rddreg [dreg:$0x6]  }
0xe3: {  	s29 =	simm.s32 $0x1FFFFB;
	s26 =	smov.u32 @p0 s3  }
0xe4: {  	s29 =	smov.u32 @p0 s2;
	s28 =	rddreg [dreg:$0x5];
	s26 =	smul.u32 $0x5, s26  }
0xe5: {  	s28 =	sadd.s32 s28, s29  }
0xe6: {  	s26 =	sadd.s32 s26, s28  }
0xe7: {  	s26 =	sshll.u32 s26, $0x8  }
0xe8: {  	s28 =	rddreg [dreg:$0x3];
	s26 =	sand.u32 $0x1FFFFF00, s26  }
0xe9: {  	s28 =	sadd.s32 s28, s26  }
0xea: {  	[tilespmem:s2], [sflag:$0x5] =	stream.linear.gather [hbm4b:s28+s2], $0x800, $0x38;
	[tilespmem:$0xA800] =	vst v63  }
0xeb: {  	_ =	swait.ge [sflag:s7], $0x800  }
0xec: {  	s28 =	rddreg [dreg:$0x4];
	[sflag:s7] =	ssyncset.done $0x0  }
0xed: {  	[sflag:s7] =	ssyncadd.s32 $0xFFFFF800;
	s26 =	sadd.s32 s28, s26  }
0xee: {  	[tilespmem:s8], [sflag:$0x5] =	stream.linear.gather [hbm4b:s26+s2], $0x800, $0x38;
	[tilespmem:$0xA800] =	vst v63  }
0xef: {  	_ =	swait.ge [sflag:s7], $0x800  }
0xf0: {  	[sflag:s7] =	ssyncset.done $0x0  }
0xf1: {  	[sflag:s7] =	ssyncadd.s32 $0xFFFFF800  }
0xf2: {  	[tilespmem:s10], [sflag:$0x1] =	stream.indirect.gather [hbm4b:s4+s9], $0x40, s2, s9, $0xb8;
	[tilespmem:$0xA800] =	vst v63  }
0xf3: {  	_ = 	snop  }
0xf4: {  	[tilespmem:s11], [sflag:$0x2] =	stream.indirect.gather [hbm4b:s4+s9], $0x40, s9, s9, $0xb8;
	[tilespmem:$0xA800] =	vst v63  }
0xf5: {  	_ =	swait.ge [sflag:s13], $0x2000  }
0xf6: {  	[sflag:s13] =	ssyncset.done $0x0  }
0xf7: {  	[sflag:s13] =	ssyncadd.s32 $0xFFFFE000  }
0xf8: {  	[spmem:s1] =	stream.indirect.scatter.add.f32 [tilespmem:s10], [sflag:$0x3], $0x40, s8, s9, $0xb8;
	[tilespmem:$0xA800] =	vst v63  }
0xf9: {  	_ =	swait.ge [sflag:s14], $0x2000  }
0xfa: {  	[sflag:s14] =	ssyncset.done $0x0  }
0xfb: {  	s0 =	rddreg [dreg:$0x7];
	[sflag:s14] =	ssyncadd.s32 $0xFFFFE000  }
0xfc: {  	[tilespmem:s10], [sflag:$0x1] =	stream.indirect.gather [hbm4b:s4+s9], $0x40, s0, s9, $0xb8;
	[tilespmem:$0xA800] =	vst v63  }
0xfd: {  	_ =	swait.ge [sflag:s15], $0x2000  }
0xfe: {  	[sflag:s15] =	ssyncset.done $0x0  }
0xff: {  	s30 =	rddreg [dreg:$0x8];
	[sflag:s15] =	ssyncadd.s32 $0xFFFFE000  }
0x100: {  	[spmem:s1] =	stream.indirect.scatter.add.f32 [tilespmem:s11], [sflag:$0x4], $0x40, s30, s9, $0xb8;
	[tilespmem:$0xA800] =	vst v63  }
0x101: {  	_ =	swait.ge [sflag:s16], $0x2000  }
0x102: {  	[sflag:s16] =	ssyncset.done $0x0  }
0x103: {  	s31 =	rddreg [dreg:$0x9];
	[sflag:s16] =	ssyncadd.s32 $0xFFFFE000  }
0x104: {  	[tilespmem:s11], [sflag:$0x2] =	stream.indirect.gather [hbm4b:s4+s9], $0x40, s31, s9, $0xb8;
	[tilespmem:$0xA800] =	vst v63  }
0x105: {  	_ =	swait.ge [sflag:s13], $0x2000  }
0x106: {  	[sflag:s13] =	ssyncset.done $0x0  }
0x107: {  	s0 =	rddreg [dreg:$0xa];
	[sflag:s13] =	ssyncadd.s32 $0xFFFFE000  }
0x108: {  	[spmem:s1] =	stream.indirect.scatter.add.f32 [tilespmem:s10], [sflag:$0x3], $0x40, s0, s9, $0xb8;
	[tilespmem:$0xA800] =	vst v63  }
0x109: {  	_ =	swait.ge [sflag:s14], $0x2000  }
0x10a: {  	[sflag:s14] =	ssyncset.done $0x0  }
0x10b: {  	s30 =	rddreg [dreg:$0xb];
	[sflag:s14] =	ssyncadd.s32 $0xFFFFE000  }
0x10c: {  	[tilespmem:s10], [sflag:$0x1] =	stream.indirect.gather [hbm4b:s4+s9], $0x40, s30, s9, $0xb8;
	[tilespmem:$0xA800] =	vst v63  }
0x10d: {  	_ =	swait.ge [sflag:s15], $0x2000  }
0x10e: {  	[sflag:s15] =	ssyncset.done $0x0  }
0x10f: {  	s31 =	rddreg [dreg:$0xc];
	[sflag:s15] =	ssyncadd.s32 $0xFFFFE000  }
0x110: {  	[spmem:s1] =	stream.indirect.scatter.add.f32 [tilespmem:s11], [sflag:$0x4], $0x40, s31, s9, $0xb8;
	[tilespmem:$0xA800] =	vst v63  }
0x111: {  	_ =	swait.ge [sflag:s16], $0x2000  }
0x112: {  	[sflag:s16] =	ssyncset.done $0x0  }
0x113: {  	s0 =	rddreg [dreg:$0xd];
	[sflag:s16] =	ssyncadd.s32 $0xFFFFE000  }
0x114: {  	[tilespmem:s11], [sflag:$0x2] =	stream.indirect.gather [hbm4b:s4+s9], $0x40, s0, s9, $0xb8;
	[tilespmem:$0xA800] =	vst v63  }
0x115: {  	_ =	swait.ge [sflag:s13], $0x2000  }
0x116: {  	[sflag:s13] =	ssyncset.done $0x0  }
0x117: {  	s30 =	rddreg [dreg:$0xe];
	[sflag:s13] =	ssyncadd.s32 $0xFFFFE000  }
0x118: {  	[spmem:s1] =	stream.indirect.scatter.add.f32 [tilespmem:s10], [sflag:$0x3], $0x40, s30, s9, $0xb8;
	[tilespmem:$0xA800] =	vst v63  }
0x119: {  	_ =	swait.ge [sflag:s14], $0x2000  }
0x11a: {  	[sflag:s14] =	ssyncset.done $0x0  }
0x11b: {  	s31 =	rddreg [dreg:$0xf];
	[sflag:s14] =	ssyncadd.s32 $0xFFFFE000  }
0x11c: {  	[tilespmem:s10], [sflag:$0x1] =	stream.indirect.gather [hbm4b:s4+s9], $0x40, s31, s9, $0xb8;
	[tilespmem:$0xA800] =	vst v63  }
0x11d: {  	_ =	swait.ge [sflag:s15], $0x2000  }
0x11e: {  	[sflag:s15] =	ssyncset.done $0x0  }
0x11f: {  	s0 =	rddreg [dreg:$0x10];
	[sflag:s15] =	ssyncadd.s32 $0xFFFFE000  }
0x120: {  	[spmem:s1] =	stream.indirect.scatter.add.f32 [tilespmem:s11], [sflag:$0x4], $0x40, s0, s9, $0xb8;
	[tilespmem:$0xA800] =	vst v63  }
0x121: {  	_ =	swait.ge [sflag:s16], $0x2000  }
0x122: {  	[sflag:s16] =	ssyncset.done $0x0  }
0x123: {  	s30 =	rddreg [dreg:$0x11];
	[sflag:s16] =	ssyncadd.s32 $0xFFFFE000  }
0x124: {  	[tilespmem:s11], [sflag:$0x2] =	stream.indirect.gather [hbm4b:s4+s9], $0x40, s30, s9, $0xb8;
	[tilespmem:$0xA800] =	vst v63  }
0x125: {  	_ =	swait.ge [sflag:s13], $0x2000  }
0x126: {  	[sflag:s13] =	ssyncset.done $0x0  }
0x127: {  	s31 =	rddreg [dreg:$0x12];
	[sflag:s13] =	ssyncadd.s32 $0xFFFFE000  }
0x128: {  	[spmem:s1] =	stream.indirect.scatter.add.f32 [tilespmem:s10], [sflag:$0x3], $0x40, s31, s9, $0xb8;
	[tilespmem:$0xA800] =	vst v63  }
0x129: {  	_ =	swait.ge [sflag:s14], $0x2000  }
0x12a: {  	[sflag:s14] =	ssyncset.done $0x0  }
0x12b: {  	s0 =	rddreg [dreg:$0x13];
	[sflag:s14] =	ssyncadd.s32 $0xFFFFE000  }
0x12c: {  	[tilespmem:s10], [sflag:$0x1] =	stream.indirect.gather [hbm4b:s4+s9], $0x40, s0, s9, $0xb8;
	[tilespmem:$0xA800] =	vst v63  }
0x12d: {  	_ =	swait.ge [sflag:s15], $0x2000  }
0x12e: {  	[sflag:s15] =	ssyncset.done $0x0  }
0x12f: {  	s30 =	rddreg [dreg:$0x14];
	[sflag:s15] =	ssyncadd.s32 $0xFFFFE000  }
0x130: {  	[spmem:s1] =	stream.indirect.scatter.add.f32 [tilespmem:s11], [sflag:$0x4], $0x40, s30, s9, $0xb8;
	[tilespmem:$0xA800] =	vst v63  }
0x131: {  	_ =	swait.ge [sflag:s16], $0x2000  }
0x132: {  	[sflag:s16] =	ssyncset.done $0x0  }
0x133: {  	s31 =	rddreg [dreg:$0x15];
	[sflag:s16] =	ssyncadd.s32 $0xFFFFE000  }
0x134: {  	[tilespmem:s11], [sflag:$0x2] =	stream.indirect.gather [hbm4b:s4+s9], $0x40, s31, s9, $0xb8;
	[tilespmem:$0xA800] =	vst v63  }
0x135: {  	_ =	swait.ge [sflag:s13], $0x2000  }
0x136: {  	[sflag:s13] =	ssyncset.done $0x0  }
0x137: {  	s0 =	rddreg [dreg:$0x16];
	[sflag:s13] =	ssyncadd.s32 $0xFFFFE000  }
0x138: {  	[spmem:s1] =	stream.indirect.scatter.add.f32 [tilespmem:s10], [sflag:$0x3], $0x40, s0, s9, $0xb8;
	[tilespmem:$0xA800] =	vst v63  }
0x139: {  	_ =	swait.ge [sflag:s14], $0x2000  }
0x13a: {  	[sflag:s14] =	ssyncset.done $0x0  }
0x13b: {  	s30 =	rddreg [dreg:$0x17];
	[sflag:s14] =	ssyncadd.s32 $0xFFFFE000  }
0x13c: {  	[tilespmem:s10], [sflag:$0x1] =	stream.indirect.gather [hbm4b:s4+s9], $0x40, s30, s9, $0xb8;
	[tilespmem:$0xA800] =	vst v63  }
0x13d: {  	_ =	swait.ge [sflag:s15], $0x2000  }
0x13e: {  	[sflag:s15] =	ssyncset.done $0x0  }
0x13f: {  	s31 =	rddreg [dreg:$0x18];
	[sflag:s15] =	ssyncadd.s32 $0xFFFFE000  }
0x140: {  	[spmem:s1] =	stream.indirect.scatter.add.f32 [tilespmem:s11], [sflag:$0x4], $0x40, s31, s9, $0xb8;
	[tilespmem:$0xA800] =	vst v63  }
0x141: {  	_ =	swait.ge [sflag:s16], $0x2000  }
0x142: {  	[sflag:s16] =	ssyncset.done $0x0  }
0x143: {  	s0 =	rddreg [dreg:$0x19];
	[sflag:s16] =	ssyncadd.s32 $0xFFFFE000  }
0x144: {  	[tilespmem:s11], [sflag:$0x2] =	stream.indirect.gather [hbm4b:s4+s9], $0x40, s0, s9, $0xb8;
	[tilespmem:$0xA800] =	vst v63  }
0x145: {  	_ =	swait.ge [sflag:s13], $0x2000  }
0x146: {  	[sflag:s13] =	ssyncset.done $0x0  }
0x147: {  	s30 =	rddreg [dreg:$0x1a];
	[sflag:s13] =	ssyncadd.s32 $0xFFFFE000  }
0x148: {  	[spmem:s1] =	stream.indirect.scatter.add.f32 [tilespmem:s10], [sflag:$0x3], $0x40, s30, s9, $0xb8;
	[tilespmem:$0xA800] =	vst v63  }
0x149: {  	_ =	swait.ge [sflag:s14], $0x2000  }
0x14a: {  	[sflag:s14] =	ssyncset.done $0x0  }
0x14b: {  	s31 =	rddreg [dreg:$0x1b];
	[sflag:s14] =	ssyncadd.s32 $0xFFFFE000  }
0x14c: {  	[tilespmem:s10], [sflag:$0x1] =	stream.indirect.gather [hbm4b:s4+s9], $0x40, s31, s9, $0xb8;
	[tilespmem:$0xA800] =	vst v63  }
0x14d: {  	_ =	swait.ge [sflag:s15], $0x2000  }
0x14e: {  	[sflag:s15] =	ssyncset.done $0x0  }
0x14f: {  	[sflag:s15] =	ssyncadd.s32 $0xFFFFE000  }
0x150: {  	[spmem:s1] =	stream.indirect.scatter.add.f32 [tilespmem:s11], [sflag:$0x4], $0x40, s17, s9, $0xb8;
	[tilespmem:$0xA800] =	vst v63  }
0x151: {  	_ =	swait.ge [sflag:s16], $0x2000  }
0x152: {  	[sflag:s16] =	ssyncset.done $0x0  }
0x153: {  	[sflag:s16] =	ssyncadd.s32 $0xFFFFE000  }
0x154: {  	[tilespmem:s11], [sflag:$0x2] =	stream.indirect.gather [hbm4b:s4+s9], $0x40, s18, s9, $0xb8;
	[tilespmem:$0xA800] =	vst v63  }
0x155: {  	_ =	swait.ge [sflag:s13], $0x2000  }
0x156: {  	[sflag:s13] =	ssyncset.done $0x0  }
0x157: {  	[sflag:s13] =	ssyncadd.s32 $0xFFFFE000  }
0x158: {  	[spmem:s1] =	stream.indirect.scatter.add.f32 [tilespmem:s10], [sflag:$0x3], $0x40, s19, s9, $0xb8;
	[tilespmem:$0xA800] =	vst v63  }
0x159: {  	_ =	swait.ge [sflag:s14], $0x2000  }
0x15a: {  	[sflag:s14] =	ssyncset.done $0x0  }
0x15b: {  	[sflag:s14] =	ssyncadd.s32 $0xFFFFE000  }
0x15c: {  	[tilespmem:s10], [sflag:$0x1] =	stream.indirect.gather [hbm4b:s4+s9], $0x40, s20, s9, $0xb8;
	[tilespmem:$0xA800] =	vst v63  }
0x15d: {  	_ =	swait.ge [sflag:s15], $0x2000  }
0x15e: {  	[sflag:s15] =	ssyncset.done $0x0  }
0x15f: {  	[sflag:s15] =	ssyncadd.s32 $0xFFFFE000  }
0x160: {  	[spmem:s1] =	stream.indirect.scatter.add.f32 [tilespmem:s11], [sflag:$0x4], $0x40, s21, s9, $0xb8;
	[tilespmem:$0xA800] =	vst v63  }
0x161: {  	_ =	swait.ge [sflag:s16], $0x2000  }
0x162: {  	[sflag:s16] =	ssyncset.done $0x0  }
0x163: {  	[sflag:s16] =	ssyncadd.s32 $0xFFFFE000  }
0x164: {  	[tilespmem:s11], [sflag:$0x2] =	stream.indirect.gather [hbm4b:s4+s9], $0x40, s22, s9, $0xb8;
	[tilespmem:$0xA800] =	vst v63  }
0x165: {  	_ =	swait.ge [sflag:s13], $0x2000  }
0x166: {  	[sflag:s13] =	ssyncset.done $0x0  }
0x167: {  	[sflag:s13] =	ssyncadd.s32 $0xFFFFE000  }
0x168: {  	[spmem:s1] =	stream.indirect.scatter.add.f32 [tilespmem:s10], [sflag:$0x3], $0x40, s23, s9, $0xb8;
	[tilespmem:$0xA800] =	vst v63  }
0x169: {  	_ =	swait.ge [sflag:s15], $0x2000  }
0x16a: {  	[sflag:s15] =	ssyncset.done $0x0  }
0x16b: {  	[sflag:s15] =	ssyncadd.s32 $0xFFFFE000  }
0x16c: {  	[spmem:s1] =	stream.indirect.scatter.add.f32 [tilespmem:s11], [sflag:$0x4], $0x40, s24, s9, $0xb8;
	[tilespmem:$0xA800] =	vst v63  }
0x16d: {  	_ =	swait.ge [sflag:s14], $0x2000  }
0x16e: {  	[sflag:s14] =	ssyncset.done $0x0  }
0x16f: {  	[sflag:s14] =	ssyncadd.s32 $0xFFFFE000  }
0x170: {  	s28 =	simm.s32 $0x2;
	_ =	swait.ge [sflag:s16], $0x2000  }
0x171: {  	s26 =	simm.s32 $0x1;
	s29 =	rddreg [dreg:$0x6];
	[sflag:s16] =	ssyncset.done $0x0  }
.LBB2_2:
0x172: {  	p1 =	slt.u32 s26, $0x5  }
0x173: {  	s0 =	sadd.s32 $0x1FFFFB, s26;
	s29 =	smov.u32 @p1 s3  }
0x174: {  	s31 =	rddreg [dreg:$0x5];
	s0 =	smov.u32 @p1 s26;
	s29 =	smul.u32 $0x5, s29  }
0x175: {  	s0 =	sadd.s32 s31, s0  }
0x176: {  	s0 =	sadd.s32 s29, s0  }
0x177: {  	s0 =	sshll.u32 s0, $0x8  }
0x178: {  	s29 =	rddreg [dreg:$0x3];
	s0 =	sand.u32 $0x1FFFFF00, s0  }
0x179: {  	[sflag:s16] =	ssyncadd.s32 $0xFFFFE000;
	s29 =	sadd.s32 s29, s0  }
0x17a: {  	[tilespmem:s2], [sflag:$0x5] =	stream.linear.gather [hbm4b:s29+s2], $0x800, $0x38;
	[tilespmem:$0xA800] =	vst v63  }
0x17b: {  	_ =	swait.ge [sflag:s7], $0x800  }
0x17c: {  	s29 =	rddreg [dreg:$0x4];
	[sflag:s7] =	ssyncset.done $0x0  }
0x17d: {  	[sflag:s7] =	ssyncadd.s32 $0xFFFFF800;
	s0 =	sadd.s32 s29, s0  }
0x17e: {  	[tilespmem:s8], [sflag:$0x5] =	stream.linear.gather [hbm4b:s0+s2], $0x800, $0x38;
	[tilespmem:$0xA800] =	vst v63  }
0x17f: {  	_ =	swait.ge [sflag:s7], $0x800  }
0x180: {  	[sflag:s7] =	ssyncset.done $0x0  }
0x181: {  	[sflag:s7] =	ssyncadd.s32 $0xFFFFF800  }
0x182: {  	[tilespmem:s10], [sflag:$0x1] =	stream.indirect.gather [hbm4b:s4+s9], $0x40, s2, s9, $0xb8;
	[tilespmem:$0xA800] =	vst v63  }
0x183: {  	_ = 	snop  }
0x184: {  	[tilespmem:s11], [sflag:$0x2] =	stream.indirect.gather [hbm4b:s4+s9], $0x40, s9, s9, $0xb8;
	[tilespmem:$0xA800] =	vst v63  }
0x185: {  	_ =	swait.ge [sflag:s13], $0x2000  }
0x186: {  	[sflag:s13] =	ssyncset.done $0x0  }
0x187: {  	[sflag:s13] =	ssyncadd.s32 $0xFFFFE000  }
0x188: {  	[spmem:s1] =	stream.indirect.scatter.add.f32 [tilespmem:s10], [sflag:$0x3], $0x40, s8, s9, $0xb8;
	[tilespmem:$0xA800] =	vst v63  }
0x189: {  	_ =	swait.ge [sflag:s14], $0x2000  }
0x18a: {  	[sflag:s14] =	ssyncset.done $0x0  }
0x18b: {  	s31 =	rddreg [dreg:$0x7];
	[sflag:s14] =	ssyncadd.s32 $0xFFFFE000  }
0x18c: {  	[tilespmem:s10], [sflag:$0x1] =	stream.indirect.gather [hbm4b:s4+s9], $0x40, s31, s9, $0xb8;
	[tilespmem:$0xA800] =	vst v63  }
0x18d: {  	_ =	swait.ge [sflag:s15], $0x2000  }
0x18e: {  	s30 =	smov.u32 s28;
	[sflag:s15] =	ssyncset.done $0x0  }
0x18f: {  	s26 =	smov.u32 s30;
	s30 =	rddreg [dreg:$0x8];
	[sflag:s15] =	ssyncadd.s32 $0xFFFFE000  }
0x190: {  	[spmem:s1] =	stream.indirect.scatter.add.f32 [tilespmem:s11], [sflag:$0x4], $0x40, s30, s9, $0xb8;
	[tilespmem:$0xA800] =	vst v63  }
0x191: {  	_ =	swait.ge [sflag:s16], $0x2000  }
0x192: {  	[sflag:s16] =	ssyncset.done $0x0  }
0x193: {  	s31 =	rddreg [dreg:$0x9];
	[sflag:s16] =	ssyncadd.s32 $0xFFFFE000  }
0x194: {  	[tilespmem:s11], [sflag:$0x2] =	stream.indirect.gather [hbm4b:s4+s9], $0x40, s31, s9, $0xb8;
	[tilespmem:$0xA800] =	vst v63  }
0x195: {  	_ =	swait.ge [sflag:s13], $0x2000  }
0x196: {  	[sflag:s13] =	ssyncset.done $0x0  }
0x197: {  	s30 =	rddreg [dreg:$0xa];
	[sflag:s13] =	ssyncadd.s32 $0xFFFFE000  }
0x198: {  	[spmem:s1] =	stream.indirect.scatter.add.f32 [tilespmem:s10], [sflag:$0x3], $0x40, s30, s9, $0xb8;
	[tilespmem:$0xA800] =	vst v63  }
0x199: {  	_ =	swait.ge [sflag:s14], $0x2000  }
0x19a: {  	[sflag:s14] =	ssyncset.done $0x0  }
0x19b: {  	s31 =	rddreg [dreg:$0xb];
	[sflag:s14] =	ssyncadd.s32 $0xFFFFE000  }
0x19c: {  	[tilespmem:s10], [sflag:$0x1] =	stream.indirect.gather [hbm4b:s4+s9], $0x40, s31, s9, $0xb8;
	[tilespmem:$0xA800] =	vst v63  }
0x19d: {  	_ =	swait.ge [sflag:s15], $0x2000  }
0x19e: {  	[sflag:s15] =	ssyncset.done $0x0  }
0x19f: {  	s30 =	rddreg [dreg:$0xc];
	[sflag:s15] =	ssyncadd.s32 $0xFFFFE000  }
0x1a0: {  	[spmem:s1] =	stream.indirect.scatter.add.f32 [tilespmem:s11], [sflag:$0x4], $0x40, s30, s9, $0xb8;
	[tilespmem:$0xA800] =	vst v63  }
0x1a1: {  	_ =	swait.ge [sflag:s16], $0x2000  }
0x1a2: {  	[sflag:s16] =	ssyncset.done $0x0  }
0x1a3: {  	s31 =	rddreg [dreg:$0xd];
	[sflag:s16] =	ssyncadd.s32 $0xFFFFE000  }
0x1a4: {  	[tilespmem:s11], [sflag:$0x2] =	stream.indirect.gather [hbm4b:s4+s9], $0x40, s31, s9, $0xb8;
	[tilespmem:$0xA800] =	vst v63  }
0x1a5: {  	_ =	swait.ge [sflag:s13], $0x2000  }
0x1a6: {  	[sflag:s13] =	ssyncset.done $0x0  }
0x1a7: {  	s30 =	rddreg [dreg:$0xe];
	[sflag:s13] =	ssyncadd.s32 $0xFFFFE000  }
0x1a8: {  	[spmem:s1] =	stream.indirect.scatter.add.f32 [tilespmem:s10], [sflag:$0x3], $0x40, s30, s9, $0xb8;
	[tilespmem:$0xA800] =	vst v63  }
0x1a9: {  	_ =	swait.ge [sflag:s14], $0x2000  }
0x1aa: {  	[sflag:s14] =	ssyncset.done $0x0  }
0x1ab: {  	s31 =	rddreg [dreg:$0xf];
	[sflag:s14] =	ssyncadd.s32 $0xFFFFE000  }
0x1ac: {  	[tilespmem:s10], [sflag:$0x1] =	stream.indirect.gather [hbm4b:s4+s9], $0x40, s31, s9, $0xb8;
	[tilespmem:$0xA800] =	vst v63  }
0x1ad: {  	_ =	swait.ge [sflag:s15], $0x2000  }
0x1ae: {  	[sflag:s15] =	ssyncset.done $0x0  }
0x1af: {  	s30 =	rddreg [dreg:$0x10];
	[sflag:s15] =	ssyncadd.s32 $0xFFFFE000  }
0x1b0: {  	[spmem:s1] =	stream.indirect.scatter.add.f32 [tilespmem:s11], [sflag:$0x4], $0x40, s30, s9, $0xb8;
	[tilespmem:$0xA800] =	vst v63  }
0x1b1: {  	_ =	swait.ge [sflag:s16], $0x2000  }
0x1b2: {  	[sflag:s16] =	ssyncset.done $0x0  }
0x1b3: {  	s31 =	rddreg [dreg:$0x11];
	[sflag:s16] =	ssyncadd.s32 $0xFFFFE000  }
0x1b4: {  	[tilespmem:s11], [sflag:$0x2] =	stream.indirect.gather [hbm4b:s4+s9], $0x40, s31, s9, $0xb8;
	[tilespmem:$0xA800] =	vst v63  }
0x1b5: {  	_ =	swait.ge [sflag:s13], $0x2000  }
0x1b6: {  	[sflag:s13] =	ssyncset.done $0x0  }
0x1b7: {  	s30 =	rddreg [dreg:$0x12];
	[sflag:s13] =	ssyncadd.s32 $0xFFFFE000  }
0x1b8: {  	[spmem:s1] =	stream.indirect.scatter.add.f32 [tilespmem:s10], [sflag:$0x3], $0x40, s30, s9, $0xb8;
	[tilespmem:$0xA800] =	vst v63  }
0x1b9: {  	_ =	swait.ge [sflag:s14], $0x2000  }
0x1ba: {  	[sflag:s14] =	ssyncset.done $0x0  }
0x1bb: {  	s31 =	rddreg [dreg:$0x13];
	[sflag:s14] =	ssyncadd.s32 $0xFFFFE000  }
0x1bc: {  	[tilespmem:s10], [sflag:$0x1] =	stream.indirect.gather [hbm4b:s4+s9], $0x40, s31, s9, $0xb8;
	[tilespmem:$0xA800] =	vst v63  }
0x1bd: {  	_ =	swait.ge [sflag:s15], $0x2000  }
0x1be: {  	[sflag:s15] =	ssyncset.done $0x0  }
0x1bf: {  	s30 =	rddreg [dreg:$0x14];
	[sflag:s15] =	ssyncadd.s32 $0xFFFFE000  }
0x1c0: {  	[spmem:s1] =	stream.indirect.scatter.add.f32 [tilespmem:s11], [sflag:$0x4], $0x40, s30, s9, $0xb8;
	[tilespmem:$0xA800] =	vst v63  }
0x1c1: {  	_ =	swait.ge [sflag:s16], $0x2000  }
0x1c2: {  	[sflag:s16] =	ssyncset.done $0x0  }
0x1c3: {  	s31 =	rddreg [dreg:$0x15];
	[sflag:s16] =	ssyncadd.s32 $0xFFFFE000  }
0x1c4: {  	[tilespmem:s11], [sflag:$0x2] =	stream.indirect.gather [hbm4b:s4+s9], $0x40, s31, s9, $0xb8;
	[tilespmem:$0xA800] =	vst v63  }
0x1c5: {  	_ =	swait.ge [sflag:s13], $0x2000  }
0x1c6: {  	[sflag:s13] =	ssyncset.done $0x0  }
0x1c7: {  	s30 =	rddreg [dreg:$0x16];
	[sflag:s13] =	ssyncadd.s32 $0xFFFFE000  }
0x1c8: {  	[spmem:s1] =	stream.indirect.scatter.add.f32 [tilespmem:s10], [sflag:$0x3], $0x40, s30, s9, $0xb8;
	[tilespmem:$0xA800] =	vst v63  }
0x1c9: {  	_ =	swait.ge [sflag:s14], $0x2000  }
0x1ca: {  	[sflag:s14] =	ssyncset.done $0x0  }
0x1cb: {  	s31 =	rddreg [dreg:$0x17];
	[sflag:s14] =	ssyncadd.s32 $0xFFFFE000  }
0x1cc: {  	[tilespmem:s10], [sflag:$0x1] =	stream.indirect.gather [hbm4b:s4+s9], $0x40, s31, s9, $0xb8;
	[tilespmem:$0xA800] =	vst v63  }
0x1cd: {  	_ =	swait.ge [sflag:s15], $0x2000  }
0x1ce: {  	[sflag:s15] =	ssyncset.done $0x0  }
0x1cf: {  	s30 =	rddreg [dreg:$0x18];
	[sflag:s15] =	ssyncadd.s32 $0xFFFFE000  }
0x1d0: {  	[spmem:s1] =	stream.indirect.scatter.add.f32 [tilespmem:s11], [sflag:$0x4], $0x40, s30, s9, $0xb8;
	[tilespmem:$0xA800] =	vst v63  }
0x1d1: {  	_ =	swait.ge [sflag:s16], $0x2000  }
0x1d2: {  	[sflag:s16] =	ssyncset.done $0x0  }
0x1d3: {  	s31 =	rddreg [dreg:$0x19];
	[sflag:s16] =	ssyncadd.s32 $0xFFFFE000  }
0x1d4: {  	[tilespmem:s11], [sflag:$0x2] =	stream.indirect.gather [hbm4b:s4+s9], $0x40, s31, s9, $0xb8;
	[tilespmem:$0xA800] =	vst v63  }
0x1d5: {  	_ =	swait.ge [sflag:s13], $0x2000  }
0x1d6: {  	[sflag:s13] =	ssyncset.done $0x0  }
0x1d7: {  	s30 =	rddreg [dreg:$0x1a];
	[sflag:s13] =	ssyncadd.s32 $0xFFFFE000  }
0x1d8: {  	[spmem:s1] =	stream.indirect.scatter.add.f32 [tilespmem:s10], [sflag:$0x3], $0x40, s30, s9, $0xb8;
	[tilespmem:$0xA800] =	vst v63  }
0x1d9: {  	_ =	swait.ge [sflag:s14], $0x2000  }
0x1da: {  	[sflag:s14] =	ssyncset.done $0x0  }
0x1db: {  	s31 =	rddreg [dreg:$0x1b];
	[sflag:s14] =	ssyncadd.s32 $0xFFFFE000  }
0x1dc: {  	[tilespmem:s10], [sflag:$0x1] =	stream.indirect.gather [hbm4b:s4+s9], $0x40, s31, s9, $0xb8;
	[tilespmem:$0xA800] =	vst v63  }
0x1dd: {  	_ =	swait.ge [sflag:s15], $0x2000  }
0x1de: {  	[sflag:s15] =	ssyncset.done $0x0  }
0x1df: {  	[sflag:s15] =	ssyncadd.s32 $0xFFFFE000  }
0x1e0: {  	[spmem:s1] =	stream.indirect.scatter.add.f32 [tilespmem:s11], [sflag:$0x4], $0x40, s17, s9, $0xb8;
	[tilespmem:$0xA800] =	vst v63  }
0x1e1: {  	_ =	swait.ge [sflag:s16], $0x2000  }
0x1e2: {  	[sflag:s16] =	ssyncset.done $0x0  }
0x1e3: {  	[sflag:s16] =	ssyncadd.s32 $0xFFFFE000  }
0x1e4: {  	[tilespmem:s11], [sflag:$0x2] =	stream.indirect.gather [hbm4b:s4+s9], $0x40, s18, s9, $0xb8;
	[tilespmem:$0xA800] =	vst v63  }
0x1e5: {  	_ =	swait.ge [sflag:s13], $0x2000  }
0x1e6: {  	[sflag:s13] =	ssyncset.done $0x0  }
0x1e7: {  	[sflag:s13] =	ssyncadd.s32 $0xFFFFE000  }
0x1e8: {  	[spmem:s1] =	stream.indirect.scatter.add.f32 [tilespmem:s10], [sflag:$0x3], $0x40, s19, s9, $0xb8;
	[tilespmem:$0xA800] =	vst v63  }
0x1e9: {  	_ =	swait.ge [sflag:s14], $0x2000  }
0x1ea: {  	[sflag:s14] =	ssyncset.done $0x0  }
0x1eb: {  	[sflag:s14] =	ssyncadd.s32 $0xFFFFE000  }
0x1ec: {  	[tilespmem:s10], [sflag:$0x1] =	stream.indirect.gather [hbm4b:s4+s9], $0x40, s20, s9, $0xb8;
	[tilespmem:$0xA800] =	vst v63  }
0x1ed: {  	_ =	swait.ge [sflag:s15], $0x2000  }
0x1ee: {  	[sflag:s15] =	ssyncset.done $0x0  }
0x1ef: {  	[sflag:s15] =	ssyncadd.s32 $0xFFFFE000  }
0x1f0: {  	[spmem:s1] =	stream.indirect.scatter.add.f32 [tilespmem:s11], [sflag:$0x4], $0x40, s21, s9, $0xb8;
	[tilespmem:$0xA800] =	vst v63  }
0x1f1: {  	_ =	swait.ge [sflag:s16], $0x2000  }
0x1f2: {  	[sflag:s16] =	ssyncset.done $0x0  }
0x1f3: {  	[sflag:s16] =	ssyncadd.s32 $0xFFFFE000  }
0x1f4: {  	[tilespmem:s11], [sflag:$0x2] =	stream.indirect.gather [hbm4b:s4+s9], $0x40, s22, s9, $0xb8;
	[tilespmem:$0xA800] =	vst v63  }
0x1f5: {  	_ =	swait.ge [sflag:s13], $0x2000  }
0x1f6: {  	[sflag:s13] =	ssyncset.done $0x0  }
0x1f7: {  	[sflag:s13] =	ssyncadd.s32 $0xFFFFE000  }
0x1f8: {  	[spmem:s1] =	stream.indirect.scatter.add.f32 [tilespmem:s10], [sflag:$0x3], $0x40, s23, s9, $0xb8;
	[tilespmem:$0xA800] =	vst v63  }
0x1f9: {  	_ =	swait.ge [sflag:s15], $0x2000  }
0x1fa: {  	[sflag:s15] =	ssyncset.done $0x0  }
0x1fb: {  	p0 =	sne.s32 s28, $0x9;
	[sflag:s15] =	ssyncadd.s32 $0xFFFFE000  }
0x1fc: {  	[spmem:s1] =	stream.indirect.scatter.add.f32 [tilespmem:s11], [sflag:$0x4], $0x40, s24, s9, $0xb8;
	[tilespmem:$0xA800] =	vst v63  }
.Ltmp0:
0x1fd: {  	_ =	swait.ge [sflag:s14], $0x2000;
	(pc) =	sbr.rel @p0 .LBB2_2-.Ltmp0, $4  }
0x1fe: {  	[sflag:s14] =	ssyncset.done $0x0  }
0x1ff: {  	[sflag:s14] =	ssyncadd.s32 $0xFFFFE000  }
0x200: {  	_ =	swait.ge [sflag:s16], $0x2000  }
0x201: {  	s28 =	sadd.s32 $0x1, s28;
	s29 =	rddreg [dreg:$0x6];
	[sflag:s16] =	ssyncset.done $0x0  }
0x202: {  	p0 =	slt.u32 s26, $0x5  }
0x203: {  	s28 =	sadd.s32 $0x1FFFFB, s26;
	s29 =	smov.u32 @p0 s3  }
0x204: {  	s0 =	rddreg [dreg:$0x5];
	s28 =	smov.u32 @p0 s26;
	s30 =	smul.u32 $0x5, s29  }
0x205: {  	s0 =	sadd.s32 s0, s28  }
0x206: {  	s0 =	sadd.s32 s30, s0  }
0x207: {  	s0 =	sshll.u32 s0, $0x8  }
0x208: {  	s31 =	rddreg [dreg:$0x3];
	s0 =	sand.u32 $0x1FFFFF00, s0  }
0x209: {  	[sflag:s16] =	ssyncadd.s32 $0xFFFFE000;
	s26 =	sadd.s32 s31, s0  }
0x20a: {  	[tilespmem:s2], [sflag:$0x5] =	stream.linear.gather [hbm4b:s26+s2], $0x800, $0x38;
	[tilespmem:$0xA800] =	vst v63  }
0x20b: {  	_ =	swait.ge [sflag:s7], $0x800  }
0x20c: {  	s28 =	rddreg [dreg:$0x4];
	[sflag:s7] =	ssyncset.done $0x0  }
0x20d: {  	s0 =	sadd.s32 s28, s0;
	[sflag:s7] =	ssyncadd.s32 $0xFFFFF800  }
0x20e: {  	[tilespmem:s8], [sflag:$0x5] =	stream.linear.gather [hbm4b:s0+s2], $0x800, $0x38;
	[tilespmem:$0xA800] =	vst v63  }
0x20f: {  	_ =	swait.ge [sflag:s7], $0x800  }
0x210: {  	[sflag:s7] =	ssyncset.done $0x0  }
0x211: {  	[sflag:s7] =	ssyncadd.s32 $0xFFFFF800  }
0x212: {  	[tilespmem:s10], [sflag:$0x1] =	stream.indirect.gather [hbm4b:s4+s9], $0x40, s2, s9, $0xb8;
	[tilespmem:$0xA800] =	vst v63  }
0x213: {  	_ = 	snop  }
0x214: {  	[tilespmem:s11], [sflag:$0x2] =	stream.indirect.gather [hbm4b:s4+s9], $0x40, s9, s9, $0xb8;
	[tilespmem:$0xA800] =	vst v63  }
0x215: {  	_ =	swait.ge [sflag:s13], $0x2000  }
0x216: {  	[sflag:s13] =	ssyncset.done $0x0  }
0x217: {  	[sflag:s13] =	ssyncadd.s32 $0xFFFFE000  }
0x218: {  	[spmem:s1] =	stream.indirect.scatter.add.f32 [tilespmem:s10], [sflag:$0x3], $0x40, s8, s9, $0xb8;
	[tilespmem:$0xA800] =	vst v63  }
0x219: {  	_ =	swait.ge [sflag:s14], $0x2000  }
0x21a: {  	[sflag:s14] =	ssyncset.done $0x0  }
0x21b: {  	s29 =	rddreg [dreg:$0x7];
	[sflag:s14] =	ssyncadd.s32 $0xFFFFE000  }
0x21c: {  	[tilespmem:s10], [sflag:$0x1] =	stream.indirect.gather [hbm4b:s4+s9], $0x40, s29, s9, $0xb8;
	[tilespmem:$0xA800] =	vst v63  }
0x21d: {  	_ =	swait.ge [sflag:s15], $0x2000  }
0x21e: {  	[sflag:s15] =	ssyncset.done $0x0  }
0x21f: {  	s30 =	rddreg [dreg:$0x8];
	[sflag:s15] =	ssyncadd.s32 $0xFFFFE000  }
0x220: {  	[spmem:s1] =	stream.indirect.scatter.add.f32 [tilespmem:s11], [sflag:$0x4], $0x40, s30, s9, $0xb8;
	[tilespmem:$0xA800] =	vst v63  }
0x221: {  	_ =	swait.ge [sflag:s16], $0x2000  }
0x222: {  	[sflag:s16] =	ssyncset.done $0x0  }
0x223: {  	s31 =	rddreg [dreg:$0x9];
	[sflag:s16] =	ssyncadd.s32 $0xFFFFE000  }
0x224: {  	[tilespmem:s11], [sflag:$0x2] =	stream.indirect.gather [hbm4b:s4+s9], $0x40, s31, s9, $0xb8;
	[tilespmem:$0xA800] =	vst v63  }
0x225: {  	_ =	swait.ge [sflag:s13], $0x2000  }
0x226: {  	[sflag:s13] =	ssyncset.done $0x0  }
0x227: {  	s26 =	rddreg [dreg:$0xa];
	[sflag:s13] =	ssyncadd.s32 $0xFFFFE000  }
0x228: {  	[spmem:s1] =	stream.indirect.scatter.add.f32 [tilespmem:s10], [sflag:$0x3], $0x40, s26, s9, $0xb8;
	[tilespmem:$0xA800] =	vst v63  }
0x229: {  	_ =	swait.ge [sflag:s14], $0x2000  }
0x22a: {  	[sflag:s14] =	ssyncset.done $0x0  }
0x22b: {  	s28 =	rddreg [dreg:$0xb];
	[sflag:s14] =	ssyncadd.s32 $0xFFFFE000  }
0x22c: {  	[tilespmem:s10], [sflag:$0x1] =	stream.indirect.gather [hbm4b:s4+s9], $0x40, s28, s9, $0xb8;
	[tilespmem:$0xA800] =	vst v63  }
0x22d: {  	_ =	swait.ge [sflag:s15], $0x2000  }
0x22e: {  	[sflag:s15] =	ssyncset.done $0x0  }
0x22f: {  	s29 =	rddreg [dreg:$0xc];
	[sflag:s15] =	ssyncadd.s32 $0xFFFFE000  }
0x230: {  	[spmem:s1] =	stream.indirect.scatter.add.f32 [tilespmem:s11], [sflag:$0x4], $0x40, s29, s9, $0xb8;
	[tilespmem:$0xA800] =	vst v63  }
0x231: {  	_ =	swait.ge [sflag:s16], $0x2000  }
0x232: {  	[sflag:s16] =	ssyncset.done $0x0  }
0x233: {  	s30 =	rddreg [dreg:$0xd];
	[sflag:s16] =	ssyncadd.s32 $0xFFFFE000  }
0x234: {  	[tilespmem:s11], [sflag:$0x2] =	stream.indirect.gather [hbm4b:s4+s9], $0x40, s30, s9, $0xb8;
	[tilespmem:$0xA800] =	vst v63  }
0x235: {  	_ =	swait.ge [sflag:s13], $0x2000  }
0x236: {  	[sflag:s13] =	ssyncset.done $0x0  }
0x237: {  	s31 =	rddreg [dreg:$0xe];
	[sflag:s13] =	ssyncadd.s32 $0xFFFFE000  }
0x238: {  	[spmem:s1] =	stream.indirect.scatter.add.f32 [tilespmem:s10], [sflag:$0x3], $0x40, s31, s9, $0xb8;
	[tilespmem:$0xA800] =	vst v63  }
0x239: {  	_ =	swait.ge [sflag:s14], $0x2000  }
0x23a: {  	[sflag:s14] =	ssyncset.done $0x0  }
0x23b: {  	s26 =	rddreg [dreg:$0xf];
	[sflag:s14] =	ssyncadd.s32 $0xFFFFE000  }
0x23c: {  	[tilespmem:s10], [sflag:$0x1] =	stream.indirect.gather [hbm4b:s4+s9], $0x40, s26, s9, $0xb8;
	[tilespmem:$0xA800] =	vst v63  }
0x23d: {  	_ =	swait.ge [sflag:s15], $0x2000  }
0x23e: {  	[sflag:s15] =	ssyncset.done $0x0  }
0x23f: {  	s28 =	rddreg [dreg:$0x10];
	[sflag:s15] =	ssyncadd.s32 $0xFFFFE000  }
0x240: {  	[spmem:s1] =	stream.indirect.scatter.add.f32 [tilespmem:s11], [sflag:$0x4], $0x40, s28, s9, $0xb8;
	[tilespmem:$0xA800] =	vst v63  }
0x241: {  	_ =	swait.ge [sflag:s16], $0x2000  }
0x242: {  	[sflag:s16] =	ssyncset.done $0x0  }
0x243: {  	s29 =	rddreg [dreg:$0x11];
	[sflag:s16] =	ssyncadd.s32 $0xFFFFE000  }
0x244: {  	[tilespmem:s11], [sflag:$0x2] =	stream.indirect.gather [hbm4b:s4+s9], $0x40, s29, s9, $0xb8;
	[tilespmem:$0xA800] =	vst v63  }
0x245: {  	_ =	swait.ge [sflag:s13], $0x2000  }
0x246: {  	[sflag:s13] =	ssyncset.done $0x0  }
0x247: {  	s30 =	rddreg [dreg:$0x12];
	[sflag:s13] =	ssyncadd.s32 $0xFFFFE000  }
0x248: {  	[spmem:s1] =	stream.indirect.scatter.add.f32 [tilespmem:s10], [sflag:$0x3], $0x40, s30, s9, $0xb8;
	[tilespmem:$0xA800] =	vst v63  }
0x249: {  	_ =	swait.ge [sflag:s14], $0x2000  }
0x24a: {  	[sflag:s14] =	ssyncset.done $0x0  }
0x24b: {  	s31 =	rddreg [dreg:$0x13];
	[sflag:s14] =	ssyncadd.s32 $0xFFFFE000  }
0x24c: {  	[tilespmem:s10], [sflag:$0x1] =	stream.indirect.gather [hbm4b:s4+s9], $0x40, s31, s9, $0xb8;
	[tilespmem:$0xA800] =	vst v63  }
0x24d: {  	_ =	swait.ge [sflag:s15], $0x2000  }
0x24e: {  	[sflag:s15] =	ssyncset.done $0x0  }
0x24f: {  	s26 =	rddreg [dreg:$0x14];
	[sflag:s15] =	ssyncadd.s32 $0xFFFFE000  }
0x250: {  	[spmem:s1] =	stream.indirect.scatter.add.f32 [tilespmem:s11], [sflag:$0x4], $0x40, s26, s9, $0xb8;
	[tilespmem:$0xA800] =	vst v63  }
0x251: {  	_ =	swait.ge [sflag:s16], $0x2000  }
0x252: {  	[sflag:s16] =	ssyncset.done $0x0  }
0x253: {  	s28 =	rddreg [dreg:$0x15];
	[sflag:s16] =	ssyncadd.s32 $0xFFFFE000  }
0x254: {  	[tilespmem:s11], [sflag:$0x2] =	stream.indirect.gather [hbm4b:s4+s9], $0x40, s28, s9, $0xb8;
	[tilespmem:$0xA800] =	vst v63  }
0x255: {  	_ =	swait.ge [sflag:s13], $0x2000  }
0x256: {  	[sflag:s13] =	ssyncset.done $0x0  }
0x257: {  	s29 =	rddreg [dreg:$0x16];
	[sflag:s13] =	ssyncadd.s32 $0xFFFFE000  }
0x258: {  	[spmem:s1] =	stream.indirect.scatter.add.f32 [tilespmem:s10], [sflag:$0x3], $0x40, s29, s9, $0xb8;
	[tilespmem:$0xA800] =	vst v63  }
0x259: {  	_ =	swait.ge [sflag:s14], $0x2000  }
0x25a: {  	[sflag:s14] =	ssyncset.done $0x0  }
0x25b: {  	s30 =	rddreg [dreg:$0x17];
	[sflag:s14] =	ssyncadd.s32 $0xFFFFE000  }
0x25c: {  	[tilespmem:s10], [sflag:$0x1] =	stream.indirect.gather [hbm4b:s4+s9], $0x40, s30, s9, $0xb8;
	[tilespmem:$0xA800] =	vst v63  }
0x25d: {  	_ =	swait.ge [sflag:s15], $0x2000  }
0x25e: {  	[sflag:s15] =	ssyncset.done $0x0  }
0x25f: {  	s31 =	rddreg [dreg:$0x18];
	[sflag:s15] =	ssyncadd.s32 $0xFFFFE000  }
0x260: {  	[spmem:s1] =	stream.indirect.scatter.add.f32 [tilespmem:s11], [sflag:$0x4], $0x40, s31, s9, $0xb8;
	[tilespmem:$0xA800] =	vst v63  }
0x261: {  	_ =	swait.ge [sflag:s16], $0x2000  }
0x262: {  	[sflag:s16] =	ssyncset.done $0x0  }
0x263: {  	s26 =	rddreg [dreg:$0x19];
	[sflag:s16] =	ssyncadd.s32 $0xFFFFE000  }
0x264: {  	[tilespmem:s11], [sflag:$0x2] =	stream.indirect.gather [hbm4b:s4+s9], $0x40, s26, s9, $0xb8;
	[tilespmem:$0xA800] =	vst v63  }
0x265: {  	_ =	swait.ge [sflag:s13], $0x2000  }
0x266: {  	[sflag:s13] =	ssyncset.done $0x0  }
0x267: {  	s28 =	rddreg [dreg:$0x1a];
	[sflag:s13] =	ssyncadd.s32 $0xFFFFE000  }
0x268: {  	[spmem:s1] =	stream.indirect.scatter.add.f32 [tilespmem:s10], [sflag:$0x3], $0x40, s28, s9, $0xb8;
	[tilespmem:$0xA800] =	vst v63  }
0x269: {  	_ =	swait.ge [sflag:s14], $0x2000  }
0x26a: {  	[sflag:s14] =	ssyncset.done $0x0  }
0x26b: {  	s29 =	rddreg [dreg:$0x1b];
	[sflag:s14] =	ssyncadd.s32 $0xFFFFE000  }
0x26c: {  	[tilespmem:s10], [sflag:$0x1] =	stream.indirect.gather [hbm4b:s4+s9], $0x40, s29, s9, $0xb8;
	[tilespmem:$0xA800] =	vst v63  }
0x26d: {  	_ =	swait.ge [sflag:s15], $0x2000  }
0x26e: {  	[sflag:s15] =	ssyncset.done $0x0  }
0x26f: {  	[sflag:s15] =	ssyncadd.s32 $0xFFFFE000  }
0x270: {  	[spmem:s1] =	stream.indirect.scatter.add.f32 [tilespmem:s11], [sflag:$0x4], $0x40, s17, s9, $0xb8;
	[tilespmem:$0xA800] =	vst v63  }
0x271: {  	_ =	swait.ge [sflag:s16], $0x2000  }
0x272: {  	[sflag:s16] =	ssyncset.done $0x0  }
0x273: {  	[sflag:s16] =	ssyncadd.s32 $0xFFFFE000  }
0x274: {  	[tilespmem:s11], [sflag:$0x2] =	stream.indirect.gather [hbm4b:s4+s9], $0x40, s18, s9, $0xb8;
	[tilespmem:$0xA800] =	vst v63  }
0x275: {  	_ =	swait.ge [sflag:s13], $0x2000  }
0x276: {  	[sflag:s13] =	ssyncset.done $0x0  }
0x277: {  	[sflag:s13] =	ssyncadd.s32 $0xFFFFE000  }
0x278: {  	[spmem:s1] =	stream.indirect.scatter.add.f32 [tilespmem:s10], [sflag:$0x3], $0x40, s19, s9, $0xb8;
	[tilespmem:$0xA800] =	vst v63  }
0x279: {  	_ =	swait.ge [sflag:s14], $0x2000  }
0x27a: {  	[sflag:s14] =	ssyncset.done $0x0  }
0x27b: {  	[sflag:s14] =	ssyncadd.s32 $0xFFFFE000  }
0x27c: {  	[tilespmem:s10], [sflag:$0x1] =	stream.indirect.gather [hbm4b:s4+s9], $0x40, s20, s9, $0xb8;
	[tilespmem:$0xA800] =	vst v63  }
0x27d: {  	_ =	swait.ge [sflag:s15], $0x2000  }
0x27e: {  	[sflag:s15] =	ssyncset.done $0x0  }
0x27f: {  	[sflag:s15] =	ssyncadd.s32 $0xFFFFE000  }
0x280: {  	[spmem:s1] =	stream.indirect.scatter.add.f32 [tilespmem:s11], [sflag:$0x4], $0x40, s21, s9, $0xb8;
	[tilespmem:$0xA800] =	vst v63  }
0x281: {  	_ =	swait.ge [sflag:s16], $0x2000  }
0x282: {  	[sflag:s16] =	ssyncset.done $0x0  }
0x283: {  	[sflag:s16] =	ssyncadd.s32 $0xFFFFE000  }
0x284: {  	[tilespmem:s11], [sflag:$0x2] =	stream.indirect.gather [hbm4b:s4+s9], $0x40, s22, s9, $0xb8;
	[tilespmem:$0xA800] =	vst v63  }
0x285: {  	_ =	swait.ge [sflag:s13], $0x2000  }
0x286: {  	[sflag:s13] =	ssyncset.done $0x0  }
0x287: {  	[sflag:s13] =	ssyncadd.s32 $0xFFFFE000  }
0x288: {  	[spmem:s1] =	stream.indirect.scatter.add.f32 [tilespmem:s10], [sflag:$0x3], $0x40, s23, s9, $0xb8;
	[tilespmem:$0xA800] =	vst v63  }
0x289: {  	_ =	swait.ge [sflag:s15], $0x2000  }
0x28a: {  	[sflag:s15] =	ssyncset.done $0x0  }
0x28b: {  	[sflag:s15] =	ssyncadd.s32 $0xFFFFE000  }
0x28c: {  	[spmem:s1] =	stream.indirect.scatter.add.f32 [tilespmem:s11], [sflag:$0x4], $0x40, s24, s9, $0xb8;
	[tilespmem:$0xA800] =	vst v63  }
0x28d: {  	_ =	swait.ge [sflag:s14], $0x2000  }
0x28e: {  	[sflag:s14] =	ssyncset.done $0x0  }
0x28f: {  	[sflag:s14] =	ssyncadd.s32 $0xFFFFE000  }
0x290: {  	_ =	swait.ge [sflag:s16], $0x2000  }
0x291: {  	[sflag:s16] =	ssyncset.done $0x0  }
0x292: {  	[sflag:s16] =	ssyncadd.s32 $0xFFFFE000  }
0x293: {  	[bflag:$0x0] =	sbarrier.arrive $0xFFFF  }
0x294: {  	s30 =	rddreg [dreg:$0x1c]  }
0x295: {  	[tilespmem:s10], [sflag:$0x5] =	stream.linear.gather [spmem:s30], $0x2000, $0x38;
	[tilespmem:$0xA800] =	vst v63  }
0x296: {  	_ =	swait.ge [sflag:s7], $0x2000  }
0x297: {  	[sflag:s7] =	ssyncset.done $0x0  }
0x298: {  	s31 =	rddreg [dreg:$0x1d];
	[sflag:s7] =	ssyncadd.s32 $0xFFFFE000  }
0x299: {  	[hbm4b:s31+s2] =	stream.linear.scatter [tilespmem:s10], [sflag:$0x5], $0x2000, $0x38;
	[tilespmem:$0xA800] =	vst v63  }
0x29a: {  	_ =	swait.ge [sflag:s7], $0x2000  }
0x29b: {  	[sflag:s7] =	ssyncset.done $0x0  }
0x29c: {  	s26 =	rddreg [dreg:$0x1e];
	[sflag:s7] =	ssyncadd.s32 $0xFFFFE000  }
0x29d: {  	[tilespmem:s10], [sflag:$0x5] =	stream.linear.gather [spmem:s26], $0x2000, $0x38;
	[tilespmem:$0xA800] =	vst v63  }
0x29e: {  	_ =	swait.ge [sflag:s7], $0x2000  }
0x29f: {  	[sflag:s7] =	ssyncset.done $0x0  }
0x2a0: {  	s28 =	rddreg [dreg:$0x1f];
	[sflag:s7] =	ssyncadd.s32 $0xFFFFE000  }
0x2a1: {  	[hbm4b:s28+s2] =	stream.linear.scatter [tilespmem:s10], [sflag:$0x5], $0x2000, $0x38;
	[tilespmem:$0xA800] =	vst v63  }
0x2a2: {  	_ =	swait.ge [sflag:s7], $0x2000  }
0x2a3: {  	s29 =	sld [smem:$0x7E8]  }
0x2a4: {  	[sflag:s7] =	ssyncset.done $0x0  }
0x2a5: {  	[sflag:s7] =	ssyncadd.s32 $0xFFFFE000  }
0x2a6: {  	[tilespmem:s10], [sflag:$0x5] =	stream.linear.gather [spmem:s29], $0x1000, $0x38;
	[tilespmem:$0xA800] =	vst v63  }
0x2a7: {  	_ =	swait.ge [sflag:s7], $0x1000  }
0x2a8: {  	s30 =	sld [smem:$0x7E9]  }
0x2a9: {  	[sflag:s7] =	ssyncset.done $0x0  }
0x2aa: {  	[sflag:s7] =	ssyncadd.s32 $0xFFFFF000  }
0x2ab: {  	[hbm4b:s30+s2] =	stream.linear.scatter [tilespmem:s10], [sflag:$0x5], $0x1000, $0x38;
	[tilespmem:$0xA800] =	vst v63  }
0x2ac: {  	_ =	swait.ge [sflag:s7], $0x1000  }
0x2ad: {  	s31 =	sld [smem:$0x7EA];
	_ =	sdelay $0x1  }
0x2ae: {  	s25 =	sadd.s32 $0x1, s25  }
0x2af: {  	p0 =	sne.s32 s25, s31  }
.Ltmp1:
0x2b0: {  	_ = 	snop;
	(pc) =	sbr.rel @p0 .LBB2_1-.Ltmp1, $3  }
0x2b1: {  	_ =	sdelay $0x1  }
0x2b2: {  	[sflag:s7] =	ssyncset.done $0x0  }
0x2b3: {  	[sflag:s7] =	ssyncadd.s32 $0xFFFFF000  }
0x2b4: {  	_ =	sfence.sel $0x180000  }
0x2b5: {  	[bflag:$0x0] =	sbarrier.arrive $0xFFFF  }
0x2b6: {  	_ =	strace $0x9000004D  }
0x2b7: {  	[bflag:$0x2] =	sbarrier.arrive $0xFFFF  }
0x2b8: {  	p0 =	sne.s32 s3, $0x0;
	s0 =	rddreg [dreg:$0x2]  }
0x2b9: {  	s0 =	sadd.s32 @!p0 $0x100000, s0  }
0x2ba: {  	[sflag:s0] =	ssyncadd.tile.s32 @!p0 $0x1;
	_ =	shalt  }
.Lfunc_end2:
_tile_overlayer_lowered:
.L_overlay_start_2:
0x2bb: {  	(tag) =	ssettag $0x2  }
0x2bc: {  	s0 =	rddreg [dreg:$0x0];
	s2 =	stileid.u32  }
0x2bd: {  	s1 =	rddreg [dreg:$0x1];
	p0 =	sne.s32 s2, $0x0  }
0x2be: {  	s3 =	rddreg [dreg:$0x2];
	[bflag:$0x3] =	sbarrier.arrive $0xFFFF;
	s2 =	simm.s32 @!p0 $0x1C05  }
0x2bf: {  	[timem:s3], [sflag:s2] =	dma.local @!p0 [hbm:s0], s1  }
0x2c0: {  	s0 =	simm.s32 @!p0 $0x5  }
0x2c1: {  	_ =	swait.ge @!p0 [sflag:s0], s1  }
0x2c2: {  	s1 =	ssub.s32 @!p0 $0x0, s1;
	[sflag:s0] =	ssyncset.done @!p0 $0x0  }
0x2c3: {  	[sflag:s0] =	ssyncadd.s32 @!p0 s1  }
0x2c4: {  	[bflag:$0x3] =	sbarrier.arrive $0xFFFF  }
0x2c5: {  	_ =	shalt  }

</sc_bundles>
